<compile_context>
chip_gen: v7x
topology: tpu7x:2x2x1
jax: 0.10.2.dev20260603
libtpu: 0.0.44.dev20260713+nightly
codegen_flags: <defaults>
</compile_context>

<pallas_src>
import functools

import jax
import jax.numpy as jnp
from jax import lax
from jax.experimental import pallas as pl
from jax.experimental.pallas import tpu as pltpu
from jax.experimental.pallas import tpu_sc as plsc

_Q = 0.15
_INF_KEY = 2139095041
_NC = 2
_NS = 16
_CPB = 8
_G = 8


def _score_select_kernel(h_ref, m_ref, sel_ref, kf_ref, keys_s, *, nb, nt, tb, t):
    b = pl.program_id(0)
    ti = pl.program_id(1)
    x = h_ref[0]
    d = x.shape[1]
    y = x * x
    acc = y[:, 0:128]
    for i in range(1, d // 128):
        acc = acc + y[:, i * 128:(i + 1) * 128]
    v = acc.T
    s = v[0:8]
    for k in range(1, 16):
        s = s + v[8 * k:8 * k + 8]
    u = s + pltpu.roll(s, 4, 0)
    w = u + pltpu.roll(u, 6, 0)
    r = w + pltpu.roll(w, 7, 0)
    sc = jnp.sqrt(r[0:1, :])
    key = jnp.where(m_ref[0, 0].reshape(1, tb) != 0,
                    lax.bitcast_convert_type(sc, jnp.int32),
                    jnp.int32(-1))
    keys_s[pl.ds(b, 1), pl.ds(ti * tb, tb)] = key

    @pl.when((b == nb - 1) & (ti == nt - 1))
    def _finalize():
        keys = keys_s[...]
        validf = jnp.sum((keys >= 0).astype(jnp.float32), axis=1, keepdims=True)
        kf = jnp.max(jnp.maximum(jnp.ceil(jnp.float32(_Q) * validf), 1.0))
        ki = kf.astype(jnp.int32)

        def bs_key(_, carry):
            lo, hi = carry
            mid = lo + (hi - lo) // 2
            cnt = jnp.sum((keys >= mid).astype(jnp.int32), axis=1, keepdims=True)
            ge = cnt >= ki
            return jnp.where(ge, mid, lo), jnp.where(ge, hi, mid)

        lo0 = jnp.full((nb, 1), -1, jnp.int32)
        hi0 = jnp.full((nb, 1), _INF_KEY, jnp.int32)
        thr, _ = lax.fori_loop(0, 31, bs_key, (lo0, hi0))

        c1 = jnp.sum((keys > thr).astype(jnp.int32), axis=1, keepdims=True)
        r = ki - c1
        tie = keys == thr
        iot = lax.broadcasted_iota(jnp.int32, (1, t), 1)

        def bs_idx(_, carry):
            lo, hi = carry
            mid = (lo + hi) // 2
            c = jnp.sum((tie & (iot < mid)).astype(jnp.int32), axis=1,
                        keepdims=True)
            ge = c >= r
            return jnp.where(ge, lo, mid + 1), jnp.where(ge, mid, hi)

        lo1 = jnp.zeros((nb, 1), jnp.int32)
        hi1 = jnp.full((nb, 1), t, jnp.int32)
        _, ibound = lax.fori_loop(0, 13, bs_idx, (lo1, hi1))

        sel = (keys > thr) | (tie & (iot < ibound))
        sel_ref[...] = sel.astype(jnp.int32).reshape(nb, 1, t)
        kf_ref[...] = jnp.full((1, 128), kf, jnp.float32)


def _sc_pool_kernel(h_ref, sel_ref, kf_ref, out_ref,
                    selv, idxv, rows, rows2, acc, parts, kfv, shared,
                    sem, sem2, *, t, d, ch):
    cid = lax.axis_index("c")
    sid = lax.axis_index("s")
    wid = cid * _NS + sid
    batch = wid // _CPB
    chunk = sid % _CPB
    row0 = pl.multiple_of(batch * t + chunk * ch, ch)
    nv = d // 16

    pltpu.sync_copy(sel_ref.at[pl.ds(row0, ch)], selv)
    pltpu.sync_copy(kf_ref, kfv)

    zf = jnp.zeros((16,), jnp.float32)
    for dv in range(nv):
        acc[pl.ds(dv * 16, 16)] = zf

    def cbody(v, off):
        lanes = selv[pl.ds(v * 16, 16)]
        m = lanes != jnp.zeros((16,), jnp.int32)
        mi = m.astype(jnp.int32)
        pos = jnp.full((16,), off - 1, jnp.int32) + plsc.cumsum(mi)
        gi = lax.iota(jnp.int32, 16) + jnp.full((16,), row0 + v * 16, jnp.int32)
        plsc.store_scatter(idxv, [pos], gi, mask=m)
        return off + jnp.sum(mi)

    cnt = lax.fori_loop(0, ch // 16, cbody, jnp.int32(0))

    plsc.store_scatter(idxv,
                       [lax.iota(jnp.int32, 16) + jnp.full((16,), cnt, jnp.int32)],
                       jnp.zeros((16,), jnp.int32))

    nch = (cnt + _G - 1) // _G

    def _start(buf, sm, g):
        gof = pl.multiple_of(g * _G, _G)
        pltpu.async_copy(h_ref.at[idxv.at[pl.ds(gof, _G)]], buf, sm)

    def _wait(buf, sm):
        pltpu.make_async_copy(h_ref.at[idxv.at[pl.ds(0, _G)]], buf, sm).wait()

    def _accum(buf):
        def dvbody(i, carry):
            o = pl.multiple_of(i * 128, 128)
            for k in range(8):
                dvo = o + k * 16
                s = buf[0, pl.ds(dvo, 16)]
                for rr in range(1, _G):
                    s = s + buf[rr, pl.ds(dvo, 16)]
                plsc.addupdate(acc.at[pl.ds(dvo, 16)], s)
            return carry
        lax.fori_loop(0, nv // 8, dvbody, jnp.int32(0))

    @pl.when(nch > 0)
    def _prime():
        _start(rows, sem, jnp.int32(0))

    def gbody(g, carry):
        even = lax.rem(g, 2) == 0

        @pl.when(g + 1 < nch)
        def _next():
            @pl.when(even)
            def _():
                _start(rows2, sem2, g + 1)

            @pl.when(jnp.logical_not(even))
            def _():
                _start(rows, sem, g + 1)

        @pl.when(even)
        def _even():
            _wait(rows, sem)
            _accum(rows)

        @pl.when(jnp.logical_not(even))
        def _odd():
            _wait(rows2, sem2)
            _accum(rows2)

        return carry

    lax.fori_loop(0, nch, gbody, jnp.int32(0))

    npad = nch * _G - cnt

    @pl.when(npad > 0)
    def _correct():
        npf = jnp.full((16,), -npad.astype(jnp.float32), jnp.float32)
        lastbuf_even = lax.rem(nch - 1, 2) == 0

        def corr(buf):
            def dvbody(i, carry):
                o = pl.multiple_of(i * 128, 128)
                for k in range(8):
                    dvo = o + k * 16
                    plsc.addupdate(acc.at[pl.ds(dvo, 16)],
                                   npf * buf[_G - 1, pl.ds(dvo, 16)])
                return carry
            lax.fori_loop(0, nv // 8, dvbody, jnp.int32(0))

        @pl.when(lastbuf_even)
        def _():
            corr(rows)

        @pl.when(jnp.logical_not(lastbuf_even))
        def _():
            corr(rows2)

    pltpu.sync_copy(acc, shared.at[pl.ds(pl.multiple_of(sid * d, d), d)])
    plsc.subcore_barrier()

    ds8 = d // _CPB
    dsl = chunk * ds8
    gb = (sid // _CPB) * _CPB
    for rr in range(_CPB):
        pltpu.async_copy(
            shared.at[pl.ds(pl.multiple_of((gb + rr) * d + dsl, ds8), ds8)],
            parts.at[pl.ds(rr * ds8, ds8)], sem)
    for rr in range(_CPB):
        pltpu.make_async_copy(shared.at[pl.ds(0, ds8)],
                              parts.at[pl.ds(rr * ds8, ds8)], sem).wait()
    kvec = kfv[pl.ds(0, 16)]
    for dv in range(ds8 // 16):
        s = parts[pl.ds(dv * 16, 16)]
        for rr in range(1, _CPB):
            s = s + parts[pl.ds(rr * ds8 + dv * 16, 16)]
        acc[pl.ds(dv * 16, 16)] = s / kvec
    pltpu.sync_copy(acc.at[pl.ds(0, ds8)],
                    out_ref.at[pl.ds(pl.multiple_of(batch * d + dsl, ds8),
                                     ds8)])


def kernel(H, mask):
    B, T, D = H.shape
    tb = 1024
    nt = T // tb
    ch = T // _CPB
    m3 = mask.astype(jnp.int32).reshape(B, 1, T)

    sel3, kfarr = pl.pallas_call(
        functools.partial(_score_select_kernel, nb=B, nt=nt, tb=tb, t=T),
        grid=(B, nt),
        in_specs=[
            pl.BlockSpec((1, tb, D), lambda b, ti: (b, ti, 0)),
            pl.BlockSpec((1, 1, tb), lambda b, ti: (b, 0, ti)),
        ],
        out_specs=[
            pl.BlockSpec((B, 1, T), lambda b, ti: (0, 0, 0)),
            pl.BlockSpec((1, 128), lambda b, ti: (0, 0)),
        ],
        out_shape=[
            jax.ShapeDtypeStruct((B, 1, T), jnp.int32),
            jax.ShapeDtypeStruct((1, 128), jnp.float32),
        ],
        scratch_shapes=[pltpu.VMEM((B, T), jnp.int32)],
    )(H, m3)

    mesh = plsc.VectorSubcoreMesh(core_axis_name="c", subcore_axis_name="s",
                                  num_cores=_NC, num_subcores=_NS)
    sc_pool = functools.partial(
        pl.kernel,
        mesh=mesh,
        compiler_params=pltpu.CompilerParams(needs_layout_passes=False),
        out_type=jax.ShapeDtypeStruct((B * D,), jnp.float32),
        scratch_types=[
            pltpu.VMEM((ch,), jnp.int32),
            pltpu.VMEM((ch + 16,), jnp.int32),
            pltpu.VMEM((_G, D), jnp.float32),
            pltpu.VMEM((_G, D), jnp.float32),
            pltpu.VMEM((D,), jnp.float32),
            pltpu.VMEM((D,), jnp.float32),
            pltpu.VMEM((128,), jnp.float32),
            pltpu.VMEM_SHARED((_NS * D,), jnp.float32),
            pltpu.SemaphoreType.DMA,
            pltpu.SemaphoreType.DMA,
        ],
    )(functools.partial(_sc_pool_kernel, t=T, d=D, ch=ch))

    out = sc_pool(H.reshape(B * T, D), sel3.reshape(B * T), kfarr.reshape(128))
    return out.reshape(B, D)

# --- scband reference (transcript-rebuilt; emitter-appended) ---
"""Pipeline reference for scband-top-qpooling-51745765982324 (READ-ONLY COPY).

The authoritative reference and input builder live on the scoring server;
editing this copy changes nothing except your own understanding.
"""

import jax, jax.numpy as jnp
import numpy as np

Q = 0.15

def setup_inputs(seed: int = 0) -> dict:
    key = jax.random.key(seed)
    k1, k2 = jax.random.split(key)
    H = jax.random.normal(k1, (4, 4096, 2048), dtype=jnp.float32)
    mask = jax.random.randint(k2, (4, 4096), 0, 2).astype(bool)
    return {"H": H, "mask": mask}

def reference(H, mask):
    B, T, D = H.shape
    # scores = H.norm(dim=-1)
    scores = jnp.sqrt(jnp.sum(H * H, axis=-1))
    # masked_fill(~mask, -inf)
    scores = jnp.where(mask, scores, -jnp.inf)
    # K = int((q * valid_lengths).ceil().clamp(min=1).max().item())
    valid = mask.sum(axis=1).astype(jnp.float32)
    K = jnp.max(jnp.maximum(jnp.ceil(Q * valid), 1.0)).astype(jnp.int32)
    K_max = max(int(np.ceil(Q * T)), 1)
    # topk over time dimension
    _, top_idx = jax.lax.top_k(scores, K_max)
    # gather top-K states and mean over them
    top_states = jnp.take_along_axis(H, top_idx[:, :, None], axis=1)
    sel = (jnp.arange(K_max) < K)[None, :, None]
    top_states = jnp.where(sel, top_states, jnp.zeros((), dtype=H.dtype))
    return top_states.sum(axis=1) / K.astype(H.dtype)

if __name__ == "__main__":
    import jax
    _d = setup_inputs()
    print(jax.jit(kernel)(*tuple(_d.values())))

</pallas_src>

<mosaic_0001>
#map = affine_map<(d0, d1) -> (0, 0)>
#map1 = affine_map<(d0, d1) -> (0)>
module attributes {stable_mosaic.version = 14 : i64} {
  func.func @_sc_pool_kernel(%arg0: i32, %arg1: i32, %arg2: memref<16384x2048xf32, #tpu.memory_space<hbm>>, %arg3: memref<16384xi32, #tpu.memory_space<hbm>>, %arg4: memref<128xf32, #tpu.memory_space<hbm>>, %arg5: memref<8192xf32, #tpu.memory_space<hbm>>, %arg6: memref<512xi32, #tpu.memory_space<vmem>>, %arg7: memref<528xi32, #tpu.memory_space<vmem>>, %arg8: memref<8x2048xf32, #tpu.memory_space<vmem>>, %arg9: memref<8x2048xf32, #tpu.memory_space<vmem>>, %arg10: memref<2048xf32, #tpu.memory_space<vmem>>, %arg11: memref<2048xf32, #tpu.memory_space<vmem>>, %arg12: memref<128xf32, #tpu.memory_space<vmem>>, %arg13: memref<32768xf32, #tpu.memory_space<vmem_shared>>, %arg14: memref<!tpu.dma_semaphore, #tpu.memory_space<semaphore_mem>>, %arg15: memref<!tpu.dma_semaphore, #tpu.memory_space<semaphore_mem>>) attributes {dimension_semantics = [#tpu.dimension_semantics<core_parallel>, #tpu.dimension_semantics<subcore_parallel>], iteration_bounds = array<i64: 2, 16>, scalar_prefetch = 0 : i64, scratch_operands = 10 : i64, tpu.core_type = #tpu.core_type<sc_vector_subcore>, window_params = [{transform_indices = #map}, {transform_indices = #map1}, {transform_indices = #map1}, {transform_indices = #map1}]} {
    %mul3A = arith.constant 16 : i32
    %mul3A_0 = arith.muli %arg0, %mul3A : i32
    %add3A = arith.addi %mul3A_0, %arg1 : i32
    %jit3A = arith.constant 8 : i32
    %div3A = arith.divsi %add3A, %jit3A : i32
    %sign3A = arith.constant 0 : i32
    %sign3A_1 = arith.cmpi sgt, %add3A, %sign3A : i32
    %sign3A_2 = arith.extui %sign3A_1 : i1 to i32
    %sign3A_3 = arith.constant 0 : i32
    %sign3A_4 = arith.cmpi slt, %add3A, %sign3A_3 : i32
    %sign3A_5 = arith.extui %sign3A_4 : i1 to i32
    %sign3A_6 = arith.subi %sign3A_2, %sign3A_5 : i32
    %sign3A_7 = arith.constant 0 : i32
    %sign3A_8 = arith.cmpi sgt, %jit3A, %sign3A_7 : i32
    %sign3A_9 = arith.extui %sign3A_8 : i1 to i32
    %sign3A_10 = arith.constant 0 : i32
    %sign3A_11 = arith.cmpi slt, %jit3A, %sign3A_10 : i32
    %sign3A_12 = arith.extui %sign3A_11 : i1 to i32
    %sign3A_13 = arith.subi %sign3A_9, %sign3A_12 : i32
    %ne3A = arith.cmpi ne, %sign3A_6, %sign3A_13 : i32
    %rem3A = arith.remsi %add3A, %jit3A : i32
    %ne3A_14 = arith.constant 0 : i32
    %ne3A_15 = arith.cmpi ne, %rem3A, %ne3A_14 : i32
    %and3A = arith.andi %ne3A, %ne3A_15 : i1
    %sub3A = arith.constant 1 : i32
    %sub3A_16 = arith.subi %div3A, %sub3A : i32
    %select_n3A = arith.select %and3A, %sub3A_16, %div3A : i32
    %jit3A_17 = arith.constant 8 : i32
    %eq3A = arith.constant 0 : i32
    %eq3A_18 = arith.cmpi eq, %jit3A_17, %eq3A : i32
    %jit3A_19 = arith.constant 1 : i32
    %select_n3A_20 = arith.select %eq3A_18, %jit3A_19, %jit3A_17 : i32
    %rem3A_21 = arith.remsi %arg1, %select_n3A_20 : i32
    %ne3A_22 = arith.constant 0 : i32
    %ne3A_23 = arith.cmpi ne, %rem3A_21, %ne3A_22 : i32
    %lt3A = arith.constant 0 : i32
    %lt3A_24 = arith.cmpi slt, %rem3A_21, %lt3A : i32
    %lt3A_25 = arith.constant 0 : i32
    %lt3A_26 = arith.cmpi slt, %select_n3A_20, %lt3A_25 : i32
    %ne3A_27 = arith.xori %lt3A_24, %lt3A_26 : i1
    %and3A_28 = arith.andi %ne3A_27, %ne3A_23 : i1
    %add3A_29 = arith.addi %rem3A_21, %select_n3A_20 : i32
    %select_n3A_30 = arith.select %and3A_28, %add3A_29, %rem3A_21 : i32
    %mul3A_31 = arith.constant 4096 : i32
    %mul3A_32 = arith.muli %select_n3A, %mul3A_31 : i32
    %mul3A_33 = arith.constant 512 : i32
    %mul3A_34 = arith.muli %select_n3A_30, %mul3A_33 : i32
    %add3A_35 = arith.addi %mul3A_32, %mul3A_34 : i32
    %multiple_of3A = tpu.assume_multiple %add3A_35, 512 : i32
    "tpu.region"() ({
      %run_scoped3A = tpu.sem_alloc : memref<!tpu.dma_semaphore, #tpu.memory_space<semaphore_mem>>
      %dma_start3A_959 = tpu.memref_slice %arg3[%multiple_of3A] : memref<16384xi32, #tpu.memory_space<hbm>> -> memref<512xi32, #tpu.memory_space<hbm>>
      %dma_start3A_960 = tpu.memref_slice %arg3[%multiple_of3A] : memref<16384xi32, #tpu.memory_space<hbm>> -> memref<512xi32, #tpu.memory_space<hbm>>
      tpu.enqueue_dma source(%dma_start3A_960 : memref<512xi32, #tpu.memory_space<hbm>>) target(%arg6 : memref<512xi32, #tpu.memory_space<vmem>>) target_semaphore(%run_scoped3A : memref<!tpu.dma_semaphore, #tpu.memory_space<semaphore_mem>>)
      %dma_wait3A_961 = tpu.memref_slice %arg3[%multiple_of3A] : memref<16384xi32, #tpu.memory_space<hbm>> -> memref<512xi32, #tpu.memory_space<hbm>>
      %dma_wait3A_962 = tpu.memref_slice %arg3[%multiple_of3A] : memref<16384xi32, #tpu.memory_space<hbm>> -> memref<512xi32, #tpu.memory_space<hbm>>
      tpu.wait_dma2 semaphore(%run_scoped3A : memref<!tpu.dma_semaphore, #tpu.memory_space<semaphore_mem>>) src(%dma_wait3A_962 : memref<512xi32, #tpu.memory_space<hbm>>) dst(%arg6 : memref<512xi32, #tpu.memory_space<vmem>>)
      tpu.yield
    }) : () -> ()
    "tpu.region"() ({
      %run_scoped3A = tpu.sem_alloc : memref<!tpu.dma_semaphore, #tpu.memory_space<semaphore_mem>>
      tpu.enqueue_dma source(%arg4 : memref<128xf32, #tpu.memory_space<hbm>>) target(%arg12 : memref<128xf32, #tpu.memory_space<vmem>>) target_semaphore(%run_scoped3A : memref<!tpu.dma_semaphore, #tpu.memory_space<semaphore_mem>>)
      tpu.wait_dma2 semaphore(%run_scoped3A : memref<!tpu.dma_semaphore, #tpu.memory_space<semaphore_mem>>) src(%arg4 : memref<128xf32, #tpu.memory_space<hbm>>) dst(%arg12 : memref<128xf32, #tpu.memory_space<vmem>>)
      tpu.yield
    }) : () -> ()
    %broadcast_in_dim3A = arith.constant 0.000000e+00 : f32
    %broadcast_in_dim3A_36 = vector.broadcast %broadcast_in_dim3A : f32 to vector<16xf32>
    %swap3A = arith.constant 0 : index
    %swap3A_37 = tpu.vector_load %arg10[%swap3A] {strides = array<i32>} : memref<2048xf32, #tpu.memory_space<vmem>>, vector<16xf32>,
    tpu.vector_store %arg10[%swap3A], %broadcast_in_dim3A_36 {strides = array<i32>} : memref<2048xf32, #tpu.memory_space<vmem>>, vector<16xf32>,
    %swap3A_38 = arith.constant 16 : index
    %swap3A_39 = tpu.vector_load %arg10[%swap3A_38] {strides = array<i32>} : memref<2048xf32, #tpu.memory_space<vmem>>, vector<16xf32>,
    tpu.vector_store %arg10[%swap3A_38], %broadcast_in_dim3A_36 {strides = array<i32>} : memref<2048xf32, #tpu.memory_space<vmem>>, vector<16xf32>,
    %swap3A_40 = arith.constant 32 : index
    %swap3A_41 = tpu.vector_load %arg10[%swap3A_40] {strides = array<i32>} : memref<2048xf32, #tpu.memory_space<vmem>>, vector<16xf32>,
    tpu.vector_store %arg10[%swap3A_40], %broadcast_in_dim3A_36 {strides = array<i32>} : memref<2048xf32, #tpu.memory_space<vmem>>, vector<16xf32>,
    %swap3A_42 = arith.constant 48 : index
    %swap3A_43 = tpu.vector_load %arg10[%swap3A_42] {strides = array<i32>} : memref<2048xf32, #tpu.memory_space<vmem>>, vector<16xf32>,
    tpu.vector_store %arg10[%swap3A_42], %broadcast_in_dim3A_36 {strides = array<i32>} : memref<2048xf32, #tpu.memory_space<vmem>>, vector<16xf32>,
    %swap3A_44 = arith.constant 64 : index
    %swap3A_45 = tpu.vector_load %arg10[%swap3A_44] {strides = array<i32>} : memref<2048xf32, #tpu.memory_space<vmem>>, vector<16xf32>,
    tpu.vector_store %arg10[%swap3A_44], %broadcast_in_dim3A_36 {strides = array<i32>} : memref<2048xf32, #tpu.memory_space<vmem>>, vector<16xf32>,
    %swap3A_46 = arith.constant 80 : index
    %swap3A_47 = tpu.vector_load %arg10[%swap3A_46] {strides = array<i32>} : memref<2048xf32, #tpu.memory_space<vmem>>, vector<16xf32>,
    tpu.vector_store %arg10[%swap3A_46], %broadcast_in_dim3A_36 {strides = array<i32>} : memref<2048xf32, #tpu.memory_space<vmem>>, vector<16xf32>,
    %swap3A_48 = arith.constant 96 : index
    %swap3A_49 = tpu.vector_load %arg10[%swap3A_48] {strides = array<i32>} : memref<2048xf32, #tpu.memory_space<vmem>>, vector<16xf32>,
    tpu.vector_store %arg10[%swap3A_48], %broadcast_in_dim3A_36 {strides = array<i32>} : memref<2048xf32, #tpu.memory_space<vmem>>, vector<16xf32>,
    %swap3A_50 = arith.constant 112 : index
    %swap3A_51 = tpu.vector_load %arg10[%swap3A_50] {strides = array<i32>} : memref<2048xf32, #tpu.memory_space<vmem>>, vector<16xf32>,
    tpu.vector_store %arg10[%swap3A_50], %broadcast_in_dim3A_36 {strides = array<i32>} : memref<2048xf32, #tpu.memory_space<vmem>>, vector<16xf32>,
    %swap3A_52 = arith.constant 128 : index
    %swap3A_53 = tpu.vector_load %arg10[%swap3A_52] {strides = array<i32>} : memref<2048xf32, #tpu.memory_space<vmem>>, vector<16xf32>,
    tpu.vector_store %arg10[%swap3A_52], %broadcast_in_dim3A_36 {strides = array<i32>} : memref<2048xf32, #tpu.memory_space<vmem>>, vector<16xf32>,
    %swap3A_54 = arith.constant 144 : index
    %swap3A_55 = tpu.vector_load %arg10[%swap3A_54] {strides = array<i32>} : memref<2048xf32, #tpu.memory_space<vmem>>, vector<16xf32>,
    tpu.vector_store %arg10[%swap3A_54], %broadcast_in_dim3A_36 {strides = array<i32>} : memref<2048xf32, #tpu.memory_space<vmem>>, vector<16xf32>,
    %swap3A_56 = arith.constant 160 : index
    %swap3A_57 = tpu.vector_load %arg10[%swap3A_56] {strides = array<i32>} : memref<2048xf32, #tpu.memory_space<vmem>>, vector<16xf32>,
    tpu.vector_store %arg10[%swap3A_56], %broadcast_in_dim3A_36 {strides = array<i32>} : memref<2048xf32, #tpu.memory_space<vmem>>, vector<16xf32>,
    %swap3A_58 = arith.constant 176 : index
    %swap3A_59 = tpu.vector_load %arg10[%swap3A_58] {strides = array<i32>} : memref<2048xf32, #tpu.memory_space<vmem>>, vector<16xf32>,
    tpu.vector_store %arg10[%swap3A_58], %broadcast_in_dim3A_36 {strides = array<i32>} : memref<2048xf32, #tpu.memory_space<vmem>>, vector<16xf32>,
    %swap3A_60 = arith.constant 192 : index
    %swap3A_61 = tpu.vector_load %arg10[%swap3A_60] {strides = array<i32>} : memref<2048xf32, #tpu.memory_space<vmem>>, vector<16xf32>,
    tpu.vector_store %arg10[%swap3A_60], %broadcast_in_dim3A_36 {strides = array<i32>} : memref<2048xf32, #tpu.memory_space<vmem>>, vector<16xf32>,
    %swap3A_62 = arith.constant 208 : index
    %swap3A_63 = tpu.vector_load %arg10[%swap3A_62] {strides = array<i32>} : memref<2048xf32, #tpu.memory_space<vmem>>, vector<16xf32>,
    tpu.vector_store %arg10[%swap3A_62], %broadcast_in_dim3A_36 {strides = array<i32>} : memref<2048xf32, #tpu.memory_space<vmem>>, vector<16xf32>,
    %swap3A_64 = arith.constant 224 : index
    %swap3A_65 = tpu.vector_load %arg10[%swap3A_64] {strides = array<i32>} : memref<2048xf32, #tpu.memory_space<vmem>>, vector<16xf32>,
    tpu.vector_store %arg10[%swap3A_64], %broadcast_in_dim3A_36 {strides = array<i32>} : memref<2048xf32, #tpu.memory_space<vmem>>, vector<16xf32>,
    %swap3A_66 = arith.constant 240 : index
    %swap3A_67 = tpu.vector_load %arg10[%swap3A_66] {strides = array<i32>} : memref<2048xf32, #tpu.memory_space<vmem>>, vector<16xf32>,
    tpu.vector_store %arg10[%swap3A_66], %broadcast_in_dim3A_36 {strides = array<i32>} : memref<2048xf32, #tpu.memory_space<vmem>>, vector<16xf32>,
    %swap3A_68 = arith.constant 256 : index
    %swap3A_69 = tpu.vector_load %arg10[%swap3A_68] {strides = array<i32>} : memref<2048xf32, #tpu.memory_space<vmem>>, vector<16xf32>,
    tpu.vector_store %arg10[%swap3A_68], %broadcast_in_dim3A_36 {strides = array<i32>} : memref<2048xf32, #tpu.memory_space<vmem>>, vector<16xf32>,
    %swap3A_70 = arith.constant 272 : index
    %swap3A_71 = tpu.vector_load %arg10[%swap3A_70] {strides = array<i32>} : memref<2048xf32, #tpu.memory_space<vmem>>, vector<16xf32>,
    tpu.vector_store %arg10[%swap3A_70], %broadcast_in_dim3A_36 {strides = array<i32>} : memref<2048xf32, #tpu.memory_space<vmem>>, vector<16xf32>,
    %swap3A_72 = arith.constant 288 : index
    %swap3A_73 = tpu.vector_load %arg10[%swap3A_72] {strides = array<i32>} : memref<2048xf32, #tpu.memory_space<vmem>>, vector<16xf32>,
    tpu.vector_store %arg10[%swap3A_72], %broadcast_in_dim3A_36 {strides = array<i32>} : memref<2048xf32, #tpu.memory_space<vmem>>, vector<16xf32>,
    %swap3A_74 = arith.constant 304 : index
    %swap3A_75 = tpu.vector_load %arg10[%swap3A_74] {strides = array<i32>} : memref<2048xf32, #tpu.memory_space<vmem>>, vector<16xf32>,
    tpu.vector_store %arg10[%swap3A_74], %broadcast_in_dim3A_36 {strides = array<i32>} : memref<2048xf32, #tpu.memory_space<vmem>>, vector<16xf32>,
    %swap3A_76 = arith.constant 320 : index
    %swap3A_77 = tpu.vector_load %arg10[%swap3A_76] {strides = array<i32>} : memref<2048xf32, #tpu.memory_space<vmem>>, vector<16xf32>,
    tpu.vector_store %arg10[%swap3A_76], %broadcast_in_dim3A_36 {strides = array<i32>} : memref<2048xf32, #tpu.memory_space<vmem>>, vector<16xf32>,
    %swap3A_78 = arith.constant 336 : index
    %swap3A_79 = tpu.vector_load %arg10[%swap3A_78] {strides = array<i32>} : memref<2048xf32, #tpu.memory_space<vmem>>, vector<16xf32>,
    tpu.vector_store %arg10[%swap3A_78], %broadcast_in_dim3A_36 {strides = array<i32>} : memref<2048xf32, #tpu.memory_space<vmem>>, vector<16xf32>,
    %swap3A_80 = arith.constant 352 : index
    %swap3A_81 = tpu.vector_load %arg10[%swap3A_80] {strides = array<i32>} : memref<2048xf32, #tpu.memory_space<vmem>>, vector<16xf32>,
    tpu.vector_store %arg10[%swap3A_80], %broadcast_in_dim3A_36 {strides = array<i32>} : memref<2048xf32, #tpu.memory_space<vmem>>, vector<16xf32>,
    %swap3A_82 = arith.constant 368 : index
    %swap3A_83 = tpu.vector_load %arg10[%swap3A_82] {strides = array<i32>} : memref<2048xf32, #tpu.memory_space<vmem>>, vector<16xf32>,
    tpu.vector_store %arg10[%swap3A_82], %broadcast_in_dim3A_36 {strides = array<i32>} : memref<2048xf32, #tpu.memory_space<vmem>>, vector<16xf32>,
    %swap3A_84 = arith.constant 384 : index
    %swap3A_85 = tpu.vector_load %arg10[%swap3A_84] {strides = array<i32>} : memref<2048xf32, #tpu.memory_space<vmem>>, vector<16xf32>,
    tpu.vector_store %arg10[%swap3A_84], %broadcast_in_dim3A_36 {strides = array<i32>} : memref<2048xf32, #tpu.memory_space<vmem>>, vector<16xf32>,
    %swap3A_86 = arith.constant 400 : index
    %swap3A_87 = tpu.vector_load %arg10[%swap3A_86] {strides = array<i32>} : memref<2048xf32, #tpu.memory_space<vmem>>, vector<16xf32>,
    tpu.vector_store %arg10[%swap3A_86], %broadcast_in_dim3A_36 {strides = array<i32>} : memref<2048xf32, #tpu.memory_space<vmem>>, vector<16xf32>,
    %swap3A_88 = arith.constant 416 : index
    %swap3A_89 = tpu.vector_load %arg10[%swap3A_88] {strides = array<i32>} : memref<2048xf32, #tpu.memory_space<vmem>>, vector<16xf32>,
    tpu.vector_store %arg10[%swap3A_88], %broadcast_in_dim3A_36 {strides = array<i32>} : memref<2048xf32, #tpu.memory_space<vmem>>, vector<16xf32>,
    %swap3A_90 = arith.constant 432 : index
    %swap3A_91 = tpu.vector_load %arg10[%swap3A_90] {strides = array<i32>} : memref<2048xf32, #tpu.memory_space<vmem>>, vector<16xf32>,
    tpu.vector_store %arg10[%swap3A_90], %broadcast_in_dim3A_36 {strides = array<i32>} : memref<2048xf32, #tpu.memory_space<vmem>>, vector<16xf32>,
    %swap3A_92 = arith.constant 448 : index
    %swap3A_93 = tpu.vector_load %arg10[%swap3A_92] {strides = array<i32>} : memref<2048xf32, #tpu.memory_space<vmem>>, vector<16xf32>,
    tpu.vector_store %arg10[%swap3A_92], %broadcast_in_dim3A_36 {strides = array<i32>} : memref<2048xf32, #tpu.memory_space<vmem>>, vector<16xf32>,
    %swap3A_94 = arith.constant 464 : index
    %swap3A_95 = tpu.vector_load %arg10[%swap3A_94] {strides = array<i32>} : memref<2048xf32, #tpu.memory_space<vmem>>, vector<16xf32>,
    tpu.vector_store %arg10[%swap3A_94], %broadcast_in_dim3A_36 {strides = array<i32>} : memref<2048xf32, #tpu.memory_space<vmem>>, vector<16xf32>,
    %swap3A_96 = arith.constant 480 : index
    %swap3A_97 = tpu.vector_load %arg10[%swap3A_96] {strides = array<i32>} : memref<2048xf32, #tpu.memory_space<vmem>>, vector<16xf32>,
    tpu.vector_store %arg10[%swap3A_96], %broadcast_in_dim3A_36 {strides = array<i32>} : memref<2048xf32, #tpu.memory_space<vmem>>, vector<16xf32>,
    %swap3A_98 = arith.constant 496 : index
    %swap3A_99 = tpu.vector_load %arg10[%swap3A_98] {strides = array<i32>} : memref<2048xf32, #tpu.memory_space<vmem>>, vector<16xf32>,
    tpu.vector_store %arg10[%swap3A_98], %broadcast_in_dim3A_36 {strides = array<i32>} : memref<2048xf32, #tpu.memory_space<vmem>>, vector<16xf32>,
    %swap3A_100 = arith.constant 512 : index
    %swap3A_101 = tpu.vector_load %arg10[%swap3A_100] {strides = array<i32>} : memref<2048xf32, #tpu.memory_space<vmem>>, vector<16xf32>,
    tpu.vector_store %arg10[%swap3A_100], %broadcast_in_dim3A_36 {strides = array<i32>} : memref<2048xf32, #tpu.memory_space<vmem>>, vector<16xf32>,
    %swap3A_102 = arith.constant 528 : index
    %swap3A_103 = tpu.vector_load %arg10[%swap3A_102] {strides = array<i32>} : memref<2048xf32, #tpu.memory_space<vmem>>, vector<16xf32>,
    tpu.vector_store %arg10[%swap3A_102], %broadcast_in_dim3A_36 {strides = array<i32>} : memref<2048xf32, #tpu.memory_space<vmem>>, vector<16xf32>,
    %swap3A_104 = arith.constant 544 : index
    %swap3A_105 = tpu.vector_load %arg10[%swap3A_104] {strides = array<i32>} : memref<2048xf32, #tpu.memory_space<vmem>>, vector<16xf32>,
    tpu.vector_store %arg10[%swap3A_104], %broadcast_in_dim3A_36 {strides = array<i32>} : memref<2048xf32, #tpu.memory_space<vmem>>, vector<16xf32>,
    %swap3A_106 = arith.constant 560 : index
    %swap3A_107 = tpu.vector_load %arg10[%swap3A_106] {strides = array<i32>} : memref<2048xf32, #tpu.memory_space<vmem>>, vector<16xf32>,
    tpu.vector_store %arg10[%swap3A_106], %broadcast_in_dim3A_36 {strides = array<i32>} : memref<2048xf32, #tpu.memory_space<vmem>>, vector<16xf32>,
    %swap3A_108 = arith.constant 576 : index
    %swap3A_109 = tpu.vector_load %arg10[%swap3A_108] {strides = array<i32>} : memref<2048xf32, #tpu.memory_space<vmem>>, vector<16xf32>,
    tpu.vector_store %arg10[%swap3A_108], %broadcast_in_dim3A_36 {strides = array<i32>} : memref<2048xf32, #tpu.memory_space<vmem>>, vector<16xf32>,
    %swap3A_110 = arith.constant 592 : index
    %swap3A_111 = tpu.vector_load %arg10[%swap3A_110] {strides = array<i32>} : memref<2048xf32, #tpu.memory_space<vmem>>, vector<16xf32>,
    tpu.vector_store %arg10[%swap3A_110], %broadcast_in_dim3A_36 {strides = array<i32>} : memref<2048xf32, #tpu.memory_space<vmem>>, vector<16xf32>,
    %swap3A_112 = arith.constant 608 : index
    %swap3A_113 = tpu.vector_load %arg10[%swap3A_112] {strides = array<i32>} : memref<2048xf32, #tpu.memory_space<vmem>>, vector<16xf32>,
    tpu.vector_store %arg10[%swap3A_112], %broadcast_in_dim3A_36 {strides = array<i32>} : memref<2048xf32, #tpu.memory_space<vmem>>, vector<16xf32>,
    %swap3A_114 = arith.constant 624 : index
    %swap3A_115 = tpu.vector_load %arg10[%swap3A_114] {strides = array<i32>} : memref<2048xf32, #tpu.memory_space<vmem>>, vector<16xf32>,
    tpu.vector_store %arg10[%swap3A_114], %broadcast_in_dim3A_36 {strides = array<i32>} : memref<2048xf32, #tpu.memory_space<vmem>>, vector<16xf32>,
    %swap3A_116 = arith.constant 640 : index
    %swap3A_117 = tpu.vector_load %arg10[%swap3A_116] {strides = array<i32>} : memref<2048xf32, #tpu.memory_space<vmem>>, vector<16xf32>,
    tpu.vector_store %arg10[%swap3A_116], %broadcast_in_dim3A_36 {strides = array<i32>} : memref<2048xf32, #tpu.memory_space<vmem>>, vector<16xf32>,
    %swap3A_118 = arith.constant 656 : index
    %swap3A_119 = tpu.vector_load %arg10[%swap3A_118] {strides = array<i32>} : memref<2048xf32, #tpu.memory_space<vmem>>, vector<16xf32>,
    tpu.vector_store %arg10[%swap3A_118], %broadcast_in_dim3A_36 {strides = array<i32>} : memref<2048xf32, #tpu.memory_space<vmem>>, vector<16xf32>,
    %swap3A_120 = arith.constant 672 : index
    %swap3A_121 = tpu.vector_load %arg10[%swap3A_120] {strides = array<i32>} : memref<2048xf32, #tpu.memory_space<vmem>>, vector<16xf32>,
    tpu.vector_store %arg10[%swap3A_120], %broadcast_in_dim3A_36 {strides = array<i32>} : memref<2048xf32, #tpu.memory_space<vmem>>, vector<16xf32>,
    %swap3A_122 = arith.constant 688 : index
    %swap3A_123 = tpu.vector_load %arg10[%swap3A_122] {strides = array<i32>} : memref<2048xf32, #tpu.memory_space<vmem>>, vector<16xf32>,
    tpu.vector_store %arg10[%swap3A_122], %broadcast_in_dim3A_36 {strides = array<i32>} : memref<2048xf32, #tpu.memory_space<vmem>>, vector<16xf32>,
    %swap3A_124 = arith.constant 704 : index
    %swap3A_125 = tpu.vector_load %arg10[%swap3A_124] {strides = array<i32>} : memref<2048xf32, #tpu.memory_space<vmem>>, vector<16xf32>,
    tpu.vector_store %arg10[%swap3A_124], %broadcast_in_dim3A_36 {strides = array<i32>} : memref<2048xf32, #tpu.memory_space<vmem>>, vector<16xf32>,
    %swap3A_126 = arith.constant 720 : index
    %swap3A_127 = tpu.vector_load %arg10[%swap3A_126] {strides = array<i32>} : memref<2048xf32, #tpu.memory_space<vmem>>, vector<16xf32>,
    tpu.vector_store %arg10[%swap3A_126], %broadcast_in_dim3A_36 {strides = array<i32>} : memref<2048xf32, #tpu.memory_space<vmem>>, vector<16xf32>,
    %swap3A_128 = arith.constant 736 : index
    %swap3A_129 = tpu.vector_load %arg10[%swap3A_128] {strides = array<i32>} : memref<2048xf32, #tpu.memory_space<vmem>>, vector<16xf32>,
    tpu.vector_store %arg10[%swap3A_128], %broadcast_in_dim3A_36 {strides = array<i32>} : memref<2048xf32, #tpu.memory_space<vmem>>, vector<16xf32>,
    %swap3A_130 = arith.constant 752 : index
    %swap3A_131 = tpu.vector_load %arg10[%swap3A_130] {strides = array<i32>} : memref<2048xf32, #tpu.memory_space<vmem>>, vector<16xf32>,
    tpu.vector_store %arg10[%swap3A_130], %broadcast_in_dim3A_36 {strides = array<i32>} : memref<2048xf32, #tpu.memory_space<vmem>>, vector<16xf32>,
    %swap3A_132 = arith.constant 768 : index
    %swap3A_133 = tpu.vector_load %arg10[%swap3A_132] {strides = array<i32>} : memref<2048xf32, #tpu.memory_space<vmem>>, vector<16xf32>,
    tpu.vector_store %arg10[%swap3A_132], %broadcast_in_dim3A_36 {strides = array<i32>} : memref<2048xf32, #tpu.memory_space<vmem>>, vector<16xf32>,
    %swap3A_134 = arith.constant 784 : index
    %swap3A_135 = tpu.vector_load %arg10[%swap3A_134] {strides = array<i32>} : memref<2048xf32, #tpu.memory_space<vmem>>, vector<16xf32>,
    tpu.vector_store %arg10[%swap3A_134], %broadcast_in_dim3A_36 {strides = array<i32>} : memref<2048xf32, #tpu.memory_space<vmem>>, vector<16xf32>,
    %swap3A_136 = arith.constant 800 : index
    %swap3A_137 = tpu.vector_load %arg10[%swap3A_136] {strides = array<i32>} : memref<2048xf32, #tpu.memory_space<vmem>>, vector<16xf32>,
    tpu.vector_store %arg10[%swap3A_136], %broadcast_in_dim3A_36 {strides = array<i32>} : memref<2048xf32, #tpu.memory_space<vmem>>, vector<16xf32>,
    %swap3A_138 = arith.constant 816 : index
    %swap3A_139 = tpu.vector_load %arg10[%swap3A_138] {strides = array<i32>} : memref<2048xf32, #tpu.memory_space<vmem>>, vector<16xf32>,
    tpu.vector_store %arg10[%swap3A_138], %broadcast_in_dim3A_36 {strides = array<i32>} : memref<2048xf32, #tpu.memory_space<vmem>>, vector<16xf32>,
    %swap3A_140 = arith.constant 832 : index
    %swap3A_141 = tpu.vector_load %arg10[%swap3A_140] {strides = array<i32>} : memref<2048xf32, #tpu.memory_space<vmem>>, vector<16xf32>,
    tpu.vector_store %arg10[%swap3A_140], %broadcast_in_dim3A_36 {strides = array<i32>} : memref<2048xf32, #tpu.memory_space<vmem>>, vector<16xf32>,
    %swap3A_142 = arith.constant 848 : index
    %swap3A_143 = tpu.vector_load %arg10[%swap3A_142] {strides = array<i32>} : memref<2048xf32, #tpu.memory_space<vmem>>, vector<16xf32>,
    tpu.vector_store %arg10[%swap3A_142], %broadcast_in_dim3A_36 {strides = array<i32>} : memref<2048xf32, #tpu.memory_space<vmem>>, vector<16xf32>,
    %swap3A_144 = arith.constant 864 : index
    %swap3A_145 = tpu.vector_load %arg10[%swap3A_144] {strides = array<i32>} : memref<2048xf32, #tpu.memory_space<vmem>>, vector<16xf32>,
    tpu.vector_store %arg10[%swap3A_144], %broadcast_in_dim3A_36 {strides = array<i32>} : memref<2048xf32, #tpu.memory_space<vmem>>, vector<16xf32>,
    %swap3A_146 = arith.constant 880 : index
    %swap3A_147 = tpu.vector_load %arg10[%swap3A_146] {strides = array<i32>} : memref<2048xf32, #tpu.memory_space<vmem>>, vector<16xf32>,
    tpu.vector_store %arg10[%swap3A_146], %broadcast_in_dim3A_36 {strides = array<i32>} : memref<2048xf32, #tpu.memory_space<vmem>>, vector<16xf32>,
    %swap3A_148 = arith.constant 896 : index
    %swap3A_149 = tpu.vector_load %arg10[%swap3A_148] {strides = array<i32>} : memref<2048xf32, #tpu.memory_space<vmem>>, vector<16xf32>,
    tpu.vector_store %arg10[%swap3A_148], %broadcast_in_dim3A_36 {strides = array<i32>} : memref<2048xf32, #tpu.memory_space<vmem>>, vector<16xf32>,
    %swap3A_150 = arith.constant 912 : index
    %swap3A_151 = tpu.vector_load %arg10[%swap3A_150] {strides = array<i32>} : memref<2048xf32, #tpu.memory_space<vmem>>, vector<16xf32>,
    tpu.vector_store %arg10[%swap3A_150], %broadcast_in_dim3A_36 {strides = array<i32>} : memref<2048xf32, #tpu.memory_space<vmem>>, vector<16xf32>,
    %swap3A_152 = arith.constant 928 : index
    %swap3A_153 = tpu.vector_load %arg10[%swap3A_152] {strides = array<i32>} : memref<2048xf32, #tpu.memory_space<vmem>>, vector<16xf32>,
    tpu.vector_store %arg10[%swap3A_152], %broadcast_in_dim3A_36 {strides = array<i32>} : memref<2048xf32, #tpu.memory_space<vmem>>, vector<16xf32>,
    %swap3A_154 = arith.constant 944 : index
    %swap3A_155 = tpu.vector_load %arg10[%swap3A_154] {strides = array<i32>} : memref<2048xf32, #tpu.memory_space<vmem>>, vector<16xf32>,
    tpu.vector_store %arg10[%swap3A_154], %broadcast_in_dim3A_36 {strides = array<i32>} : memref<2048xf32, #tpu.memory_space<vmem>>, vector<16xf32>,
    %swap3A_156 = arith.constant 960 : index
    %swap3A_157 = tpu.vector_load %arg10[%swap3A_156] {strides = array<i32>} : memref<2048xf32, #tpu.memory_space<vmem>>, vector<16xf32>,
    tpu.vector_store %arg10[%swap3A_156], %broadcast_in_dim3A_36 {strides = array<i32>} : memref<2048xf32, #tpu.memory_space<vmem>>, vector<16xf32>,
    %swap3A_158 = arith.constant 976 : index
    %swap3A_159 = tpu.vector_load %arg10[%swap3A_158] {strides = array<i32>} : memref<2048xf32, #tpu.memory_space<vmem>>, vector<16xf32>,
    tpu.vector_store %arg10[%swap3A_158], %broadcast_in_dim3A_36 {strides = array<i32>} : memref<2048xf32, #tpu.memory_space<vmem>>, vector<16xf32>,
    %swap3A_160 = arith.constant 992 : index
    %swap3A_161 = tpu.vector_load %arg10[%swap3A_160] {strides = array<i32>} : memref<2048xf32, #tpu.memory_space<vmem>>, vector<16xf32>,
    tpu.vector_store %arg10[%swap3A_160], %broadcast_in_dim3A_36 {strides = array<i32>} : memref<2048xf32, #tpu.memory_space<vmem>>, vector<16xf32>,
    %swap3A_162 = arith.constant 1008 : index
    %swap3A_163 = tpu.vector_load %arg10[%swap3A_162] {strides = array<i32>} : memref<2048xf32, #tpu.memory_space<vmem>>, vector<16xf32>,
    tpu.vector_store %arg10[%swap3A_162], %broadcast_in_dim3A_36 {strides = array<i32>} : memref<2048xf32, #tpu.memory_space<vmem>>, vector<16xf32>,
    %swap3A_164 = arith.constant 1024 : index
    %swap3A_165 = tpu.vector_load %arg10[%swap3A_164] {strides = array<i32>} : memref<2048xf32, #tpu.memory_space<vmem>>, vector<16xf32>,
    tpu.vector_store %arg10[%swap3A_164], %broadcast_in_dim3A_36 {strides = array<i32>} : memref<2048xf32, #tpu.memory_space<vmem>>, vector<16xf32>,
    %swap3A_166 = arith.constant 1040 : index
    %swap3A_167 = tpu.vector_load %arg10[%swap3A_166] {strides = array<i32>} : memref<2048xf32, #tpu.memory_space<vmem>>, vector<16xf32>,
    tpu.vector_store %arg10[%swap3A_166], %broadcast_in_dim3A_36 {strides = array<i32>} : memref<2048xf32, #tpu.memory_space<vmem>>, vector<16xf32>,
    %swap3A_168 = arith.constant 1056 : index
    %swap3A_169 = tpu.vector_load %arg10[%swap3A_168] {strides = array<i32>} : memref<2048xf32, #tpu.memory_space<vmem>>, vector<16xf32>,
    tpu.vector_store %arg10[%swap3A_168], %broadcast_in_dim3A_36 {strides = array<i32>} : memref<2048xf32, #tpu.memory_space<vmem>>, vector<16xf32>,
    %swap3A_170 = arith.constant 1072 : index
    %swap3A_171 = tpu.vector_load %arg10[%swap3A_170] {strides = array<i32>} : memref<2048xf32, #tpu.memory_space<vmem>>, vector<16xf32>,
    tpu.vector_store %arg10[%swap3A_170], %broadcast_in_dim3A_36 {strides = array<i32>} : memref<2048xf32, #tpu.memory_space<vmem>>, vector<16xf32>,
    %swap3A_172 = arith.constant 1088 : index
    %swap3A_173 = tpu.vector_load %arg10[%swap3A_172] {strides = array<i32>} : memref<2048xf32, #tpu.memory_space<vmem>>, vector<16xf32>,
    tpu.vector_store %arg10[%swap3A_172], %broadcast_in_dim3A_36 {strides = array<i32>} : memref<2048xf32, #tpu.memory_space<vmem>>, vector<16xf32>,
    %swap3A_174 = arith.constant 1104 : index
    %swap3A_175 = tpu.vector_load %arg10[%swap3A_174] {strides = array<i32>} : memref<2048xf32, #tpu.memory_space<vmem>>, vector<16xf32>,
    tpu.vector_store %arg10[%swap3A_174], %broadcast_in_dim3A_36 {strides = array<i32>} : memref<2048xf32, #tpu.memory_space<vmem>>, vector<16xf32>,
    %swap3A_176 = arith.constant 1120 : index
    %swap3A_177 = tpu.vector_load %arg10[%swap3A_176] {strides = array<i32>} : memref<2048xf32, #tpu.memory_space<vmem>>, vector<16xf32>,
    tpu.vector_store %arg10[%swap3A_176], %broadcast_in_dim3A_36 {strides = array<i32>} : memref<2048xf32, #tpu.memory_space<vmem>>, vector<16xf32>,
    %swap3A_178 = arith.constant 1136 : index
    %swap3A_179 = tpu.vector_load %arg10[%swap3A_178] {strides = array<i32>} : memref<2048xf32, #tpu.memory_space<vmem>>, vector<16xf32>,
    tpu.vector_store %arg10[%swap3A_178], %broadcast_in_dim3A_36 {strides = array<i32>} : memref<2048xf32, #tpu.memory_space<vmem>>, vector<16xf32>,
    %swap3A_180 = arith.constant 1152 : index
    %swap3A_181 = tpu.vector_load %arg10[%swap3A_180] {strides = array<i32>} : memref<2048xf32, #tpu.memory_space<vmem>>, vector<16xf32>,
    tpu.vector_store %arg10[%swap3A_180], %broadcast_in_dim3A_36 {strides = array<i32>} : memref<2048xf32, #tpu.memory_space<vmem>>, vector<16xf32>,
    %swap3A_182 = arith.constant 1168 : index
    %swap3A_183 = tpu.vector_load %arg10[%swap3A_182] {strides = array<i32>} : memref<2048xf32, #tpu.memory_space<vmem>>, vector<16xf32>,
    tpu.vector_store %arg10[%swap3A_182], %broadcast_in_dim3A_36 {strides = array<i32>} : memref<2048xf32, #tpu.memory_space<vmem>>, vector<16xf32>,
    %swap3A_184 = arith.constant 1184 : index
    %swap3A_185 = tpu.vector_load %arg10[%swap3A_184] {strides = array<i32>} : memref<2048xf32, #tpu.memory_space<vmem>>, vector<16xf32>,
    tpu.vector_store %arg10[%swap3A_184], %broadcast_in_dim3A_36 {strides = array<i32>} : memref<2048xf32, #tpu.memory_space<vmem>>, vector<16xf32>,
    %swap3A_186 = arith.constant 1200 : index
    %swap3A_187 = tpu.vector_load %arg10[%swap3A_186] {strides = array<i32>} : memref<2048xf32, #tpu.memory_space<vmem>>, vector<16xf32>,
    tpu.vector_store %arg10[%swap3A_186], %broadcast_in_dim3A_36 {strides = array<i32>} : memref<2048xf32, #tpu.memory_space<vmem>>, vector<16xf32>,
    %swap3A_188 = arith.constant 1216 : index
    %swap3A_189 = tpu.vector_load %arg10[%swap3A_188] {strides = array<i32>} : memref<2048xf32, #tpu.memory_space<vmem>>, vector<16xf32>,
    tpu.vector_store %arg10[%swap3A_188], %broadcast_in_dim3A_36 {strides = array<i32>} : memref<2048xf32, #tpu.memory_space<vmem>>, vector<16xf32>,
    %swap3A_190 = arith.constant 1232 : index
    %swap3A_191 = tpu.vector_load %arg10[%swap3A_190] {strides = array<i32>} : memref<2048xf32, #tpu.memory_space<vmem>>, vector<16xf32>,
    tpu.vector_store %arg10[%swap3A_190], %broadcast_in_dim3A_36 {strides = array<i32>} : memref<2048xf32, #tpu.memory_space<vmem>>, vector<16xf32>,
    %swap3A_192 = arith.constant 1248 : index
    %swap3A_193 = tpu.vector_load %arg10[%swap3A_192] {strides = array<i32>} : memref<2048xf32, #tpu.memory_space<vmem>>, vector<16xf32>,
    tpu.vector_store %arg10[%swap3A_192], %broadcast_in_dim3A_36 {strides = array<i32>} : memref<2048xf32, #tpu.memory_space<vmem>>, vector<16xf32>,
    %swap3A_194 = arith.constant 1264 : index
    %swap3A_195 = tpu.vector_load %arg10[%swap3A_194] {strides = array<i32>} : memref<2048xf32, #tpu.memory_space<vmem>>, vector<16xf32>,
    tpu.vector_store %arg10[%swap3A_194], %broadcast_in_dim3A_36 {strides = array<i32>} : memref<2048xf32, #tpu.memory_space<vmem>>, vector<16xf32>,
    %swap3A_196 = arith.constant 1280 : index
    %swap3A_197 = tpu.vector_load %arg10[%swap3A_196] {strides = array<i32>} : memref<2048xf32, #tpu.memory_space<vmem>>, vector<16xf32>,
    tpu.vector_store %arg10[%swap3A_196], %broadcast_in_dim3A_36 {strides = array<i32>} : memref<2048xf32, #tpu.memory_space<vmem>>, vector<16xf32>,
    %swap3A_198 = arith.constant 1296 : index
    %swap3A_199 = tpu.vector_load %arg10[%swap3A_198] {strides = array<i32>} : memref<2048xf32, #tpu.memory_space<vmem>>, vector<16xf32>,
    tpu.vector_store %arg10[%swap3A_198], %broadcast_in_dim3A_36 {strides = array<i32>} : memref<2048xf32, #tpu.memory_space<vmem>>, vector<16xf32>,
    %swap3A_200 = arith.constant 1312 : index
    %swap3A_201 = tpu.vector_load %arg10[%swap3A_200] {strides = array<i32>} : memref<2048xf32, #tpu.memory_space<vmem>>, vector<16xf32>,
    tpu.vector_store %arg10[%swap3A_200], %broadcast_in_dim3A_36 {strides = array<i32>} : memref<2048xf32, #tpu.memory_space<vmem>>, vector<16xf32>,
    %swap3A_202 = arith.constant 1328 : index
    %swap3A_203 = tpu.vector_load %arg10[%swap3A_202] {strides = array<i32>} : memref<2048xf32, #tpu.memory_space<vmem>>, vector<16xf32>,
    tpu.vector_store %arg10[%swap3A_202], %broadcast_in_dim3A_36 {strides = array<i32>} : memref<2048xf32, #tpu.memory_space<vmem>>, vector<16xf32>,
    %swap3A_204 = arith.constant 1344 : index
    %swap3A_205 = tpu.vector_load %arg10[%swap3A_204] {strides = array<i32>} : memref<2048xf32, #tpu.memory_space<vmem>>, vector<16xf32>,
    tpu.vector_store %arg10[%swap3A_204], %broadcast_in_dim3A_36 {strides = array<i32>} : memref<2048xf32, #tpu.memory_space<vmem>>, vector<16xf32>,
    %swap3A_206 = arith.constant 1360 : index
    %swap3A_207 = tpu.vector_load %arg10[%swap3A_206] {strides = array<i32>} : memref<2048xf32, #tpu.memory_space<vmem>>, vector<16xf32>,
    tpu.vector_store %arg10[%swap3A_206], %broadcast_in_dim3A_36 {strides = array<i32>} : memref<2048xf32, #tpu.memory_space<vmem>>, vector<16xf32>,
    %swap3A_208 = arith.constant 1376 : index
    %swap3A_209 = tpu.vector_load %arg10[%swap3A_208] {strides = array<i32>} : memref<2048xf32, #tpu.memory_space<vmem>>, vector<16xf32>,
    tpu.vector_store %arg10[%swap3A_208], %broadcast_in_dim3A_36 {strides = array<i32>} : memref<2048xf32, #tpu.memory_space<vmem>>, vector<16xf32>,
    %swap3A_210 = arith.constant 1392 : index
    %swap3A_211 = tpu.vector_load %arg10[%swap3A_210] {strides = array<i32>} : memref<2048xf32, #tpu.memory_space<vmem>>, vector<16xf32>,
    tpu.vector_store %arg10[%swap3A_210], %broadcast_in_dim3A_36 {strides = array<i32>} : memref<2048xf32, #tpu.memory_space<vmem>>, vector<16xf32>,
    %swap3A_212 = arith.constant 1408 : index
    %swap3A_213 = tpu.vector_load %arg10[%swap3A_212] {strides = array<i32>} : memref<2048xf32, #tpu.memory_space<vmem>>, vector<16xf32>,
    tpu.vector_store %arg10[%swap3A_212], %broadcast_in_dim3A_36 {strides = array<i32>} : memref<2048xf32, #tpu.memory_space<vmem>>, vector<16xf32>,
    %swap3A_214 = arith.constant 1424 : index
    %swap3A_215 = tpu.vector_load %arg10[%swap3A_214] {strides = array<i32>} : memref<2048xf32, #tpu.memory_space<vmem>>, vector<16xf32>,
    tpu.vector_store %arg10[%swap3A_214], %broadcast_in_dim3A_36 {strides = array<i32>} : memref<2048xf32, #tpu.memory_space<vmem>>, vector<16xf32>,
    %swap3A_216 = arith.constant 1440 : index
    %swap3A_217 = tpu.vector_load %arg10[%swap3A_216] {strides = array<i32>} : memref<2048xf32, #tpu.memory_space<vmem>>, vector<16xf32>,
    tpu.vector_store %arg10[%swap3A_216], %broadcast_in_dim3A_36 {strides = array<i32>} : memref<2048xf32, #tpu.memory_space<vmem>>, vector<16xf32>,
    %swap3A_218 = arith.constant 1456 : index
    %swap3A_219 = tpu.vector_load %arg10[%swap3A_218] {strides = array<i32>} : memref<2048xf32, #tpu.memory_space<vmem>>, vector<16xf32>,
    tpu.vector_store %arg10[%swap3A_218], %broadcast_in_dim3A_36 {strides = array<i32>} : memref<2048xf32, #tpu.memory_space<vmem>>, vector<16xf32>,
    %swap3A_220 = arith.constant 1472 : index
    %swap3A_221 = tpu.vector_load %arg10[%swap3A_220] {strides = array<i32>} : memref<2048xf32, #tpu.memory_space<vmem>>, vector<16xf32>,
    tpu.vector_store %arg10[%swap3A_220], %broadcast_in_dim3A_36 {strides = array<i32>} : memref<2048xf32, #tpu.memory_space<vmem>>, vector<16xf32>,
    %swap3A_222 = arith.constant 1488 : index
    %swap3A_223 = tpu.vector_load %arg10[%swap3A_222] {strides = array<i32>} : memref<2048xf32, #tpu.memory_space<vmem>>, vector<16xf32>,
    tpu.vector_store %arg10[%swap3A_222], %broadcast_in_dim3A_36 {strides = array<i32>} : memref<2048xf32, #tpu.memory_space<vmem>>, vector<16xf32>,
    %swap3A_224 = arith.constant 1504 : index
    %swap3A_225 = tpu.vector_load %arg10[%swap3A_224] {strides = array<i32>} : memref<2048xf32, #tpu.memory_space<vmem>>, vector<16xf32>,
    tpu.vector_store %arg10[%swap3A_224], %broadcast_in_dim3A_36 {strides = array<i32>} : memref<2048xf32, #tpu.memory_space<vmem>>, vector<16xf32>,
    %swap3A_226 = arith.constant 1520 : index
    %swap3A_227 = tpu.vector_load %arg10[%swap3A_226] {strides = array<i32>} : memref<2048xf32, #tpu.memory_space<vmem>>, vector<16xf32>,
    tpu.vector_store %arg10[%swap3A_226], %broadcast_in_dim3A_36 {strides = array<i32>} : memref<2048xf32, #tpu.memory_space<vmem>>, vector<16xf32>,
    %swap3A_228 = arith.constant 1536 : index
    %swap3A_229 = tpu.vector_load %arg10[%swap3A_228] {strides = array<i32>} : memref<2048xf32, #tpu.memory_space<vmem>>, vector<16xf32>,
    tpu.vector_store %arg10[%swap3A_228], %broadcast_in_dim3A_36 {strides = array<i32>} : memref<2048xf32, #tpu.memory_space<vmem>>, vector<16xf32>,
    %swap3A_230 = arith.constant 1552 : index
    %swap3A_231 = tpu.vector_load %arg10[%swap3A_230] {strides = array<i32>} : memref<2048xf32, #tpu.memory_space<vmem>>, vector<16xf32>,
    tpu.vector_store %arg10[%swap3A_230], %broadcast_in_dim3A_36 {strides = array<i32>} : memref<2048xf32, #tpu.memory_space<vmem>>, vector<16xf32>,
    %swap3A_232 = arith.constant 1568 : index
    %swap3A_233 = tpu.vector_load %arg10[%swap3A_232] {strides = array<i32>} : memref<2048xf32, #tpu.memory_space<vmem>>, vector<16xf32>,
    tpu.vector_store %arg10[%swap3A_232], %broadcast_in_dim3A_36 {strides = array<i32>} : memref<2048xf32, #tpu.memory_space<vmem>>, vector<16xf32>,
    %swap3A_234 = arith.constant 1584 : index
    %swap3A_235 = tpu.vector_load %arg10[%swap3A_234] {strides = array<i32>} : memref<2048xf32, #tpu.memory_space<vmem>>, vector<16xf32>,
    tpu.vector_store %arg10[%swap3A_234], %broadcast_in_dim3A_36 {strides = array<i32>} : memref<2048xf32, #tpu.memory_space<vmem>>, vector<16xf32>,
    %swap3A_236 = arith.constant 1600 : index
    %swap3A_237 = tpu.vector_load %arg10[%swap3A_236] {strides = array<i32>} : memref<2048xf32, #tpu.memory_space<vmem>>, vector<16xf32>,
    tpu.vector_store %arg10[%swap3A_236], %broadcast_in_dim3A_36 {strides = array<i32>} : memref<2048xf32, #tpu.memory_space<vmem>>, vector<16xf32>,
    %swap3A_238 = arith.constant 1616 : index
    %swap3A_239 = tpu.vector_load %arg10[%swap3A_238] {strides = array<i32>} : memref<2048xf32, #tpu.memory_space<vmem>>, vector<16xf32>,
    tpu.vector_store %arg10[%swap3A_238], %broadcast_in_dim3A_36 {strides = array<i32>} : memref<2048xf32, #tpu.memory_space<vmem>>, vector<16xf32>,
    %swap3A_240 = arith.constant 1632 : index
    %swap3A_241 = tpu.vector_load %arg10[%swap3A_240] {strides = array<i32>} : memref<2048xf32, #tpu.memory_space<vmem>>, vector<16xf32>,
    tpu.vector_store %arg10[%swap3A_240], %broadcast_in_dim3A_36 {strides = array<i32>} : memref<2048xf32, #tpu.memory_space<vmem>>, vector<16xf32>,
    %swap3A_242 = arith.constant 1648 : index
    %swap3A_243 = tpu.vector_load %arg10[%swap3A_242] {strides = array<i32>} : memref<2048xf32, #tpu.memory_space<vmem>>, vector<16xf32>,
    tpu.vector_store %arg10[%swap3A_242], %broadcast_in_dim3A_36 {strides = array<i32>} : memref<2048xf32, #tpu.memory_space<vmem>>, vector<16xf32>,
    %swap3A_244 = arith.constant 1664 : index
    %swap3A_245 = tpu.vector_load %arg10[%swap3A_244] {strides = array<i32>} : memref<2048xf32, #tpu.memory_space<vmem>>, vector<16xf32>,
    tpu.vector_store %arg10[%swap3A_244], %broadcast_in_dim3A_36 {strides = array<i32>} : memref<2048xf32, #tpu.memory_space<vmem>>, vector<16xf32>,
    %swap3A_246 = arith.constant 1680 : index
    %swap3A_247 = tpu.vector_load %arg10[%swap3A_246] {strides = array<i32>} : memref<2048xf32, #tpu.memory_space<vmem>>, vector<16xf32>,
    tpu.vector_store %arg10[%swap3A_246], %broadcast_in_dim3A_36 {strides = array<i32>} : memref<2048xf32, #tpu.memory_space<vmem>>, vector<16xf32>,
    %swap3A_248 = arith.constant 1696 : index
    %swap3A_249 = tpu.vector_load %arg10[%swap3A_248] {strides = array<i32>} : memref<2048xf32, #tpu.memory_space<vmem>>, vector<16xf32>,
    tpu.vector_store %arg10[%swap3A_248], %broadcast_in_dim3A_36 {strides = array<i32>} : memref<2048xf32, #tpu.memory_space<vmem>>, vector<16xf32>,
    %swap3A_250 = arith.constant 1712 : index
    %swap3A_251 = tpu.vector_load %arg10[%swap3A_250] {strides = array<i32>} : memref<2048xf32, #tpu.memory_space<vmem>>, vector<16xf32>,
    tpu.vector_store %arg10[%swap3A_250], %broadcast_in_dim3A_36 {strides = array<i32>} : memref<2048xf32, #tpu.memory_space<vmem>>, vector<16xf32>,
    %swap3A_252 = arith.constant 1728 : index
    %swap3A_253 = tpu.vector_load %arg10[%swap3A_252] {strides = array<i32>} : memref<2048xf32, #tpu.memory_space<vmem>>, vector<16xf32>,
    tpu.vector_store %arg10[%swap3A_252], %broadcast_in_dim3A_36 {strides = array<i32>} : memref<2048xf32, #tpu.memory_space<vmem>>, vector<16xf32>,
    %swap3A_254 = arith.constant 1744 : index
    %swap3A_255 = tpu.vector_load %arg10[%swap3A_254] {strides = array<i32>} : memref<2048xf32, #tpu.memory_space<vmem>>, vector<16xf32>,
    tpu.vector_store %arg10[%swap3A_254], %broadcast_in_dim3A_36 {strides = array<i32>} : memref<2048xf32, #tpu.memory_space<vmem>>, vector<16xf32>,
    %swap3A_256 = arith.constant 1760 : index
    %swap3A_257 = tpu.vector_load %arg10[%swap3A_256] {strides = array<i32>} : memref<2048xf32, #tpu.memory_space<vmem>>, vector<16xf32>,
    tpu.vector_store %arg10[%swap3A_256], %broadcast_in_dim3A_36 {strides = array<i32>} : memref<2048xf32, #tpu.memory_space<vmem>>, vector<16xf32>,
    %swap3A_258 = arith.constant 1776 : index
    %swap3A_259 = tpu.vector_load %arg10[%swap3A_258] {strides = array<i32>} : memref<2048xf32, #tpu.memory_space<vmem>>, vector<16xf32>,
    tpu.vector_store %arg10[%swap3A_258], %broadcast_in_dim3A_36 {strides = array<i32>} : memref<2048xf32, #tpu.memory_space<vmem>>, vector<16xf32>,
    %swap3A_260 = arith.constant 1792 : index
    %swap3A_261 = tpu.vector_load %arg10[%swap3A_260] {strides = array<i32>} : memref<2048xf32, #tpu.memory_space<vmem>>, vector<16xf32>,
    tpu.vector_store %arg10[%swap3A_260], %broadcast_in_dim3A_36 {strides = array<i32>} : memref<2048xf32, #tpu.memory_space<vmem>>, vector<16xf32>,
    %swap3A_262 = arith.constant 1808 : index
    %swap3A_263 = tpu.vector_load %arg10[%swap3A_262] {strides = array<i32>} : memref<2048xf32, #tpu.memory_space<vmem>>, vector<16xf32>,
    tpu.vector_store %arg10[%swap3A_262], %broadcast_in_dim3A_36 {strides = array<i32>} : memref<2048xf32, #tpu.memory_space<vmem>>, vector<16xf32>,
    %swap3A_264 = arith.constant 1824 : index
    %swap3A_265 = tpu.vector_load %arg10[%swap3A_264] {strides = array<i32>} : memref<2048xf32, #tpu.memory_space<vmem>>, vector<16xf32>,
    tpu.vector_store %arg10[%swap3A_264], %broadcast_in_dim3A_36 {strides = array<i32>} : memref<2048xf32, #tpu.memory_space<vmem>>, vector<16xf32>,
    %swap3A_266 = arith.constant 1840 : index
    %swap3A_267 = tpu.vector_load %arg10[%swap3A_266] {strides = array<i32>} : memref<2048xf32, #tpu.memory_space<vmem>>, vector<16xf32>,
    tpu.vector_store %arg10[%swap3A_266], %broadcast_in_dim3A_36 {strides = array<i32>} : memref<2048xf32, #tpu.memory_space<vmem>>, vector<16xf32>,
    %swap3A_268 = arith.constant 1856 : index
    %swap3A_269 = tpu.vector_load %arg10[%swap3A_268] {strides = array<i32>} : memref<2048xf32, #tpu.memory_space<vmem>>, vector<16xf32>,
    tpu.vector_store %arg10[%swap3A_268], %broadcast_in_dim3A_36 {strides = array<i32>} : memref<2048xf32, #tpu.memory_space<vmem>>, vector<16xf32>,
    %swap3A_270 = arith.constant 1872 : index
    %swap3A_271 = tpu.vector_load %arg10[%swap3A_270] {strides = array<i32>} : memref<2048xf32, #tpu.memory_space<vmem>>, vector<16xf32>,
    tpu.vector_store %arg10[%swap3A_270], %broadcast_in_dim3A_36 {strides = array<i32>} : memref<2048xf32, #tpu.memory_space<vmem>>, vector<16xf32>,
    %swap3A_272 = arith.constant 1888 : index
    %swap3A_273 = tpu.vector_load %arg10[%swap3A_272] {strides = array<i32>} : memref<2048xf32, #tpu.memory_space<vmem>>, vector<16xf32>,
    tpu.vector_store %arg10[%swap3A_272], %broadcast_in_dim3A_36 {strides = array<i32>} : memref<2048xf32, #tpu.memory_space<vmem>>, vector<16xf32>,
    %swap3A_274 = arith.constant 1904 : index
    %swap3A_275 = tpu.vector_load %arg10[%swap3A_274] {strides = array<i32>} : memref<2048xf32, #tpu.memory_space<vmem>>, vector<16xf32>,
    tpu.vector_store %arg10[%swap3A_274], %broadcast_in_dim3A_36 {strides = array<i32>} : memref<2048xf32, #tpu.memory_space<vmem>>, vector<16xf32>,
    %swap3A_276 = arith.constant 1920 : index
    %swap3A_277 = tpu.vector_load %arg10[%swap3A_276] {strides = array<i32>} : memref<2048xf32, #tpu.memory_space<vmem>>, vector<16xf32>,
    tpu.vector_store %arg10[%swap3A_276], %broadcast_in_dim3A_36 {strides = array<i32>} : memref<2048xf32, #tpu.memory_space<vmem>>, vector<16xf32>,
    %swap3A_278 = arith.constant 1936 : index
    %swap3A_279 = tpu.vector_load %arg10[%swap3A_278] {strides = array<i32>} : memref<2048xf32, #tpu.memory_space<vmem>>, vector<16xf32>,
    tpu.vector_store %arg10[%swap3A_278], %broadcast_in_dim3A_36 {strides = array<i32>} : memref<2048xf32, #tpu.memory_space<vmem>>, vector<16xf32>,
    %swap3A_280 = arith.constant 1952 : index
    %swap3A_281 = tpu.vector_load %arg10[%swap3A_280] {strides = array<i32>} : memref<2048xf32, #tpu.memory_space<vmem>>, vector<16xf32>,
    tpu.vector_store %arg10[%swap3A_280], %broadcast_in_dim3A_36 {strides = array<i32>} : memref<2048xf32, #tpu.memory_space<vmem>>, vector<16xf32>,
    %swap3A_282 = arith.constant 1968 : index
    %swap3A_283 = tpu.vector_load %arg10[%swap3A_282] {strides = array<i32>} : memref<2048xf32, #tpu.memory_space<vmem>>, vector<16xf32>,
    tpu.vector_store %arg10[%swap3A_282], %broadcast_in_dim3A_36 {strides = array<i32>} : memref<2048xf32, #tpu.memory_space<vmem>>, vector<16xf32>,
    %swap3A_284 = arith.constant 1984 : index
    %swap3A_285 = tpu.vector_load %arg10[%swap3A_284] {strides = array<i32>} : memref<2048xf32, #tpu.memory_space<vmem>>, vector<16xf32>,
    tpu.vector_store %arg10[%swap3A_284], %broadcast_in_dim3A_36 {strides = array<i32>} : memref<2048xf32, #tpu.memory_space<vmem>>, vector<16xf32>,
    %swap3A_286 = arith.constant 2000 : index
    %swap3A_287 = tpu.vector_load %arg10[%swap3A_286] {strides = array<i32>} : memref<2048xf32, #tpu.memory_space<vmem>>, vector<16xf32>,
    tpu.vector_store %arg10[%swap3A_286], %broadcast_in_dim3A_36 {strides = array<i32>} : memref<2048xf32, #tpu.memory_space<vmem>>, vector<16xf32>,
    %swap3A_288 = arith.constant 2016 : index
    %swap3A_289 = tpu.vector_load %arg10[%swap3A_288] {strides = array<i32>} : memref<2048xf32, #tpu.memory_space<vmem>>, vector<16xf32>,
    tpu.vector_store %arg10[%swap3A_288], %broadcast_in_dim3A_36 {strides = array<i32>} : memref<2048xf32, #tpu.memory_space<vmem>>, vector<16xf32>,
    %swap3A_290 = arith.constant 2032 : index
    %swap3A_291 = tpu.vector_load %arg10[%swap3A_290] {strides = array<i32>} : memref<2048xf32, #tpu.memory_space<vmem>>, vector<16xf32>,
    tpu.vector_store %arg10[%swap3A_290], %broadcast_in_dim3A_36 {strides = array<i32>} : memref<2048xf32, #tpu.memory_space<vmem>>, vector<16xf32>,
    %scan3A = arith.constant 0 : i32
    %scan3A_292 = arith.constant 0 : i32
    %scan3A_293 = arith.constant 32 : i32
    %scan3A_294 = arith.addi %scan3A_292, %scan3A_293 : i32
    %scan3A_295 = arith.constant 1 : i32
    %scan3A_296 = scf.for %scan3A_959 = %scan3A_292 to %scan3A_294 step %scan3A_295 iter_args(%scan3A_960 = %scan3A) -> (i32)  : i32 {
      %mul3A_961 = arith.constant 16 : i32
      %mul3A_962 = arith.muli %scan3A_959, %mul3A_961 : i32
      %get3A_963 = arith.index_cast %mul3A_962 : i32 to index
      %get3A_964 = tpu.vector_load %arg6[%get3A_963] {strides = array<i32>} : memref<512xi32, #tpu.memory_space<vmem>>, vector<16xi32>,
      %broadcast_in_dim3A_965 = arith.constant 0 : i32
      %broadcast_in_dim3A_966 = vector.broadcast %broadcast_in_dim3A_965 : i32 to vector<16xi32>
      %ne3A_967 = arith.cmpi ne, %get3A_964, %broadcast_in_dim3A_966 : vector<16xi32>
      %convert_element_type3A_968 = arith.extui %ne3A_967 : vector<16xi1> to vector<16xi32>
      %sub3A_969 = arith.constant 1 : i32
      %sub3A_970 = arith.subi %scan3A_960, %sub3A_969 : i32
      %broadcast_in_dim3A_971 = vector.broadcast %sub3A_970 : i32 to vector<16xi32>
      %broadcast_in_dim3A_972 = arith.constant true
      %broadcast_in_dim3A_973 = vector.broadcast %broadcast_in_dim3A_972 : i1 to vector<16xi1>
      %masked_cumsum3A = tpu.scan <sum>, %convert_element_type3A_968 masked %broadcast_in_dim3A_973 : vector<16xi32>, vector<16xi1> -> vector<16xi32>
      %add3A_974 = arith.addi %broadcast_in_dim3A_971, %masked_cumsum3A : vector<16xi32>
      %iota3A_975 = tpu.iota {dimensions = array<i32: 0>} : vector<16xi32>
      %mul3A_976 = arith.constant 16 : i32
      %mul3A_977 = arith.muli %scan3A_959, %mul3A_976 : i32
      %add3A_978 = arith.addi %multiple_of3A, %mul3A_977 : i32
      %broadcast_in_dim3A_979 = vector.broadcast %add3A_978 : i32 to vector<16xi32>
      %add3A_980 = arith.addi %iota3A_975, %broadcast_in_dim3A_979 : vector<16xi32>
      tpu.vector_store_idx %arg7[%add3A_974], %add3A_980 masked %ne3A_967 : memref<528xi32, #tpu.memory_space<vmem>>[vector<16xi32>], vector<16xi32>, vector<16xi1>
      %reduce_sum3A = arith.constant true
      %reduce_sum3A_981 = vector.broadcast %reduce_sum3A : i1 to vector<16xi1>
      %reduce_sum3A_982 = tpu.scan <sum>, %convert_element_type3A_968 masked %reduce_sum3A_981 : vector<16xi32>, vector<16xi1> -> vector<16xi32>
      %reduce_sum3A_983 = vector.extract %reduce_sum3A_982[15] : i32 from vector<16xi32>
      %add3A_984 = arith.addi %scan3A_960, %reduce_sum3A_983 : i32
      scf.yield %add3A_984 : i32
    }
    %scan3A_297 = arith.constant 32 : i32
    %iota3A = tpu.iota {dimensions = array<i32: 0>} : vector<16xi32>
    %broadcast_in_dim3A_298 = vector.broadcast %scan3A_296 : i32 to vector<16xi32>
    %add3A_299 = arith.addi %iota3A, %broadcast_in_dim3A_298 : vector<16xi32>
    %broadcast_in_dim3A_300 = arith.constant 0 : i32
    %broadcast_in_dim3A_301 = vector.broadcast %broadcast_in_dim3A_300 : i32 to vector<16xi32>
    tpu.vector_store_idx %arg7[%add3A_299], %broadcast_in_dim3A_301 : memref<528xi32, #tpu.memory_space<vmem>>[vector<16xi32>], vector<16xi32>,
    %add3A_302 = arith.constant 8 : i32
    %add3A_303 = arith.addi %scan3A_296, %add3A_302 : i32
    %sub3A_304 = arith.constant 1 : i32
    %sub3A_305 = arith.subi %add3A_303, %sub3A_304 : i32
    %jit3A_306 = arith.constant 8 : i32
    %div3A_307 = arith.divsi %sub3A_305, %jit3A_306 : i32
    %sign3A_308 = arith.constant 0 : i32
    %sign3A_309 = arith.cmpi sgt, %sub3A_305, %sign3A_308 : i32
    %sign3A_310 = arith.extui %sign3A_309 : i1 to i32
    %sign3A_311 = arith.constant 0 : i32
    %sign3A_312 = arith.cmpi slt, %sub3A_305, %sign3A_311 : i32
    %sign3A_313 = arith.extui %sign3A_312 : i1 to i32
    %sign3A_314 = arith.subi %sign3A_310, %sign3A_313 : i32
    %sign3A_315 = arith.constant 0 : i32
    %sign3A_316 = arith.cmpi sgt, %jit3A_306, %sign3A_315 : i32
    %sign3A_317 = arith.extui %sign3A_316 : i1 to i32
    %sign3A_318 = arith.constant 0 : i32
    %sign3A_319 = arith.cmpi slt, %jit3A_306, %sign3A_318 : i32
    %sign3A_320 = arith.extui %sign3A_319 : i1 to i32
    %sign3A_321 = arith.subi %sign3A_317, %sign3A_320 : i32
    %ne3A_322 = arith.cmpi ne, %sign3A_314, %sign3A_321 : i32
    %rem3A_323 = arith.remsi %sub3A_305, %jit3A_306 : i32
    %ne3A_324 = arith.constant 0 : i32
    %ne3A_325 = arith.cmpi ne, %rem3A_323, %ne3A_324 : i32
    %and3A_326 = arith.andi %ne3A_322, %ne3A_325 : i1
    %sub3A_327 = arith.constant 1 : i32
    %sub3A_328 = arith.subi %div3A_307, %sub3A_327 : i32
    %select_n3A_329 = arith.select %and3A_326, %sub3A_328, %div3A_307 : i32
    %gt3A = arith.constant 0 : i32
    %gt3A_330 = arith.cmpi sgt, %select_n3A_329, %gt3A : i32
    %convert_element_type3A = arith.extui %gt3A_330 : i1 to i32
    %cond3A = arith.constant 0 : i32
    %cond3A_331 = arith.cmpi ne, %convert_element_type3A, %cond3A : i32
    scf.if %cond3A_331 {
      %mul3A_959 = arith.constant 0 : i32
      %mul3A_960 = arith.constant 8 : i32
      %mul3A_961 = arith.muli %mul3A_959, %mul3A_960 : i32
      %multiple_of3A_962 = tpu.assume_multiple %mul3A_961, 8 : i32
      %dma_start3A_963 = tpu.memref_slice %arg7[%multiple_of3A_962] : memref<528xi32, #tpu.memory_space<vmem>> -> memref<8xi32, #tpu.memory_space<vmem>>
      %dma_start3A_964 = arith.constant 0 : i32
      %dma_start3A_965 = arith.constant 0 : i32
      %dma_start3A_966 = tpu.memref_slice %arg2[%dma_start3A_964, %dma_start3A_965] : memref<16384x2048xf32, #tpu.memory_space<hbm>> -> memref<16384x2048xf32, #tpu.memory_space<hbm>>
      tpu.enqueue_indirect_dma source(%dma_start3A_966 : memref<16384x2048xf32, #tpu.memory_space<hbm>>) target(%arg8 : memref<8x2048xf32, #tpu.memory_space<vmem>>) offsets(%dma_start3A_963 : memref<8xi32, #tpu.memory_space<vmem>>) semaphore(%arg14 : memref<!tpu.dma_semaphore, #tpu.memory_space<semaphore_mem>>)
    } else {
    }
    %while3A = arith.constant 0 : i32
    %while3A_332 = arith.constant 0 : i32
    %while3A_333 = arith.subi %select_n3A_329, %while3A_332 : i32
    %while3A_334 = arith.addi %while3A_332, %while3A_333 : i32
    %while3A_335 = arith.constant 1 : i32
    %while3A_336 = arith.divsi %while3A_333, %while3A_335 : i32
    %while3A_337 = arith.muli %while3A_336, %while3A_335 : i32
    %while3A_338 = arith.addi %while3A_332, %while3A_337 : i32
    %while3A_339 = arith.constant 1 : i32
    scf.for %while3A_959 = %while3A_332 to %while3A_338 step %while3A_339  : i32 {
      %rem3A_960 = arith.constant 2 : i32
      %rem3A_961 = arith.remsi %while3A_959, %rem3A_960 : i32
      %eq3A_962 = arith.constant 0 : i32
      %eq3A_963 = arith.cmpi eq, %rem3A_961, %eq3A_962 : i32
      %add3A_964 = arith.constant 1 : i32
      %add3A_965 = arith.addi %while3A_959, %add3A_964 : i32
      %lt3A_966 = arith.cmpi slt, %add3A_965, %select_n3A_329 : i32
      %convert_element_type3A_967 = arith.extui %lt3A_966 : i1 to i32
      %cond3A_968 = arith.constant 0 : i32
      %cond3A_969 = arith.cmpi ne, %convert_element_type3A_967, %cond3A_968 : i32
      scf.if %cond3A_969 {
        %convert_element_type3A_977 = arith.extui %eq3A_963 : i1 to i32
        %cond3A_978 = arith.constant 0 : i32
        %cond3A_979 = arith.cmpi ne, %convert_element_type3A_977, %cond3A_978 : i32
        scf.if %cond3A_979 {
          %add3A_985 = arith.constant 1 : i32
          %add3A_986 = arith.addi %while3A_959, %add3A_985 : i32
          %mul3A_987 = arith.constant 8 : i32
          %mul3A_988 = arith.muli %add3A_986, %mul3A_987 : i32
          %multiple_of3A_989 = tpu.assume_multiple %mul3A_988, 8 : i32
          %dma_start3A_990 = tpu.memref_slice %arg7[%multiple_of3A_989] : memref<528xi32, #tpu.memory_space<vmem>> -> memref<8xi32, #tpu.memory_space<vmem>>
          %dma_start3A_991 = arith.constant 0 : i32
          %dma_start3A_992 = arith.constant 0 : i32
          %dma_start3A_993 = tpu.memref_slice %arg2[%dma_start3A_991, %dma_start3A_992] : memref<16384x2048xf32, #tpu.memory_space<hbm>> -> memref<16384x2048xf32, #tpu.memory_space<hbm>>
          tpu.enqueue_indirect_dma source(%dma_start3A_993 : memref<16384x2048xf32, #tpu.memory_space<hbm>>) target(%arg9 : memref<8x2048xf32, #tpu.memory_space<vmem>>) offsets(%dma_start3A_990 : memref<8xi32, #tpu.memory_space<vmem>>) semaphore(%arg15 : memref<!tpu.dma_semaphore, #tpu.memory_space<semaphore_mem>>)
        } else {
        }
        %not3A_980 = arith.constant true
        %not3A_981 = arith.xori %eq3A_963, %not3A_980 : i1
        %convert_element_type3A_982 = arith.extui %not3A_981 : i1 to i32
        %cond3A_983 = arith.constant 0 : i32
        %cond3A_984 = arith.cmpi ne, %convert_element_type3A_982, %cond3A_983 : i32
        scf.if %cond3A_984 {
          %add3A_985 = arith.constant 1 : i32
          %add3A_986 = arith.addi %while3A_959, %add3A_985 : i32
          %mul3A_987 = arith.constant 8 : i32
          %mul3A_988 = arith.muli %add3A_986, %mul3A_987 : i32
          %multiple_of3A_989 = tpu.assume_multiple %mul3A_988, 8 : i32
          %dma_start3A_990 = tpu.memref_slice %arg7[%multiple_of3A_989] : memref<528xi32, #tpu.memory_space<vmem>> -> memref<8xi32, #tpu.memory_space<vmem>>
          %dma_start3A_991 = arith.constant 0 : i32
          %dma_start3A_992 = arith.constant 0 : i32
          %dma_start3A_993 = tpu.memref_slice %arg2[%dma_start3A_991, %dma_start3A_992] : memref<16384x2048xf32, #tpu.memory_space<hbm>> -> memref<16384x2048xf32, #tpu.memory_space<hbm>>
          tpu.enqueue_indirect_dma source(%dma_start3A_993 : memref<16384x2048xf32, #tpu.memory_space<hbm>>) target(%arg8 : memref<8x2048xf32, #tpu.memory_space<vmem>>) offsets(%dma_start3A_990 : memref<8xi32, #tpu.memory_space<vmem>>) semaphore(%arg14 : memref<!tpu.dma_semaphore, #tpu.memory_space<semaphore_mem>>)
        } else {
        }
      } else {
      }
      %convert_element_type3A_970 = arith.extui %eq3A_963 : i1 to i32
      %cond3A_971 = arith.constant 0 : i32
      %cond3A_972 = arith.cmpi ne, %convert_element_type3A_970, %cond3A_971 : i32
      scf.if %cond3A_972 {
        %dma_wait3A_977 = arith.constant 0 : i32
        %dma_wait3A_978 = tpu.memref_slice %arg7[%dma_wait3A_977] : memref<528xi32, #tpu.memory_space<vmem>> -> memref<8xi32, #tpu.memory_space<vmem>>
        %dma_wait3A_979 = arith.constant 0 : i32
        %dma_wait3A_980 = arith.constant 0 : i32
        %dma_wait3A_981 = tpu.memref_slice %arg2[%dma_wait3A_979, %dma_wait3A_980] : memref<16384x2048xf32, #tpu.memory_space<hbm>> -> memref<16384x2048xf32, #tpu.memory_space<hbm>>
        tpu.wait_indirect_dma semaphore(%arg14 : memref<!tpu.dma_semaphore, #tpu.memory_space<semaphore_mem>>) src(%dma_wait3A_981 : memref<16384x2048xf32, #tpu.memory_space<hbm>>) dst(%arg8 : memref<8x2048xf32, #tpu.memory_space<vmem>>)
        %scan3A_982 = arith.constant 0 : i32
        %scan3A_983 = arith.constant 0 : i32
        %scan3A_984 = arith.constant 16 : i32
        %scan3A_985 = arith.addi %scan3A_983, %scan3A_984 : i32
        %scan3A_986 = arith.constant 1 : i32
        scf.for %scan3A_988 = %scan3A_983 to %scan3A_985 step %scan3A_986  : i32 {
          %mul3A_989 = arith.constant 128 : i32
          %mul3A_990 = arith.muli %scan3A_988, %mul3A_989 : i32
          %multiple_of3A_991 = tpu.assume_multiple %mul3A_990, 128 : i32
          %add3A_992 = arith.constant 0 : i32
          %add3A_993 = arith.addi %multiple_of3A_991, %add3A_992 : i32
          %get3A_994 = arith.constant 0 : i32
          %get3A_995 = arith.index_cast %get3A_994 : i32 to index
          %get3A_996 = arith.index_cast %add3A_993 : i32 to index
          %get3A_997 = tpu.vector_load %arg8[%get3A_995, %get3A_996] {strides = array<i32>} : memref<8x2048xf32, #tpu.memory_space<vmem>>, vector<16xf32>,
          %get3A_998 = arith.constant 1 : i32
          %get3A_999 = arith.index_cast %get3A_998 : i32 to index
          %get3A_1000 = arith.index_cast %add3A_993 : i32 to index
          %get3A_1001 = tpu.vector_load %arg8[%get3A_999, %get3A_1000] {strides = array<i32>} : memref<8x2048xf32, #tpu.memory_space<vmem>>, vector<16xf32>,
          %add3A_1002 = arith.addf %get3A_997, %get3A_1001 : vector<16xf32>
          %get3A_1003 = arith.constant 2 : i32
          %get3A_1004 = arith.index_cast %get3A_1003 : i32 to index
          %get3A_1005 = arith.index_cast %add3A_993 : i32 to index
          %get3A_1006 = tpu.vector_load %arg8[%get3A_1004, %get3A_1005] {strides = array<i32>} : memref<8x2048xf32, #tpu.memory_space<vmem>>, vector<16xf32>,
          %add3A_1007 = arith.addf %add3A_1002, %get3A_1006 : vector<16xf32>
          %get3A_1008 = arith.constant 3 : i32
          %get3A_1009 = arith.index_cast %get3A_1008 : i32 to index
          %get3A_1010 = arith.index_cast %add3A_993 : i32 to index
          %get3A_1011 = tpu.vector_load %arg8[%get3A_1009, %get3A_1010] {strides = array<i32>} : memref<8x2048xf32, #tpu.memory_space<vmem>>, vector<16xf32>,
          %add3A_1012 = arith.addf %add3A_1007, %get3A_1011 : vector<16xf32>
          %get3A_1013 = arith.constant 4 : i32
          %get3A_1014 = arith.index_cast %get3A_1013 : i32 to index
          %get3A_1015 = arith.index_cast %add3A_993 : i32 to index
          %get3A_1016 = tpu.vector_load %arg8[%get3A_1014, %get3A_1015] {strides = array<i32>} : memref<8x2048xf32, #tpu.memory_space<vmem>>, vector<16xf32>,
          %add3A_1017 = arith.addf %add3A_1012, %get3A_1016 : vector<16xf32>
          %get3A_1018 = arith.constant 5 : i32
          %get3A_1019 = arith.index_cast %get3A_1018 : i32 to index
          %get3A_1020 = arith.index_cast %add3A_993 : i32 to index
          %get3A_1021 = tpu.vector_load %arg8[%get3A_1019, %get3A_1020] {strides = array<i32>} : memref<8x2048xf32, #tpu.memory_space<vmem>>, vector<16xf32>,
          %add3A_1022 = arith.addf %add3A_1017, %get3A_1021 : vector<16xf32>
          %get3A_1023 = arith.constant 6 : i32
          %get3A_1024 = arith.index_cast %get3A_1023 : i32 to index
          %get3A_1025 = arith.index_cast %add3A_993 : i32 to index
          %get3A_1026 = tpu.vector_load %arg8[%get3A_1024, %get3A_1025] {strides = array<i32>} : memref<8x2048xf32, #tpu.memory_space<vmem>>, vector<16xf32>,
          %add3A_1027 = arith.addf %add3A_1022, %get3A_1026 : vector<16xf32>
          %get3A_1028 = arith.constant 7 : i32
          %get3A_1029 = arith.index_cast %get3A_1028 : i32 to index
          %get3A_1030 = arith.index_cast %add3A_993 : i32 to index
          %get3A_1031 = tpu.vector_load %arg8[%get3A_1029, %get3A_1030] {strides = array<i32>} : memref<8x2048xf32, #tpu.memory_space<vmem>>, vector<16xf32>,
          %add3A_1032 = arith.addf %add3A_1027, %get3A_1031 : vector<16xf32>
          %swap3A_1033 = arith.index_cast %add3A_993 : i32 to index
          %swap3A_1034 = tpu.vector_load %arg10[%swap3A_1033] {strides = array<i32>} : memref<2048xf32, #tpu.memory_space<vmem>>, vector<16xf32>,
          tpu.vector_store %arg10[%swap3A_1033], %add3A_1032 {add = true, strides = array<i32>} : memref<2048xf32, #tpu.memory_space<vmem>>, vector<16xf32>,
          %add3A_1035 = arith.constant 16 : i32
          %add3A_1036 = arith.addi %multiple_of3A_991, %add3A_1035 : i32
          %get3A_1037 = arith.constant 0 : i32
          %get3A_1038 = arith.index_cast %get3A_1037 : i32 to index
          %get3A_1039 = arith.index_cast %add3A_1036 : i32 to index
          %get3A_1040 = tpu.vector_load %arg8[%get3A_1038, %get3A_1039] {strides = array<i32>} : memref<8x2048xf32, #tpu.memory_space<vmem>>, vector<16xf32>,
          %get3A_1041 = arith.constant 1 : i32
          %get3A_1042 = arith.index_cast %get3A_1041 : i32 to index
          %get3A_1043 = arith.index_cast %add3A_1036 : i32 to index
          %get3A_1044 = tpu.vector_load %arg8[%get3A_1042, %get3A_1043] {strides = array<i32>} : memref<8x2048xf32, #tpu.memory_space<vmem>>, vector<16xf32>,
          %add3A_1045 = arith.addf %get3A_1040, %get3A_1044 : vector<16xf32>
          %get3A_1046 = arith.constant 2 : i32
          %get3A_1047 = arith.index_cast %get3A_1046 : i32 to index
          %get3A_1048 = arith.index_cast %add3A_1036 : i32 to index
          %get3A_1049 = tpu.vector_load %arg8[%get3A_1047, %get3A_1048] {strides = array<i32>} : memref<8x2048xf32, #tpu.memory_space<vmem>>, vector<16xf32>,
          %add3A_1050 = arith.addf %add3A_1045, %get3A_1049 : vector<16xf32>
          %get3A_1051 = arith.constant 3 : i32
          %get3A_1052 = arith.index_cast %get3A_1051 : i32 to index
          %get3A_1053 = arith.index_cast %add3A_1036 : i32 to index
          %get3A_1054 = tpu.vector_load %arg8[%get3A_1052, %get3A_1053] {strides = array<i32>} : memref<8x2048xf32, #tpu.memory_space<vmem>>, vector<16xf32>,
          %add3A_1055 = arith.addf %add3A_1050, %get3A_1054 : vector<16xf32>
          %get3A_1056 = arith.constant 4 : i32
          %get3A_1057 = arith.index_cast %get3A_1056 : i32 to index
          %get3A_1058 = arith.index_cast %add3A_1036 : i32 to index
          %get3A_1059 = tpu.vector_load %arg8[%get3A_1057, %get3A_1058] {strides = array<i32>} : memref<8x2048xf32, #tpu.memory_space<vmem>>, vector<16xf32>,
          %add3A_1060 = arith.addf %add3A_1055, %get3A_1059 : vector<16xf32>
          %get3A_1061 = arith.constant 5 : i32
          %get3A_1062 = arith.index_cast %get3A_1061 : i32 to index
          %get3A_1063 = arith.index_cast %add3A_1036 : i32 to index
          %get3A_1064 = tpu.vector_load %arg8[%get3A_1062, %get3A_1063] {strides = array<i32>} : memref<8x2048xf32, #tpu.memory_space<vmem>>, vector<16xf32>,
          %add3A_1065 = arith.addf %add3A_1060, %get3A_1064 : vector<16xf32>
          %get3A_1066 = arith.constant 6 : i32
          %get3A_1067 = arith.index_cast %get3A_1066 : i32 to index
          %get3A_1068 = arith.index_cast %add3A_1036 : i32 to index
          %get3A_1069 = tpu.vector_load %arg8[%get3A_1067, %get3A_1068] {strides = array<i32>} : memref<8x2048xf32, #tpu.memory_space<vmem>>, vector<16xf32>,
          %add3A_1070 = arith.addf %add3A_1065, %get3A_1069 : vector<16xf32>
          %get3A_1071 = arith.constant 7 : i32
          %get3A_1072 = arith.index_cast %get3A_1071 : i32 to index
          %get3A_1073 = arith.index_cast %add3A_1036 : i32 to index
          %get3A_1074 = tpu.vector_load %arg8[%get3A_1072, %get3A_1073] {strides = array<i32>} : memref<8x2048xf32, #tpu.memory_space<vmem>>, vector<16xf32>,
          %add3A_1075 = arith.addf %add3A_1070, %get3A_1074 : vector<16xf32>
          %swap3A_1076 = arith.index_cast %add3A_1036 : i32 to index
          %swap3A_1077 = tpu.vector_load %arg10[%swap3A_1076] {strides = array<i32>} : memref<2048xf32, #tpu.memory_space<vmem>>, vector<16xf32>,
          tpu.vector_store %arg10[%swap3A_1076], %add3A_1075 {add = true, strides = array<i32>} : memref<2048xf32, #tpu.memory_space<vmem>>, vector<16xf32>,
          %add3A_1078 = arith.constant 32 : i32
          %add3A_1079 = arith.addi %multiple_of3A_991, %add3A_1078 : i32
          %get3A_1080 = arith.constant 0 : i32
          %get3A_1081 = arith.index_cast %get3A_1080 : i32 to index
          %get3A_1082 = arith.index_cast %add3A_1079 : i32 to index
          %get3A_1083 = tpu.vector_load %arg8[%get3A_1081, %get3A_1082] {strides = array<i32>} : memref<8x2048xf32, #tpu.memory_space<vmem>>, vector<16xf32>,
          %get3A_1084 = arith.constant 1 : i32
          %get3A_1085 = arith.index_cast %get3A_1084 : i32 to index
          %get3A_1086 = arith.index_cast %add3A_1079 : i32 to index
          %get3A_1087 = tpu.vector_load %arg8[%get3A_1085, %get3A_1086] {strides = array<i32>} : memref<8x2048xf32, #tpu.memory_space<vmem>>, vector<16xf32>,
          %add3A_1088 = arith.addf %get3A_1083, %get3A_1087 : vector<16xf32>
          %get3A_1089 = arith.constant 2 : i32
          %get3A_1090 = arith.index_cast %get3A_1089 : i32 to index
          %get3A_1091 = arith.index_cast %add3A_1079 : i32 to index
          %get3A_1092 = tpu.vector_load %arg8[%get3A_1090, %get3A_1091] {strides = array<i32>} : memref<8x2048xf32, #tpu.memory_space<vmem>>, vector<16xf32>,
          %add3A_1093 = arith.addf %add3A_1088, %get3A_1092 : vector<16xf32>
          %get3A_1094 = arith.constant 3 : i32
          %get3A_1095 = arith.index_cast %get3A_1094 : i32 to index
          %get3A_1096 = arith.index_cast %add3A_1079 : i32 to index
          %get3A_1097 = tpu.vector_load %arg8[%get3A_1095, %get3A_1096] {strides = array<i32>} : memref<8x2048xf32, #tpu.memory_space<vmem>>, vector<16xf32>,
          %add3A_1098 = arith.addf %add3A_1093, %get3A_1097 : vector<16xf32>
          %get3A_1099 = arith.constant 4 : i32
          %get3A_1100 = arith.index_cast %get3A_1099 : i32 to index
          %get3A_1101 = arith.index_cast %add3A_1079 : i32 to index
          %get3A_1102 = tpu.vector_load %arg8[%get3A_1100, %get3A_1101] {strides = array<i32>} : memref<8x2048xf32, #tpu.memory_space<vmem>>, vector<16xf32>,
          %add3A_1103 = arith.addf %add3A_1098, %get3A_1102 : vector<16xf32>
          %get3A_1104 = arith.constant 5 : i32
          %get3A_1105 = arith.index_cast %get3A_1104 : i32 to index
          %get3A_1106 = arith.index_cast %add3A_1079 : i32 to index
          %get3A_1107 = tpu.vector_load %arg8[%get3A_1105, %get3A_1106] {strides = array<i32>} : memref<8x2048xf32, #tpu.memory_space<vmem>>, vector<16xf32>,
          %add3A_1108 = arith.addf %add3A_1103, %get3A_1107 : vector<16xf32>
          %get3A_1109 = arith.constant 6 : i32
          %get3A_1110 = arith.index_cast %get3A_1109 : i32 to index
          %get3A_1111 = arith.index_cast %add3A_1079 : i32 to index
          %get3A_1112 = tpu.vector_load %arg8[%get3A_1110, %get3A_1111] {strides = array<i32>} : memref<8x2048xf32, #tpu.memory_space<vmem>>, vector<16xf32>,
          %add3A_1113 = arith.addf %add3A_1108, %get3A_1112 : vector<16xf32>
          %get3A_1114 = arith.constant 7 : i32
          %get3A_1115 = arith.index_cast %get3A_1114 : i32 to index
          %get3A_1116 = arith.index_cast %add3A_1079 : i32 to index
          %get3A_1117 = tpu.vector_load %arg8[%get3A_1115, %get3A_1116] {strides = array<i32>} : memref<8x2048xf32, #tpu.memory_space<vmem>>, vector<16xf32>,
          %add3A_1118 = arith.addf %add3A_1113, %get3A_1117 : vector<16xf32>
          %swap3A_1119 = arith.index_cast %add3A_1079 : i32 to index
          %swap3A_1120 = tpu.vector_load %arg10[%swap3A_1119] {strides = array<i32>} : memref<2048xf32, #tpu.memory_space<vmem>>, vector<16xf32>,
          tpu.vector_store %arg10[%swap3A_1119], %add3A_1118 {add = true, strides = array<i32>} : memref<2048xf32, #tpu.memory_space<vmem>>, vector<16xf32>,
          %add3A_1121 = arith.constant 48 : i32
          %add3A_1122 = arith.addi %multiple_of3A_991, %add3A_1121 : i32
          %get3A_1123 = arith.constant 0 : i32
          %get3A_1124 = arith.index_cast %get3A_1123 : i32 to index
          %get3A_1125 = arith.index_cast %add3A_1122 : i32 to index
          %get3A_1126 = tpu.vector_load %arg8[%get3A_1124, %get3A_1125] {strides = array<i32>} : memref<8x2048xf32, #tpu.memory_space<vmem>>, vector<16xf32>,
          %get3A_1127 = arith.constant 1 : i32
          %get3A_1128 = arith.index_cast %get3A_1127 : i32 to index
          %get3A_1129 = arith.index_cast %add3A_1122 : i32 to index
          %get3A_1130 = tpu.vector_load %arg8[%get3A_1128, %get3A_1129] {strides = array<i32>} : memref<8x2048xf32, #tpu.memory_space<vmem>>, vector<16xf32>,
          %add3A_1131 = arith.addf %get3A_1126, %get3A_1130 : vector<16xf32>
          %get3A_1132 = arith.constant 2 : i32
          %get3A_1133 = arith.index_cast %get3A_1132 : i32 to index
          %get3A_1134 = arith.index_cast %add3A_1122 : i32 to index
          %get3A_1135 = tpu.vector_load %arg8[%get3A_1133, %get3A_1134] {strides = array<i32>} : memref<8x2048xf32, #tpu.memory_space<vmem>>, vector<16xf32>,
          %add3A_1136 = arith.addf %add3A_1131, %get3A_1135 : vector<16xf32>
          %get3A_1137 = arith.constant 3 : i32
          %get3A_1138 = arith.index_cast %get3A_1137 : i32 to index
          %get3A_1139 = arith.index_cast %add3A_1122 : i32 to index
          %get3A_1140 = tpu.vector_load %arg8[%get3A_1138, %get3A_1139] {strides = array<i32>} : memref<8x2048xf32, #tpu.memory_space<vmem>>, vector<16xf32>,
          %add3A_1141 = arith.addf %add3A_1136, %get3A_1140 : vector<16xf32>
          %get3A_1142 = arith.constant 4 : i32
          %get3A_1143 = arith.index_cast %get3A_1142 : i32 to index
          %get3A_1144 = arith.index_cast %add3A_1122 : i32 to index
          %get3A_1145 = tpu.vector_load %arg8[%get3A_1143, %get3A_1144] {strides = array<i32>} : memref<8x2048xf32, #tpu.memory_space<vmem>>, vector<16xf32>,
          %add3A_1146 = arith.addf %add3A_1141, %get3A_1145 : vector<16xf32>
          %get3A_1147 = arith.constant 5 : i32
          %get3A_1148 = arith.index_cast %get3A_1147 : i32 to index
          %get3A_1149 = arith.index_cast %add3A_1122 : i32 to index
          %get3A_1150 = tpu.vector_load %arg8[%get3A_1148, %get3A_1149] {strides = array<i32>} : memref<8x2048xf32, #tpu.memory_space<vmem>>, vector<16xf32>,
          %add3A_1151 = arith.addf %add3A_1146, %get3A_1150 : vector<16xf32>
          %get3A_1152 = arith.constant 6 : i32
          %get3A_1153 = arith.index_cast %get3A_1152 : i32 to index
          %get3A_1154 = arith.index_cast %add3A_1122 : i32 to index
          %get3A_1155 = tpu.vector_load %arg8[%get3A_1153, %get3A_1154] {strides = array<i32>} : memref<8x2048xf32, #tpu.memory_space<vmem>>, vector<16xf32>,
          %add3A_1156 = arith.addf %add3A_1151, %get3A_1155 : vector<16xf32>
          %get3A_1157 = arith.constant 7 : i32
          %get3A_1158 = arith.index_cast %get3A_1157 : i32 to index
          %get3A_1159 = arith.index_cast %add3A_1122 : i32 to index
          %get3A_1160 = tpu.vector_load %arg8[%get3A_1158, %get3A_1159] {strides = array<i32>} : memref<8x2048xf32, #tpu.memory_space<vmem>>, vector<16xf32>,
          %add3A_1161 = arith.addf %add3A_1156, %get3A_1160 : vector<16xf32>
          %swap3A_1162 = arith.index_cast %add3A_1122 : i32 to index
          %swap3A_1163 = tpu.vector_load %arg10[%swap3A_1162] {strides = array<i32>} : memref<2048xf32, #tpu.memory_space<vmem>>, vector<16xf32>,
          tpu.vector_store %arg10[%swap3A_1162], %add3A_1161 {add = true, strides = array<i32>} : memref<2048xf32, #tpu.memory_space<vmem>>, vector<16xf32>,
          %add3A_1164 = arith.constant 64 : i32
          %add3A_1165 = arith.addi %multiple_of3A_991, %add3A_1164 : i32
          %get3A_1166 = arith.constant 0 : i32
          %get3A_1167 = arith.index_cast %get3A_1166 : i32 to index
          %get3A_1168 = arith.index_cast %add3A_1165 : i32 to index
          %get3A_1169 = tpu.vector_load %arg8[%get3A_1167, %get3A_1168] {strides = array<i32>} : memref<8x2048xf32, #tpu.memory_space<vmem>>, vector<16xf32>,
          %get3A_1170 = arith.constant 1 : i32
          %get3A_1171 = arith.index_cast %get3A_1170 : i32 to index
          %get3A_1172 = arith.index_cast %add3A_1165 : i32 to index
          %get3A_1173 = tpu.vector_load %arg8[%get3A_1171, %get3A_1172] {strides = array<i32>} : memref<8x2048xf32, #tpu.memory_space<vmem>>, vector<16xf32>,
          %add3A_1174 = arith.addf %get3A_1169, %get3A_1173 : vector<16xf32>
          %get3A_1175 = arith.constant 2 : i32
          %get3A_1176 = arith.index_cast %get3A_1175 : i32 to index
          %get3A_1177 = arith.index_cast %add3A_1165 : i32 to index
          %get3A_1178 = tpu.vector_load %arg8[%get3A_1176, %get3A_1177] {strides = array<i32>} : memref<8x2048xf32, #tpu.memory_space<vmem>>, vector<16xf32>,
          %add3A_1179 = arith.addf %add3A_1174, %get3A_1178 : vector<16xf32>
          %get3A_1180 = arith.constant 3 : i32
          %get3A_1181 = arith.index_cast %get3A_1180 : i32 to index
          %get3A_1182 = arith.index_cast %add3A_1165 : i32 to index
          %get3A_1183 = tpu.vector_load %arg8[%get3A_1181, %get3A_1182] {strides = array<i32>} : memref<8x2048xf32, #tpu.memory_space<vmem>>, vector<16xf32>,
          %add3A_1184 = arith.addf %add3A_1179, %get3A_1183 : vector<16xf32>
          %get3A_1185 = arith.constant 4 : i32
          %get3A_1186 = arith.index_cast %get3A_1185 : i32 to index
          %get3A_1187 = arith.index_cast %add3A_1165 : i32 to index
          %get3A_1188 = tpu.vector_load %arg8[%get3A_1186, %get3A_1187] {strides = array<i32>} : memref<8x2048xf32, #tpu.memory_space<vmem>>, vector<16xf32>,
          %add3A_1189 = arith.addf %add3A_1184, %get3A_1188 : vector<16xf32>
          %get3A_1190 = arith.constant 5 : i32
          %get3A_1191 = arith.index_cast %get3A_1190 : i32 to index
          %get3A_1192 = arith.index_cast %add3A_1165 : i32 to index
          %get3A_1193 = tpu.vector_load %arg8[%get3A_1191, %get3A_1192] {strides = array<i32>} : memref<8x2048xf32, #tpu.memory_space<vmem>>, vector<16xf32>,
          %add3A_1194 = arith.addf %add3A_1189, %get3A_1193 : vector<16xf32>
          %get3A_1195 = arith.constant 6 : i32
          %get3A_1196 = arith.index_cast %get3A_1195 : i32 to index
          %get3A_1197 = arith.index_cast %add3A_1165 : i32 to index
          %get3A_1198 = tpu.vector_load %arg8[%get3A_1196, %get3A_1197] {strides = array<i32>} : memref<8x2048xf32, #tpu.memory_space<vmem>>, vector<16xf32>,
          %add3A_1199 = arith.addf %add3A_1194, %get3A_1198 : vector<16xf32>
          %get3A_1200 = arith.constant 7 : i32
          %get3A_1201 = arith.index_cast %get3A_1200 : i32 to index
          %get3A_1202 = arith.index_cast %add3A_1165 : i32 to index
          %get3A_1203 = tpu.vector_load %arg8[%get3A_1201, %get3A_1202] {strides = array<i32>} : memref<8x2048xf32, #tpu.memory_space<vmem>>, vector<16xf32>,
          %add3A_1204 = arith.addf %add3A_1199, %get3A_1203 : vector<16xf32>
          %swap3A_1205 = arith.index_cast %add3A_1165 : i32 to index
          %swap3A_1206 = tpu.vector_load %arg10[%swap3A_1205] {strides = array<i32>} : memref<2048xf32, #tpu.memory_space<vmem>>, vector<16xf32>,
          tpu.vector_store %arg10[%swap3A_1205], %add3A_1204 {add = true, strides = array<i32>} : memref<2048xf32, #tpu.memory_space<vmem>>, vector<16xf32>,
          %add3A_1207 = arith.constant 80 : i32
          %add3A_1208 = arith.addi %multiple_of3A_991, %add3A_1207 : i32
          %get3A_1209 = arith.constant 0 : i32
          %get3A_1210 = arith.index_cast %get3A_1209 : i32 to index
          %get3A_1211 = arith.index_cast %add3A_1208 : i32 to index
          %get3A_1212 = tpu.vector_load %arg8[%get3A_1210, %get3A_1211] {strides = array<i32>} : memref<8x2048xf32, #tpu.memory_space<vmem>>, vector<16xf32>,
          %get3A_1213 = arith.constant 1 : i32
          %get3A_1214 = arith.index_cast %get3A_1213 : i32 to index
          %get3A_1215 = arith.index_cast %add3A_1208 : i32 to index
          %get3A_1216 = tpu.vector_load %arg8[%get3A_1214, %get3A_1215] {strides = array<i32>} : memref<8x2048xf32, #tpu.memory_space<vmem>>, vector<16xf32>,
          %add3A_1217 = arith.addf %get3A_1212, %get3A_1216 : vector<16xf32>
          %get3A_1218 = arith.constant 2 : i32
          %get3A_1219 = arith.index_cast %get3A_1218 : i32 to index
          %get3A_1220 = arith.index_cast %add3A_1208 : i32 to index
          %get3A_1221 = tpu.vector_load %arg8[%get3A_1219, %get3A_1220] {strides = array<i32>} : memref<8x2048xf32, #tpu.memory_space<vmem>>, vector<16xf32>,
          %add3A_1222 = arith.addf %add3A_1217, %get3A_1221 : vector<16xf32>
          %get3A_1223 = arith.constant 3 : i32
          %get3A_1224 = arith.index_cast %get3A_1223 : i32 to index
          %get3A_1225 = arith.index_cast %add3A_1208 : i32 to index
          %get3A_1226 = tpu.vector_load %arg8[%get3A_1224, %get3A_1225] {strides = array<i32>} : memref<8x2048xf32, #tpu.memory_space<vmem>>, vector<16xf32>,
          %add3A_1227 = arith.addf %add3A_1222, %get3A_1226 : vector<16xf32>
          %get3A_1228 = arith.constant 4 : i32
          %get3A_1229 = arith.index_cast %get3A_1228 : i32 to index
          %get3A_1230 = arith.index_cast %add3A_1208 : i32 to index
          %get3A_1231 = tpu.vector_load %arg8[%get3A_1229, %get3A_1230] {strides = array<i32>} : memref<8x2048xf32, #tpu.memory_space<vmem>>, vector<16xf32>,
          %add3A_1232 = arith.addf %add3A_1227, %get3A_1231 : vector<16xf32>
          %get3A_1233 = arith.constant 5 : i32
          %get3A_1234 = arith.index_cast %get3A_1233 : i32 to index
          %get3A_1235 = arith.index_cast %add3A_1208 : i32 to index
          %get3A_1236 = tpu.vector_load %arg8[%get3A_1234, %get3A_1235] {strides = array<i32>} : memref<8x2048xf32, #tpu.memory_space<vmem>>, vector<16xf32>,
          %add3A_1237 = arith.addf %add3A_1232, %get3A_1236 : vector<16xf32>
          %get3A_1238 = arith.constant 6 : i32
          %get3A_1239 = arith.index_cast %get3A_1238 : i32 to index
          %get3A_1240 = arith.index_cast %add3A_1208 : i32 to index
          %get3A_1241 = tpu.vector_load %arg8[%get3A_1239, %get3A_1240] {strides = array<i32>} : memref<8x2048xf32, #tpu.memory_space<vmem>>, vector<16xf32>,
          %add3A_1242 = arith.addf %add3A_1237, %get3A_1241 : vector<16xf32>
          %get3A_1243 = arith.constant 7 : i32
          %get3A_1244 = arith.index_cast %get3A_1243 : i32 to index
          %get3A_1245 = arith.index_cast %add3A_1208 : i32 to index
          %get3A_1246 = tpu.vector_load %arg8[%get3A_1244, %get3A_1245] {strides = array<i32>} : memref<8x2048xf32, #tpu.memory_space<vmem>>, vector<16xf32>,
          %add3A_1247 = arith.addf %add3A_1242, %get3A_1246 : vector<16xf32>
          %swap3A_1248 = arith.index_cast %add3A_1208 : i32 to index
          %swap3A_1249 = tpu.vector_load %arg10[%swap3A_1248] {strides = array<i32>} : memref<2048xf32, #tpu.memory_space<vmem>>, vector<16xf32>,
          tpu.vector_store %arg10[%swap3A_1248], %add3A_1247 {add = true, strides = array<i32>} : memref<2048xf32, #tpu.memory_space<vmem>>, vector<16xf32>,
          %add3A_1250 = arith.constant 96 : i32
          %add3A_1251 = arith.addi %multiple_of3A_991, %add3A_1250 : i32
          %get3A_1252 = arith.constant 0 : i32
          %get3A_1253 = arith.index_cast %get3A_1252 : i32 to index
          %get3A_1254 = arith.index_cast %add3A_1251 : i32 to index
          %get3A_1255 = tpu.vector_load %arg8[%get3A_1253, %get3A_1254] {strides = array<i32>} : memref<8x2048xf32, #tpu.memory_space<vmem>>, vector<16xf32>,
          %get3A_1256 = arith.constant 1 : i32
          %get3A_1257 = arith.index_cast %get3A_1256 : i32 to index
          %get3A_1258 = arith.index_cast %add3A_1251 : i32 to index
          %get3A_1259 = tpu.vector_load %arg8[%get3A_1257, %get3A_1258] {strides = array<i32>} : memref<8x2048xf32, #tpu.memory_space<vmem>>, vector<16xf32>,
          %add3A_1260 = arith.addf %get3A_1255, %get3A_1259 : vector<16xf32>
          %get3A_1261 = arith.constant 2 : i32
          %get3A_1262 = arith.index_cast %get3A_1261 : i32 to index
          %get3A_1263 = arith.index_cast %add3A_1251 : i32 to index
          %get3A_1264 = tpu.vector_load %arg8[%get3A_1262, %get3A_1263] {strides = array<i32>} : memref<8x2048xf32, #tpu.memory_space<vmem>>, vector<16xf32>,
          %add3A_1265 = arith.addf %add3A_1260, %get3A_1264 : vector<16xf32>
          %get3A_1266 = arith.constant 3 : i32
          %get3A_1267 = arith.index_cast %get3A_1266 : i32 to index
          %get3A_1268 = arith.index_cast %add3A_1251 : i32 to index
          %get3A_1269 = tpu.vector_load %arg8[%get3A_1267, %get3A_1268] {strides = array<i32>} : memref<8x2048xf32, #tpu.memory_space<vmem>>, vector<16xf32>,
          %add3A_1270 = arith.addf %add3A_1265, %get3A_1269 : vector<16xf32>
          %get3A_1271 = arith.constant 4 : i32
          %get3A_1272 = arith.index_cast %get3A_1271 : i32 to index
          %get3A_1273 = arith.index_cast %add3A_1251 : i32 to index
          %get3A_1274 = tpu.vector_load %arg8[%get3A_1272, %get3A_1273] {strides = array<i32>} : memref<8x2048xf32, #tpu.memory_space<vmem>>, vector<16xf32>,
          %add3A_1275 = arith.addf %add3A_1270, %get3A_1274 : vector<16xf32>
          %get3A_1276 = arith.constant 5 : i32
          %get3A_1277 = arith.index_cast %get3A_1276 : i32 to index
          %get3A_1278 = arith.index_cast %add3A_1251 : i32 to index
          %get3A_1279 = tpu.vector_load %arg8[%get3A_1277, %get3A_1278] {strides = array<i32>} : memref<8x2048xf32, #tpu.memory_space<vmem>>, vector<16xf32>,
          %add3A_1280 = arith.addf %add3A_1275, %get3A_1279 : vector<16xf32>
          %get3A_1281 = arith.constant 6 : i32
          %get3A_1282 = arith.index_cast %get3A_1281 : i32 to index
          %get3A_1283 = arith.index_cast %add3A_1251 : i32 to index
          %get3A_1284 = tpu.vector_load %arg8[%get3A_1282, %get3A_1283] {strides = array<i32>} : memref<8x2048xf32, #tpu.memory_space<vmem>>, vector<16xf32>,
          %add3A_1285 = arith.addf %add3A_1280, %get3A_1284 : vector<16xf32>
          %get3A_1286 = arith.constant 7 : i32
          %get3A_1287 = arith.index_cast %get3A_1286 : i32 to index
          %get3A_1288 = arith.index_cast %add3A_1251 : i32 to index
          %get3A_1289 = tpu.vector_load %arg8[%get3A_1287, %get3A_1288] {strides = array<i32>} : memref<8x2048xf32, #tpu.memory_space<vmem>>, vector<16xf32>,
          %add3A_1290 = arith.addf %add3A_1285, %get3A_1289 : vector<16xf32>
          %swap3A_1291 = arith.index_cast %add3A_1251 : i32 to index
          %swap3A_1292 = tpu.vector_load %arg10[%swap3A_1291] {strides = array<i32>} : memref<2048xf32, #tpu.memory_space<vmem>>, vector<16xf32>,
          tpu.vector_store %arg10[%swap3A_1291], %add3A_1290 {add = true, strides = array<i32>} : memref<2048xf32, #tpu.memory_space<vmem>>, vector<16xf32>,
          %add3A_1293 = arith.constant 112 : i32
          %add3A_1294 = arith.addi %multiple_of3A_991, %add3A_1293 : i32
          %get3A_1295 = arith.constant 0 : i32
          %get3A_1296 = arith.index_cast %get3A_1295 : i32 to index
          %get3A_1297 = arith.index_cast %add3A_1294 : i32 to index
          %get3A_1298 = tpu.vector_load %arg8[%get3A_1296, %get3A_1297] {strides = array<i32>} : memref<8x2048xf32, #tpu.memory_space<vmem>>, vector<16xf32>,
          %get3A_1299 = arith.constant 1 : i32
          %get3A_1300 = arith.index_cast %get3A_1299 : i32 to index
          %get3A_1301 = arith.index_cast %add3A_1294 : i32 to index
          %get3A_1302 = tpu.vector_load %arg8[%get3A_1300, %get3A_1301] {strides = array<i32>} : memref<8x2048xf32, #tpu.memory_space<vmem>>, vector<16xf32>,
          %add3A_1303 = arith.addf %get3A_1298, %get3A_1302 : vector<16xf32>
          %get3A_1304 = arith.constant 2 : i32
          %get3A_1305 = arith.index_cast %get3A_1304 : i32 to index
          %get3A_1306 = arith.index_cast %add3A_1294 : i32 to index
          %get3A_1307 = tpu.vector_load %arg8[%get3A_1305, %get3A_1306] {strides = array<i32>} : memref<8x2048xf32, #tpu.memory_space<vmem>>, vector<16xf32>,
          %add3A_1308 = arith.addf %add3A_1303, %get3A_1307 : vector<16xf32>
          %get3A_1309 = arith.constant 3 : i32
          %get3A_1310 = arith.index_cast %get3A_1309 : i32 to index
          %get3A_1311 = arith.index_cast %add3A_1294 : i32 to index
          %get3A_1312 = tpu.vector_load %arg8[%get3A_1310, %get3A_1311] {strides = array<i32>} : memref<8x2048xf32, #tpu.memory_space<vmem>>, vector<16xf32>,
          %add3A_1313 = arith.addf %add3A_1308, %get3A_1312 : vector<16xf32>
          %get3A_1314 = arith.constant 4 : i32
          %get3A_1315 = arith.index_cast %get3A_1314 : i32 to index
          %get3A_1316 = arith.index_cast %add3A_1294 : i32 to index
          %get3A_1317 = tpu.vector_load %arg8[%get3A_1315, %get3A_1316] {strides = array<i32>} : memref<8x2048xf32, #tpu.memory_space<vmem>>, vector<16xf32>,
          %add3A_1318 = arith.addf %add3A_1313, %get3A_1317 : vector<16xf32>
          %get3A_1319 = arith.constant 5 : i32
          %get3A_1320 = arith.index_cast %get3A_1319 : i32 to index
          %get3A_1321 = arith.index_cast %add3A_1294 : i32 to index
          %get3A_1322 = tpu.vector_load %arg8[%get3A_1320, %get3A_1321] {strides = array<i32>} : memref<8x2048xf32, #tpu.memory_space<vmem>>, vector<16xf32>,
          %add3A_1323 = arith.addf %add3A_1318, %get3A_1322 : vector<16xf32>
          %get3A_1324 = arith.constant 6 : i32
          %get3A_1325 = arith.index_cast %get3A_1324 : i32 to index
          %get3A_1326 = arith.index_cast %add3A_1294 : i32 to index
          %get3A_1327 = tpu.vector_load %arg8[%get3A_1325, %get3A_1326] {strides = array<i32>} : memref<8x2048xf32, #tpu.memory_space<vmem>>, vector<16xf32>,
          %add3A_1328 = arith.addf %add3A_1323, %get3A_1327 : vector<16xf32>
          %get3A_1329 = arith.constant 7 : i32
          %get3A_1330 = arith.index_cast %get3A_1329 : i32 to index
          %get3A_1331 = arith.index_cast %add3A_1294 : i32 to index
          %get3A_1332 = tpu.vector_load %arg8[%get3A_1330, %get3A_1331] {strides = array<i32>} : memref<8x2048xf32, #tpu.memory_space<vmem>>, vector<16xf32>,
          %add3A_1333 = arith.addf %add3A_1328, %get3A_1332 : vector<16xf32>
          %swap3A_1334 = arith.index_cast %add3A_1294 : i32 to index
          %swap3A_1335 = tpu.vector_load %arg10[%swap3A_1334] {strides = array<i32>} : memref<2048xf32, #tpu.memory_space<vmem>>, vector<16xf32>,
          tpu.vector_store %arg10[%swap3A_1334], %add3A_1333 {add = true, strides = array<i32>} : memref<2048xf32, #tpu.memory_space<vmem>>, vector<16xf32>,
        }
        %scan3A_987 = arith.constant 16 : i32
      } else {
      }
      %not3A = arith.constant true
      %not3A_973 = arith.xori %eq3A_963, %not3A : i1
      %convert_element_type3A_974 = arith.extui %not3A_973 : i1 to i32
      %cond3A_975 = arith.constant 0 : i32
      %cond3A_976 = arith.cmpi ne, %convert_element_type3A_974, %cond3A_975 : i32
      scf.if %cond3A_976 {
        %dma_wait3A_977 = arith.constant 0 : i32
        %dma_wait3A_978 = tpu.memref_slice %arg7[%dma_wait3A_977] : memref<528xi32, #tpu.memory_space<vmem>> -> memref<8xi32, #tpu.memory_space<vmem>>
        %dma_wait3A_979 = arith.constant 0 : i32
        %dma_wait3A_980 = arith.constant 0 : i32
        %dma_wait3A_981 = tpu.memref_slice %arg2[%dma_wait3A_979, %dma_wait3A_980] : memref<16384x2048xf32, #tpu.memory_space<hbm>> -> memref<16384x2048xf32, #tpu.memory_space<hbm>>
        tpu.wait_indirect_dma semaphore(%arg15 : memref<!tpu.dma_semaphore, #tpu.memory_space<semaphore_mem>>) src(%dma_wait3A_981 : memref<16384x2048xf32, #tpu.memory_space<hbm>>) dst(%arg9 : memref<8x2048xf32, #tpu.memory_space<vmem>>)
        %scan3A_982 = arith.constant 0 : i32
        %scan3A_983 = arith.constant 0 : i32
        %scan3A_984 = arith.constant 16 : i32
        %scan3A_985 = arith.addi %scan3A_983, %scan3A_984 : i32
        %scan3A_986 = arith.constant 1 : i32
        scf.for %scan3A_988 = %scan3A_983 to %scan3A_985 step %scan3A_986  : i32 {
          %mul3A_989 = arith.constant 128 : i32
          %mul3A_990 = arith.muli %scan3A_988, %mul3A_989 : i32
          %multiple_of3A_991 = tpu.assume_multiple %mul3A_990, 128 : i32
          %add3A_992 = arith.constant 0 : i32
          %add3A_993 = arith.addi %multiple_of3A_991, %add3A_992 : i32
          %get3A_994 = arith.constant 0 : i32
          %get3A_995 = arith.index_cast %get3A_994 : i32 to index
          %get3A_996 = arith.index_cast %add3A_993 : i32 to index
          %get3A_997 = tpu.vector_load %arg9[%get3A_995, %get3A_996] {strides = array<i32>} : memref<8x2048xf32, #tpu.memory_space<vmem>>, vector<16xf32>,
          %get3A_998 = arith.constant 1 : i32
          %get3A_999 = arith.index_cast %get3A_998 : i32 to index
          %get3A_1000 = arith.index_cast %add3A_993 : i32 to index
          %get3A_1001 = tpu.vector_load %arg9[%get3A_999, %get3A_1000] {strides = array<i32>} : memref<8x2048xf32, #tpu.memory_space<vmem>>, vector<16xf32>,
          %add3A_1002 = arith.addf %get3A_997, %get3A_1001 : vector<16xf32>
          %get3A_1003 = arith.constant 2 : i32
          %get3A_1004 = arith.index_cast %get3A_1003 : i32 to index
          %get3A_1005 = arith.index_cast %add3A_993 : i32 to index
          %get3A_1006 = tpu.vector_load %arg9[%get3A_1004, %get3A_1005] {strides = array<i32>} : memref<8x2048xf32, #tpu.memory_space<vmem>>, vector<16xf32>,
          %add3A_1007 = arith.addf %add3A_1002, %get3A_1006 : vector<16xf32>
          %get3A_1008 = arith.constant 3 : i32
          %get3A_1009 = arith.index_cast %get3A_1008 : i32 to index
          %get3A_1010 = arith.index_cast %add3A_993 : i32 to index
          %get3A_1011 = tpu.vector_load %arg9[%get3A_1009, %get3A_1010] {strides = array<i32>} : memref<8x2048xf32, #tpu.memory_space<vmem>>, vector<16xf32>,
          %add3A_1012 = arith.addf %add3A_1007, %get3A_1011 : vector<16xf32>
          %get3A_1013 = arith.constant 4 : i32
          %get3A_1014 = arith.index_cast %get3A_1013 : i32 to index
          %get3A_1015 = arith.index_cast %add3A_993 : i32 to index
          %get3A_1016 = tpu.vector_load %arg9[%get3A_1014, %get3A_1015] {strides = array<i32>} : memref<8x2048xf32, #tpu.memory_space<vmem>>, vector<16xf32>,
          %add3A_1017 = arith.addf %add3A_1012, %get3A_1016 : vector<16xf32>
          %get3A_1018 = arith.constant 5 : i32
          %get3A_1019 = arith.index_cast %get3A_1018 : i32 to index
          %get3A_1020 = arith.index_cast %add3A_993 : i32 to index
          %get3A_1021 = tpu.vector_load %arg9[%get3A_1019, %get3A_1020] {strides = array<i32>} : memref<8x2048xf32, #tpu.memory_space<vmem>>, vector<16xf32>,
          %add3A_1022 = arith.addf %add3A_1017, %get3A_1021 : vector<16xf32>
          %get3A_1023 = arith.constant 6 : i32
          %get3A_1024 = arith.index_cast %get3A_1023 : i32 to index
          %get3A_1025 = arith.index_cast %add3A_993 : i32 to index
          %get3A_1026 = tpu.vector_load %arg9[%get3A_1024, %get3A_1025] {strides = array<i32>} : memref<8x2048xf32, #tpu.memory_space<vmem>>, vector<16xf32>,
          %add3A_1027 = arith.addf %add3A_1022, %get3A_1026 : vector<16xf32>
          %get3A_1028 = arith.constant 7 : i32
          %get3A_1029 = arith.index_cast %get3A_1028 : i32 to index
          %get3A_1030 = arith.index_cast %add3A_993 : i32 to index
          %get3A_1031 = tpu.vector_load %arg9[%get3A_1029, %get3A_1030] {strides = array<i32>} : memref<8x2048xf32, #tpu.memory_space<vmem>>, vector<16xf32>,
          %add3A_1032 = arith.addf %add3A_1027, %get3A_1031 : vector<16xf32>
          %swap3A_1033 = arith.index_cast %add3A_993 : i32 to index
          %swap3A_1034 = tpu.vector_load %arg10[%swap3A_1033] {strides = array<i32>} : memref<2048xf32, #tpu.memory_space<vmem>>, vector<16xf32>,
          tpu.vector_store %arg10[%swap3A_1033], %add3A_1032 {add = true, strides = array<i32>} : memref<2048xf32, #tpu.memory_space<vmem>>, vector<16xf32>,
          %add3A_1035 = arith.constant 16 : i32
          %add3A_1036 = arith.addi %multiple_of3A_991, %add3A_1035 : i32
          %get3A_1037 = arith.constant 0 : i32
          %get3A_1038 = arith.index_cast %get3A_1037 : i32 to index
          %get3A_1039 = arith.index_cast %add3A_1036 : i32 to index
          %get3A_1040 = tpu.vector_load %arg9[%get3A_1038, %get3A_1039] {strides = array<i32>} : memref<8x2048xf32, #tpu.memory_space<vmem>>, vector<16xf32>,
          %get3A_1041 = arith.constant 1 : i32
          %get3A_1042 = arith.index_cast %get3A_1041 : i32 to index
          %get3A_1043 = arith.index_cast %add3A_1036 : i32 to index
          %get3A_1044 = tpu.vector_load %arg9[%get3A_1042, %get3A_1043] {strides = array<i32>} : memref<8x2048xf32, #tpu.memory_space<vmem>>, vector<16xf32>,
          %add3A_1045 = arith.addf %get3A_1040, %get3A_1044 : vector<16xf32>
          %get3A_1046 = arith.constant 2 : i32
          %get3A_1047 = arith.index_cast %get3A_1046 : i32 to index
          %get3A_1048 = arith.index_cast %add3A_1036 : i32 to index
          %get3A_1049 = tpu.vector_load %arg9[%get3A_1047, %get3A_1048] {strides = array<i32>} : memref<8x2048xf32, #tpu.memory_space<vmem>>, vector<16xf32>,
          %add3A_1050 = arith.addf %add3A_1045, %get3A_1049 : vector<16xf32>
          %get3A_1051 = arith.constant 3 : i32
          %get3A_1052 = arith.index_cast %get3A_1051 : i32 to index
          %get3A_1053 = arith.index_cast %add3A_1036 : i32 to index
          %get3A_1054 = tpu.vector_load %arg9[%get3A_1052, %get3A_1053] {strides = array<i32>} : memref<8x2048xf32, #tpu.memory_space<vmem>>, vector<16xf32>,
          %add3A_1055 = arith.addf %add3A_1050, %get3A_1054 : vector<16xf32>
          %get3A_1056 = arith.constant 4 : i32
          %get3A_1057 = arith.index_cast %get3A_1056 : i32 to index
          %get3A_1058 = arith.index_cast %add3A_1036 : i32 to index
          %get3A_1059 = tpu.vector_load %arg9[%get3A_1057, %get3A_1058] {strides = array<i32>} : memref<8x2048xf32, #tpu.memory_space<vmem>>, vector<16xf32>,
          %add3A_1060 = arith.addf %add3A_1055, %get3A_1059 : vector<16xf32>
          %get3A_1061 = arith.constant 5 : i32
          %get3A_1062 = arith.index_cast %get3A_1061 : i32 to index
          %get3A_1063 = arith.index_cast %add3A_1036 : i32 to index
          %get3A_1064 = tpu.vector_load %arg9[%get3A_1062, %get3A_1063] {strides = array<i32>} : memref<8x2048xf32, #tpu.memory_space<vmem>>, vector<16xf32>,
          %add3A_1065 = arith.addf %add3A_1060, %get3A_1064 : vector<16xf32>
          %get3A_1066 = arith.constant 6 : i32
          %get3A_1067 = arith.index_cast %get3A_1066 : i32 to index
          %get3A_1068 = arith.index_cast %add3A_1036 : i32 to index
          %get3A_1069 = tpu.vector_load %arg9[%get3A_1067, %get3A_1068] {strides = array<i32>} : memref<8x2048xf32, #tpu.memory_space<vmem>>, vector<16xf32>,
          %add3A_1070 = arith.addf %add3A_1065, %get3A_1069 : vector<16xf32>
          %get3A_1071 = arith.constant 7 : i32
          %get3A_1072 = arith.index_cast %get3A_1071 : i32 to index
          %get3A_1073 = arith.index_cast %add3A_1036 : i32 to index
          %get3A_1074 = tpu.vector_load %arg9[%get3A_1072, %get3A_1073] {strides = array<i32>} : memref<8x2048xf32, #tpu.memory_space<vmem>>, vector<16xf32>,
          %add3A_1075 = arith.addf %add3A_1070, %get3A_1074 : vector<16xf32>
          %swap3A_1076 = arith.index_cast %add3A_1036 : i32 to index
          %swap3A_1077 = tpu.vector_load %arg10[%swap3A_1076] {strides = array<i32>} : memref<2048xf32, #tpu.memory_space<vmem>>, vector<16xf32>,
          tpu.vector_store %arg10[%swap3A_1076], %add3A_1075 {add = true, strides = array<i32>} : memref<2048xf32, #tpu.memory_space<vmem>>, vector<16xf32>,
          %add3A_1078 = arith.constant 32 : i32
          %add3A_1079 = arith.addi %multiple_of3A_991, %add3A_1078 : i32
          %get3A_1080 = arith.constant 0 : i32
          %get3A_1081 = arith.index_cast %get3A_1080 : i32 to index
          %get3A_1082 = arith.index_cast %add3A_1079 : i32 to index
          %get3A_1083 = tpu.vector_load %arg9[%get3A_1081, %get3A_1082] {strides = array<i32>} : memref<8x2048xf32, #tpu.memory_space<vmem>>, vector<16xf32>,
          %get3A_1084 = arith.constant 1 : i32
          %get3A_1085 = arith.index_cast %get3A_1084 : i32 to index
          %get3A_1086 = arith.index_cast %add3A_1079 : i32 to index
          %get3A_1087 = tpu.vector_load %arg9[%get3A_1085, %get3A_1086] {strides = array<i32>} : memref<8x2048xf32, #tpu.memory_space<vmem>>, vector<16xf32>,
          %add3A_1088 = arith.addf %get3A_1083, %get3A_1087 : vector<16xf32>
          %get3A_1089 = arith.constant 2 : i32
          %get3A_1090 = arith.index_cast %get3A_1089 : i32 to index
          %get3A_1091 = arith.index_cast %add3A_1079 : i32 to index
          %get3A_1092 = tpu.vector_load %arg9[%get3A_1090, %get3A_1091] {strides = array<i32>} : memref<8x2048xf32, #tpu.memory_space<vmem>>, vector<16xf32>,
          %add3A_1093 = arith.addf %add3A_1088, %get3A_1092 : vector<16xf32>
          %get3A_1094 = arith.constant 3 : i32
          %get3A_1095 = arith.index_cast %get3A_1094 : i32 to index
          %get3A_1096 = arith.index_cast %add3A_1079 : i32 to index
          %get3A_1097 = tpu.vector_load %arg9[%get3A_1095, %get3A_1096] {strides = array<i32>} : memref<8x2048xf32, #tpu.memory_space<vmem>>, vector<16xf32>,
          %add3A_1098 = arith.addf %add3A_1093, %get3A_1097 : vector<16xf32>
          %get3A_1099 = arith.constant 4 : i32
          %get3A_1100 = arith.index_cast %get3A_1099 : i32 to index
          %get3A_1101 = arith.index_cast %add3A_1079 : i32 to index
          %get3A_1102 = tpu.vector_load %arg9[%get3A_1100, %get3A_1101] {strides = array<i32>} : memref<8x2048xf32, #tpu.memory_space<vmem>>, vector<16xf32>,
          %add3A_1103 = arith.addf %add3A_1098, %get3A_1102 : vector<16xf32>
          %get3A_1104 = arith.constant 5 : i32
          %get3A_1105 = arith.index_cast %get3A_1104 : i32 to index
          %get3A_1106 = arith.index_cast %add3A_1079 : i32 to index
          %get3A_1107 = tpu.vector_load %arg9[%get3A_1105, %get3A_1106] {strides = array<i32>} : memref<8x2048xf32, #tpu.memory_space<vmem>>, vector<16xf32>,
          %add3A_1108 = arith.addf %add3A_1103, %get3A_1107 : vector<16xf32>
          %get3A_1109 = arith.constant 6 : i32
          %get3A_1110 = arith.index_cast %get3A_1109 : i32 to index
          %get3A_1111 = arith.index_cast %add3A_1079 : i32 to index
          %get3A_1112 = tpu.vector_load %arg9[%get3A_1110, %get3A_1111] {strides = array<i32>} : memref<8x2048xf32, #tpu.memory_space<vmem>>, vector<16xf32>,
          %add3A_1113 = arith.addf %add3A_1108, %get3A_1112 : vector<16xf32>
          %get3A_1114 = arith.constant 7 : i32
          %get3A_1115 = arith.index_cast %get3A_1114 : i32 to index
          %get3A_1116 = arith.index_cast %add3A_1079 : i32 to index
          %get3A_1117 = tpu.vector_load %arg9[%get3A_1115, %get3A_1116] {strides = array<i32>} : memref<8x2048xf32, #tpu.memory_space<vmem>>, vector<16xf32>,
          %add3A_1118 = arith.addf %add3A_1113, %get3A_1117 : vector<16xf32>
          %swap3A_1119 = arith.index_cast %add3A_1079 : i32 to index
          %swap3A_1120 = tpu.vector_load %arg10[%swap3A_1119] {strides = array<i32>} : memref<2048xf32, #tpu.memory_space<vmem>>, vector<16xf32>,
          tpu.vector_store %arg10[%swap3A_1119], %add3A_1118 {add = true, strides = array<i32>} : memref<2048xf32, #tpu.memory_space<vmem>>, vector<16xf32>,
          %add3A_1121 = arith.constant 48 : i32
          %add3A_1122 = arith.addi %multiple_of3A_991, %add3A_1121 : i32
          %get3A_1123 = arith.constant 0 : i32
          %get3A_1124 = arith.index_cast %get3A_1123 : i32 to index
          %get3A_1125 = arith.index_cast %add3A_1122 : i32 to index
          %get3A_1126 = tpu.vector_load %arg9[%get3A_1124, %get3A_1125] {strides = array<i32>} : memref<8x2048xf32, #tpu.memory_space<vmem>>, vector<16xf32>,
          %get3A_1127 = arith.constant 1 : i32
          %get3A_1128 = arith.index_cast %get3A_1127 : i32 to index
          %get3A_1129 = arith.index_cast %add3A_1122 : i32 to index
          %get3A_1130 = tpu.vector_load %arg9[%get3A_1128, %get3A_1129] {strides = array<i32>} : memref<8x2048xf32, #tpu.memory_space<vmem>>, vector<16xf32>,
          %add3A_1131 = arith.addf %get3A_1126, %get3A_1130 : vector<16xf32>
          %get3A_1132 = arith.constant 2 : i32
          %get3A_1133 = arith.index_cast %get3A_1132 : i32 to index
          %get3A_1134 = arith.index_cast %add3A_1122 : i32 to index
          %get3A_1135 = tpu.vector_load %arg9[%get3A_1133, %get3A_1134] {strides = array<i32>} : memref<8x2048xf32, #tpu.memory_space<vmem>>, vector<16xf32>,
          %add3A_1136 = arith.addf %add3A_1131, %get3A_1135 : vector<16xf32>
          %get3A_1137 = arith.constant 3 : i32
          %get3A_1138 = arith.index_cast %get3A_1137 : i32 to index
          %get3A_1139 = arith.index_cast %add3A_1122 : i32 to index
          %get3A_1140 = tpu.vector_load %arg9[%get3A_1138, %get3A_1139] {strides = array<i32>} : memref<8x2048xf32, #tpu.memory_space<vmem>>, vector<16xf32>,
          %add3A_1141 = arith.addf %add3A_1136, %get3A_1140 : vector<16xf32>
          %get3A_1142 = arith.constant 4 : i32
          %get3A_1143 = arith.index_cast %get3A_1142 : i32 to index
          %get3A_1144 = arith.index_cast %add3A_1122 : i32 to index
          %get3A_1145 = tpu.vector_load %arg9[%get3A_1143, %get3A_1144] {strides = array<i32>} : memref<8x2048xf32, #tpu.memory_space<vmem>>, vector<16xf32>,
          %add3A_1146 = arith.addf %add3A_1141, %get3A_1145 : vector<16xf32>
          %get3A_1147 = arith.constant 5 : i32
          %get3A_1148 = arith.index_cast %get3A_1147 : i32 to index
          %get3A_1149 = arith.index_cast %add3A_1122 : i32 to index
          %get3A_1150 = tpu.vector_load %arg9[%get3A_1148, %get3A_1149] {strides = array<i32>} : memref<8x2048xf32, #tpu.memory_space<vmem>>, vector<16xf32>,
          %add3A_1151 = arith.addf %add3A_1146, %get3A_1150 : vector<16xf32>
          %get3A_1152 = arith.constant 6 : i32
          %get3A_1153 = arith.index_cast %get3A_1152 : i32 to index
          %get3A_1154 = arith.index_cast %add3A_1122 : i32 to index
          %get3A_1155 = tpu.vector_load %arg9[%get3A_1153, %get3A_1154] {strides = array<i32>} : memref<8x2048xf32, #tpu.memory_space<vmem>>, vector<16xf32>,
          %add3A_1156 = arith.addf %add3A_1151, %get3A_1155 : vector<16xf32>
          %get3A_1157 = arith.constant 7 : i32
          %get3A_1158 = arith.index_cast %get3A_1157 : i32 to index
          %get3A_1159 = arith.index_cast %add3A_1122 : i32 to index
          %get3A_1160 = tpu.vector_load %arg9[%get3A_1158, %get3A_1159] {strides = array<i32>} : memref<8x2048xf32, #tpu.memory_space<vmem>>, vector<16xf32>,
          %add3A_1161 = arith.addf %add3A_1156, %get3A_1160 : vector<16xf32>
          %swap3A_1162 = arith.index_cast %add3A_1122 : i32 to index
          %swap3A_1163 = tpu.vector_load %arg10[%swap3A_1162] {strides = array<i32>} : memref<2048xf32, #tpu.memory_space<vmem>>, vector<16xf32>,
          tpu.vector_store %arg10[%swap3A_1162], %add3A_1161 {add = true, strides = array<i32>} : memref<2048xf32, #tpu.memory_space<vmem>>, vector<16xf32>,
          %add3A_1164 = arith.constant 64 : i32
          %add3A_1165 = arith.addi %multiple_of3A_991, %add3A_1164 : i32
          %get3A_1166 = arith.constant 0 : i32
          %get3A_1167 = arith.index_cast %get3A_1166 : i32 to index
          %get3A_1168 = arith.index_cast %add3A_1165 : i32 to index
          %get3A_1169 = tpu.vector_load %arg9[%get3A_1167, %get3A_1168] {strides = array<i32>} : memref<8x2048xf32, #tpu.memory_space<vmem>>, vector<16xf32>,
          %get3A_1170 = arith.constant 1 : i32
          %get3A_1171 = arith.index_cast %get3A_1170 : i32 to index
          %get3A_1172 = arith.index_cast %add3A_1165 : i32 to index
          %get3A_1173 = tpu.vector_load %arg9[%get3A_1171, %get3A_1172] {strides = array<i32>} : memref<8x2048xf32, #tpu.memory_space<vmem>>, vector<16xf32>,
          %add3A_1174 = arith.addf %get3A_1169, %get3A_1173 : vector<16xf32>
          %get3A_1175 = arith.constant 2 : i32
          %get3A_1176 = arith.index_cast %get3A_1175 : i32 to index
          %get3A_1177 = arith.index_cast %add3A_1165 : i32 to index
          %get3A_1178 = tpu.vector_load %arg9[%get3A_1176, %get3A_1177] {strides = array<i32>} : memref<8x2048xf32, #tpu.memory_space<vmem>>, vector<16xf32>,
          %add3A_1179 = arith.addf %add3A_1174, %get3A_1178 : vector<16xf32>
          %get3A_1180 = arith.constant 3 : i32
          %get3A_1181 = arith.index_cast %get3A_1180 : i32 to index
          %get3A_1182 = arith.index_cast %add3A_1165 : i32 to index
          %get3A_1183 = tpu.vector_load %arg9[%get3A_1181, %get3A_1182] {strides = array<i32>} : memref<8x2048xf32, #tpu.memory_space<vmem>>, vector<16xf32>,
          %add3A_1184 = arith.addf %add3A_1179, %get3A_1183 : vector<16xf32>
          %get3A_1185 = arith.constant 4 : i32
          %get3A_1186 = arith.index_cast %get3A_1185 : i32 to index
          %get3A_1187 = arith.index_cast %add3A_1165 : i32 to index
          %get3A_1188 = tpu.vector_load %arg9[%get3A_1186, %get3A_1187] {strides = array<i32>} : memref<8x2048xf32, #tpu.memory_space<vmem>>, vector<16xf32>,
          %add3A_1189 = arith.addf %add3A_1184, %get3A_1188 : vector<16xf32>
          %get3A_1190 = arith.constant 5 : i32
          %get3A_1191 = arith.index_cast %get3A_1190 : i32 to index
          %get3A_1192 = arith.index_cast %add3A_1165 : i32 to index
          %get3A_1193 = tpu.vector_load %arg9[%get3A_1191, %get3A_1192] {strides = array<i32>} : memref<8x2048xf32, #tpu.memory_space<vmem>>, vector<16xf32>,
          %add3A_1194 = arith.addf %add3A_1189, %get3A_1193 : vector<16xf32>
          %get3A_1195 = arith.constant 6 : i32
          %get3A_1196 = arith.index_cast %get3A_1195 : i32 to index
          %get3A_1197 = arith.index_cast %add3A_1165 : i32 to index
          %get3A_1198 = tpu.vector_load %arg9[%get3A_1196, %get3A_1197] {strides = array<i32>} : memref<8x2048xf32, #tpu.memory_space<vmem>>, vector<16xf32>,
          %add3A_1199 = arith.addf %add3A_1194, %get3A_1198 : vector<16xf32>
          %get3A_1200 = arith.constant 7 : i32
          %get3A_1201 = arith.index_cast %get3A_1200 : i32 to index
          %get3A_1202 = arith.index_cast %add3A_1165 : i32 to index
          %get3A_1203 = tpu.vector_load %arg9[%get3A_1201, %get3A_1202] {strides = array<i32>} : memref<8x2048xf32, #tpu.memory_space<vmem>>, vector<16xf32>,
          %add3A_1204 = arith.addf %add3A_1199, %get3A_1203 : vector<16xf32>
          %swap3A_1205 = arith.index_cast %add3A_1165 : i32 to index
          %swap3A_1206 = tpu.vector_load %arg10[%swap3A_1205] {strides = array<i32>} : memref<2048xf32, #tpu.memory_space<vmem>>, vector<16xf32>,
          tpu.vector_store %arg10[%swap3A_1205], %add3A_1204 {add = true, strides = array<i32>} : memref<2048xf32, #tpu.memory_space<vmem>>, vector<16xf32>,
          %add3A_1207 = arith.constant 80 : i32
          %add3A_1208 = arith.addi %multiple_of3A_991, %add3A_1207 : i32
          %get3A_1209 = arith.constant 0 : i32
          %get3A_1210 = arith.index_cast %get3A_1209 : i32 to index
          %get3A_1211 = arith.index_cast %add3A_1208 : i32 to index
          %get3A_1212 = tpu.vector_load %arg9[%get3A_1210, %get3A_1211] {strides = array<i32>} : memref<8x2048xf32, #tpu.memory_space<vmem>>, vector<16xf32>,
          %get3A_1213 = arith.constant 1 : i32
          %get3A_1214 = arith.index_cast %get3A_1213 : i32 to index
          %get3A_1215 = arith.index_cast %add3A_1208 : i32 to index
          %get3A_1216 = tpu.vector_load %arg9[%get3A_1214, %get3A_1215] {strides = array<i32>} : memref<8x2048xf32, #tpu.memory_space<vmem>>, vector<16xf32>,
          %add3A_1217 = arith.addf %get3A_1212, %get3A_1216 : vector<16xf32>
          %get3A_1218 = arith.constant 2 : i32
          %get3A_1219 = arith.index_cast %get3A_1218 : i32 to index
          %get3A_1220 = arith.index_cast %add3A_1208 : i32 to index
          %get3A_1221 = tpu.vector_load %arg9[%get3A_1219, %get3A_1220] {strides = array<i32>} : memref<8x2048xf32, #tpu.memory_space<vmem>>, vector<16xf32>,
          %add3A_1222 = arith.addf %add3A_1217, %get3A_1221 : vector<16xf32>
          %get3A_1223 = arith.constant 3 : i32
          %get3A_1224 = arith.index_cast %get3A_1223 : i32 to index
          %get3A_1225 = arith.index_cast %add3A_1208 : i32 to index
          %get3A_1226 = tpu.vector_load %arg9[%get3A_1224, %get3A_1225] {strides = array<i32>} : memref<8x2048xf32, #tpu.memory_space<vmem>>, vector<16xf32>,
          %add3A_1227 = arith.addf %add3A_1222, %get3A_1226 : vector<16xf32>
          %get3A_1228 = arith.constant 4 : i32
          %get3A_1229 = arith.index_cast %get3A_1228 : i32 to index
          %get3A_1230 = arith.index_cast %add3A_1208 : i32 to index
          %get3A_1231 = tpu.vector_load %arg9[%get3A_1229, %get3A_1230] {strides = array<i32>} : memref<8x2048xf32, #tpu.memory_space<vmem>>, vector<16xf32>,
          %add3A_1232 = arith.addf %add3A_1227, %get3A_1231 : vector<16xf32>
          %get3A_1233 = arith.constant 5 : i32
          %get3A_1234 = arith.index_cast %get3A_1233 : i32 to index
          %get3A_1235 = arith.index_cast %add3A_1208 : i32 to index
          %get3A_1236 = tpu.vector_load %arg9[%get3A_1234, %get3A_1235] {strides = array<i32>} : memref<8x2048xf32, #tpu.memory_space<vmem>>, vector<16xf32>,
          %add3A_1237 = arith.addf %add3A_1232, %get3A_1236 : vector<16xf32>
          %get3A_1238 = arith.constant 6 : i32
          %get3A_1239 = arith.index_cast %get3A_1238 : i32 to index
          %get3A_1240 = arith.index_cast %add3A_1208 : i32 to index
          %get3A_1241 = tpu.vector_load %arg9[%get3A_1239, %get3A_1240] {strides = array<i32>} : memref<8x2048xf32, #tpu.memory_space<vmem>>, vector<16xf32>,
          %add3A_1242 = arith.addf %add3A_1237, %get3A_1241 : vector<16xf32>
          %get3A_1243 = arith.constant 7 : i32
          %get3A_1244 = arith.index_cast %get3A_1243 : i32 to index
          %get3A_1245 = arith.index_cast %add3A_1208 : i32 to index
          %get3A_1246 = tpu.vector_load %arg9[%get3A_1244, %get3A_1245] {strides = array<i32>} : memref<8x2048xf32, #tpu.memory_space<vmem>>, vector<16xf32>,
          %add3A_1247 = arith.addf %add3A_1242, %get3A_1246 : vector<16xf32>
          %swap3A_1248 = arith.index_cast %add3A_1208 : i32 to index
          %swap3A_1249 = tpu.vector_load %arg10[%swap3A_1248] {strides = array<i32>} : memref<2048xf32, #tpu.memory_space<vmem>>, vector<16xf32>,
          tpu.vector_store %arg10[%swap3A_1248], %add3A_1247 {add = true, strides = array<i32>} : memref<2048xf32, #tpu.memory_space<vmem>>, vector<16xf32>,
          %add3A_1250 = arith.constant 96 : i32
          %add3A_1251 = arith.addi %multiple_of3A_991, %add3A_1250 : i32
          %get3A_1252 = arith.constant 0 : i32
          %get3A_1253 = arith.index_cast %get3A_1252 : i32 to index
          %get3A_1254 = arith.index_cast %add3A_1251 : i32 to index
          %get3A_1255 = tpu.vector_load %arg9[%get3A_1253, %get3A_1254] {strides = array<i32>} : memref<8x2048xf32, #tpu.memory_space<vmem>>, vector<16xf32>,
          %get3A_1256 = arith.constant 1 : i32
          %get3A_1257 = arith.index_cast %get3A_1256 : i32 to index
          %get3A_1258 = arith.index_cast %add3A_1251 : i32 to index
          %get3A_1259 = tpu.vector_load %arg9[%get3A_1257, %get3A_1258] {strides = array<i32>} : memref<8x2048xf32, #tpu.memory_space<vmem>>, vector<16xf32>,
          %add3A_1260 = arith.addf %get3A_1255, %get3A_1259 : vector<16xf32>
          %get3A_1261 = arith.constant 2 : i32
          %get3A_1262 = arith.index_cast %get3A_1261 : i32 to index
          %get3A_1263 = arith.index_cast %add3A_1251 : i32 to index
          %get3A_1264 = tpu.vector_load %arg9[%get3A_1262, %get3A_1263] {strides = array<i32>} : memref<8x2048xf32, #tpu.memory_space<vmem>>, vector<16xf32>,
          %add3A_1265 = arith.addf %add3A_1260, %get3A_1264 : vector<16xf32>
          %get3A_1266 = arith.constant 3 : i32
          %get3A_1267 = arith.index_cast %get3A_1266 : i32 to index
          %get3A_1268 = arith.index_cast %add3A_1251 : i32 to index
          %get3A_1269 = tpu.vector_load %arg9[%get3A_1267, %get3A_1268] {strides = array<i32>} : memref<8x2048xf32, #tpu.memory_space<vmem>>, vector<16xf32>,
          %add3A_1270 = arith.addf %add3A_1265, %get3A_1269 : vector<16xf32>
          %get3A_1271 = arith.constant 4 : i32
          %get3A_1272 = arith.index_cast %get3A_1271 : i32 to index
          %get3A_1273 = arith.index_cast %add3A_1251 : i32 to index
          %get3A_1274 = tpu.vector_load %arg9[%get3A_1272, %get3A_1273] {strides = array<i32>} : memref<8x2048xf32, #tpu.memory_space<vmem>>, vector<16xf32>,
          %add3A_1275 = arith.addf %add3A_1270, %get3A_1274 : vector<16xf32>
          %get3A_1276 = arith.constant 5 : i32
          %get3A_1277 = arith.index_cast %get3A_1276 : i32 to index
          %get3A_1278 = arith.index_cast %add3A_1251 : i32 to index
          %get3A_1279 = tpu.vector_load %arg9[%get3A_1277, %get3A_1278] {strides = array<i32>} : memref<8x2048xf32, #tpu.memory_space<vmem>>, vector<16xf32>,
          %add3A_1280 = arith.addf %add3A_1275, %get3A_1279 : vector<16xf32>
          %get3A_1281 = arith.constant 6 : i32
          %get3A_1282 = arith.index_cast %get3A_1281 : i32 to index
          %get3A_1283 = arith.index_cast %add3A_1251 : i32 to index
          %get3A_1284 = tpu.vector_load %arg9[%get3A_1282, %get3A_1283] {strides = array<i32>} : memref<8x2048xf32, #tpu.memory_space<vmem>>, vector<16xf32>,
          %add3A_1285 = arith.addf %add3A_1280, %get3A_1284 : vector<16xf32>
          %get3A_1286 = arith.constant 7 : i32
          %get3A_1287 = arith.index_cast %get3A_1286 : i32 to index
          %get3A_1288 = arith.index_cast %add3A_1251 : i32 to index
          %get3A_1289 = tpu.vector_load %arg9[%get3A_1287, %get3A_1288] {strides = array<i32>} : memref<8x2048xf32, #tpu.memory_space<vmem>>, vector<16xf32>,
          %add3A_1290 = arith.addf %add3A_1285, %get3A_1289 : vector<16xf32>
          %swap3A_1291 = arith.index_cast %add3A_1251 : i32 to index
          %swap3A_1292 = tpu.vector_load %arg10[%swap3A_1291] {strides = array<i32>} : memref<2048xf32, #tpu.memory_space<vmem>>, vector<16xf32>,
          tpu.vector_store %arg10[%swap3A_1291], %add3A_1290 {add = true, strides = array<i32>} : memref<2048xf32, #tpu.memory_space<vmem>>, vector<16xf32>,
          %add3A_1293 = arith.constant 112 : i32
          %add3A_1294 = arith.addi %multiple_of3A_991, %add3A_1293 : i32
          %get3A_1295 = arith.constant 0 : i32
          %get3A_1296 = arith.index_cast %get3A_1295 : i32 to index
          %get3A_1297 = arith.index_cast %add3A_1294 : i32 to index
          %get3A_1298 = tpu.vector_load %arg9[%get3A_1296, %get3A_1297] {strides = array<i32>} : memref<8x2048xf32, #tpu.memory_space<vmem>>, vector<16xf32>,
          %get3A_1299 = arith.constant 1 : i32
          %get3A_1300 = arith.index_cast %get3A_1299 : i32 to index
          %get3A_1301 = arith.index_cast %add3A_1294 : i32 to index
          %get3A_1302 = tpu.vector_load %arg9[%get3A_1300, %get3A_1301] {strides = array<i32>} : memref<8x2048xf32, #tpu.memory_space<vmem>>, vector<16xf32>,
          %add3A_1303 = arith.addf %get3A_1298, %get3A_1302 : vector<16xf32>
          %get3A_1304 = arith.constant 2 : i32
          %get3A_1305 = arith.index_cast %get3A_1304 : i32 to index
          %get3A_1306 = arith.index_cast %add3A_1294 : i32 to index
          %get3A_1307 = tpu.vector_load %arg9[%get3A_1305, %get3A_1306] {strides = array<i32>} : memref<8x2048xf32, #tpu.memory_space<vmem>>, vector<16xf32>,
          %add3A_1308 = arith.addf %add3A_1303, %get3A_1307 : vector<16xf32>
          %get3A_1309 = arith.constant 3 : i32
          %get3A_1310 = arith.index_cast %get3A_1309 : i32 to index
          %get3A_1311 = arith.index_cast %add3A_1294 : i32 to index
          %get3A_1312 = tpu.vector_load %arg9[%get3A_1310, %get3A_1311] {strides = array<i32>} : memref<8x2048xf32, #tpu.memory_space<vmem>>, vector<16xf32>,
          %add3A_1313 = arith.addf %add3A_1308, %get3A_1312 : vector<16xf32>
          %get3A_1314 = arith.constant 4 : i32
          %get3A_1315 = arith.index_cast %get3A_1314 : i32 to index
          %get3A_1316 = arith.index_cast %add3A_1294 : i32 to index
          %get3A_1317 = tpu.vector_load %arg9[%get3A_1315, %get3A_1316] {strides = array<i32>} : memref<8x2048xf32, #tpu.memory_space<vmem>>, vector<16xf32>,
          %add3A_1318 = arith.addf %add3A_1313, %get3A_1317 : vector<16xf32>
          %get3A_1319 = arith.constant 5 : i32
          %get3A_1320 = arith.index_cast %get3A_1319 : i32 to index
          %get3A_1321 = arith.index_cast %add3A_1294 : i32 to index
          %get3A_1322 = tpu.vector_load %arg9[%get3A_1320, %get3A_1321] {strides = array<i32>} : memref<8x2048xf32, #tpu.memory_space<vmem>>, vector<16xf32>,
          %add3A_1323 = arith.addf %add3A_1318, %get3A_1322 : vector<16xf32>
          %get3A_1324 = arith.constant 6 : i32
          %get3A_1325 = arith.index_cast %get3A_1324 : i32 to index
          %get3A_1326 = arith.index_cast %add3A_1294 : i32 to index
          %get3A_1327 = tpu.vector_load %arg9[%get3A_1325, %get3A_1326] {strides = array<i32>} : memref<8x2048xf32, #tpu.memory_space<vmem>>, vector<16xf32>,
          %add3A_1328 = arith.addf %add3A_1323, %get3A_1327 : vector<16xf32>
          %get3A_1329 = arith.constant 7 : i32
          %get3A_1330 = arith.index_cast %get3A_1329 : i32 to index
          %get3A_1331 = arith.index_cast %add3A_1294 : i32 to index
          %get3A_1332 = tpu.vector_load %arg9[%get3A_1330, %get3A_1331] {strides = array<i32>} : memref<8x2048xf32, #tpu.memory_space<vmem>>, vector<16xf32>,
          %add3A_1333 = arith.addf %add3A_1328, %get3A_1332 : vector<16xf32>
          %swap3A_1334 = arith.index_cast %add3A_1294 : i32 to index
          %swap3A_1335 = tpu.vector_load %arg10[%swap3A_1334] {strides = array<i32>} : memref<2048xf32, #tpu.memory_space<vmem>>, vector<16xf32>,
          tpu.vector_store %arg10[%swap3A_1334], %add3A_1333 {add = true, strides = array<i32>} : memref<2048xf32, #tpu.memory_space<vmem>>, vector<16xf32>,
        }
        %scan3A_987 = arith.constant 16 : i32
      } else {
      }
    }
    %while3A_340 = arith.constant 1 : i32
    scf.for %while3A_959 = %while3A_338 to %while3A_334 step %while3A_340  : i32 {
      %rem3A_960 = arith.constant 2 : i32
      %rem3A_961 = arith.remsi %while3A_959, %rem3A_960 : i32
      %eq3A_962 = arith.constant 0 : i32
      %eq3A_963 = arith.cmpi eq, %rem3A_961, %eq3A_962 : i32
      %add3A_964 = arith.constant 1 : i32
      %add3A_965 = arith.addi %while3A_959, %add3A_964 : i32
      %lt3A_966 = arith.cmpi slt, %add3A_965, %select_n3A_329 : i32
      %convert_element_type3A_967 = arith.extui %lt3A_966 : i1 to i32
      %cond3A_968 = arith.constant 0 : i32
      %cond3A_969 = arith.cmpi ne, %convert_element_type3A_967, %cond3A_968 : i32
      scf.if %cond3A_969 {
        %convert_element_type3A_977 = arith.extui %eq3A_963 : i1 to i32
        %cond3A_978 = arith.constant 0 : i32
        %cond3A_979 = arith.cmpi ne, %convert_element_type3A_977, %cond3A_978 : i32
        scf.if %cond3A_979 {
          %add3A_985 = arith.constant 1 : i32
          %add3A_986 = arith.addi %while3A_959, %add3A_985 : i32
          %mul3A_987 = arith.constant 8 : i32
          %mul3A_988 = arith.muli %add3A_986, %mul3A_987 : i32
          %multiple_of3A_989 = tpu.assume_multiple %mul3A_988, 8 : i32
          %dma_start3A_990 = tpu.memref_slice %arg7[%multiple_of3A_989] : memref<528xi32, #tpu.memory_space<vmem>> -> memref<8xi32, #tpu.memory_space<vmem>>
          %dma_start3A_991 = arith.constant 0 : i32
          %dma_start3A_992 = arith.constant 0 : i32
          %dma_start3A_993 = tpu.memref_slice %arg2[%dma_start3A_991, %dma_start3A_992] : memref<16384x2048xf32, #tpu.memory_space<hbm>> -> memref<16384x2048xf32, #tpu.memory_space<hbm>>
          tpu.enqueue_indirect_dma source(%dma_start3A_993 : memref<16384x2048xf32, #tpu.memory_space<hbm>>) target(%arg9 : memref<8x2048xf32, #tpu.memory_space<vmem>>) offsets(%dma_start3A_990 : memref<8xi32, #tpu.memory_space<vmem>>) semaphore(%arg15 : memref<!tpu.dma_semaphore, #tpu.memory_space<semaphore_mem>>)
        } else {
        }
        %not3A_980 = arith.constant true
        %not3A_981 = arith.xori %eq3A_963, %not3A_980 : i1
        %convert_element_type3A_982 = arith.extui %not3A_981 : i1 to i32
        %cond3A_983 = arith.constant 0 : i32
        %cond3A_984 = arith.cmpi ne, %convert_element_type3A_982, %cond3A_983 : i32
        scf.if %cond3A_984 {
          %add3A_985 = arith.constant 1 : i32
          %add3A_986 = arith.addi %while3A_959, %add3A_985 : i32
          %mul3A_987 = arith.constant 8 : i32
          %mul3A_988 = arith.muli %add3A_986, %mul3A_987 : i32
          %multiple_of3A_989 = tpu.assume_multiple %mul3A_988, 8 : i32
          %dma_start3A_990 = tpu.memref_slice %arg7[%multiple_of3A_989] : memref<528xi32, #tpu.memory_space<vmem>> -> memref<8xi32, #tpu.memory_space<vmem>>
          %dma_start3A_991 = arith.constant 0 : i32
          %dma_start3A_992 = arith.constant 0 : i32
          %dma_start3A_993 = tpu.memref_slice %arg2[%dma_start3A_991, %dma_start3A_992] : memref<16384x2048xf32, #tpu.memory_space<hbm>> -> memref<16384x2048xf32, #tpu.memory_space<hbm>>
          tpu.enqueue_indirect_dma source(%dma_start3A_993 : memref<16384x2048xf32, #tpu.memory_space<hbm>>) target(%arg8 : memref<8x2048xf32, #tpu.memory_space<vmem>>) offsets(%dma_start3A_990 : memref<8xi32, #tpu.memory_space<vmem>>) semaphore(%arg14 : memref<!tpu.dma_semaphore, #tpu.memory_space<semaphore_mem>>)
        } else {
        }
      } else {
      }
      %convert_element_type3A_970 = arith.extui %eq3A_963 : i1 to i32
      %cond3A_971 = arith.constant 0 : i32
      %cond3A_972 = arith.cmpi ne, %convert_element_type3A_970, %cond3A_971 : i32
      scf.if %cond3A_972 {
        %dma_wait3A_977 = arith.constant 0 : i32
        %dma_wait3A_978 = tpu.memref_slice %arg7[%dma_wait3A_977] : memref<528xi32, #tpu.memory_space<vmem>> -> memref<8xi32, #tpu.memory_space<vmem>>
        %dma_wait3A_979 = arith.constant 0 : i32
        %dma_wait3A_980 = arith.constant 0 : i32
        %dma_wait3A_981 = tpu.memref_slice %arg2[%dma_wait3A_979, %dma_wait3A_980] : memref<16384x2048xf32, #tpu.memory_space<hbm>> -> memref<16384x2048xf32, #tpu.memory_space<hbm>>
        tpu.wait_indirect_dma semaphore(%arg14 : memref<!tpu.dma_semaphore, #tpu.memory_space<semaphore_mem>>) src(%dma_wait3A_981 : memref<16384x2048xf32, #tpu.memory_space<hbm>>) dst(%arg8 : memref<8x2048xf32, #tpu.memory_space<vmem>>)
        %scan3A_982 = arith.constant 0 : i32
        %scan3A_983 = arith.constant 0 : i32
        %scan3A_984 = arith.constant 16 : i32
        %scan3A_985 = arith.addi %scan3A_983, %scan3A_984 : i32
        %scan3A_986 = arith.constant 1 : i32
        scf.for %scan3A_988 = %scan3A_983 to %scan3A_985 step %scan3A_986  : i32 {
          %mul3A_989 = arith.constant 128 : i32
          %mul3A_990 = arith.muli %scan3A_988, %mul3A_989 : i32
          %multiple_of3A_991 = tpu.assume_multiple %mul3A_990, 128 : i32
          %add3A_992 = arith.constant 0 : i32
          %add3A_993 = arith.addi %multiple_of3A_991, %add3A_992 : i32
          %get3A_994 = arith.constant 0 : i32
          %get3A_995 = arith.index_cast %get3A_994 : i32 to index
          %get3A_996 = arith.index_cast %add3A_993 : i32 to index
          %get3A_997 = tpu.vector_load %arg8[%get3A_995, %get3A_996] {strides = array<i32>} : memref<8x2048xf32, #tpu.memory_space<vmem>>, vector<16xf32>,
          %get3A_998 = arith.constant 1 : i32
          %get3A_999 = arith.index_cast %get3A_998 : i32 to index
          %get3A_1000 = arith.index_cast %add3A_993 : i32 to index
          %get3A_1001 = tpu.vector_load %arg8[%get3A_999, %get3A_1000] {strides = array<i32>} : memref<8x2048xf32, #tpu.memory_space<vmem>>, vector<16xf32>,
          %add3A_1002 = arith.addf %get3A_997, %get3A_1001 : vector<16xf32>
          %get3A_1003 = arith.constant 2 : i32
          %get3A_1004 = arith.index_cast %get3A_1003 : i32 to index
          %get3A_1005 = arith.index_cast %add3A_993 : i32 to index
          %get3A_1006 = tpu.vector_load %arg8[%get3A_1004, %get3A_1005] {strides = array<i32>} : memref<8x2048xf32, #tpu.memory_space<vmem>>, vector<16xf32>,
          %add3A_1007 = arith.addf %add3A_1002, %get3A_1006 : vector<16xf32>
          %get3A_1008 = arith.constant 3 : i32
          %get3A_1009 = arith.index_cast %get3A_1008 : i32 to index
          %get3A_1010 = arith.index_cast %add3A_993 : i32 to index
          %get3A_1011 = tpu.vector_load %arg8[%get3A_1009, %get3A_1010] {strides = array<i32>} : memref<8x2048xf32, #tpu.memory_space<vmem>>, vector<16xf32>,
          %add3A_1012 = arith.addf %add3A_1007, %get3A_1011 : vector<16xf32>
          %get3A_1013 = arith.constant 4 : i32
          %get3A_1014 = arith.index_cast %get3A_1013 : i32 to index
          %get3A_1015 = arith.index_cast %add3A_993 : i32 to index
          %get3A_1016 = tpu.vector_load %arg8[%get3A_1014, %get3A_1015] {strides = array<i32>} : memref<8x2048xf32, #tpu.memory_space<vmem>>, vector<16xf32>,
          %add3A_1017 = arith.addf %add3A_1012, %get3A_1016 : vector<16xf32>
          %get3A_1018 = arith.constant 5 : i32
          %get3A_1019 = arith.index_cast %get3A_1018 : i32 to index
          %get3A_1020 = arith.index_cast %add3A_993 : i32 to index
          %get3A_1021 = tpu.vector_load %arg8[%get3A_1019, %get3A_1020] {strides = array<i32>} : memref<8x2048xf32, #tpu.memory_space<vmem>>, vector<16xf32>,
          %add3A_1022 = arith.addf %add3A_1017, %get3A_1021 : vector<16xf32>
          %get3A_1023 = arith.constant 6 : i32
          %get3A_1024 = arith.index_cast %get3A_1023 : i32 to index
          %get3A_1025 = arith.index_cast %add3A_993 : i32 to index
          %get3A_1026 = tpu.vector_load %arg8[%get3A_1024, %get3A_1025] {strides = array<i32>} : memref<8x2048xf32, #tpu.memory_space<vmem>>, vector<16xf32>,
          %add3A_1027 = arith.addf %add3A_1022, %get3A_1026 : vector<16xf32>
          %get3A_1028 = arith.constant 7 : i32
          %get3A_1029 = arith.index_cast %get3A_1028 : i32 to index
          %get3A_1030 = arith.index_cast %add3A_993 : i32 to index
          %get3A_1031 = tpu.vector_load %arg8[%get3A_1029, %get3A_1030] {strides = array<i32>} : memref<8x2048xf32, #tpu.memory_space<vmem>>, vector<16xf32>,
          %add3A_1032 = arith.addf %add3A_1027, %get3A_1031 : vector<16xf32>
          %swap3A_1033 = arith.index_cast %add3A_993 : i32 to index
          %swap3A_1034 = tpu.vector_load %arg10[%swap3A_1033] {strides = array<i32>} : memref<2048xf32, #tpu.memory_space<vmem>>, vector<16xf32>,
          tpu.vector_store %arg10[%swap3A_1033], %add3A_1032 {add = true, strides = array<i32>} : memref<2048xf32, #tpu.memory_space<vmem>>, vector<16xf32>,
          %add3A_1035 = arith.constant 16 : i32
          %add3A_1036 = arith.addi %multiple_of3A_991, %add3A_1035 : i32
          %get3A_1037 = arith.constant 0 : i32
          %get3A_1038 = arith.index_cast %get3A_1037 : i32 to index
          %get3A_1039 = arith.index_cast %add3A_1036 : i32 to index
          %get3A_1040 = tpu.vector_load %arg8[%get3A_1038, %get3A_1039] {strides = array<i32>} : memref<8x2048xf32, #tpu.memory_space<vmem>>, vector<16xf32>,
          %get3A_1041 = arith.constant 1 : i32
          %get3A_1042 = arith.index_cast %get3A_1041 : i32 to index
          %get3A_1043 = arith.index_cast %add3A_1036 : i32 to index
          %get3A_1044 = tpu.vector_load %arg8[%get3A_1042, %get3A_1043] {strides = array<i32>} : memref<8x2048xf32, #tpu.memory_space<vmem>>, vector<16xf32>,
          %add3A_1045 = arith.addf %get3A_1040, %get3A_1044 : vector<16xf32>
          %get3A_1046 = arith.constant 2 : i32
          %get3A_1047 = arith.index_cast %get3A_1046 : i32 to index
          %get3A_1048 = arith.index_cast %add3A_1036 : i32 to index
          %get3A_1049 = tpu.vector_load %arg8[%get3A_1047, %get3A_1048] {strides = array<i32>} : memref<8x2048xf32, #tpu.memory_space<vmem>>, vector<16xf32>,
          %add3A_1050 = arith.addf %add3A_1045, %get3A_1049 : vector<16xf32>
          %get3A_1051 = arith.constant 3 : i32
          %get3A_1052 = arith.index_cast %get3A_1051 : i32 to index
          %get3A_1053 = arith.index_cast %add3A_1036 : i32 to index
          %get3A_1054 = tpu.vector_load %arg8[%get3A_1052, %get3A_1053] {strides = array<i32>} : memref<8x2048xf32, #tpu.memory_space<vmem>>, vector<16xf32>,
          %add3A_1055 = arith.addf %add3A_1050, %get3A_1054 : vector<16xf32>
          %get3A_1056 = arith.constant 4 : i32
          %get3A_1057 = arith.index_cast %get3A_1056 : i32 to index
          %get3A_1058 = arith.index_cast %add3A_1036 : i32 to index
          %get3A_1059 = tpu.vector_load %arg8[%get3A_1057, %get3A_1058] {strides = array<i32>} : memref<8x2048xf32, #tpu.memory_space<vmem>>, vector<16xf32>,
          %add3A_1060 = arith.addf %add3A_1055, %get3A_1059 : vector<16xf32>
          %get3A_1061 = arith.constant 5 : i32
          %get3A_1062 = arith.index_cast %get3A_1061 : i32 to index
          %get3A_1063 = arith.index_cast %add3A_1036 : i32 to index
          %get3A_1064 = tpu.vector_load %arg8[%get3A_1062, %get3A_1063] {strides = array<i32>} : memref<8x2048xf32, #tpu.memory_space<vmem>>, vector<16xf32>,
          %add3A_1065 = arith.addf %add3A_1060, %get3A_1064 : vector<16xf32>
          %get3A_1066 = arith.constant 6 : i32
          %get3A_1067 = arith.index_cast %get3A_1066 : i32 to index
          %get3A_1068 = arith.index_cast %add3A_1036 : i32 to index
          %get3A_1069 = tpu.vector_load %arg8[%get3A_1067, %get3A_1068] {strides = array<i32>} : memref<8x2048xf32, #tpu.memory_space<vmem>>, vector<16xf32>,
          %add3A_1070 = arith.addf %add3A_1065, %get3A_1069 : vector<16xf32>
          %get3A_1071 = arith.constant 7 : i32
          %get3A_1072 = arith.index_cast %get3A_1071 : i32 to index
          %get3A_1073 = arith.index_cast %add3A_1036 : i32 to index
          %get3A_1074 = tpu.vector_load %arg8[%get3A_1072, %get3A_1073] {strides = array<i32>} : memref<8x2048xf32, #tpu.memory_space<vmem>>, vector<16xf32>,
          %add3A_1075 = arith.addf %add3A_1070, %get3A_1074 : vector<16xf32>
          %swap3A_1076 = arith.index_cast %add3A_1036 : i32 to index
          %swap3A_1077 = tpu.vector_load %arg10[%swap3A_1076] {strides = array<i32>} : memref<2048xf32, #tpu.memory_space<vmem>>, vector<16xf32>,
          tpu.vector_store %arg10[%swap3A_1076], %add3A_1075 {add = true, strides = array<i32>} : memref<2048xf32, #tpu.memory_space<vmem>>, vector<16xf32>,
          %add3A_1078 = arith.constant 32 : i32
          %add3A_1079 = arith.addi %multiple_of3A_991, %add3A_1078 : i32
          %get3A_1080 = arith.constant 0 : i32
          %get3A_1081 = arith.index_cast %get3A_1080 : i32 to index
          %get3A_1082 = arith.index_cast %add3A_1079 : i32 to index
          %get3A_1083 = tpu.vector_load %arg8[%get3A_1081, %get3A_1082] {strides = array<i32>} : memref<8x2048xf32, #tpu.memory_space<vmem>>, vector<16xf32>,
          %get3A_1084 = arith.constant 1 : i32
          %get3A_1085 = arith.index_cast %get3A_1084 : i32 to index
          %get3A_1086 = arith.index_cast %add3A_1079 : i32 to index
          %get3A_1087 = tpu.vector_load %arg8[%get3A_1085, %get3A_1086] {strides = array<i32>} : memref<8x2048xf32, #tpu.memory_space<vmem>>, vector<16xf32>,
          %add3A_1088 = arith.addf %get3A_1083, %get3A_1087 : vector<16xf32>
          %get3A_1089 = arith.constant 2 : i32
          %get3A_1090 = arith.index_cast %get3A_1089 : i32 to index
          %get3A_1091 = arith.index_cast %add3A_1079 : i32 to index
          %get3A_1092 = tpu.vector_load %arg8[%get3A_1090, %get3A_1091] {strides = array<i32>} : memref<8x2048xf32, #tpu.memory_space<vmem>>, vector<16xf32>,
          %add3A_1093 = arith.addf %add3A_1088, %get3A_1092 : vector<16xf32>
          %get3A_1094 = arith.constant 3 : i32
          %get3A_1095 = arith.index_cast %get3A_1094 : i32 to index
          %get3A_1096 = arith.index_cast %add3A_1079 : i32 to index
          %get3A_1097 = tpu.vector_load %arg8[%get3A_1095, %get3A_1096] {strides = array<i32>} : memref<8x2048xf32, #tpu.memory_space<vmem>>, vector<16xf32>,
          %add3A_1098 = arith.addf %add3A_1093, %get3A_1097 : vector<16xf32>
          %get3A_1099 = arith.constant 4 : i32
          %get3A_1100 = arith.index_cast %get3A_1099 : i32 to index
          %get3A_1101 = arith.index_cast %add3A_1079 : i32 to index
          %get3A_1102 = tpu.vector_load %arg8[%get3A_1100, %get3A_1101] {strides = array<i32>} : memref<8x2048xf32, #tpu.memory_space<vmem>>, vector<16xf32>,
          %add3A_1103 = arith.addf %add3A_1098, %get3A_1102 : vector<16xf32>
          %get3A_1104 = arith.constant 5 : i32
          %get3A_1105 = arith.index_cast %get3A_1104 : i32 to index
          %get3A_1106 = arith.index_cast %add3A_1079 : i32 to index
          %get3A_1107 = tpu.vector_load %arg8[%get3A_1105, %get3A_1106] {strides = array<i32>} : memref<8x2048xf32, #tpu.memory_space<vmem>>, vector<16xf32>,
          %add3A_1108 = arith.addf %add3A_1103, %get3A_1107 : vector<16xf32>
          %get3A_1109 = arith.constant 6 : i32
          %get3A_1110 = arith.index_cast %get3A_1109 : i32 to index
          %get3A_1111 = arith.index_cast %add3A_1079 : i32 to index
          %get3A_1112 = tpu.vector_load %arg8[%get3A_1110, %get3A_1111] {strides = array<i32>} : memref<8x2048xf32, #tpu.memory_space<vmem>>, vector<16xf32>,
          %add3A_1113 = arith.addf %add3A_1108, %get3A_1112 : vector<16xf32>
          %get3A_1114 = arith.constant 7 : i32
          %get3A_1115 = arith.index_cast %get3A_1114 : i32 to index
          %get3A_1116 = arith.index_cast %add3A_1079 : i32 to index
          %get3A_1117 = tpu.vector_load %arg8[%get3A_1115, %get3A_1116] {strides = array<i32>} : memref<8x2048xf32, #tpu.memory_space<vmem>>, vector<16xf32>,
          %add3A_1118 = arith.addf %add3A_1113, %get3A_1117 : vector<16xf32>
          %swap3A_1119 = arith.index_cast %add3A_1079 : i32 to index
          %swap3A_1120 = tpu.vector_load %arg10[%swap3A_1119] {strides = array<i32>} : memref<2048xf32, #tpu.memory_space<vmem>>, vector<16xf32>,
          tpu.vector_store %arg10[%swap3A_1119], %add3A_1118 {add = true, strides = array<i32>} : memref<2048xf32, #tpu.memory_space<vmem>>, vector<16xf32>,
          %add3A_1121 = arith.constant 48 : i32
          %add3A_1122 = arith.addi %multiple_of3A_991, %add3A_1121 : i32
          %get3A_1123 = arith.constant 0 : i32
          %get3A_1124 = arith.index_cast %get3A_1123 : i32 to index
          %get3A_1125 = arith.index_cast %add3A_1122 : i32 to index
          %get3A_1126 = tpu.vector_load %arg8[%get3A_1124, %get3A_1125] {strides = array<i32>} : memref<8x2048xf32, #tpu.memory_space<vmem>>, vector<16xf32>,
          %get3A_1127 = arith.constant 1 : i32
          %get3A_1128 = arith.index_cast %get3A_1127 : i32 to index
          %get3A_1129 = arith.index_cast %add3A_1122 : i32 to index
          %get3A_1130 = tpu.vector_load %arg8[%get3A_1128, %get3A_1129] {strides = array<i32>} : memref<8x2048xf32, #tpu.memory_space<vmem>>, vector<16xf32>,
          %add3A_1131 = arith.addf %get3A_1126, %get3A_1130 : vector<16xf32>
          %get3A_1132 = arith.constant 2 : i32
          %get3A_1133 = arith.index_cast %get3A_1132 : i32 to index
          %get3A_1134 = arith.index_cast %add3A_1122 : i32 to index
          %get3A_1135 = tpu.vector_load %arg8[%get3A_1133, %get3A_1134] {strides = array<i32>} : memref<8x2048xf32, #tpu.memory_space<vmem>>, vector<16xf32>,
          %add3A_1136 = arith.addf %add3A_1131, %get3A_1135 : vector<16xf32>
          %get3A_1137 = arith.constant 3 : i32
          %get3A_1138 = arith.index_cast %get3A_1137 : i32 to index
          %get3A_1139 = arith.index_cast %add3A_1122 : i32 to index
          %get3A_1140 = tpu.vector_load %arg8[%get3A_1138, %get3A_1139] {strides = array<i32>} : memref<8x2048xf32, #tpu.memory_space<vmem>>, vector<16xf32>,
          %add3A_1141 = arith.addf %add3A_1136, %get3A_1140 : vector<16xf32>
          %get3A_1142 = arith.constant 4 : i32
          %get3A_1143 = arith.index_cast %get3A_1142 : i32 to index
          %get3A_1144 = arith.index_cast %add3A_1122 : i32 to index
          %get3A_1145 = tpu.vector_load %arg8[%get3A_1143, %get3A_1144] {strides = array<i32>} : memref<8x2048xf32, #tpu.memory_space<vmem>>, vector<16xf32>,
          %add3A_1146 = arith.addf %add3A_1141, %get3A_1145 : vector<16xf32>
          %get3A_1147 = arith.constant 5 : i32
          %get3A_1148 = arith.index_cast %get3A_1147 : i32 to index
          %get3A_1149 = arith.index_cast %add3A_1122 : i32 to index
          %get3A_1150 = tpu.vector_load %arg8[%get3A_1148, %get3A_1149] {strides = array<i32>} : memref<8x2048xf32, #tpu.memory_space<vmem>>, vector<16xf32>,
          %add3A_1151 = arith.addf %add3A_1146, %get3A_1150 : vector<16xf32>
          %get3A_1152 = arith.constant 6 : i32
          %get3A_1153 = arith.index_cast %get3A_1152 : i32 to index
          %get3A_1154 = arith.index_cast %add3A_1122 : i32 to index
          %get3A_1155 = tpu.vector_load %arg8[%get3A_1153, %get3A_1154] {strides = array<i32>} : memref<8x2048xf32, #tpu.memory_space<vmem>>, vector<16xf32>,
          %add3A_1156 = arith.addf %add3A_1151, %get3A_1155 : vector<16xf32>
          %get3A_1157 = arith.constant 7 : i32
          %get3A_1158 = arith.index_cast %get3A_1157 : i32 to index
          %get3A_1159 = arith.index_cast %add3A_1122 : i32 to index
          %get3A_1160 = tpu.vector_load %arg8[%get3A_1158, %get3A_1159] {strides = array<i32>} : memref<8x2048xf32, #tpu.memory_space<vmem>>, vector<16xf32>,
          %add3A_1161 = arith.addf %add3A_1156, %get3A_1160 : vector<16xf32>
          %swap3A_1162 = arith.index_cast %add3A_1122 : i32 to index
          %swap3A_1163 = tpu.vector_load %arg10[%swap3A_1162] {strides = array<i32>} : memref<2048xf32, #tpu.memory_space<vmem>>, vector<16xf32>,
          tpu.vector_store %arg10[%swap3A_1162], %add3A_1161 {add = true, strides = array<i32>} : memref<2048xf32, #tpu.memory_space<vmem>>, vector<16xf32>,
          %add3A_1164 = arith.constant 64 : i32
          %add3A_1165 = arith.addi %multiple_of3A_991, %add3A_1164 : i32
          %get3A_1166 = arith.constant 0 : i32
          %get3A_1167 = arith.index_cast %get3A_1166 : i32 to index
          %get3A_1168 = arith.index_cast %add3A_1165 : i32 to index
          %get3A_1169 = tpu.vector_load %arg8[%get3A_1167, %get3A_1168] {strides = array<i32>} : memref<8x2048xf32, #tpu.memory_space<vmem>>, vector<16xf32>,
          %get3A_1170 = arith.constant 1 : i32
          %get3A_1171 = arith.index_cast %get3A_1170 : i32 to index
          %get3A_1172 = arith.index_cast %add3A_1165 : i32 to index
          %get3A_1173 = tpu.vector_load %arg8[%get3A_1171, %get3A_1172] {strides = array<i32>} : memref<8x2048xf32, #tpu.memory_space<vmem>>, vector<16xf32>,
          %add3A_1174 = arith.addf %get3A_1169, %get3A_1173 : vector<16xf32>
          %get3A_1175 = arith.constant 2 : i32
          %get3A_1176 = arith.index_cast %get3A_1175 : i32 to index
          %get3A_1177 = arith.index_cast %add3A_1165 : i32 to index
          %get3A_1178 = tpu.vector_load %arg8[%get3A_1176, %get3A_1177] {strides = array<i32>} : memref<8x2048xf32, #tpu.memory_space<vmem>>, vector<16xf32>,
          %add3A_1179 = arith.addf %add3A_1174, %get3A_1178 : vector<16xf32>
          %get3A_1180 = arith.constant 3 : i32
          %get3A_1181 = arith.index_cast %get3A_1180 : i32 to index
          %get3A_1182 = arith.index_cast %add3A_1165 : i32 to index
          %get3A_1183 = tpu.vector_load %arg8[%get3A_1181, %get3A_1182] {strides = array<i32>} : memref<8x2048xf32, #tpu.memory_space<vmem>>, vector<16xf32>,
          %add3A_1184 = arith.addf %add3A_1179, %get3A_1183 : vector<16xf32>
          %get3A_1185 = arith.constant 4 : i32
          %get3A_1186 = arith.index_cast %get3A_1185 : i32 to index
          %get3A_1187 = arith.index_cast %add3A_1165 : i32 to index
          %get3A_1188 = tpu.vector_load %arg8[%get3A_1186, %get3A_1187] {strides = array<i32>} : memref<8x2048xf32, #tpu.memory_space<vmem>>, vector<16xf32>,
          %add3A_1189 = arith.addf %add3A_1184, %get3A_1188 : vector<16xf32>
          %get3A_1190 = arith.constant 5 : i32
          %get3A_1191 = arith.index_cast %get3A_1190 : i32 to index
          %get3A_1192 = arith.index_cast %add3A_1165 : i32 to index
          %get3A_1193 = tpu.vector_load %arg8[%get3A_1191, %get3A_1192] {strides = array<i32>} : memref<8x2048xf32, #tpu.memory_space<vmem>>, vector<16xf32>,
          %add3A_1194 = arith.addf %add3A_1189, %get3A_1193 : vector<16xf32>
          %get3A_1195 = arith.constant 6 : i32
          %get3A_1196 = arith.index_cast %get3A_1195 : i32 to index
          %get3A_1197 = arith.index_cast %add3A_1165 : i32 to index
          %get3A_1198 = tpu.vector_load %arg8[%get3A_1196, %get3A_1197] {strides = array<i32>} : memref<8x2048xf32, #tpu.memory_space<vmem>>, vector<16xf32>,
          %add3A_1199 = arith.addf %add3A_1194, %get3A_1198 : vector<16xf32>
          %get3A_1200 = arith.constant 7 : i32
          %get3A_1201 = arith.index_cast %get3A_1200 : i32 to index
          %get3A_1202 = arith.index_cast %add3A_1165 : i32 to index
          %get3A_1203 = tpu.vector_load %arg8[%get3A_1201, %get3A_1202] {strides = array<i32>} : memref<8x2048xf32, #tpu.memory_space<vmem>>, vector<16xf32>,
          %add3A_1204 = arith.addf %add3A_1199, %get3A_1203 : vector<16xf32>
          %swap3A_1205 = arith.index_cast %add3A_1165 : i32 to index
          %swap3A_1206 = tpu.vector_load %arg10[%swap3A_1205] {strides = array<i32>} : memref<2048xf32, #tpu.memory_space<vmem>>, vector<16xf32>,
          tpu.vector_store %arg10[%swap3A_1205], %add3A_1204 {add = true, strides = array<i32>} : memref<2048xf32, #tpu.memory_space<vmem>>, vector<16xf32>,
          %add3A_1207 = arith.constant 80 : i32
          %add3A_1208 = arith.addi %multiple_of3A_991, %add3A_1207 : i32
          %get3A_1209 = arith.constant 0 : i32
          %get3A_1210 = arith.index_cast %get3A_1209 : i32 to index
          %get3A_1211 = arith.index_cast %add3A_1208 : i32 to index
          %get3A_1212 = tpu.vector_load %arg8[%get3A_1210, %get3A_1211] {strides = array<i32>} : memref<8x2048xf32, #tpu.memory_space<vmem>>, vector<16xf32>,
          %get3A_1213 = arith.constant 1 : i32
          %get3A_1214 = arith.index_cast %get3A_1213 : i32 to index
          %get3A_1215 = arith.index_cast %add3A_1208 : i32 to index
          %get3A_1216 = tpu.vector_load %arg8[%get3A_1214, %get3A_1215] {strides = array<i32>} : memref<8x2048xf32, #tpu.memory_space<vmem>>, vector<16xf32>,
          %add3A_1217 = arith.addf %get3A_1212, %get3A_1216 : vector<16xf32>
          %get3A_1218 = arith.constant 2 : i32
          %get3A_1219 = arith.index_cast %get3A_1218 : i32 to index
          %get3A_1220 = arith.index_cast %add3A_1208 : i32 to index
          %get3A_1221 = tpu.vector_load %arg8[%get3A_1219, %get3A_1220] {strides = array<i32>} : memref<8x2048xf32, #tpu.memory_space<vmem>>, vector<16xf32>,
          %add3A_1222 = arith.addf %add3A_1217, %get3A_1221 : vector<16xf32>
          %get3A_1223 = arith.constant 3 : i32
          %get3A_1224 = arith.index_cast %get3A_1223 : i32 to index
          %get3A_1225 = arith.index_cast %add3A_1208 : i32 to index
          %get3A_1226 = tpu.vector_load %arg8[%get3A_1224, %get3A_1225] {strides = array<i32>} : memref<8x2048xf32, #tpu.memory_space<vmem>>, vector<16xf32>,
          %add3A_1227 = arith.addf %add3A_1222, %get3A_1226 : vector<16xf32>
          %get3A_1228 = arith.constant 4 : i32
          %get3A_1229 = arith.index_cast %get3A_1228 : i32 to index
          %get3A_1230 = arith.index_cast %add3A_1208 : i32 to index
          %get3A_1231 = tpu.vector_load %arg8[%get3A_1229, %get3A_1230] {strides = array<i32>} : memref<8x2048xf32, #tpu.memory_space<vmem>>, vector<16xf32>,
          %add3A_1232 = arith.addf %add3A_1227, %get3A_1231 : vector<16xf32>
          %get3A_1233 = arith.constant 5 : i32
          %get3A_1234 = arith.index_cast %get3A_1233 : i32 to index
          %get3A_1235 = arith.index_cast %add3A_1208 : i32 to index
          %get3A_1236 = tpu.vector_load %arg8[%get3A_1234, %get3A_1235] {strides = array<i32>} : memref<8x2048xf32, #tpu.memory_space<vmem>>, vector<16xf32>,
          %add3A_1237 = arith.addf %add3A_1232, %get3A_1236 : vector<16xf32>
          %get3A_1238 = arith.constant 6 : i32
          %get3A_1239 = arith.index_cast %get3A_1238 : i32 to index
          %get3A_1240 = arith.index_cast %add3A_1208 : i32 to index
          %get3A_1241 = tpu.vector_load %arg8[%get3A_1239, %get3A_1240] {strides = array<i32>} : memref<8x2048xf32, #tpu.memory_space<vmem>>, vector<16xf32>,
          %add3A_1242 = arith.addf %add3A_1237, %get3A_1241 : vector<16xf32>
          %get3A_1243 = arith.constant 7 : i32
          %get3A_1244 = arith.index_cast %get3A_1243 : i32 to index
          %get3A_1245 = arith.index_cast %add3A_1208 : i32 to index
          %get3A_1246 = tpu.vector_load %arg8[%get3A_1244, %get3A_1245] {strides = array<i32>} : memref<8x2048xf32, #tpu.memory_space<vmem>>, vector<16xf32>,
          %add3A_1247 = arith.addf %add3A_1242, %get3A_1246 : vector<16xf32>
          %swap3A_1248 = arith.index_cast %add3A_1208 : i32 to index
          %swap3A_1249 = tpu.vector_load %arg10[%swap3A_1248] {strides = array<i32>} : memref<2048xf32, #tpu.memory_space<vmem>>, vector<16xf32>,
          tpu.vector_store %arg10[%swap3A_1248], %add3A_1247 {add = true, strides = array<i32>} : memref<2048xf32, #tpu.memory_space<vmem>>, vector<16xf32>,
          %add3A_1250 = arith.constant 96 : i32
          %add3A_1251 = arith.addi %multiple_of3A_991, %add3A_1250 : i32
          %get3A_1252 = arith.constant 0 : i32
          %get3A_1253 = arith.index_cast %get3A_1252 : i32 to index
          %get3A_1254 = arith.index_cast %add3A_1251 : i32 to index
          %get3A_1255 = tpu.vector_load %arg8[%get3A_1253, %get3A_1254] {strides = array<i32>} : memref<8x2048xf32, #tpu.memory_space<vmem>>, vector<16xf32>,
          %get3A_1256 = arith.constant 1 : i32
          %get3A_1257 = arith.index_cast %get3A_1256 : i32 to index
          %get3A_1258 = arith.index_cast %add3A_1251 : i32 to index
          %get3A_1259 = tpu.vector_load %arg8[%get3A_1257, %get3A_1258] {strides = array<i32>} : memref<8x2048xf32, #tpu.memory_space<vmem>>, vector<16xf32>,
          %add3A_1260 = arith.addf %get3A_1255, %get3A_1259 : vector<16xf32>
          %get3A_1261 = arith.constant 2 : i32
          %get3A_1262 = arith.index_cast %get3A_1261 : i32 to index
          %get3A_1263 = arith.index_cast %add3A_1251 : i32 to index
          %get3A_1264 = tpu.vector_load %arg8[%get3A_1262, %get3A_1263] {strides = array<i32>} : memref<8x2048xf32, #tpu.memory_space<vmem>>, vector<16xf32>,
          %add3A_1265 = arith.addf %add3A_1260, %get3A_1264 : vector<16xf32>
          %get3A_1266 = arith.constant 3 : i32
          %get3A_1267 = arith.index_cast %get3A_1266 : i32 to index
          %get3A_1268 = arith.index_cast %add3A_1251 : i32 to index
          %get3A_1269 = tpu.vector_load %arg8[%get3A_1267, %get3A_1268] {strides = array<i32>} : memref<8x2048xf32, #tpu.memory_space<vmem>>, vector<16xf32>,
          %add3A_1270 = arith.addf %add3A_1265, %get3A_1269 : vector<16xf32>
          %get3A_1271 = arith.constant 4 : i32
          %get3A_1272 = arith.index_cast %get3A_1271 : i32 to index
          %get3A_1273 = arith.index_cast %add3A_1251 : i32 to index
          %get3A_1274 = tpu.vector_load %arg8[%get3A_1272, %get3A_1273] {strides = array<i32>} : memref<8x2048xf32, #tpu.memory_space<vmem>>, vector<16xf32>,
          %add3A_1275 = arith.addf %add3A_1270, %get3A_1274 : vector<16xf32>
          %get3A_1276 = arith.constant 5 : i32
          %get3A_1277 = arith.index_cast %get3A_1276 : i32 to index
          %get3A_1278 = arith.index_cast %add3A_1251 : i32 to index
          %get3A_1279 = tpu.vector_load %arg8[%get3A_1277, %get3A_1278] {strides = array<i32>} : memref<8x2048xf32, #tpu.memory_space<vmem>>, vector<16xf32>,
          %add3A_1280 = arith.addf %add3A_1275, %get3A_1279 : vector<16xf32>
          %get3A_1281 = arith.constant 6 : i32
          %get3A_1282 = arith.index_cast %get3A_1281 : i32 to index
          %get3A_1283 = arith.index_cast %add3A_1251 : i32 to index
          %get3A_1284 = tpu.vector_load %arg8[%get3A_1282, %get3A_1283] {strides = array<i32>} : memref<8x2048xf32, #tpu.memory_space<vmem>>, vector<16xf32>,
          %add3A_1285 = arith.addf %add3A_1280, %get3A_1284 : vector<16xf32>
          %get3A_1286 = arith.constant 7 : i32
          %get3A_1287 = arith.index_cast %get3A_1286 : i32 to index
          %get3A_1288 = arith.index_cast %add3A_1251 : i32 to index
          %get3A_1289 = tpu.vector_load %arg8[%get3A_1287, %get3A_1288] {strides = array<i32>} : memref<8x2048xf32, #tpu.memory_space<vmem>>, vector<16xf32>,
          %add3A_1290 = arith.addf %add3A_1285, %get3A_1289 : vector<16xf32>
          %swap3A_1291 = arith.index_cast %add3A_1251 : i32 to index
          %swap3A_1292 = tpu.vector_load %arg10[%swap3A_1291] {strides = array<i32>} : memref<2048xf32, #tpu.memory_space<vmem>>, vector<16xf32>,
          tpu.vector_store %arg10[%swap3A_1291], %add3A_1290 {add = true, strides = array<i32>} : memref<2048xf32, #tpu.memory_space<vmem>>, vector<16xf32>,
          %add3A_1293 = arith.constant 112 : i32
          %add3A_1294 = arith.addi %multiple_of3A_991, %add3A_1293 : i32
          %get3A_1295 = arith.constant 0 : i32
          %get3A_1296 = arith.index_cast %get3A_1295 : i32 to index
          %get3A_1297 = arith.index_cast %add3A_1294 : i32 to index
          %get3A_1298 = tpu.vector_load %arg8[%get3A_1296, %get3A_1297] {strides = array<i32>} : memref<8x2048xf32, #tpu.memory_space<vmem>>, vector<16xf32>,
          %get3A_1299 = arith.constant 1 : i32
          %get3A_1300 = arith.index_cast %get3A_1299 : i32 to index
          %get3A_1301 = arith.index_cast %add3A_1294 : i32 to index
          %get3A_1302 = tpu.vector_load %arg8[%get3A_1300, %get3A_1301] {strides = array<i32>} : memref<8x2048xf32, #tpu.memory_space<vmem>>, vector<16xf32>,
          %add3A_1303 = arith.addf %get3A_1298, %get3A_1302 : vector<16xf32>
          %get3A_1304 = arith.constant 2 : i32
          %get3A_1305 = arith.index_cast %get3A_1304 : i32 to index
          %get3A_1306 = arith.index_cast %add3A_1294 : i32 to index
          %get3A_1307 = tpu.vector_load %arg8[%get3A_1305, %get3A_1306] {strides = array<i32>} : memref<8x2048xf32, #tpu.memory_space<vmem>>, vector<16xf32>,
          %add3A_1308 = arith.addf %add3A_1303, %get3A_1307 : vector<16xf32>
          %get3A_1309 = arith.constant 3 : i32
          %get3A_1310 = arith.index_cast %get3A_1309 : i32 to index
          %get3A_1311 = arith.index_cast %add3A_1294 : i32 to index
          %get3A_1312 = tpu.vector_load %arg8[%get3A_1310, %get3A_1311] {strides = array<i32>} : memref<8x2048xf32, #tpu.memory_space<vmem>>, vector<16xf32>,
          %add3A_1313 = arith.addf %add3A_1308, %get3A_1312 : vector<16xf32>
          %get3A_1314 = arith.constant 4 : i32
          %get3A_1315 = arith.index_cast %get3A_1314 : i32 to index
          %get3A_1316 = arith.index_cast %add3A_1294 : i32 to index
          %get3A_1317 = tpu.vector_load %arg8[%get3A_1315, %get3A_1316] {strides = array<i32>} : memref<8x2048xf32, #tpu.memory_space<vmem>>, vector<16xf32>,
          %add3A_1318 = arith.addf %add3A_1313, %get3A_1317 : vector<16xf32>
          %get3A_1319 = arith.constant 5 : i32
          %get3A_1320 = arith.index_cast %get3A_1319 : i32 to index
          %get3A_1321 = arith.index_cast %add3A_1294 : i32 to index
          %get3A_1322 = tpu.vector_load %arg8[%get3A_1320, %get3A_1321] {strides = array<i32>} : memref<8x2048xf32, #tpu.memory_space<vmem>>, vector<16xf32>,
          %add3A_1323 = arith.addf %add3A_1318, %get3A_1322 : vector<16xf32>
          %get3A_1324 = arith.constant 6 : i32
          %get3A_1325 = arith.index_cast %get3A_1324 : i32 to index
          %get3A_1326 = arith.index_cast %add3A_1294 : i32 to index
          %get3A_1327 = tpu.vector_load %arg8[%get3A_1325, %get3A_1326] {strides = array<i32>} : memref<8x2048xf32, #tpu.memory_space<vmem>>, vector<16xf32>,
          %add3A_1328 = arith.addf %add3A_1323, %get3A_1327 : vector<16xf32>
          %get3A_1329 = arith.constant 7 : i32
          %get3A_1330 = arith.index_cast %get3A_1329 : i32 to index
          %get3A_1331 = arith.index_cast %add3A_1294 : i32 to index
          %get3A_1332 = tpu.vector_load %arg8[%get3A_1330, %get3A_1331] {strides = array<i32>} : memref<8x2048xf32, #tpu.memory_space<vmem>>, vector<16xf32>,
          %add3A_1333 = arith.addf %add3A_1328, %get3A_1332 : vector<16xf32>
          %swap3A_1334 = arith.index_cast %add3A_1294 : i32 to index
          %swap3A_1335 = tpu.vector_load %arg10[%swap3A_1334] {strides = array<i32>} : memref<2048xf32, #tpu.memory_space<vmem>>, vector<16xf32>,
          tpu.vector_store %arg10[%swap3A_1334], %add3A_1333 {add = true, strides = array<i32>} : memref<2048xf32, #tpu.memory_space<vmem>>, vector<16xf32>,
        }
        %scan3A_987 = arith.constant 16 : i32
      } else {
      }
      %not3A = arith.constant true
      %not3A_973 = arith.xori %eq3A_963, %not3A : i1
      %convert_element_type3A_974 = arith.extui %not3A_973 : i1 to i32
      %cond3A_975 = arith.constant 0 : i32
      %cond3A_976 = arith.cmpi ne, %convert_element_type3A_974, %cond3A_975 : i32
      scf.if %cond3A_976 {
        %dma_wait3A_977 = arith.constant 0 : i32
        %dma_wait3A_978 = tpu.memref_slice %arg7[%dma_wait3A_977] : memref<528xi32, #tpu.memory_space<vmem>> -> memref<8xi32, #tpu.memory_space<vmem>>
        %dma_wait3A_979 = arith.constant 0 : i32
        %dma_wait3A_980 = arith.constant 0 : i32
        %dma_wait3A_981 = tpu.memref_slice %arg2[%dma_wait3A_979, %dma_wait3A_980] : memref<16384x2048xf32, #tpu.memory_space<hbm>> -> memref<16384x2048xf32, #tpu.memory_space<hbm>>
        tpu.wait_indirect_dma semaphore(%arg15 : memref<!tpu.dma_semaphore, #tpu.memory_space<semaphore_mem>>) src(%dma_wait3A_981 : memref<16384x2048xf32, #tpu.memory_space<hbm>>) dst(%arg9 : memref<8x2048xf32, #tpu.memory_space<vmem>>)
        %scan3A_982 = arith.constant 0 : i32
        %scan3A_983 = arith.constant 0 : i32
        %scan3A_984 = arith.constant 16 : i32
        %scan3A_985 = arith.addi %scan3A_983, %scan3A_984 : i32
        %scan3A_986 = arith.constant 1 : i32
        scf.for %scan3A_988 = %scan3A_983 to %scan3A_985 step %scan3A_986  : i32 {
          %mul3A_989 = arith.constant 128 : i32
          %mul3A_990 = arith.muli %scan3A_988, %mul3A_989 : i32
          %multiple_of3A_991 = tpu.assume_multiple %mul3A_990, 128 : i32
          %add3A_992 = arith.constant 0 : i32
          %add3A_993 = arith.addi %multiple_of3A_991, %add3A_992 : i32
          %get3A_994 = arith.constant 0 : i32
          %get3A_995 = arith.index_cast %get3A_994 : i32 to index
          %get3A_996 = arith.index_cast %add3A_993 : i32 to index
          %get3A_997 = tpu.vector_load %arg9[%get3A_995, %get3A_996] {strides = array<i32>} : memref<8x2048xf32, #tpu.memory_space<vmem>>, vector<16xf32>,
          %get3A_998 = arith.constant 1 : i32
          %get3A_999 = arith.index_cast %get3A_998 : i32 to index
          %get3A_1000 = arith.index_cast %add3A_993 : i32 to index
          %get3A_1001 = tpu.vector_load %arg9[%get3A_999, %get3A_1000] {strides = array<i32>} : memref<8x2048xf32, #tpu.memory_space<vmem>>, vector<16xf32>,
          %add3A_1002 = arith.addf %get3A_997, %get3A_1001 : vector<16xf32>
          %get3A_1003 = arith.constant 2 : i32
          %get3A_1004 = arith.index_cast %get3A_1003 : i32 to index
          %get3A_1005 = arith.index_cast %add3A_993 : i32 to index
          %get3A_1006 = tpu.vector_load %arg9[%get3A_1004, %get3A_1005] {strides = array<i32>} : memref<8x2048xf32, #tpu.memory_space<vmem>>, vector<16xf32>,
          %add3A_1007 = arith.addf %add3A_1002, %get3A_1006 : vector<16xf32>
          %get3A_1008 = arith.constant 3 : i32
          %get3A_1009 = arith.index_cast %get3A_1008 : i32 to index
          %get3A_1010 = arith.index_cast %add3A_993 : i32 to index
          %get3A_1011 = tpu.vector_load %arg9[%get3A_1009, %get3A_1010] {strides = array<i32>} : memref<8x2048xf32, #tpu.memory_space<vmem>>, vector<16xf32>,
          %add3A_1012 = arith.addf %add3A_1007, %get3A_1011 : vector<16xf32>
          %get3A_1013 = arith.constant 4 : i32
          %get3A_1014 = arith.index_cast %get3A_1013 : i32 to index
          %get3A_1015 = arith.index_cast %add3A_993 : i32 to index
          %get3A_1016 = tpu.vector_load %arg9[%get3A_1014, %get3A_1015] {strides = array<i32>} : memref<8x2048xf32, #tpu.memory_space<vmem>>, vector<16xf32>,
          %add3A_1017 = arith.addf %add3A_1012, %get3A_1016 : vector<16xf32>
          %get3A_1018 = arith.constant 5 : i32
          %get3A_1019 = arith.index_cast %get3A_1018 : i32 to index
          %get3A_1020 = arith.index_cast %add3A_993 : i32 to index
          %get3A_1021 = tpu.vector_load %arg9[%get3A_1019, %get3A_1020] {strides = array<i32>} : memref<8x2048xf32, #tpu.memory_space<vmem>>, vector<16xf32>,
          %add3A_1022 = arith.addf %add3A_1017, %get3A_1021 : vector<16xf32>
          %get3A_1023 = arith.constant 6 : i32
          %get3A_1024 = arith.index_cast %get3A_1023 : i32 to index
          %get3A_1025 = arith.index_cast %add3A_993 : i32 to index
          %get3A_1026 = tpu.vector_load %arg9[%get3A_1024, %get3A_1025] {strides = array<i32>} : memref<8x2048xf32, #tpu.memory_space<vmem>>, vector<16xf32>,
          %add3A_1027 = arith.addf %add3A_1022, %get3A_1026 : vector<16xf32>
          %get3A_1028 = arith.constant 7 : i32
          %get3A_1029 = arith.index_cast %get3A_1028 : i32 to index
          %get3A_1030 = arith.index_cast %add3A_993 : i32 to index
          %get3A_1031 = tpu.vector_load %arg9[%get3A_1029, %get3A_1030] {strides = array<i32>} : memref<8x2048xf32, #tpu.memory_space<vmem>>, vector<16xf32>,
          %add3A_1032 = arith.addf %add3A_1027, %get3A_1031 : vector<16xf32>
          %swap3A_1033 = arith.index_cast %add3A_993 : i32 to index
          %swap3A_1034 = tpu.vector_load %arg10[%swap3A_1033] {strides = array<i32>} : memref<2048xf32, #tpu.memory_space<vmem>>, vector<16xf32>,
          tpu.vector_store %arg10[%swap3A_1033], %add3A_1032 {add = true, strides = array<i32>} : memref<2048xf32, #tpu.memory_space<vmem>>, vector<16xf32>,
          %add3A_1035 = arith.constant 16 : i32
          %add3A_1036 = arith.addi %multiple_of3A_991, %add3A_1035 : i32
          %get3A_1037 = arith.constant 0 : i32
          %get3A_1038 = arith.index_cast %get3A_1037 : i32 to index
          %get3A_1039 = arith.index_cast %add3A_1036 : i32 to index
          %get3A_1040 = tpu.vector_load %arg9[%get3A_1038, %get3A_1039] {strides = array<i32>} : memref<8x2048xf32, #tpu.memory_space<vmem>>, vector<16xf32>,
          %get3A_1041 = arith.constant 1 : i32
          %get3A_1042 = arith.index_cast %get3A_1041 : i32 to index
          %get3A_1043 = arith.index_cast %add3A_1036 : i32 to index
          %get3A_1044 = tpu.vector_load %arg9[%get3A_1042, %get3A_1043] {strides = array<i32>} : memref<8x2048xf32, #tpu.memory_space<vmem>>, vector<16xf32>,
          %add3A_1045 = arith.addf %get3A_1040, %get3A_1044 : vector<16xf32>
          %get3A_1046 = arith.constant 2 : i32
          %get3A_1047 = arith.index_cast %get3A_1046 : i32 to index
          %get3A_1048 = arith.index_cast %add3A_1036 : i32 to index
          %get3A_1049 = tpu.vector_load %arg9[%get3A_1047, %get3A_1048] {strides = array<i32>} : memref<8x2048xf32, #tpu.memory_space<vmem>>, vector<16xf32>,
          %add3A_1050 = arith.addf %add3A_1045, %get3A_1049 : vector<16xf32>
          %get3A_1051 = arith.constant 3 : i32
          %get3A_1052 = arith.index_cast %get3A_1051 : i32 to index
          %get3A_1053 = arith.index_cast %add3A_1036 : i32 to index
          %get3A_1054 = tpu.vector_load %arg9[%get3A_1052, %get3A_1053] {strides = array<i32>} : memref<8x2048xf32, #tpu.memory_space<vmem>>, vector<16xf32>,
          %add3A_1055 = arith.addf %add3A_1050, %get3A_1054 : vector<16xf32>
          %get3A_1056 = arith.constant 4 : i32
          %get3A_1057 = arith.index_cast %get3A_1056 : i32 to index
          %get3A_1058 = arith.index_cast %add3A_1036 : i32 to index
          %get3A_1059 = tpu.vector_load %arg9[%get3A_1057, %get3A_1058] {strides = array<i32>} : memref<8x2048xf32, #tpu.memory_space<vmem>>, vector<16xf32>,
          %add3A_1060 = arith.addf %add3A_1055, %get3A_1059 : vector<16xf32>
          %get3A_1061 = arith.constant 5 : i32
          %get3A_1062 = arith.index_cast %get3A_1061 : i32 to index
          %get3A_1063 = arith.index_cast %add3A_1036 : i32 to index
          %get3A_1064 = tpu.vector_load %arg9[%get3A_1062, %get3A_1063] {strides = array<i32>} : memref<8x2048xf32, #tpu.memory_space<vmem>>, vector<16xf32>,
          %add3A_1065 = arith.addf %add3A_1060, %get3A_1064 : vector<16xf32>
          %get3A_1066 = arith.constant 6 : i32
          %get3A_1067 = arith.index_cast %get3A_1066 : i32 to index
          %get3A_1068 = arith.index_cast %add3A_1036 : i32 to index
          %get3A_1069 = tpu.vector_load %arg9[%get3A_1067, %get3A_1068] {strides = array<i32>} : memref<8x2048xf32, #tpu.memory_space<vmem>>, vector<16xf32>,
          %add3A_1070 = arith.addf %add3A_1065, %get3A_1069 : vector<16xf32>
          %get3A_1071 = arith.constant 7 : i32
          %get3A_1072 = arith.index_cast %get3A_1071 : i32 to index
          %get3A_1073 = arith.index_cast %add3A_1036 : i32 to index
          %get3A_1074 = tpu.vector_load %arg9[%get3A_1072, %get3A_1073] {strides = array<i32>} : memref<8x2048xf32, #tpu.memory_space<vmem>>, vector<16xf32>,
          %add3A_1075 = arith.addf %add3A_1070, %get3A_1074 : vector<16xf32>
          %swap3A_1076 = arith.index_cast %add3A_1036 : i32 to index
          %swap3A_1077 = tpu.vector_load %arg10[%swap3A_1076] {strides = array<i32>} : memref<2048xf32, #tpu.memory_space<vmem>>, vector<16xf32>,
          tpu.vector_store %arg10[%swap3A_1076], %add3A_1075 {add = true, strides = array<i32>} : memref<2048xf32, #tpu.memory_space<vmem>>, vector<16xf32>,
          %add3A_1078 = arith.constant 32 : i32
          %add3A_1079 = arith.addi %multiple_of3A_991, %add3A_1078 : i32
          %get3A_1080 = arith.constant 0 : i32
          %get3A_1081 = arith.index_cast %get3A_1080 : i32 to index
          %get3A_1082 = arith.index_cast %add3A_1079 : i32 to index
          %get3A_1083 = tpu.vector_load %arg9[%get3A_1081, %get3A_1082] {strides = array<i32>} : memref<8x2048xf32, #tpu.memory_space<vmem>>, vector<16xf32>,
          %get3A_1084 = arith.constant 1 : i32
          %get3A_1085 = arith.index_cast %get3A_1084 : i32 to index
          %get3A_1086 = arith.index_cast %add3A_1079 : i32 to index
          %get3A_1087 = tpu.vector_load %arg9[%get3A_1085, %get3A_1086] {strides = array<i32>} : memref<8x2048xf32, #tpu.memory_space<vmem>>, vector<16xf32>,
          %add3A_1088 = arith.addf %get3A_1083, %get3A_1087 : vector<16xf32>
          %get3A_1089 = arith.constant 2 : i32
          %get3A_1090 = arith.index_cast %get3A_1089 : i32 to index
          %get3A_1091 = arith.index_cast %add3A_1079 : i32 to index
          %get3A_1092 = tpu.vector_load %arg9[%get3A_1090, %get3A_1091] {strides = array<i32>} : memref<8x2048xf32, #tpu.memory_space<vmem>>, vector<16xf32>,
          %add3A_1093 = arith.addf %add3A_1088, %get3A_1092 : vector<16xf32>
          %get3A_1094 = arith.constant 3 : i32
          %get3A_1095 = arith.index_cast %get3A_1094 : i32 to index
          %get3A_1096 = arith.index_cast %add3A_1079 : i32 to index
          %get3A_1097 = tpu.vector_load %arg9[%get3A_1095, %get3A_1096] {strides = array<i32>} : memref<8x2048xf32, #tpu.memory_space<vmem>>, vector<16xf32>,
          %add3A_1098 = arith.addf %add3A_1093, %get3A_1097 : vector<16xf32>
          %get3A_1099 = arith.constant 4 : i32
          %get3A_1100 = arith.index_cast %get3A_1099 : i32 to index
          %get3A_1101 = arith.index_cast %add3A_1079 : i32 to index
          %get3A_1102 = tpu.vector_load %arg9[%get3A_1100, %get3A_1101] {strides = array<i32>} : memref<8x2048xf32, #tpu.memory_space<vmem>>, vector<16xf32>,
          %add3A_1103 = arith.addf %add3A_1098, %get3A_1102 : vector<16xf32>
          %get3A_1104 = arith.constant 5 : i32
          %get3A_1105 = arith.index_cast %get3A_1104 : i32 to index
          %get3A_1106 = arith.index_cast %add3A_1079 : i32 to index
          %get3A_1107 = tpu.vector_load %arg9[%get3A_1105, %get3A_1106] {strides = array<i32>} : memref<8x2048xf32, #tpu.memory_space<vmem>>, vector<16xf32>,
          %add3A_1108 = arith.addf %add3A_1103, %get3A_1107 : vector<16xf32>
          %get3A_1109 = arith.constant 6 : i32
          %get3A_1110 = arith.index_cast %get3A_1109 : i32 to index
          %get3A_1111 = arith.index_cast %add3A_1079 : i32 to index
          %get3A_1112 = tpu.vector_load %arg9[%get3A_1110, %get3A_1111] {strides = array<i32>} : memref<8x2048xf32, #tpu.memory_space<vmem>>, vector<16xf32>,
          %add3A_1113 = arith.addf %add3A_1108, %get3A_1112 : vector<16xf32>
          %get3A_1114 = arith.constant 7 : i32
          %get3A_1115 = arith.index_cast %get3A_1114 : i32 to index
          %get3A_1116 = arith.index_cast %add3A_1079 : i32 to index
          %get3A_1117 = tpu.vector_load %arg9[%get3A_1115, %get3A_1116] {strides = array<i32>} : memref<8x2048xf32, #tpu.memory_space<vmem>>, vector<16xf32>,
          %add3A_1118 = arith.addf %add3A_1113, %get3A_1117 : vector<16xf32>
          %swap3A_1119 = arith.index_cast %add3A_1079 : i32 to index
          %swap3A_1120 = tpu.vector_load %arg10[%swap3A_1119] {strides = array<i32>} : memref<2048xf32, #tpu.memory_space<vmem>>, vector<16xf32>,
          tpu.vector_store %arg10[%swap3A_1119], %add3A_1118 {add = true, strides = array<i32>} : memref<2048xf32, #tpu.memory_space<vmem>>, vector<16xf32>,
          %add3A_1121 = arith.constant 48 : i32
          %add3A_1122 = arith.addi %multiple_of3A_991, %add3A_1121 : i32
          %get3A_1123 = arith.constant 0 : i32
          %get3A_1124 = arith.index_cast %get3A_1123 : i32 to index
          %get3A_1125 = arith.index_cast %add3A_1122 : i32 to index
          %get3A_1126 = tpu.vector_load %arg9[%get3A_1124, %get3A_1125] {strides = array<i32>} : memref<8x2048xf32, #tpu.memory_space<vmem>>, vector<16xf32>,
          %get3A_1127 = arith.constant 1 : i32
          %get3A_1128 = arith.index_cast %get3A_1127 : i32 to index
          %get3A_1129 = arith.index_cast %add3A_1122 : i32 to index
          %get3A_1130 = tpu.vector_load %arg9[%get3A_1128, %get3A_1129] {strides = array<i32>} : memref<8x2048xf32, #tpu.memory_space<vmem>>, vector<16xf32>,
          %add3A_1131 = arith.addf %get3A_1126, %get3A_1130 : vector<16xf32>
          %get3A_1132 = arith.constant 2 : i32
          %get3A_1133 = arith.index_cast %get3A_1132 : i32 to index
          %get3A_1134 = arith.index_cast %add3A_1122 : i32 to index
          %get3A_1135 = tpu.vector_load %arg9[%get3A_1133, %get3A_1134] {strides = array<i32>} : memref<8x2048xf32, #tpu.memory_space<vmem>>, vector<16xf32>,
          %add3A_1136 = arith.addf %add3A_1131, %get3A_1135 : vector<16xf32>
          %get3A_1137 = arith.constant 3 : i32
          %get3A_1138 = arith.index_cast %get3A_1137 : i32 to index
          %get3A_1139 = arith.index_cast %add3A_1122 : i32 to index
          %get3A_1140 = tpu.vector_load %arg9[%get3A_1138, %get3A_1139] {strides = array<i32>} : memref<8x2048xf32, #tpu.memory_space<vmem>>, vector<16xf32>,
          %add3A_1141 = arith.addf %add3A_1136, %get3A_1140 : vector<16xf32>
          %get3A_1142 = arith.constant 4 : i32
          %get3A_1143 = arith.index_cast %get3A_1142 : i32 to index
          %get3A_1144 = arith.index_cast %add3A_1122 : i32 to index
          %get3A_1145 = tpu.vector_load %arg9[%get3A_1143, %get3A_1144] {strides = array<i32>} : memref<8x2048xf32, #tpu.memory_space<vmem>>, vector<16xf32>,
          %add3A_1146 = arith.addf %add3A_1141, %get3A_1145 : vector<16xf32>
          %get3A_1147 = arith.constant 5 : i32
          %get3A_1148 = arith.index_cast %get3A_1147 : i32 to index
          %get3A_1149 = arith.index_cast %add3A_1122 : i32 to index
          %get3A_1150 = tpu.vector_load %arg9[%get3A_1148, %get3A_1149] {strides = array<i32>} : memref<8x2048xf32, #tpu.memory_space<vmem>>, vector<16xf32>,
          %add3A_1151 = arith.addf %add3A_1146, %get3A_1150 : vector<16xf32>
          %get3A_1152 = arith.constant 6 : i32
          %get3A_1153 = arith.index_cast %get3A_1152 : i32 to index
          %get3A_1154 = arith.index_cast %add3A_1122 : i32 to index
          %get3A_1155 = tpu.vector_load %arg9[%get3A_1153, %get3A_1154] {strides = array<i32>} : memref<8x2048xf32, #tpu.memory_space<vmem>>, vector<16xf32>,
          %add3A_1156 = arith.addf %add3A_1151, %get3A_1155 : vector<16xf32>
          %get3A_1157 = arith.constant 7 : i32
          %get3A_1158 = arith.index_cast %get3A_1157 : i32 to index
          %get3A_1159 = arith.index_cast %add3A_1122 : i32 to index
          %get3A_1160 = tpu.vector_load %arg9[%get3A_1158, %get3A_1159] {strides = array<i32>} : memref<8x2048xf32, #tpu.memory_space<vmem>>, vector<16xf32>,
          %add3A_1161 = arith.addf %add3A_1156, %get3A_1160 : vector<16xf32>
          %swap3A_1162 = arith.index_cast %add3A_1122 : i32 to index
          %swap3A_1163 = tpu.vector_load %arg10[%swap3A_1162] {strides = array<i32>} : memref<2048xf32, #tpu.memory_space<vmem>>, vector<16xf32>,
          tpu.vector_store %arg10[%swap3A_1162], %add3A_1161 {add = true, strides = array<i32>} : memref<2048xf32, #tpu.memory_space<vmem>>, vector<16xf32>,
          %add3A_1164 = arith.constant 64 : i32
          %add3A_1165 = arith.addi %multiple_of3A_991, %add3A_1164 : i32
          %get3A_1166 = arith.constant 0 : i32
          %get3A_1167 = arith.index_cast %get3A_1166 : i32 to index
          %get3A_1168 = arith.index_cast %add3A_1165 : i32 to index
          %get3A_1169 = tpu.vector_load %arg9[%get3A_1167, %get3A_1168] {strides = array<i32>} : memref<8x2048xf32, #tpu.memory_space<vmem>>, vector<16xf32>,
          %get3A_1170 = arith.constant 1 : i32
          %get3A_1171 = arith.index_cast %get3A_1170 : i32 to index
          %get3A_1172 = arith.index_cast %add3A_1165 : i32 to index
          %get3A_1173 = tpu.vector_load %arg9[%get3A_1171, %get3A_1172] {strides = array<i32>} : memref<8x2048xf32, #tpu.memory_space<vmem>>, vector<16xf32>,
          %add3A_1174 = arith.addf %get3A_1169, %get3A_1173 : vector<16xf32>
          %get3A_1175 = arith.constant 2 : i32
          %get3A_1176 = arith.index_cast %get3A_1175 : i32 to index
          %get3A_1177 = arith.index_cast %add3A_1165 : i32 to index
          %get3A_1178 = tpu.vector_load %arg9[%get3A_1176, %get3A_1177] {strides = array<i32>} : memref<8x2048xf32, #tpu.memory_space<vmem>>, vector<16xf32>,
          %add3A_1179 = arith.addf %add3A_1174, %get3A_1178 : vector<16xf32>
          %get3A_1180 = arith.constant 3 : i32
          %get3A_1181 = arith.index_cast %get3A_1180 : i32 to index
          %get3A_1182 = arith.index_cast %add3A_1165 : i32 to index
          %get3A_1183 = tpu.vector_load %arg9[%get3A_1181, %get3A_1182] {strides = array<i32>} : memref<8x2048xf32, #tpu.memory_space<vmem>>, vector<16xf32>,
          %add3A_1184 = arith.addf %add3A_1179, %get3A_1183 : vector<16xf32>
          %get3A_1185 = arith.constant 4 : i32
          %get3A_1186 = arith.index_cast %get3A_1185 : i32 to index
          %get3A_1187 = arith.index_cast %add3A_1165 : i32 to index
          %get3A_1188 = tpu.vector_load %arg9[%get3A_1186, %get3A_1187] {strides = array<i32>} : memref<8x2048xf32, #tpu.memory_space<vmem>>, vector<16xf32>,
          %add3A_1189 = arith.addf %add3A_1184, %get3A_1188 : vector<16xf32>
          %get3A_1190 = arith.constant 5 : i32
          %get3A_1191 = arith.index_cast %get3A_1190 : i32 to index
          %get3A_1192 = arith.index_cast %add3A_1165 : i32 to index
          %get3A_1193 = tpu.vector_load %arg9[%get3A_1191, %get3A_1192] {strides = array<i32>} : memref<8x2048xf32, #tpu.memory_space<vmem>>, vector<16xf32>,
          %add3A_1194 = arith.addf %add3A_1189, %get3A_1193 : vector<16xf32>
          %get3A_1195 = arith.constant 6 : i32
          %get3A_1196 = arith.index_cast %get3A_1195 : i32 to index
          %get3A_1197 = arith.index_cast %add3A_1165 : i32 to index
          %get3A_1198 = tpu.vector_load %arg9[%get3A_1196, %get3A_1197] {strides = array<i32>} : memref<8x2048xf32, #tpu.memory_space<vmem>>, vector<16xf32>,
          %add3A_1199 = arith.addf %add3A_1194, %get3A_1198 : vector<16xf32>
          %get3A_1200 = arith.constant 7 : i32
          %get3A_1201 = arith.index_cast %get3A_1200 : i32 to index
          %get3A_1202 = arith.index_cast %add3A_1165 : i32 to index
          %get3A_1203 = tpu.vector_load %arg9[%get3A_1201, %get3A_1202] {strides = array<i32>} : memref<8x2048xf32, #tpu.memory_space<vmem>>, vector<16xf32>,
          %add3A_1204 = arith.addf %add3A_1199, %get3A_1203 : vector<16xf32>
          %swap3A_1205 = arith.index_cast %add3A_1165 : i32 to index
          %swap3A_1206 = tpu.vector_load %arg10[%swap3A_1205] {strides = array<i32>} : memref<2048xf32, #tpu.memory_space<vmem>>, vector<16xf32>,
          tpu.vector_store %arg10[%swap3A_1205], %add3A_1204 {add = true, strides = array<i32>} : memref<2048xf32, #tpu.memory_space<vmem>>, vector<16xf32>,
          %add3A_1207 = arith.constant 80 : i32
          %add3A_1208 = arith.addi %multiple_of3A_991, %add3A_1207 : i32
          %get3A_1209 = arith.constant 0 : i32
          %get3A_1210 = arith.index_cast %get3A_1209 : i32 to index
          %get3A_1211 = arith.index_cast %add3A_1208 : i32 to index
          %get3A_1212 = tpu.vector_load %arg9[%get3A_1210, %get3A_1211] {strides = array<i32>} : memref<8x2048xf32, #tpu.memory_space<vmem>>, vector<16xf32>,
          %get3A_1213 = arith.constant 1 : i32
          %get3A_1214 = arith.index_cast %get3A_1213 : i32 to index
          %get3A_1215 = arith.index_cast %add3A_1208 : i32 to index
          %get3A_1216 = tpu.vector_load %arg9[%get3A_1214, %get3A_1215] {strides = array<i32>} : memref<8x2048xf32, #tpu.memory_space<vmem>>, vector<16xf32>,
          %add3A_1217 = arith.addf %get3A_1212, %get3A_1216 : vector<16xf32>
          %get3A_1218 = arith.constant 2 : i32
          %get3A_1219 = arith.index_cast %get3A_1218 : i32 to index
          %get3A_1220 = arith.index_cast %add3A_1208 : i32 to index
          %get3A_1221 = tpu.vector_load %arg9[%get3A_1219, %get3A_1220] {strides = array<i32>} : memref<8x2048xf32, #tpu.memory_space<vmem>>, vector<16xf32>,
          %add3A_1222 = arith.addf %add3A_1217, %get3A_1221 : vector<16xf32>
          %get3A_1223 = arith.constant 3 : i32
          %get3A_1224 = arith.index_cast %get3A_1223 : i32 to index
          %get3A_1225 = arith.index_cast %add3A_1208 : i32 to index
          %get3A_1226 = tpu.vector_load %arg9[%get3A_1224, %get3A_1225] {strides = array<i32>} : memref<8x2048xf32, #tpu.memory_space<vmem>>, vector<16xf32>,
          %add3A_1227 = arith.addf %add3A_1222, %get3A_1226 : vector<16xf32>
          %get3A_1228 = arith.constant 4 : i32
          %get3A_1229 = arith.index_cast %get3A_1228 : i32 to index
          %get3A_1230 = arith.index_cast %add3A_1208 : i32 to index
          %get3A_1231 = tpu.vector_load %arg9[%get3A_1229, %get3A_1230] {strides = array<i32>} : memref<8x2048xf32, #tpu.memory_space<vmem>>, vector<16xf32>,
          %add3A_1232 = arith.addf %add3A_1227, %get3A_1231 : vector<16xf32>
          %get3A_1233 = arith.constant 5 : i32
          %get3A_1234 = arith.index_cast %get3A_1233 : i32 to index
          %get3A_1235 = arith.index_cast %add3A_1208 : i32 to index
          %get3A_1236 = tpu.vector_load %arg9[%get3A_1234, %get3A_1235] {strides = array<i32>} : memref<8x2048xf32, #tpu.memory_space<vmem>>, vector<16xf32>,
          %add3A_1237 = arith.addf %add3A_1232, %get3A_1236 : vector<16xf32>
          %get3A_1238 = arith.constant 6 : i32
          %get3A_1239 = arith.index_cast %get3A_1238 : i32 to index
          %get3A_1240 = arith.index_cast %add3A_1208 : i32 to index
          %get3A_1241 = tpu.vector_load %arg9[%get3A_1239, %get3A_1240] {strides = array<i32>} : memref<8x2048xf32, #tpu.memory_space<vmem>>, vector<16xf32>,
          %add3A_1242 = arith.addf %add3A_1237, %get3A_1241 : vector<16xf32>
          %get3A_1243 = arith.constant 7 : i32
          %get3A_1244 = arith.index_cast %get3A_1243 : i32 to index
          %get3A_1245 = arith.index_cast %add3A_1208 : i32 to index
          %get3A_1246 = tpu.vector_load %arg9[%get3A_1244, %get3A_1245] {strides = array<i32>} : memref<8x2048xf32, #tpu.memory_space<vmem>>, vector<16xf32>,
          %add3A_1247 = arith.addf %add3A_1242, %get3A_1246 : vector<16xf32>
          %swap3A_1248 = arith.index_cast %add3A_1208 : i32 to index
          %swap3A_1249 = tpu.vector_load %arg10[%swap3A_1248] {strides = array<i32>} : memref<2048xf32, #tpu.memory_space<vmem>>, vector<16xf32>,
          tpu.vector_store %arg10[%swap3A_1248], %add3A_1247 {add = true, strides = array<i32>} : memref<2048xf32, #tpu.memory_space<vmem>>, vector<16xf32>,
          %add3A_1250 = arith.constant 96 : i32
          %add3A_1251 = arith.addi %multiple_of3A_991, %add3A_1250 : i32
          %get3A_1252 = arith.constant 0 : i32
          %get3A_1253 = arith.index_cast %get3A_1252 : i32 to index
          %get3A_1254 = arith.index_cast %add3A_1251 : i32 to index
          %get3A_1255 = tpu.vector_load %arg9[%get3A_1253, %get3A_1254] {strides = array<i32>} : memref<8x2048xf32, #tpu.memory_space<vmem>>, vector<16xf32>,
          %get3A_1256 = arith.constant 1 : i32
          %get3A_1257 = arith.index_cast %get3A_1256 : i32 to index
          %get3A_1258 = arith.index_cast %add3A_1251 : i32 to index
          %get3A_1259 = tpu.vector_load %arg9[%get3A_1257, %get3A_1258] {strides = array<i32>} : memref<8x2048xf32, #tpu.memory_space<vmem>>, vector<16xf32>,
          %add3A_1260 = arith.addf %get3A_1255, %get3A_1259 : vector<16xf32>
          %get3A_1261 = arith.constant 2 : i32
          %get3A_1262 = arith.index_cast %get3A_1261 : i32 to index
          %get3A_1263 = arith.index_cast %add3A_1251 : i32 to index
          %get3A_1264 = tpu.vector_load %arg9[%get3A_1262, %get3A_1263] {strides = array<i32>} : memref<8x2048xf32, #tpu.memory_space<vmem>>, vector<16xf32>,
          %add3A_1265 = arith.addf %add3A_1260, %get3A_1264 : vector<16xf32>
          %get3A_1266 = arith.constant 3 : i32
          %get3A_1267 = arith.index_cast %get3A_1266 : i32 to index
          %get3A_1268 = arith.index_cast %add3A_1251 : i32 to index
          %get3A_1269 = tpu.vector_load %arg9[%get3A_1267, %get3A_1268] {strides = array<i32>} : memref<8x2048xf32, #tpu.memory_space<vmem>>, vector<16xf32>,
          %add3A_1270 = arith.addf %add3A_1265, %get3A_1269 : vector<16xf32>
          %get3A_1271 = arith.constant 4 : i32
          %get3A_1272 = arith.index_cast %get3A_1271 : i32 to index
          %get3A_1273 = arith.index_cast %add3A_1251 : i32 to index
          %get3A_1274 = tpu.vector_load %arg9[%get3A_1272, %get3A_1273] {strides = array<i32>} : memref<8x2048xf32, #tpu.memory_space<vmem>>, vector<16xf32>,
          %add3A_1275 = arith.addf %add3A_1270, %get3A_1274 : vector<16xf32>
          %get3A_1276 = arith.constant 5 : i32
          %get3A_1277 = arith.index_cast %get3A_1276 : i32 to index
          %get3A_1278 = arith.index_cast %add3A_1251 : i32 to index
          %get3A_1279 = tpu.vector_load %arg9[%get3A_1277, %get3A_1278] {strides = array<i32>} : memref<8x2048xf32, #tpu.memory_space<vmem>>, vector<16xf32>,
          %add3A_1280 = arith.addf %add3A_1275, %get3A_1279 : vector<16xf32>
          %get3A_1281 = arith.constant 6 : i32
          %get3A_1282 = arith.index_cast %get3A_1281 : i32 to index
          %get3A_1283 = arith.index_cast %add3A_1251 : i32 to index
          %get3A_1284 = tpu.vector_load %arg9[%get3A_1282, %get3A_1283] {strides = array<i32>} : memref<8x2048xf32, #tpu.memory_space<vmem>>, vector<16xf32>,
          %add3A_1285 = arith.addf %add3A_1280, %get3A_1284 : vector<16xf32>
          %get3A_1286 = arith.constant 7 : i32
          %get3A_1287 = arith.index_cast %get3A_1286 : i32 to index
          %get3A_1288 = arith.index_cast %add3A_1251 : i32 to index
          %get3A_1289 = tpu.vector_load %arg9[%get3A_1287, %get3A_1288] {strides = array<i32>} : memref<8x2048xf32, #tpu.memory_space<vmem>>, vector<16xf32>,
          %add3A_1290 = arith.addf %add3A_1285, %get3A_1289 : vector<16xf32>
          %swap3A_1291 = arith.index_cast %add3A_1251 : i32 to index
          %swap3A_1292 = tpu.vector_load %arg10[%swap3A_1291] {strides = array<i32>} : memref<2048xf32, #tpu.memory_space<vmem>>, vector<16xf32>,
          tpu.vector_store %arg10[%swap3A_1291], %add3A_1290 {add = true, strides = array<i32>} : memref<2048xf32, #tpu.memory_space<vmem>>, vector<16xf32>,
          %add3A_1293 = arith.constant 112 : i32
          %add3A_1294 = arith.addi %multiple_of3A_991, %add3A_1293 : i32
          %get3A_1295 = arith.constant 0 : i32
          %get3A_1296 = arith.index_cast %get3A_1295 : i32 to index
          %get3A_1297 = arith.index_cast %add3A_1294 : i32 to index
          %get3A_1298 = tpu.vector_load %arg9[%get3A_1296, %get3A_1297] {strides = array<i32>} : memref<8x2048xf32, #tpu.memory_space<vmem>>, vector<16xf32>,
          %get3A_1299 = arith.constant 1 : i32
          %get3A_1300 = arith.index_cast %get3A_1299 : i32 to index
          %get3A_1301 = arith.index_cast %add3A_1294 : i32 to index
          %get3A_1302 = tpu.vector_load %arg9[%get3A_1300, %get3A_1301] {strides = array<i32>} : memref<8x2048xf32, #tpu.memory_space<vmem>>, vector<16xf32>,
          %add3A_1303 = arith.addf %get3A_1298, %get3A_1302 : vector<16xf32>
          %get3A_1304 = arith.constant 2 : i32
          %get3A_1305 = arith.index_cast %get3A_1304 : i32 to index
          %get3A_1306 = arith.index_cast %add3A_1294 : i32 to index
          %get3A_1307 = tpu.vector_load %arg9[%get3A_1305, %get3A_1306] {strides = array<i32>} : memref<8x2048xf32, #tpu.memory_space<vmem>>, vector<16xf32>,
          %add3A_1308 = arith.addf %add3A_1303, %get3A_1307 : vector<16xf32>
          %get3A_1309 = arith.constant 3 : i32
          %get3A_1310 = arith.index_cast %get3A_1309 : i32 to index
          %get3A_1311 = arith.index_cast %add3A_1294 : i32 to index
          %get3A_1312 = tpu.vector_load %arg9[%get3A_1310, %get3A_1311] {strides = array<i32>} : memref<8x2048xf32, #tpu.memory_space<vmem>>, vector<16xf32>,
          %add3A_1313 = arith.addf %add3A_1308, %get3A_1312 : vector<16xf32>
          %get3A_1314 = arith.constant 4 : i32
          %get3A_1315 = arith.index_cast %get3A_1314 : i32 to index
          %get3A_1316 = arith.index_cast %add3A_1294 : i32 to index
          %get3A_1317 = tpu.vector_load %arg9[%get3A_1315, %get3A_1316] {strides = array<i32>} : memref<8x2048xf32, #tpu.memory_space<vmem>>, vector<16xf32>,
          %add3A_1318 = arith.addf %add3A_1313, %get3A_1317 : vector<16xf32>
          %get3A_1319 = arith.constant 5 : i32
          %get3A_1320 = arith.index_cast %get3A_1319 : i32 to index
          %get3A_1321 = arith.index_cast %add3A_1294 : i32 to index
          %get3A_1322 = tpu.vector_load %arg9[%get3A_1320, %get3A_1321] {strides = array<i32>} : memref<8x2048xf32, #tpu.memory_space<vmem>>, vector<16xf32>,
          %add3A_1323 = arith.addf %add3A_1318, %get3A_1322 : vector<16xf32>
          %get3A_1324 = arith.constant 6 : i32
          %get3A_1325 = arith.index_cast %get3A_1324 : i32 to index
          %get3A_1326 = arith.index_cast %add3A_1294 : i32 to index
          %get3A_1327 = tpu.vector_load %arg9[%get3A_1325, %get3A_1326] {strides = array<i32>} : memref<8x2048xf32, #tpu.memory_space<vmem>>, vector<16xf32>,
          %add3A_1328 = arith.addf %add3A_1323, %get3A_1327 : vector<16xf32>
          %get3A_1329 = arith.constant 7 : i32
          %get3A_1330 = arith.index_cast %get3A_1329 : i32 to index
          %get3A_1331 = arith.index_cast %add3A_1294 : i32 to index
          %get3A_1332 = tpu.vector_load %arg9[%get3A_1330, %get3A_1331] {strides = array<i32>} : memref<8x2048xf32, #tpu.memory_space<vmem>>, vector<16xf32>,
          %add3A_1333 = arith.addf %add3A_1328, %get3A_1332 : vector<16xf32>
          %swap3A_1334 = arith.index_cast %add3A_1294 : i32 to index
          %swap3A_1335 = tpu.vector_load %arg10[%swap3A_1334] {strides = array<i32>} : memref<2048xf32, #tpu.memory_space<vmem>>, vector<16xf32>,
          tpu.vector_store %arg10[%swap3A_1334], %add3A_1333 {add = true, strides = array<i32>} : memref<2048xf32, #tpu.memory_space<vmem>>, vector<16xf32>,
        }
        %scan3A_987 = arith.constant 16 : i32
      } else {
      }
    }
    %mul3A_341 = arith.constant 8 : i32
    %mul3A_342 = arith.muli %select_n3A_329, %mul3A_341 : i32
    %sub3A_343 = arith.subi %mul3A_342, %scan3A_296 : i32
    %gt3A_344 = arith.constant 0 : i32
    %gt3A_345 = arith.cmpi sgt, %sub3A_343, %gt3A_344 : i32
    %convert_element_type3A_346 = arith.extui %gt3A_345 : i1 to i32
    %cond3A_347 = arith.constant 0 : i32
    %cond3A_348 = arith.cmpi ne, %convert_element_type3A_346, %cond3A_347 : i32
    scf.if %cond3A_348 {
      %convert_element_type3A_959 = arith.sitofp %sub3A_343 : i32 to f32
      %neg3A = arith.constant 0.000000e+00 : f32
      %neg3A_960 = arith.subf %neg3A, %convert_element_type3A_959 : f32
      %broadcast_in_dim3A_961 = vector.broadcast %neg3A_960 : f32 to vector<16xf32>
      %sub3A_962 = arith.constant 1 : i32
      %sub3A_963 = arith.subi %select_n3A_329, %sub3A_962 : i32
      %rem3A_964 = arith.constant 2 : i32
      %rem3A_965 = arith.remsi %sub3A_963, %rem3A_964 : i32
      %eq3A_966 = arith.constant 0 : i32
      %eq3A_967 = arith.cmpi eq, %rem3A_965, %eq3A_966 : i32
      %convert_element_type3A_968 = arith.extui %eq3A_967 : i1 to i32
      %cond3A_969 = arith.constant 0 : i32
      %cond3A_970 = arith.cmpi ne, %convert_element_type3A_968, %cond3A_969 : i32
      scf.if %cond3A_970 {
        %scan3A_975 = arith.constant 0 : i32
        %scan3A_976 = arith.constant 0 : i32
        %scan3A_977 = arith.constant 16 : i32
        %scan3A_978 = arith.addi %scan3A_976, %scan3A_977 : i32
        %scan3A_979 = arith.constant 1 : i32
        scf.for %scan3A_981 = %scan3A_976 to %scan3A_978 step %scan3A_979  : i32 {
          %mul3A_982 = arith.constant 128 : i32
          %mul3A_983 = arith.muli %scan3A_981, %mul3A_982 : i32
          %multiple_of3A_984 = tpu.assume_multiple %mul3A_983, 128 : i32
          %add3A_985 = arith.constant 0 : i32
          %add3A_986 = arith.addi %multiple_of3A_984, %add3A_985 : i32
          %get3A_987 = arith.constant 7 : i32
          %get3A_988 = arith.index_cast %get3A_987 : i32 to index
          %get3A_989 = arith.index_cast %add3A_986 : i32 to index
          %get3A_990 = tpu.vector_load %arg8[%get3A_988, %get3A_989] {strides = array<i32>} : memref<8x2048xf32, #tpu.memory_space<vmem>>, vector<16xf32>,
          %mul3A_991 = arith.mulf %broadcast_in_dim3A_961, %get3A_990 : vector<16xf32>
          %swap3A_992 = arith.index_cast %add3A_986 : i32 to index
          %swap3A_993 = tpu.vector_load %arg10[%swap3A_992] {strides = array<i32>} : memref<2048xf32, #tpu.memory_space<vmem>>, vector<16xf32>,
          tpu.vector_store %arg10[%swap3A_992], %mul3A_991 {add = true, strides = array<i32>} : memref<2048xf32, #tpu.memory_space<vmem>>, vector<16xf32>,
          %add3A_994 = arith.constant 16 : i32
          %add3A_995 = arith.addi %multiple_of3A_984, %add3A_994 : i32
          %get3A_996 = arith.constant 7 : i32
          %get3A_997 = arith.index_cast %get3A_996 : i32 to index
          %get3A_998 = arith.index_cast %add3A_995 : i32 to index
          %get3A_999 = tpu.vector_load %arg8[%get3A_997, %get3A_998] {strides = array<i32>} : memref<8x2048xf32, #tpu.memory_space<vmem>>, vector<16xf32>,
          %mul3A_1000 = arith.mulf %broadcast_in_dim3A_961, %get3A_999 : vector<16xf32>
          %swap3A_1001 = arith.index_cast %add3A_995 : i32 to index
          %swap3A_1002 = tpu.vector_load %arg10[%swap3A_1001] {strides = array<i32>} : memref<2048xf32, #tpu.memory_space<vmem>>, vector<16xf32>,
          tpu.vector_store %arg10[%swap3A_1001], %mul3A_1000 {add = true, strides = array<i32>} : memref<2048xf32, #tpu.memory_space<vmem>>, vector<16xf32>,
          %add3A_1003 = arith.constant 32 : i32
          %add3A_1004 = arith.addi %multiple_of3A_984, %add3A_1003 : i32
          %get3A_1005 = arith.constant 7 : i32
          %get3A_1006 = arith.index_cast %get3A_1005 : i32 to index
          %get3A_1007 = arith.index_cast %add3A_1004 : i32 to index
          %get3A_1008 = tpu.vector_load %arg8[%get3A_1006, %get3A_1007] {strides = array<i32>} : memref<8x2048xf32, #tpu.memory_space<vmem>>, vector<16xf32>,
          %mul3A_1009 = arith.mulf %broadcast_in_dim3A_961, %get3A_1008 : vector<16xf32>
          %swap3A_1010 = arith.index_cast %add3A_1004 : i32 to index
          %swap3A_1011 = tpu.vector_load %arg10[%swap3A_1010] {strides = array<i32>} : memref<2048xf32, #tpu.memory_space<vmem>>, vector<16xf32>,
          tpu.vector_store %arg10[%swap3A_1010], %mul3A_1009 {add = true, strides = array<i32>} : memref<2048xf32, #tpu.memory_space<vmem>>, vector<16xf32>,
          %add3A_1012 = arith.constant 48 : i32
          %add3A_1013 = arith.addi %multiple_of3A_984, %add3A_1012 : i32
          %get3A_1014 = arith.constant 7 : i32
          %get3A_1015 = arith.index_cast %get3A_1014 : i32 to index
          %get3A_1016 = arith.index_cast %add3A_1013 : i32 to index
          %get3A_1017 = tpu.vector_load %arg8[%get3A_1015, %get3A_1016] {strides = array<i32>} : memref<8x2048xf32, #tpu.memory_space<vmem>>, vector<16xf32>,
          %mul3A_1018 = arith.mulf %broadcast_in_dim3A_961, %get3A_1017 : vector<16xf32>
          %swap3A_1019 = arith.index_cast %add3A_1013 : i32 to index
          %swap3A_1020 = tpu.vector_load %arg10[%swap3A_1019] {strides = array<i32>} : memref<2048xf32, #tpu.memory_space<vmem>>, vector<16xf32>,
          tpu.vector_store %arg10[%swap3A_1019], %mul3A_1018 {add = true, strides = array<i32>} : memref<2048xf32, #tpu.memory_space<vmem>>, vector<16xf32>,
          %add3A_1021 = arith.constant 64 : i32
          %add3A_1022 = arith.addi %multiple_of3A_984, %add3A_1021 : i32
          %get3A_1023 = arith.constant 7 : i32
          %get3A_1024 = arith.index_cast %get3A_1023 : i32 to index
          %get3A_1025 = arith.index_cast %add3A_1022 : i32 to index
          %get3A_1026 = tpu.vector_load %arg8[%get3A_1024, %get3A_1025] {strides = array<i32>} : memref<8x2048xf32, #tpu.memory_space<vmem>>, vector<16xf32>,
          %mul3A_1027 = arith.mulf %broadcast_in_dim3A_961, %get3A_1026 : vector<16xf32>
          %swap3A_1028 = arith.index_cast %add3A_1022 : i32 to index
          %swap3A_1029 = tpu.vector_load %arg10[%swap3A_1028] {strides = array<i32>} : memref<2048xf32, #tpu.memory_space<vmem>>, vector<16xf32>,
          tpu.vector_store %arg10[%swap3A_1028], %mul3A_1027 {add = true, strides = array<i32>} : memref<2048xf32, #tpu.memory_space<vmem>>, vector<16xf32>,
          %add3A_1030 = arith.constant 80 : i32
          %add3A_1031 = arith.addi %multiple_of3A_984, %add3A_1030 : i32
          %get3A_1032 = arith.constant 7 : i32
          %get3A_1033 = arith.index_cast %get3A_1032 : i32 to index
          %get3A_1034 = arith.index_cast %add3A_1031 : i32 to index
          %get3A_1035 = tpu.vector_load %arg8[%get3A_1033, %get3A_1034] {strides = array<i32>} : memref<8x2048xf32, #tpu.memory_space<vmem>>, vector<16xf32>,
          %mul3A_1036 = arith.mulf %broadcast_in_dim3A_961, %get3A_1035 : vector<16xf32>
          %swap3A_1037 = arith.index_cast %add3A_1031 : i32 to index
          %swap3A_1038 = tpu.vector_load %arg10[%swap3A_1037] {strides = array<i32>} : memref<2048xf32, #tpu.memory_space<vmem>>, vector<16xf32>,
          tpu.vector_store %arg10[%swap3A_1037], %mul3A_1036 {add = true, strides = array<i32>} : memref<2048xf32, #tpu.memory_space<vmem>>, vector<16xf32>,
          %add3A_1039 = arith.constant 96 : i32
          %add3A_1040 = arith.addi %multiple_of3A_984, %add3A_1039 : i32
          %get3A_1041 = arith.constant 7 : i32
          %get3A_1042 = arith.index_cast %get3A_1041 : i32 to index
          %get3A_1043 = arith.index_cast %add3A_1040 : i32 to index
          %get3A_1044 = tpu.vector_load %arg8[%get3A_1042, %get3A_1043] {strides = array<i32>} : memref<8x2048xf32, #tpu.memory_space<vmem>>, vector<16xf32>,
          %mul3A_1045 = arith.mulf %broadcast_in_dim3A_961, %get3A_1044 : vector<16xf32>
          %swap3A_1046 = arith.index_cast %add3A_1040 : i32 to index
          %swap3A_1047 = tpu.vector_load %arg10[%swap3A_1046] {strides = array<i32>} : memref<2048xf32, #tpu.memory_space<vmem>>, vector<16xf32>,
          tpu.vector_store %arg10[%swap3A_1046], %mul3A_1045 {add = true, strides = array<i32>} : memref<2048xf32, #tpu.memory_space<vmem>>, vector<16xf32>,
          %add3A_1048 = arith.constant 112 : i32
          %add3A_1049 = arith.addi %multiple_of3A_984, %add3A_1048 : i32
          %get3A_1050 = arith.constant 7 : i32
          %get3A_1051 = arith.index_cast %get3A_1050 : i32 to index
          %get3A_1052 = arith.index_cast %add3A_1049 : i32 to index
          %get3A_1053 = tpu.vector_load %arg8[%get3A_1051, %get3A_1052] {strides = array<i32>} : memref<8x2048xf32, #tpu.memory_space<vmem>>, vector<16xf32>,
          %mul3A_1054 = arith.mulf %broadcast_in_dim3A_961, %get3A_1053 : vector<16xf32>
          %swap3A_1055 = arith.index_cast %add3A_1049 : i32 to index
          %swap3A_1056 = tpu.vector_load %arg10[%swap3A_1055] {strides = array<i32>} : memref<2048xf32, #tpu.memory_space<vmem>>, vector<16xf32>,
          tpu.vector_store %arg10[%swap3A_1055], %mul3A_1054 {add = true, strides = array<i32>} : memref<2048xf32, #tpu.memory_space<vmem>>, vector<16xf32>,
        }
        %scan3A_980 = arith.constant 16 : i32
      } else {
      }
      %not3A = arith.constant true
      %not3A_971 = arith.xori %eq3A_967, %not3A : i1
      %convert_element_type3A_972 = arith.extui %not3A_971 : i1 to i32
      %cond3A_973 = arith.constant 0 : i32
      %cond3A_974 = arith.cmpi ne, %convert_element_type3A_972, %cond3A_973 : i32
      scf.if %cond3A_974 {
        %scan3A_975 = arith.constant 0 : i32
        %scan3A_976 = arith.constant 0 : i32
        %scan3A_977 = arith.constant 16 : i32
        %scan3A_978 = arith.addi %scan3A_976, %scan3A_977 : i32
        %scan3A_979 = arith.constant 1 : i32
        scf.for %scan3A_981 = %scan3A_976 to %scan3A_978 step %scan3A_979  : i32 {
          %mul3A_982 = arith.constant 128 : i32
          %mul3A_983 = arith.muli %scan3A_981, %mul3A_982 : i32
          %multiple_of3A_984 = tpu.assume_multiple %mul3A_983, 128 : i32
          %add3A_985 = arith.constant 0 : i32
          %add3A_986 = arith.addi %multiple_of3A_984, %add3A_985 : i32
          %get3A_987 = arith.constant 7 : i32
          %get3A_988 = arith.index_cast %get3A_987 : i32 to index
          %get3A_989 = arith.index_cast %add3A_986 : i32 to index
          %get3A_990 = tpu.vector_load %arg9[%get3A_988, %get3A_989] {strides = array<i32>} : memref<8x2048xf32, #tpu.memory_space<vmem>>, vector<16xf32>,
          %mul3A_991 = arith.mulf %broadcast_in_dim3A_961, %get3A_990 : vector<16xf32>
          %swap3A_992 = arith.index_cast %add3A_986 : i32 to index
          %swap3A_993 = tpu.vector_load %arg10[%swap3A_992] {strides = array<i32>} : memref<2048xf32, #tpu.memory_space<vmem>>, vector<16xf32>,
          tpu.vector_store %arg10[%swap3A_992], %mul3A_991 {add = true, strides = array<i32>} : memref<2048xf32, #tpu.memory_space<vmem>>, vector<16xf32>,
          %add3A_994 = arith.constant 16 : i32
          %add3A_995 = arith.addi %multiple_of3A_984, %add3A_994 : i32
          %get3A_996 = arith.constant 7 : i32
          %get3A_997 = arith.index_cast %get3A_996 : i32 to index
          %get3A_998 = arith.index_cast %add3A_995 : i32 to index
          %get3A_999 = tpu.vector_load %arg9[%get3A_997, %get3A_998] {strides = array<i32>} : memref<8x2048xf32, #tpu.memory_space<vmem>>, vector<16xf32>,
          %mul3A_1000 = arith.mulf %broadcast_in_dim3A_961, %get3A_999 : vector<16xf32>
          %swap3A_1001 = arith.index_cast %add3A_995 : i32 to index
          %swap3A_1002 = tpu.vector_load %arg10[%swap3A_1001] {strides = array<i32>} : memref<2048xf32, #tpu.memory_space<vmem>>, vector<16xf32>,
          tpu.vector_store %arg10[%swap3A_1001], %mul3A_1000 {add = true, strides = array<i32>} : memref<2048xf32, #tpu.memory_space<vmem>>, vector<16xf32>,
          %add3A_1003 = arith.constant 32 : i32
          %add3A_1004 = arith.addi %multiple_of3A_984, %add3A_1003 : i32
          %get3A_1005 = arith.constant 7 : i32
          %get3A_1006 = arith.index_cast %get3A_1005 : i32 to index
          %get3A_1007 = arith.index_cast %add3A_1004 : i32 to index
          %get3A_1008 = tpu.vector_load %arg9[%get3A_1006, %get3A_1007] {strides = array<i32>} : memref<8x2048xf32, #tpu.memory_space<vmem>>, vector<16xf32>,
          %mul3A_1009 = arith.mulf %broadcast_in_dim3A_961, %get3A_1008 : vector<16xf32>
          %swap3A_1010 = arith.index_cast %add3A_1004 : i32 to index
          %swap3A_1011 = tpu.vector_load %arg10[%swap3A_1010] {strides = array<i32>} : memref<2048xf32, #tpu.memory_space<vmem>>, vector<16xf32>,
          tpu.vector_store %arg10[%swap3A_1010], %mul3A_1009 {add = true, strides = array<i32>} : memref<2048xf32, #tpu.memory_space<vmem>>, vector<16xf32>,
          %add3A_1012 = arith.constant 48 : i32
          %add3A_1013 = arith.addi %multiple_of3A_984, %add3A_1012 : i32
          %get3A_1014 = arith.constant 7 : i32
          %get3A_1015 = arith.index_cast %get3A_1014 : i32 to index
          %get3A_1016 = arith.index_cast %add3A_1013 : i32 to index
          %get3A_1017 = tpu.vector_load %arg9[%get3A_1015, %get3A_1016] {strides = array<i32>} : memref<8x2048xf32, #tpu.memory_space<vmem>>, vector<16xf32>,
          %mul3A_1018 = arith.mulf %broadcast_in_dim3A_961, %get3A_1017 : vector<16xf32>
          %swap3A_1019 = arith.index_cast %add3A_1013 : i32 to index
          %swap3A_1020 = tpu.vector_load %arg10[%swap3A_1019] {strides = array<i32>} : memref<2048xf32, #tpu.memory_space<vmem>>, vector<16xf32>,
          tpu.vector_store %arg10[%swap3A_1019], %mul3A_1018 {add = true, strides = array<i32>} : memref<2048xf32, #tpu.memory_space<vmem>>, vector<16xf32>,
          %add3A_1021 = arith.constant 64 : i32
          %add3A_1022 = arith.addi %multiple_of3A_984, %add3A_1021 : i32
          %get3A_1023 = arith.constant 7 : i32
          %get3A_1024 = arith.index_cast %get3A_1023 : i32 to index
          %get3A_1025 = arith.index_cast %add3A_1022 : i32 to index
          %get3A_1026 = tpu.vector_load %arg9[%get3A_1024, %get3A_1025] {strides = array<i32>} : memref<8x2048xf32, #tpu.memory_space<vmem>>, vector<16xf32>,
          %mul3A_1027 = arith.mulf %broadcast_in_dim3A_961, %get3A_1026 : vector<16xf32>
          %swap3A_1028 = arith.index_cast %add3A_1022 : i32 to index
          %swap3A_1029 = tpu.vector_load %arg10[%swap3A_1028] {strides = array<i32>} : memref<2048xf32, #tpu.memory_space<vmem>>, vector<16xf32>,
          tpu.vector_store %arg10[%swap3A_1028], %mul3A_1027 {add = true, strides = array<i32>} : memref<2048xf32, #tpu.memory_space<vmem>>, vector<16xf32>,
          %add3A_1030 = arith.constant 80 : i32
          %add3A_1031 = arith.addi %multiple_of3A_984, %add3A_1030 : i32
          %get3A_1032 = arith.constant 7 : i32
          %get3A_1033 = arith.index_cast %get3A_1032 : i32 to index
          %get3A_1034 = arith.index_cast %add3A_1031 : i32 to index
          %get3A_1035 = tpu.vector_load %arg9[%get3A_1033, %get3A_1034] {strides = array<i32>} : memref<8x2048xf32, #tpu.memory_space<vmem>>, vector<16xf32>,
          %mul3A_1036 = arith.mulf %broadcast_in_dim3A_961, %get3A_1035 : vector<16xf32>
          %swap3A_1037 = arith.index_cast %add3A_1031 : i32 to index
          %swap3A_1038 = tpu.vector_load %arg10[%swap3A_1037] {strides = array<i32>} : memref<2048xf32, #tpu.memory_space<vmem>>, vector<16xf32>,
          tpu.vector_store %arg10[%swap3A_1037], %mul3A_1036 {add = true, strides = array<i32>} : memref<2048xf32, #tpu.memory_space<vmem>>, vector<16xf32>,
          %add3A_1039 = arith.constant 96 : i32
          %add3A_1040 = arith.addi %multiple_of3A_984, %add3A_1039 : i32
          %get3A_1041 = arith.constant 7 : i32
          %get3A_1042 = arith.index_cast %get3A_1041 : i32 to index
          %get3A_1043 = arith.index_cast %add3A_1040 : i32 to index
          %get3A_1044 = tpu.vector_load %arg9[%get3A_1042, %get3A_1043] {strides = array<i32>} : memref<8x2048xf32, #tpu.memory_space<vmem>>, vector<16xf32>,
          %mul3A_1045 = arith.mulf %broadcast_in_dim3A_961, %get3A_1044 : vector<16xf32>
          %swap3A_1046 = arith.index_cast %add3A_1040 : i32 to index
          %swap3A_1047 = tpu.vector_load %arg10[%swap3A_1046] {strides = array<i32>} : memref<2048xf32, #tpu.memory_space<vmem>>, vector<16xf32>,
          tpu.vector_store %arg10[%swap3A_1046], %mul3A_1045 {add = true, strides = array<i32>} : memref<2048xf32, #tpu.memory_space<vmem>>, vector<16xf32>,
          %add3A_1048 = arith.constant 112 : i32
          %add3A_1049 = arith.addi %multiple_of3A_984, %add3A_1048 : i32
          %get3A_1050 = arith.constant 7 : i32
          %get3A_1051 = arith.index_cast %get3A_1050 : i32 to index
          %get3A_1052 = arith.index_cast %add3A_1049 : i32 to index
          %get3A_1053 = tpu.vector_load %arg9[%get3A_1051, %get3A_1052] {strides = array<i32>} : memref<8x2048xf32, #tpu.memory_space<vmem>>, vector<16xf32>,
          %mul3A_1054 = arith.mulf %broadcast_in_dim3A_961, %get3A_1053 : vector<16xf32>
          %swap3A_1055 = arith.index_cast %add3A_1049 : i32 to index
          %swap3A_1056 = tpu.vector_load %arg10[%swap3A_1055] {strides = array<i32>} : memref<2048xf32, #tpu.memory_space<vmem>>, vector<16xf32>,
          tpu.vector_store %arg10[%swap3A_1055], %mul3A_1054 {add = true, strides = array<i32>} : memref<2048xf32, #tpu.memory_space<vmem>>, vector<16xf32>,
        }
        %scan3A_980 = arith.constant 16 : i32
      } else {
      }
    } else {
    }
    %mul3A_349 = arith.constant 2048 : i32
    %mul3A_350 = arith.muli %arg1, %mul3A_349 : i32
    %multiple_of3A_351 = tpu.assume_multiple %mul3A_350, 2048 : i32
    "tpu.region"() ({
      %run_scoped3A = tpu.sem_alloc : memref<!tpu.dma_semaphore, #tpu.memory_space<semaphore_mem>>
      %dma_start3A_959 = tpu.memref_slice %arg13[%multiple_of3A_351] : memref<32768xf32, #tpu.memory_space<vmem_shared>> -> memref<2048xf32, #tpu.memory_space<vmem_shared>>
      %dma_start3A_960 = tpu.memref_slice %arg13[%multiple_of3A_351] : memref<32768xf32, #tpu.memory_space<vmem_shared>> -> memref<2048xf32, #tpu.memory_space<vmem_shared>>
      tpu.enqueue_dma source(%arg10 : memref<2048xf32, #tpu.memory_space<vmem>>) target(%dma_start3A_960 : memref<2048xf32, #tpu.memory_space<vmem_shared>>) target_semaphore(%run_scoped3A : memref<!tpu.dma_semaphore, #tpu.memory_space<semaphore_mem>>)
      %dma_wait3A_961 = tpu.memref_slice %arg13[%multiple_of3A_351] : memref<32768xf32, #tpu.memory_space<vmem_shared>> -> memref<2048xf32, #tpu.memory_space<vmem_shared>>
      %dma_wait3A_962 = tpu.memref_slice %arg13[%multiple_of3A_351] : memref<32768xf32, #tpu.memory_space<vmem_shared>> -> memref<2048xf32, #tpu.memory_space<vmem_shared>>
      tpu.wait_dma2 semaphore(%run_scoped3A : memref<!tpu.dma_semaphore, #tpu.memory_space<semaphore_mem>>) src(%arg10 : memref<2048xf32, #tpu.memory_space<vmem>>) dst(%dma_wait3A_962 : memref<2048xf32, #tpu.memory_space<vmem_shared>>)
      tpu.yield
    }) : () -> ()
    %barrier3A = arith.constant 0 : index
    tpu.barrier barrier_id(%barrier3A)
    %mul3A_352 = arith.constant 256 : i32
    %mul3A_353 = arith.muli %select_n3A_30, %mul3A_352 : i32
    %jit3A_354 = arith.constant 8 : i32
    %div3A_355 = arith.divsi %arg1, %jit3A_354 : i32
    %sign3A_356 = arith.constant 0 : i32
    %sign3A_357 = arith.cmpi sgt, %arg1, %sign3A_356 : i32
    %sign3A_358 = arith.extui %sign3A_357 : i1 to i32
    %sign3A_359 = arith.constant 0 : i32
    %sign3A_360 = arith.cmpi slt, %arg1, %sign3A_359 : i32
    %sign3A_361 = arith.extui %sign3A_360 : i1 to i32
    %sign3A_362 = arith.subi %sign3A_358, %sign3A_361 : i32
    %sign3A_363 = arith.constant 0 : i32
    %sign3A_364 = arith.cmpi sgt, %jit3A_354, %sign3A_363 : i32
    %sign3A_365 = arith.extui %sign3A_364 : i1 to i32
    %sign3A_366 = arith.constant 0 : i32
    %sign3A_367 = arith.cmpi slt, %jit3A_354, %sign3A_366 : i32
    %sign3A_368 = arith.extui %sign3A_367 : i1 to i32
    %sign3A_369 = arith.subi %sign3A_365, %sign3A_368 : i32
    %ne3A_370 = arith.cmpi ne, %sign3A_362, %sign3A_369 : i32
    %rem3A_371 = arith.remsi %arg1, %jit3A_354 : i32
    %ne3A_372 = arith.constant 0 : i32
    %ne3A_373 = arith.cmpi ne, %rem3A_371, %ne3A_372 : i32
    %and3A_374 = arith.andi %ne3A_370, %ne3A_373 : i1
    %sub3A_375 = arith.constant 1 : i32
    %sub3A_376 = arith.subi %div3A_355, %sub3A_375 : i32
    %select_n3A_377 = arith.select %and3A_374, %sub3A_376, %div3A_355 : i32
    %mul3A_378 = arith.constant 8 : i32
    %mul3A_379 = arith.muli %select_n3A_377, %mul3A_378 : i32
    %add3A_380 = arith.constant 0 : i32
    %add3A_381 = arith.addi %mul3A_379, %add3A_380 : i32
    %mul3A_382 = arith.constant 2048 : i32
    %mul3A_383 = arith.muli %add3A_381, %mul3A_382 : i32
    %add3A_384 = arith.addi %mul3A_383, %mul3A_353 : i32
    %multiple_of3A_385 = tpu.assume_multiple %add3A_384, 256 : i32
    %dma_start3A = arith.constant 0 : i32
    %dma_start3A_386 = tpu.memref_slice %arg11[%dma_start3A] : memref<2048xf32, #tpu.memory_space<vmem>> -> memref<256xf32, #tpu.memory_space<vmem>>
    %dma_start3A_387 = tpu.memref_slice %arg13[%multiple_of3A_385] : memref<32768xf32, #tpu.memory_space<vmem_shared>> -> memref<256xf32, #tpu.memory_space<vmem_shared>>
    %dma_start3A_388 = arith.constant 0 : i32
    %dma_start3A_389 = tpu.memref_slice %arg11[%dma_start3A_388] : memref<2048xf32, #tpu.memory_space<vmem>> -> memref<256xf32, #tpu.memory_space<vmem>>
    %dma_start3A_390 = tpu.memref_slice %arg13[%multiple_of3A_385] : memref<32768xf32, #tpu.memory_space<vmem_shared>> -> memref<256xf32, #tpu.memory_space<vmem_shared>>
    tpu.enqueue_dma source(%dma_start3A_390 : memref<256xf32, #tpu.memory_space<vmem_shared>>) target(%dma_start3A_389 : memref<256xf32, #tpu.memory_space<vmem>>) target_semaphore(%arg14 : memref<!tpu.dma_semaphore, #tpu.memory_space<semaphore_mem>>)
    %add3A_391 = arith.constant 1 : i32
    %add3A_392 = arith.addi %mul3A_379, %add3A_391 : i32
    %mul3A_393 = arith.constant 2048 : i32
    %mul3A_394 = arith.muli %add3A_392, %mul3A_393 : i32
    %add3A_395 = arith.addi %mul3A_394, %mul3A_353 : i32
    %multiple_of3A_396 = tpu.assume_multiple %add3A_395, 256 : i32
    %dma_start3A_397 = arith.constant 256 : i32
    %dma_start3A_398 = tpu.memref_slice %arg11[%dma_start3A_397] : memref<2048xf32, #tpu.memory_space<vmem>> -> memref<256xf32, #tpu.memory_space<vmem>>
    %dma_start3A_399 = tpu.memref_slice %arg13[%multiple_of3A_396] : memref<32768xf32, #tpu.memory_space<vmem_shared>> -> memref<256xf32, #tpu.memory_space<vmem_shared>>
    %dma_start3A_400 = arith.constant 256 : i32
    %dma_start3A_401 = tpu.memref_slice %arg11[%dma_start3A_400] : memref<2048xf32, #tpu.memory_space<vmem>> -> memref<256xf32, #tpu.memory_space<vmem>>
    %dma_start3A_402 = tpu.memref_slice %arg13[%multiple_of3A_396] : memref<32768xf32, #tpu.memory_space<vmem_shared>> -> memref<256xf32, #tpu.memory_space<vmem_shared>>
    tpu.enqueue_dma source(%dma_start3A_402 : memref<256xf32, #tpu.memory_space<vmem_shared>>) target(%dma_start3A_401 : memref<256xf32, #tpu.memory_space<vmem>>) target_semaphore(%arg14 : memref<!tpu.dma_semaphore, #tpu.memory_space<semaphore_mem>>)
    %add3A_403 = arith.constant 2 : i32
    %add3A_404 = arith.addi %mul3A_379, %add3A_403 : i32
    %mul3A_405 = arith.constant 2048 : i32
    %mul3A_406 = arith.muli %add3A_404, %mul3A_405 : i32
    %add3A_407 = arith.addi %mul3A_406, %mul3A_353 : i32
    %multiple_of3A_408 = tpu.assume_multiple %add3A_407, 256 : i32
    %dma_start3A_409 = arith.constant 512 : i32
    %dma_start3A_410 = tpu.memref_slice %arg11[%dma_start3A_409] : memref<2048xf32, #tpu.memory_space<vmem>> -> memref<256xf32, #tpu.memory_space<vmem>>
    %dma_start3A_411 = tpu.memref_slice %arg13[%multiple_of3A_408] : memref<32768xf32, #tpu.memory_space<vmem_shared>> -> memref<256xf32, #tpu.memory_space<vmem_shared>>
    %dma_start3A_412 = arith.constant 512 : i32
    %dma_start3A_413 = tpu.memref_slice %arg11[%dma_start3A_412] : memref<2048xf32, #tpu.memory_space<vmem>> -> memref<256xf32, #tpu.memory_space<vmem>>
    %dma_start3A_414 = tpu.memref_slice %arg13[%multiple_of3A_408] : memref<32768xf32, #tpu.memory_space<vmem_shared>> -> memref<256xf32, #tpu.memory_space<vmem_shared>>
    tpu.enqueue_dma source(%dma_start3A_414 : memref<256xf32, #tpu.memory_space<vmem_shared>>) target(%dma_start3A_413 : memref<256xf32, #tpu.memory_space<vmem>>) target_semaphore(%arg14 : memref<!tpu.dma_semaphore, #tpu.memory_space<semaphore_mem>>)
    %add3A_415 = arith.constant 3 : i32
    %add3A_416 = arith.addi %mul3A_379, %add3A_415 : i32
    %mul3A_417 = arith.constant 2048 : i32
    %mul3A_418 = arith.muli %add3A_416, %mul3A_417 : i32
    %add3A_419 = arith.addi %mul3A_418, %mul3A_353 : i32
    %multiple_of3A_420 = tpu.assume_multiple %add3A_419, 256 : i32
    %dma_start3A_421 = arith.constant 768 : i32
    %dma_start3A_422 = tpu.memref_slice %arg11[%dma_start3A_421] : memref<2048xf32, #tpu.memory_space<vmem>> -> memref<256xf32, #tpu.memory_space<vmem>>
    %dma_start3A_423 = tpu.memref_slice %arg13[%multiple_of3A_420] : memref<32768xf32, #tpu.memory_space<vmem_shared>> -> memref<256xf32, #tpu.memory_space<vmem_shared>>
    %dma_start3A_424 = arith.constant 768 : i32
    %dma_start3A_425 = tpu.memref_slice %arg11[%dma_start3A_424] : memref<2048xf32, #tpu.memory_space<vmem>> -> memref<256xf32, #tpu.memory_space<vmem>>
    %dma_start3A_426 = tpu.memref_slice %arg13[%multiple_of3A_420] : memref<32768xf32, #tpu.memory_space<vmem_shared>> -> memref<256xf32, #tpu.memory_space<vmem_shared>>
    tpu.enqueue_dma source(%dma_start3A_426 : memref<256xf32, #tpu.memory_space<vmem_shared>>) target(%dma_start3A_425 : memref<256xf32, #tpu.memory_space<vmem>>) target_semaphore(%arg14 : memref<!tpu.dma_semaphore, #tpu.memory_space<semaphore_mem>>)
    %add3A_427 = arith.constant 4 : i32
    %add3A_428 = arith.addi %mul3A_379, %add3A_427 : i32
    %mul3A_429 = arith.constant 2048 : i32
    %mul3A_430 = arith.muli %add3A_428, %mul3A_429 : i32
    %add3A_431 = arith.addi %mul3A_430, %mul3A_353 : i32
    %multiple_of3A_432 = tpu.assume_multiple %add3A_431, 256 : i32
    %dma_start3A_433 = arith.constant 1024 : i32
    %dma_start3A_434 = tpu.memref_slice %arg11[%dma_start3A_433] : memref<2048xf32, #tpu.memory_space<vmem>> -> memref<256xf32, #tpu.memory_space<vmem>>
    %dma_start3A_435 = tpu.memref_slice %arg13[%multiple_of3A_432] : memref<32768xf32, #tpu.memory_space<vmem_shared>> -> memref<256xf32, #tpu.memory_space<vmem_shared>>
    %dma_start3A_436 = arith.constant 1024 : i32
    %dma_start3A_437 = tpu.memref_slice %arg11[%dma_start3A_436] : memref<2048xf32, #tpu.memory_space<vmem>> -> memref<256xf32, #tpu.memory_space<vmem>>
    %dma_start3A_438 = tpu.memref_slice %arg13[%multiple_of3A_432] : memref<32768xf32, #tpu.memory_space<vmem_shared>> -> memref<256xf32, #tpu.memory_space<vmem_shared>>
    tpu.enqueue_dma source(%dma_start3A_438 : memref<256xf32, #tpu.memory_space<vmem_shared>>) target(%dma_start3A_437 : memref<256xf32, #tpu.memory_space<vmem>>) target_semaphore(%arg14 : memref<!tpu.dma_semaphore, #tpu.memory_space<semaphore_mem>>)
    %add3A_439 = arith.constant 5 : i32
    %add3A_440 = arith.addi %mul3A_379, %add3A_439 : i32
    %mul3A_441 = arith.constant 2048 : i32
    %mul3A_442 = arith.muli %add3A_440, %mul3A_441 : i32
    %add3A_443 = arith.addi %mul3A_442, %mul3A_353 : i32
    %multiple_of3A_444 = tpu.assume_multiple %add3A_443, 256 : i32
    %dma_start3A_445 = arith.constant 1280 : i32
    %dma_start3A_446 = tpu.memref_slice %arg11[%dma_start3A_445] : memref<2048xf32, #tpu.memory_space<vmem>> -> memref<256xf32, #tpu.memory_space<vmem>>
    %dma_start3A_447 = tpu.memref_slice %arg13[%multiple_of3A_444] : memref<32768xf32, #tpu.memory_space<vmem_shared>> -> memref<256xf32, #tpu.memory_space<vmem_shared>>
    %dma_start3A_448 = arith.constant 1280 : i32
    %dma_start3A_449 = tpu.memref_slice %arg11[%dma_start3A_448] : memref<2048xf32, #tpu.memory_space<vmem>> -> memref<256xf32, #tpu.memory_space<vmem>>
    %dma_start3A_450 = tpu.memref_slice %arg13[%multiple_of3A_444] : memref<32768xf32, #tpu.memory_space<vmem_shared>> -> memref<256xf32, #tpu.memory_space<vmem_shared>>
    tpu.enqueue_dma source(%dma_start3A_450 : memref<256xf32, #tpu.memory_space<vmem_shared>>) target(%dma_start3A_449 : memref<256xf32, #tpu.memory_space<vmem>>) target_semaphore(%arg14 : memref<!tpu.dma_semaphore, #tpu.memory_space<semaphore_mem>>)
    %add3A_451 = arith.constant 6 : i32
    %add3A_452 = arith.addi %mul3A_379, %add3A_451 : i32
    %mul3A_453 = arith.constant 2048 : i32
    %mul3A_454 = arith.muli %add3A_452, %mul3A_453 : i32
    %add3A_455 = arith.addi %mul3A_454, %mul3A_353 : i32
    %multiple_of3A_456 = tpu.assume_multiple %add3A_455, 256 : i32
    %dma_start3A_457 = arith.constant 1536 : i32
    %dma_start3A_458 = tpu.memref_slice %arg11[%dma_start3A_457] : memref<2048xf32, #tpu.memory_space<vmem>> -> memref<256xf32, #tpu.memory_space<vmem>>
    %dma_start3A_459 = tpu.memref_slice %arg13[%multiple_of3A_456] : memref<32768xf32, #tpu.memory_space<vmem_shared>> -> memref<256xf32, #tpu.memory_space<vmem_shared>>
    %dma_start3A_460 = arith.constant 1536 : i32
    %dma_start3A_461 = tpu.memref_slice %arg11[%dma_start3A_460] : memref<2048xf32, #tpu.memory_space<vmem>> -> memref<256xf32, #tpu.memory_space<vmem>>
    %dma_start3A_462 = tpu.memref_slice %arg13[%multiple_of3A_456] : memref<32768xf32, #tpu.memory_space<vmem_shared>> -> memref<256xf32, #tpu.memory_space<vmem_shared>>
    tpu.enqueue_dma source(%dma_start3A_462 : memref<256xf32, #tpu.memory_space<vmem_shared>>) target(%dma_start3A_461 : memref<256xf32, #tpu.memory_space<vmem>>) target_semaphore(%arg14 : memref<!tpu.dma_semaphore, #tpu.memory_space<semaphore_mem>>)
    %add3A_463 = arith.constant 7 : i32
    %add3A_464 = arith.addi %mul3A_379, %add3A_463 : i32
    %mul3A_465 = arith.constant 2048 : i32
    %mul3A_466 = arith.muli %add3A_464, %mul3A_465 : i32
    %add3A_467 = arith.addi %mul3A_466, %mul3A_353 : i32
    %multiple_of3A_468 = tpu.assume_multiple %add3A_467, 256 : i32
    %dma_start3A_469 = arith.constant 1792 : i32
    %dma_start3A_470 = tpu.memref_slice %arg11[%dma_start3A_469] : memref<2048xf32, #tpu.memory_space<vmem>> -> memref<256xf32, #tpu.memory_space<vmem>>
    %dma_start3A_471 = tpu.memref_slice %arg13[%multiple_of3A_468] : memref<32768xf32, #tpu.memory_space<vmem_shared>> -> memref<256xf32, #tpu.memory_space<vmem_shared>>
    %dma_start3A_472 = arith.constant 1792 : i32
    %dma_start3A_473 = tpu.memref_slice %arg11[%dma_start3A_472] : memref<2048xf32, #tpu.memory_space<vmem>> -> memref<256xf32, #tpu.memory_space<vmem>>
    %dma_start3A_474 = tpu.memref_slice %arg13[%multiple_of3A_468] : memref<32768xf32, #tpu.memory_space<vmem_shared>> -> memref<256xf32, #tpu.memory_space<vmem_shared>>
    tpu.enqueue_dma source(%dma_start3A_474 : memref<256xf32, #tpu.memory_space<vmem_shared>>) target(%dma_start3A_473 : memref<256xf32, #tpu.memory_space<vmem>>) target_semaphore(%arg14 : memref<!tpu.dma_semaphore, #tpu.memory_space<semaphore_mem>>)
    %dma_wait3A = arith.constant 0 : i32
    %dma_wait3A_475 = tpu.memref_slice %arg11[%dma_wait3A] : memref<2048xf32, #tpu.memory_space<vmem>> -> memref<256xf32, #tpu.memory_space<vmem>>
    %dma_wait3A_476 = arith.constant 0 : i32
    %dma_wait3A_477 = tpu.memref_slice %arg13[%dma_wait3A_476] : memref<32768xf32, #tpu.memory_space<vmem_shared>> -> memref<256xf32, #tpu.memory_space<vmem_shared>>
    %dma_wait3A_478 = arith.constant 0 : i32
    %dma_wait3A_479 = tpu.memref_slice %arg11[%dma_wait3A_478] : memref<2048xf32, #tpu.memory_space<vmem>> -> memref<256xf32, #tpu.memory_space<vmem>>
    %dma_wait3A_480 = arith.constant 0 : i32
    %dma_wait3A_481 = tpu.memref_slice %arg13[%dma_wait3A_480] : memref<32768xf32, #tpu.memory_space<vmem_shared>> -> memref<256xf32, #tpu.memory_space<vmem_shared>>
    tpu.wait_dma2 semaphore(%arg14 : memref<!tpu.dma_semaphore, #tpu.memory_space<semaphore_mem>>) src(%dma_wait3A_481 : memref<256xf32, #tpu.memory_space<vmem_shared>>) dst(%dma_wait3A_479 : memref<256xf32, #tpu.memory_space<vmem>>)
    %dma_wait3A_482 = arith.constant 256 : i32
    %dma_wait3A_483 = tpu.memref_slice %arg11[%dma_wait3A_482] : memref<2048xf32, #tpu.memory_space<vmem>> -> memref<256xf32, #tpu.memory_space<vmem>>
    %dma_wait3A_484 = arith.constant 0 : i32
    %dma_wait3A_485 = tpu.memref_slice %arg13[%dma_wait3A_484] : memref<32768xf32, #tpu.memory_space<vmem_shared>> -> memref<256xf32, #tpu.memory_space<vmem_shared>>
    %dma_wait3A_486 = arith.constant 256 : i32
    %dma_wait3A_487 = tpu.memref_slice %arg11[%dma_wait3A_486] : memref<2048xf32, #tpu.memory_space<vmem>> -> memref<256xf32, #tpu.memory_space<vmem>>
    %dma_wait3A_488 = arith.constant 0 : i32
    %dma_wait3A_489 = tpu.memref_slice %arg13[%dma_wait3A_488] : memref<32768xf32, #tpu.memory_space<vmem_shared>> -> memref<256xf32, #tpu.memory_space<vmem_shared>>
    tpu.wait_dma2 semaphore(%arg14 : memref<!tpu.dma_semaphore, #tpu.memory_space<semaphore_mem>>) src(%dma_wait3A_489 : memref<256xf32, #tpu.memory_space<vmem_shared>>) dst(%dma_wait3A_487 : memref<256xf32, #tpu.memory_space<vmem>>)
    %dma_wait3A_490 = arith.constant 512 : i32
    %dma_wait3A_491 = tpu.memref_slice %arg11[%dma_wait3A_490] : memref<2048xf32, #tpu.memory_space<vmem>> -> memref<256xf32, #tpu.memory_space<vmem>>
    %dma_wait3A_492 = arith.constant 0 : i32
    %dma_wait3A_493 = tpu.memref_slice %arg13[%dma_wait3A_492] : memref<32768xf32, #tpu.memory_space<vmem_shared>> -> memref<256xf32, #tpu.memory_space<vmem_shared>>
    %dma_wait3A_494 = arith.constant 512 : i32
    %dma_wait3A_495 = tpu.memref_slice %arg11[%dma_wait3A_494] : memref<2048xf32, #tpu.memory_space<vmem>> -> memref<256xf32, #tpu.memory_space<vmem>>
    %dma_wait3A_496 = arith.constant 0 : i32
    %dma_wait3A_497 = tpu.memref_slice %arg13[%dma_wait3A_496] : memref<32768xf32, #tpu.memory_space<vmem_shared>> -> memref<256xf32, #tpu.memory_space<vmem_shared>>
    tpu.wait_dma2 semaphore(%arg14 : memref<!tpu.dma_semaphore, #tpu.memory_space<semaphore_mem>>) src(%dma_wait3A_497 : memref<256xf32, #tpu.memory_space<vmem_shared>>) dst(%dma_wait3A_495 : memref<256xf32, #tpu.memory_space<vmem>>)
    %dma_wait3A_498 = arith.constant 768 : i32
    %dma_wait3A_499 = tpu.memref_slice %arg11[%dma_wait3A_498] : memref<2048xf32, #tpu.memory_space<vmem>> -> memref<256xf32, #tpu.memory_space<vmem>>
    %dma_wait3A_500 = arith.constant 0 : i32
    %dma_wait3A_501 = tpu.memref_slice %arg13[%dma_wait3A_500] : memref<32768xf32, #tpu.memory_space<vmem_shared>> -> memref<256xf32, #tpu.memory_space<vmem_shared>>
    %dma_wait3A_502 = arith.constant 768 : i32
    %dma_wait3A_503 = tpu.memref_slice %arg11[%dma_wait3A_502] : memref<2048xf32, #tpu.memory_space<vmem>> -> memref<256xf32, #tpu.memory_space<vmem>>
    %dma_wait3A_504 = arith.constant 0 : i32
    %dma_wait3A_505 = tpu.memref_slice %arg13[%dma_wait3A_504] : memref<32768xf32, #tpu.memory_space<vmem_shared>> -> memref<256xf32, #tpu.memory_space<vmem_shared>>
    tpu.wait_dma2 semaphore(%arg14 : memref<!tpu.dma_semaphore, #tpu.memory_space<semaphore_mem>>) src(%dma_wait3A_505 : memref<256xf32, #tpu.memory_space<vmem_shared>>) dst(%dma_wait3A_503 : memref<256xf32, #tpu.memory_space<vmem>>)
    %dma_wait3A_506 = arith.constant 1024 : i32
    %dma_wait3A_507 = tpu.memref_slice %arg11[%dma_wait3A_506] : memref<2048xf32, #tpu.memory_space<vmem>> -> memref<256xf32, #tpu.memory_space<vmem>>
    %dma_wait3A_508 = arith.constant 0 : i32
    %dma_wait3A_509 = tpu.memref_slice %arg13[%dma_wait3A_508] : memref<32768xf32, #tpu.memory_space<vmem_shared>> -> memref<256xf32, #tpu.memory_space<vmem_shared>>
    %dma_wait3A_510 = arith.constant 1024 : i32
    %dma_wait3A_511 = tpu.memref_slice %arg11[%dma_wait3A_510] : memref<2048xf32, #tpu.memory_space<vmem>> -> memref<256xf32, #tpu.memory_space<vmem>>
    %dma_wait3A_512 = arith.constant 0 : i32
    %dma_wait3A_513 = tpu.memref_slice %arg13[%dma_wait3A_512] : memref<32768xf32, #tpu.memory_space<vmem_shared>> -> memref<256xf32, #tpu.memory_space<vmem_shared>>
    tpu.wait_dma2 semaphore(%arg14 : memref<!tpu.dma_semaphore, #tpu.memory_space<semaphore_mem>>) src(%dma_wait3A_513 : memref<256xf32, #tpu.memory_space<vmem_shared>>) dst(%dma_wait3A_511 : memref<256xf32, #tpu.memory_space<vmem>>)
    %dma_wait3A_514 = arith.constant 1280 : i32
    %dma_wait3A_515 = tpu.memref_slice %arg11[%dma_wait3A_514] : memref<2048xf32, #tpu.memory_space<vmem>> -> memref<256xf32, #tpu.memory_space<vmem>>
    %dma_wait3A_516 = arith.constant 0 : i32
    %dma_wait3A_517 = tpu.memref_slice %arg13[%dma_wait3A_516] : memref<32768xf32, #tpu.memory_space<vmem_shared>> -> memref<256xf32, #tpu.memory_space<vmem_shared>>
    %dma_wait3A_518 = arith.constant 1280 : i32
    %dma_wait3A_519 = tpu.memref_slice %arg11[%dma_wait3A_518] : memref<2048xf32, #tpu.memory_space<vmem>> -> memref<256xf32, #tpu.memory_space<vmem>>
    %dma_wait3A_520 = arith.constant 0 : i32
    %dma_wait3A_521 = tpu.memref_slice %arg13[%dma_wait3A_520] : memref<32768xf32, #tpu.memory_space<vmem_shared>> -> memref<256xf32, #tpu.memory_space<vmem_shared>>
    tpu.wait_dma2 semaphore(%arg14 : memref<!tpu.dma_semaphore, #tpu.memory_space<semaphore_mem>>) src(%dma_wait3A_521 : memref<256xf32, #tpu.memory_space<vmem_shared>>) dst(%dma_wait3A_519 : memref<256xf32, #tpu.memory_space<vmem>>)
    %dma_wait3A_522 = arith.constant 1536 : i32
    %dma_wait3A_523 = tpu.memref_slice %arg11[%dma_wait3A_522] : memref<2048xf32, #tpu.memory_space<vmem>> -> memref<256xf32, #tpu.memory_space<vmem>>
    %dma_wait3A_524 = arith.constant 0 : i32
    %dma_wait3A_525 = tpu.memref_slice %arg13[%dma_wait3A_524] : memref<32768xf32, #tpu.memory_space<vmem_shared>> -> memref<256xf32, #tpu.memory_space<vmem_shared>>
    %dma_wait3A_526 = arith.constant 1536 : i32
    %dma_wait3A_527 = tpu.memref_slice %arg11[%dma_wait3A_526] : memref<2048xf32, #tpu.memory_space<vmem>> -> memref<256xf32, #tpu.memory_space<vmem>>
    %dma_wait3A_528 = arith.constant 0 : i32
    %dma_wait3A_529 = tpu.memref_slice %arg13[%dma_wait3A_528] : memref<32768xf32, #tpu.memory_space<vmem_shared>> -> memref<256xf32, #tpu.memory_space<vmem_shared>>
    tpu.wait_dma2 semaphore(%arg14 : memref<!tpu.dma_semaphore, #tpu.memory_space<semaphore_mem>>) src(%dma_wait3A_529 : memref<256xf32, #tpu.memory_space<vmem_shared>>) dst(%dma_wait3A_527 : memref<256xf32, #tpu.memory_space<vmem>>)
    %dma_wait3A_530 = arith.constant 1792 : i32
    %dma_wait3A_531 = tpu.memref_slice %arg11[%dma_wait3A_530] : memref<2048xf32, #tpu.memory_space<vmem>> -> memref<256xf32, #tpu.memory_space<vmem>>
    %dma_wait3A_532 = arith.constant 0 : i32
    %dma_wait3A_533 = tpu.memref_slice %arg13[%dma_wait3A_532] : memref<32768xf32, #tpu.memory_space<vmem_shared>> -> memref<256xf32, #tpu.memory_space<vmem_shared>>
    %dma_wait3A_534 = arith.constant 1792 : i32
    %dma_wait3A_535 = tpu.memref_slice %arg11[%dma_wait3A_534] : memref<2048xf32, #tpu.memory_space<vmem>> -> memref<256xf32, #tpu.memory_space<vmem>>
    %dma_wait3A_536 = arith.constant 0 : i32
    %dma_wait3A_537 = tpu.memref_slice %arg13[%dma_wait3A_536] : memref<32768xf32, #tpu.memory_space<vmem_shared>> -> memref<256xf32, #tpu.memory_space<vmem_shared>>
    tpu.wait_dma2 semaphore(%arg14 : memref<!tpu.dma_semaphore, #tpu.memory_space<semaphore_mem>>) src(%dma_wait3A_537 : memref<256xf32, #tpu.memory_space<vmem_shared>>) dst(%dma_wait3A_535 : memref<256xf32, #tpu.memory_space<vmem>>)
    %get3A = arith.constant 0 : index
    %get3A_538 = tpu.vector_load %arg12[%get3A] {strides = array<i32>} : memref<128xf32, #tpu.memory_space<vmem>>, vector<16xf32>,
    %get3A_539 = arith.constant 0 : index
    %get3A_540 = tpu.vector_load %arg11[%get3A_539] {strides = array<i32>} : memref<2048xf32, #tpu.memory_space<vmem>>, vector<16xf32>,
    %get3A_541 = arith.constant 256 : index
    %get3A_542 = tpu.vector_load %arg11[%get3A_541] {strides = array<i32>} : memref<2048xf32, #tpu.memory_space<vmem>>, vector<16xf32>,
    %add3A_543 = arith.addf %get3A_540, %get3A_542 : vector<16xf32>
    %get3A_544 = arith.constant 512 : index
    %get3A_545 = tpu.vector_load %arg11[%get3A_544] {strides = array<i32>} : memref<2048xf32, #tpu.memory_space<vmem>>, vector<16xf32>,
    %add3A_546 = arith.addf %add3A_543, %get3A_545 : vector<16xf32>
    %get3A_547 = arith.constant 768 : index
    %get3A_548 = tpu.vector_load %arg11[%get3A_547] {strides = array<i32>} : memref<2048xf32, #tpu.memory_space<vmem>>, vector<16xf32>,
    %add3A_549 = arith.addf %add3A_546, %get3A_548 : vector<16xf32>
    %get3A_550 = arith.constant 1024 : index
    %get3A_551 = tpu.vector_load %arg11[%get3A_550] {strides = array<i32>} : memref<2048xf32, #tpu.memory_space<vmem>>, vector<16xf32>,
    %add3A_552 = arith.addf %add3A_549, %get3A_551 : vector<16xf32>
    %get3A_553 = arith.constant 1280 : index
    %get3A_554 = tpu.vector_load %arg11[%get3A_553] {strides = array<i32>} : memref<2048xf32, #tpu.memory_space<vmem>>, vector<16xf32>,
    %add3A_555 = arith.addf %add3A_552, %get3A_554 : vector<16xf32>
    %get3A_556 = arith.constant 1536 : index
    %get3A_557 = tpu.vector_load %arg11[%get3A_556] {strides = array<i32>} : memref<2048xf32, #tpu.memory_space<vmem>>, vector<16xf32>,
    %add3A_558 = arith.addf %add3A_555, %get3A_557 : vector<16xf32>
    %get3A_559 = arith.constant 1792 : index
    %get3A_560 = tpu.vector_load %arg11[%get3A_559] {strides = array<i32>} : memref<2048xf32, #tpu.memory_space<vmem>>, vector<16xf32>,
    %add3A_561 = arith.addf %add3A_558, %get3A_560 : vector<16xf32>
    %div3A_562 = arith.divf %add3A_561, %get3A_538 : vector<16xf32>
    %swap3A_563 = arith.constant 0 : index
    %swap3A_564 = tpu.vector_load %arg10[%swap3A_563] {strides = array<i32>} : memref<2048xf32, #tpu.memory_space<vmem>>, vector<16xf32>,
    tpu.vector_store %arg10[%swap3A_563], %div3A_562 {strides = array<i32>} : memref<2048xf32, #tpu.memory_space<vmem>>, vector<16xf32>,
    %get3A_565 = arith.constant 16 : index
    %get3A_566 = tpu.vector_load %arg11[%get3A_565] {strides = array<i32>} : memref<2048xf32, #tpu.memory_space<vmem>>, vector<16xf32>,
    %get3A_567 = arith.constant 272 : index
    %get3A_568 = tpu.vector_load %arg11[%get3A_567] {strides = array<i32>} : memref<2048xf32, #tpu.memory_space<vmem>>, vector<16xf32>,
    %add3A_569 = arith.addf %get3A_566, %get3A_568 : vector<16xf32>
    %get3A_570 = arith.constant 528 : index
    %get3A_571 = tpu.vector_load %arg11[%get3A_570] {strides = array<i32>} : memref<2048xf32, #tpu.memory_space<vmem>>, vector<16xf32>,
    %add3A_572 = arith.addf %add3A_569, %get3A_571 : vector<16xf32>
    %get3A_573 = arith.constant 784 : index
    %get3A_574 = tpu.vector_load %arg11[%get3A_573] {strides = array<i32>} : memref<2048xf32, #tpu.memory_space<vmem>>, vector<16xf32>,
    %add3A_575 = arith.addf %add3A_572, %get3A_574 : vector<16xf32>
    %get3A_576 = arith.constant 1040 : index
    %get3A_577 = tpu.vector_load %arg11[%get3A_576] {strides = array<i32>} : memref<2048xf32, #tpu.memory_space<vmem>>, vector<16xf32>,
    %add3A_578 = arith.addf %add3A_575, %get3A_577 : vector<16xf32>
    %get3A_579 = arith.constant 1296 : index
    %get3A_580 = tpu.vector_load %arg11[%get3A_579] {strides = array<i32>} : memref<2048xf32, #tpu.memory_space<vmem>>, vector<16xf32>,
    %add3A_581 = arith.addf %add3A_578, %get3A_580 : vector<16xf32>
    %get3A_582 = arith.constant 1552 : index
    %get3A_583 = tpu.vector_load %arg11[%get3A_582] {strides = array<i32>} : memref<2048xf32, #tpu.memory_space<vmem>>, vector<16xf32>,
    %add3A_584 = arith.addf %add3A_581, %get3A_583 : vector<16xf32>
    %get3A_585 = arith.constant 1808 : index
    %get3A_586 = tpu.vector_load %arg11[%get3A_585] {strides = array<i32>} : memref<2048xf32, #tpu.memory_space<vmem>>, vector<16xf32>,
    %add3A_587 = arith.addf %add3A_584, %get3A_586 : vector<16xf32>
    %div3A_588 = arith.divf %add3A_587, %get3A_538 : vector<16xf32>
    %swap3A_589 = arith.constant 16 : index
    %swap3A_590 = tpu.vector_load %arg10[%swap3A_589] {strides = array<i32>} : memref<2048xf32, #tpu.memory_space<vmem>>, vector<16xf32>,
    tpu.vector_store %arg10[%swap3A_589], %div3A_588 {strides = array<i32>} : memref<2048xf32, #tpu.memory_space<vmem>>, vector<16xf32>,
    %get3A_591 = arith.constant 32 : index
    %get3A_592 = tpu.vector_load %arg11[%get3A_591] {strides = array<i32>} : memref<2048xf32, #tpu.memory_space<vmem>>, vector<16xf32>,
    %get3A_593 = arith.constant 288 : index
    %get3A_594 = tpu.vector_load %arg11[%get3A_593] {strides = array<i32>} : memref<2048xf32, #tpu.memory_space<vmem>>, vector<16xf32>,
    %add3A_595 = arith.addf %get3A_592, %get3A_594 : vector<16xf32>
    %get3A_596 = arith.constant 544 : index
    %get3A_597 = tpu.vector_load %arg11[%get3A_596] {strides = array<i32>} : memref<2048xf32, #tpu.memory_space<vmem>>, vector<16xf32>,
    %add3A_598 = arith.addf %add3A_595, %get3A_597 : vector<16xf32>
    %get3A_599 = arith.constant 800 : index
    %get3A_600 = tpu.vector_load %arg11[%get3A_599] {strides = array<i32>} : memref<2048xf32, #tpu.memory_space<vmem>>, vector<16xf32>,
    %add3A_601 = arith.addf %add3A_598, %get3A_600 : vector<16xf32>
    %get3A_602 = arith.constant 1056 : index
    %get3A_603 = tpu.vector_load %arg11[%get3A_602] {strides = array<i32>} : memref<2048xf32, #tpu.memory_space<vmem>>, vector<16xf32>,
    %add3A_604 = arith.addf %add3A_601, %get3A_603 : vector<16xf32>
    %get3A_605 = arith.constant 1312 : index
    %get3A_606 = tpu.vector_load %arg11[%get3A_605] {strides = array<i32>} : memref<2048xf32, #tpu.memory_space<vmem>>, vector<16xf32>,
    %add3A_607 = arith.addf %add3A_604, %get3A_606 : vector<16xf32>
    %get3A_608 = arith.constant 1568 : index
    %get3A_609 = tpu.vector_load %arg11[%get3A_608] {strides = array<i32>} : memref<2048xf32, #tpu.memory_space<vmem>>, vector<16xf32>,
    %add3A_610 = arith.addf %add3A_607, %get3A_609 : vector<16xf32>
    %get3A_611 = arith.constant 1824 : index
    %get3A_612 = tpu.vector_load %arg11[%get3A_611] {strides = array<i32>} : memref<2048xf32, #tpu.memory_space<vmem>>, vector<16xf32>,
    %add3A_613 = arith.addf %add3A_610, %get3A_612 : vector<16xf32>
    %div3A_614 = arith.divf %add3A_613, %get3A_538 : vector<16xf32>
    %swap3A_615 = arith.constant 32 : index
    %swap3A_616 = tpu.vector_load %arg10[%swap3A_615] {strides = array<i32>} : memref<2048xf32, #tpu.memory_space<vmem>>, vector<16xf32>,
    tpu.vector_store %arg10[%swap3A_615], %div3A_614 {strides = array<i32>} : memref<2048xf32, #tpu.memory_space<vmem>>, vector<16xf32>,
    %get3A_617 = arith.constant 48 : index
    %get3A_618 = tpu.vector_load %arg11[%get3A_617] {strides = array<i32>} : memref<2048xf32, #tpu.memory_space<vmem>>, vector<16xf32>,
    %get3A_619 = arith.constant 304 : index
    %get3A_620 = tpu.vector_load %arg11[%get3A_619] {strides = array<i32>} : memref<2048xf32, #tpu.memory_space<vmem>>, vector<16xf32>,
    %add3A_621 = arith.addf %get3A_618, %get3A_620 : vector<16xf32>
    %get3A_622 = arith.constant 560 : index
    %get3A_623 = tpu.vector_load %arg11[%get3A_622] {strides = array<i32>} : memref<2048xf32, #tpu.memory_space<vmem>>, vector<16xf32>,
    %add3A_624 = arith.addf %add3A_621, %get3A_623 : vector<16xf32>
    %get3A_625 = arith.constant 816 : index
    %get3A_626 = tpu.vector_load %arg11[%get3A_625] {strides = array<i32>} : memref<2048xf32, #tpu.memory_space<vmem>>, vector<16xf32>,
    %add3A_627 = arith.addf %add3A_624, %get3A_626 : vector<16xf32>
    %get3A_628 = arith.constant 1072 : index
    %get3A_629 = tpu.vector_load %arg11[%get3A_628] {strides = array<i32>} : memref<2048xf32, #tpu.memory_space<vmem>>, vector<16xf32>,
    %add3A_630 = arith.addf %add3A_627, %get3A_629 : vector<16xf32>
    %get3A_631 = arith.constant 1328 : index
    %get3A_632 = tpu.vector_load %arg11[%get3A_631] {strides = array<i32>} : memref<2048xf32, #tpu.memory_space<vmem>>, vector<16xf32>,
    %add3A_633 = arith.addf %add3A_630, %get3A_632 : vector<16xf32>
    %get3A_634 = arith.constant 1584 : index
    %get3A_635 = tpu.vector_load %arg11[%get3A_634] {strides = array<i32>} : memref<2048xf32, #tpu.memory_space<vmem>>, vector<16xf32>,
    %add3A_636 = arith.addf %add3A_633, %get3A_635 : vector<16xf32>
    %get3A_637 = arith.constant 1840 : index
    %get3A_638 = tpu.vector_load %arg11[%get3A_637] {strides = array<i32>} : memref<2048xf32, #tpu.memory_space<vmem>>, vector<16xf32>,
    %add3A_639 = arith.addf %add3A_636, %get3A_638 : vector<16xf32>
    %div3A_640 = arith.divf %add3A_639, %get3A_538 : vector<16xf32>
    %swap3A_641 = arith.constant 48 : index
    %swap3A_642 = tpu.vector_load %arg10[%swap3A_641] {strides = array<i32>} : memref<2048xf32, #tpu.memory_space<vmem>>, vector<16xf32>,
    tpu.vector_store %arg10[%swap3A_641], %div3A_640 {strides = array<i32>} : memref<2048xf32, #tpu.memory_space<vmem>>, vector<16xf32>,
    %get3A_643 = arith.constant 64 : index
    %get3A_644 = tpu.vector_load %arg11[%get3A_643] {strides = array<i32>} : memref<2048xf32, #tpu.memory_space<vmem>>, vector<16xf32>,
    %get3A_645 = arith.constant 320 : index
    %get3A_646 = tpu.vector_load %arg11[%get3A_645] {strides = array<i32>} : memref<2048xf32, #tpu.memory_space<vmem>>, vector<16xf32>,
    %add3A_647 = arith.addf %get3A_644, %get3A_646 : vector<16xf32>
    %get3A_648 = arith.constant 576 : index
    %get3A_649 = tpu.vector_load %arg11[%get3A_648] {strides = array<i32>} : memref<2048xf32, #tpu.memory_space<vmem>>, vector<16xf32>,
    %add3A_650 = arith.addf %add3A_647, %get3A_649 : vector<16xf32>
    %get3A_651 = arith.constant 832 : index
    %get3A_652 = tpu.vector_load %arg11[%get3A_651] {strides = array<i32>} : memref<2048xf32, #tpu.memory_space<vmem>>, vector<16xf32>,
    %add3A_653 = arith.addf %add3A_650, %get3A_652 : vector<16xf32>
    %get3A_654 = arith.constant 1088 : index
    %get3A_655 = tpu.vector_load %arg11[%get3A_654] {strides = array<i32>} : memref<2048xf32, #tpu.memory_space<vmem>>, vector<16xf32>,
    %add3A_656 = arith.addf %add3A_653, %get3A_655 : vector<16xf32>
    %get3A_657 = arith.constant 1344 : index
    %get3A_658 = tpu.vector_load %arg11[%get3A_657] {strides = array<i32>} : memref<2048xf32, #tpu.memory_space<vmem>>, vector<16xf32>,
    %add3A_659 = arith.addf %add3A_656, %get3A_658 : vector<16xf32>
    %get3A_660 = arith.constant 1600 : index
    %get3A_661 = tpu.vector_load %arg11[%get3A_660] {strides = array<i32>} : memref<2048xf32, #tpu.memory_space<vmem>>, vector<16xf32>,
    %add3A_662 = arith.addf %add3A_659, %get3A_661 : vector<16xf32>
    %get3A_663 = arith.constant 1856 : index
    %get3A_664 = tpu.vector_load %arg11[%get3A_663] {strides = array<i32>} : memref<2048xf32, #tpu.memory_space<vmem>>, vector<16xf32>,
    %add3A_665 = arith.addf %add3A_662, %get3A_664 : vector<16xf32>
    %div3A_666 = arith.divf %add3A_665, %get3A_538 : vector<16xf32>
    %swap3A_667 = arith.constant 64 : index
    %swap3A_668 = tpu.vector_load %arg10[%swap3A_667] {strides = array<i32>} : memref<2048xf32, #tpu.memory_space<vmem>>, vector<16xf32>,
    tpu.vector_store %arg10[%swap3A_667], %div3A_666 {strides = array<i32>} : memref<2048xf32, #tpu.memory_space<vmem>>, vector<16xf32>,
    %get3A_669 = arith.constant 80 : index
    %get3A_670 = tpu.vector_load %arg11[%get3A_669] {strides = array<i32>} : memref<2048xf32, #tpu.memory_space<vmem>>, vector<16xf32>,
    %get3A_671 = arith.constant 336 : index
    %get3A_672 = tpu.vector_load %arg11[%get3A_671] {strides = array<i32>} : memref<2048xf32, #tpu.memory_space<vmem>>, vector<16xf32>,
    %add3A_673 = arith.addf %get3A_670, %get3A_672 : vector<16xf32>
    %get3A_674 = arith.constant 592 : index
    %get3A_675 = tpu.vector_load %arg11[%get3A_674] {strides = array<i32>} : memref<2048xf32, #tpu.memory_space<vmem>>, vector<16xf32>,
    %add3A_676 = arith.addf %add3A_673, %get3A_675 : vector<16xf32>
    %get3A_677 = arith.constant 848 : index
    %get3A_678 = tpu.vector_load %arg11[%get3A_677] {strides = array<i32>} : memref<2048xf32, #tpu.memory_space<vmem>>, vector<16xf32>,
    %add3A_679 = arith.addf %add3A_676, %get3A_678 : vector<16xf32>
    %get3A_680 = arith.constant 1104 : index
    %get3A_681 = tpu.vector_load %arg11[%get3A_680] {strides = array<i32>} : memref<2048xf32, #tpu.memory_space<vmem>>, vector<16xf32>,
    %add3A_682 = arith.addf %add3A_679, %get3A_681 : vector<16xf32>
    %get3A_683 = arith.constant 1360 : index
    %get3A_684 = tpu.vector_load %arg11[%get3A_683] {strides = array<i32>} : memref<2048xf32, #tpu.memory_space<vmem>>, vector<16xf32>,
    %add3A_685 = arith.addf %add3A_682, %get3A_684 : vector<16xf32>
    %get3A_686 = arith.constant 1616 : index
    %get3A_687 = tpu.vector_load %arg11[%get3A_686] {strides = array<i32>} : memref<2048xf32, #tpu.memory_space<vmem>>, vector<16xf32>,
    %add3A_688 = arith.addf %add3A_685, %get3A_687 : vector<16xf32>
    %get3A_689 = arith.constant 1872 : index
    %get3A_690 = tpu.vector_load %arg11[%get3A_689] {strides = array<i32>} : memref<2048xf32, #tpu.memory_space<vmem>>, vector<16xf32>,
    %add3A_691 = arith.addf %add3A_688, %get3A_690 : vector<16xf32>
    %div3A_692 = arith.divf %add3A_691, %get3A_538 : vector<16xf32>
    %swap3A_693 = arith.constant 80 : index
    %swap3A_694 = tpu.vector_load %arg10[%swap3A_693] {strides = array<i32>} : memref<2048xf32, #tpu.memory_space<vmem>>, vector<16xf32>,
    tpu.vector_store %arg10[%swap3A_693], %div3A_692 {strides = array<i32>} : memref<2048xf32, #tpu.memory_space<vmem>>, vector<16xf32>,
    %get3A_695 = arith.constant 96 : index
    %get3A_696 = tpu.vector_load %arg11[%get3A_695] {strides = array<i32>} : memref<2048xf32, #tpu.memory_space<vmem>>, vector<16xf32>,
    %get3A_697 = arith.constant 352 : index
    %get3A_698 = tpu.vector_load %arg11[%get3A_697] {strides = array<i32>} : memref<2048xf32, #tpu.memory_space<vmem>>, vector<16xf32>,
    %add3A_699 = arith.addf %get3A_696, %get3A_698 : vector<16xf32>
    %get3A_700 = arith.constant 608 : index
    %get3A_701 = tpu.vector_load %arg11[%get3A_700] {strides = array<i32>} : memref<2048xf32, #tpu.memory_space<vmem>>, vector<16xf32>,
    %add3A_702 = arith.addf %add3A_699, %get3A_701 : vector<16xf32>
    %get3A_703 = arith.constant 864 : index
    %get3A_704 = tpu.vector_load %arg11[%get3A_703] {strides = array<i32>} : memref<2048xf32, #tpu.memory_space<vmem>>, vector<16xf32>,
    %add3A_705 = arith.addf %add3A_702, %get3A_704 : vector<16xf32>
    %get3A_706 = arith.constant 1120 : index
    %get3A_707 = tpu.vector_load %arg11[%get3A_706] {strides = array<i32>} : memref<2048xf32, #tpu.memory_space<vmem>>, vector<16xf32>,
    %add3A_708 = arith.addf %add3A_705, %get3A_707 : vector<16xf32>
    %get3A_709 = arith.constant 1376 : index
    %get3A_710 = tpu.vector_load %arg11[%get3A_709] {strides = array<i32>} : memref<2048xf32, #tpu.memory_space<vmem>>, vector<16xf32>,
    %add3A_711 = arith.addf %add3A_708, %get3A_710 : vector<16xf32>
    %get3A_712 = arith.constant 1632 : index
    %get3A_713 = tpu.vector_load %arg11[%get3A_712] {strides = array<i32>} : memref<2048xf32, #tpu.memory_space<vmem>>, vector<16xf32>,
    %add3A_714 = arith.addf %add3A_711, %get3A_713 : vector<16xf32>
    %get3A_715 = arith.constant 1888 : index
    %get3A_716 = tpu.vector_load %arg11[%get3A_715] {strides = array<i32>} : memref<2048xf32, #tpu.memory_space<vmem>>, vector<16xf32>,
    %add3A_717 = arith.addf %add3A_714, %get3A_716 : vector<16xf32>
    %div3A_718 = arith.divf %add3A_717, %get3A_538 : vector<16xf32>
    %swap3A_719 = arith.constant 96 : index
    %swap3A_720 = tpu.vector_load %arg10[%swap3A_719] {strides = array<i32>} : memref<2048xf32, #tpu.memory_space<vmem>>, vector<16xf32>,
    tpu.vector_store %arg10[%swap3A_719], %div3A_718 {strides = array<i32>} : memref<2048xf32, #tpu.memory_space<vmem>>, vector<16xf32>,
    %get3A_721 = arith.constant 112 : index
    %get3A_722 = tpu.vector_load %arg11[%get3A_721] {strides = array<i32>} : memref<2048xf32, #tpu.memory_space<vmem>>, vector<16xf32>,
    %get3A_723 = arith.constant 368 : index
    %get3A_724 = tpu.vector_load %arg11[%get3A_723] {strides = array<i32>} : memref<2048xf32, #tpu.memory_space<vmem>>, vector<16xf32>,
    %add3A_725 = arith.addf %get3A_722, %get3A_724 : vector<16xf32>
    %get3A_726 = arith.constant 624 : index
    %get3A_727 = tpu.vector_load %arg11[%get3A_726] {strides = array<i32>} : memref<2048xf32, #tpu.memory_space<vmem>>, vector<16xf32>,
    %add3A_728 = arith.addf %add3A_725, %get3A_727 : vector<16xf32>
    %get3A_729 = arith.constant 880 : index
    %get3A_730 = tpu.vector_load %arg11[%get3A_729] {strides = array<i32>} : memref<2048xf32, #tpu.memory_space<vmem>>, vector<16xf32>,
    %add3A_731 = arith.addf %add3A_728, %get3A_730 : vector<16xf32>
    %get3A_732 = arith.constant 1136 : index
    %get3A_733 = tpu.vector_load %arg11[%get3A_732] {strides = array<i32>} : memref<2048xf32, #tpu.memory_space<vmem>>, vector<16xf32>,
    %add3A_734 = arith.addf %add3A_731, %get3A_733 : vector<16xf32>
    %get3A_735 = arith.constant 1392 : index
    %get3A_736 = tpu.vector_load %arg11[%get3A_735] {strides = array<i32>} : memref<2048xf32, #tpu.memory_space<vmem>>, vector<16xf32>,
    %add3A_737 = arith.addf %add3A_734, %get3A_736 : vector<16xf32>
    %get3A_738 = arith.constant 1648 : index
    %get3A_739 = tpu.vector_load %arg11[%get3A_738] {strides = array<i32>} : memref<2048xf32, #tpu.memory_space<vmem>>, vector<16xf32>,
    %add3A_740 = arith.addf %add3A_737, %get3A_739 : vector<16xf32>
    %get3A_741 = arith.constant 1904 : index
    %get3A_742 = tpu.vector_load %arg11[%get3A_741] {strides = array<i32>} : memref<2048xf32, #tpu.memory_space<vmem>>, vector<16xf32>,
    %add3A_743 = arith.addf %add3A_740, %get3A_742 : vector<16xf32>
    %div3A_744 = arith.divf %add3A_743, %get3A_538 : vector<16xf32>
    %swap3A_745 = arith.constant 112 : index
    %swap3A_746 = tpu.vector_load %arg10[%swap3A_745] {strides = array<i32>} : memref<2048xf32, #tpu.memory_space<vmem>>, vector<16xf32>,
    tpu.vector_store %arg10[%swap3A_745], %div3A_744 {strides = array<i32>} : memref<2048xf32, #tpu.memory_space<vmem>>, vector<16xf32>,
    %get3A_747 = arith.constant 128 : index
    %get3A_748 = tpu.vector_load %arg11[%get3A_747] {strides = array<i32>} : memref<2048xf32, #tpu.memory_space<vmem>>, vector<16xf32>,
    %get3A_749 = arith.constant 384 : index
    %get3A_750 = tpu.vector_load %arg11[%get3A_749] {strides = array<i32>} : memref<2048xf32, #tpu.memory_space<vmem>>, vector<16xf32>,
    %add3A_751 = arith.addf %get3A_748, %get3A_750 : vector<16xf32>
    %get3A_752 = arith.constant 640 : index
    %get3A_753 = tpu.vector_load %arg11[%get3A_752] {strides = array<i32>} : memref<2048xf32, #tpu.memory_space<vmem>>, vector<16xf32>,
    %add3A_754 = arith.addf %add3A_751, %get3A_753 : vector<16xf32>
    %get3A_755 = arith.constant 896 : index
    %get3A_756 = tpu.vector_load %arg11[%get3A_755] {strides = array<i32>} : memref<2048xf32, #tpu.memory_space<vmem>>, vector<16xf32>,
    %add3A_757 = arith.addf %add3A_754, %get3A_756 : vector<16xf32>
    %get3A_758 = arith.constant 1152 : index
    %get3A_759 = tpu.vector_load %arg11[%get3A_758] {strides = array<i32>} : memref<2048xf32, #tpu.memory_space<vmem>>, vector<16xf32>,
    %add3A_760 = arith.addf %add3A_757, %get3A_759 : vector<16xf32>
    %get3A_761 = arith.constant 1408 : index
    %get3A_762 = tpu.vector_load %arg11[%get3A_761] {strides = array<i32>} : memref<2048xf32, #tpu.memory_space<vmem>>, vector<16xf32>,
    %add3A_763 = arith.addf %add3A_760, %get3A_762 : vector<16xf32>
    %get3A_764 = arith.constant 1664 : index
    %get3A_765 = tpu.vector_load %arg11[%get3A_764] {strides = array<i32>} : memref<2048xf32, #tpu.memory_space<vmem>>, vector<16xf32>,
    %add3A_766 = arith.addf %add3A_763, %get3A_765 : vector<16xf32>
    %get3A_767 = arith.constant 1920 : index
    %get3A_768 = tpu.vector_load %arg11[%get3A_767] {strides = array<i32>} : memref<2048xf32, #tpu.memory_space<vmem>>, vector<16xf32>,
    %add3A_769 = arith.addf %add3A_766, %get3A_768 : vector<16xf32>
    %div3A_770 = arith.divf %add3A_769, %get3A_538 : vector<16xf32>
    %swap3A_771 = arith.constant 128 : index
    %swap3A_772 = tpu.vector_load %arg10[%swap3A_771] {strides = array<i32>} : memref<2048xf32, #tpu.memory_space<vmem>>, vector<16xf32>,
    tpu.vector_store %arg10[%swap3A_771], %div3A_770 {strides = array<i32>} : memref<2048xf32, #tpu.memory_space<vmem>>, vector<16xf32>,
    %get3A_773 = arith.constant 144 : index
    %get3A_774 = tpu.vector_load %arg11[%get3A_773] {strides = array<i32>} : memref<2048xf32, #tpu.memory_space<vmem>>, vector<16xf32>,
    %get3A_775 = arith.constant 400 : index
    %get3A_776 = tpu.vector_load %arg11[%get3A_775] {strides = array<i32>} : memref<2048xf32, #tpu.memory_space<vmem>>, vector<16xf32>,
    %add3A_777 = arith.addf %get3A_774, %get3A_776 : vector<16xf32>
    %get3A_778 = arith.constant 656 : index
    %get3A_779 = tpu.vector_load %arg11[%get3A_778] {strides = array<i32>} : memref<2048xf32, #tpu.memory_space<vmem>>, vector<16xf32>,
    %add3A_780 = arith.addf %add3A_777, %get3A_779 : vector<16xf32>
    %get3A_781 = arith.constant 912 : index
    %get3A_782 = tpu.vector_load %arg11[%get3A_781] {strides = array<i32>} : memref<2048xf32, #tpu.memory_space<vmem>>, vector<16xf32>,
    %add3A_783 = arith.addf %add3A_780, %get3A_782 : vector<16xf32>
    %get3A_784 = arith.constant 1168 : index
    %get3A_785 = tpu.vector_load %arg11[%get3A_784] {strides = array<i32>} : memref<2048xf32, #tpu.memory_space<vmem>>, vector<16xf32>,
    %add3A_786 = arith.addf %add3A_783, %get3A_785 : vector<16xf32>
    %get3A_787 = arith.constant 1424 : index
    %get3A_788 = tpu.vector_load %arg11[%get3A_787] {strides = array<i32>} : memref<2048xf32, #tpu.memory_space<vmem>>, vector<16xf32>,
    %add3A_789 = arith.addf %add3A_786, %get3A_788 : vector<16xf32>
    %get3A_790 = arith.constant 1680 : index
    %get3A_791 = tpu.vector_load %arg11[%get3A_790] {strides = array<i32>} : memref<2048xf32, #tpu.memory_space<vmem>>, vector<16xf32>,
    %add3A_792 = arith.addf %add3A_789, %get3A_791 : vector<16xf32>
    %get3A_793 = arith.constant 1936 : index
    %get3A_794 = tpu.vector_load %arg11[%get3A_793] {strides = array<i32>} : memref<2048xf32, #tpu.memory_space<vmem>>, vector<16xf32>,
    %add3A_795 = arith.addf %add3A_792, %get3A_794 : vector<16xf32>
    %div3A_796 = arith.divf %add3A_795, %get3A_538 : vector<16xf32>
    %swap3A_797 = arith.constant 144 : index
    %swap3A_798 = tpu.vector_load %arg10[%swap3A_797] {strides = array<i32>} : memref<2048xf32, #tpu.memory_space<vmem>>, vector<16xf32>,
    tpu.vector_store %arg10[%swap3A_797], %div3A_796 {strides = array<i32>} : memref<2048xf32, #tpu.memory_space<vmem>>, vector<16xf32>,
    %get3A_799 = arith.constant 160 : index
    %get3A_800 = tpu.vector_load %arg11[%get3A_799] {strides = array<i32>} : memref<2048xf32, #tpu.memory_space<vmem>>, vector<16xf32>,
    %get3A_801 = arith.constant 416 : index
    %get3A_802 = tpu.vector_load %arg11[%get3A_801] {strides = array<i32>} : memref<2048xf32, #tpu.memory_space<vmem>>, vector<16xf32>,
    %add3A_803 = arith.addf %get3A_800, %get3A_802 : vector<16xf32>
    %get3A_804 = arith.constant 672 : index
    %get3A_805 = tpu.vector_load %arg11[%get3A_804] {strides = array<i32>} : memref<2048xf32, #tpu.memory_space<vmem>>, vector<16xf32>,
    %add3A_806 = arith.addf %add3A_803, %get3A_805 : vector<16xf32>
    %get3A_807 = arith.constant 928 : index
    %get3A_808 = tpu.vector_load %arg11[%get3A_807] {strides = array<i32>} : memref<2048xf32, #tpu.memory_space<vmem>>, vector<16xf32>,
    %add3A_809 = arith.addf %add3A_806, %get3A_808 : vector<16xf32>
    %get3A_810 = arith.constant 1184 : index
    %get3A_811 = tpu.vector_load %arg11[%get3A_810] {strides = array<i32>} : memref<2048xf32, #tpu.memory_space<vmem>>, vector<16xf32>,
    %add3A_812 = arith.addf %add3A_809, %get3A_811 : vector<16xf32>
    %get3A_813 = arith.constant 1440 : index
    %get3A_814 = tpu.vector_load %arg11[%get3A_813] {strides = array<i32>} : memref<2048xf32, #tpu.memory_space<vmem>>, vector<16xf32>,
    %add3A_815 = arith.addf %add3A_812, %get3A_814 : vector<16xf32>
    %get3A_816 = arith.constant 1696 : index
    %get3A_817 = tpu.vector_load %arg11[%get3A_816] {strides = array<i32>} : memref<2048xf32, #tpu.memory_space<vmem>>, vector<16xf32>,
    %add3A_818 = arith.addf %add3A_815, %get3A_817 : vector<16xf32>
    %get3A_819 = arith.constant 1952 : index
    %get3A_820 = tpu.vector_load %arg11[%get3A_819] {strides = array<i32>} : memref<2048xf32, #tpu.memory_space<vmem>>, vector<16xf32>,
    %add3A_821 = arith.addf %add3A_818, %get3A_820 : vector<16xf32>
    %div3A_822 = arith.divf %add3A_821, %get3A_538 : vector<16xf32>
    %swap3A_823 = arith.constant 160 : index
    %swap3A_824 = tpu.vector_load %arg10[%swap3A_823] {strides = array<i32>} : memref<2048xf32, #tpu.memory_space<vmem>>, vector<16xf32>,
    tpu.vector_store %arg10[%swap3A_823], %div3A_822 {strides = array<i32>} : memref<2048xf32, #tpu.memory_space<vmem>>, vector<16xf32>,
    %get3A_825 = arith.constant 176 : index
    %get3A_826 = tpu.vector_load %arg11[%get3A_825] {strides = array<i32>} : memref<2048xf32, #tpu.memory_space<vmem>>, vector<16xf32>,
    %get3A_827 = arith.constant 432 : index
    %get3A_828 = tpu.vector_load %arg11[%get3A_827] {strides = array<i32>} : memref<2048xf32, #tpu.memory_space<vmem>>, vector<16xf32>,
    %add3A_829 = arith.addf %get3A_826, %get3A_828 : vector<16xf32>
    %get3A_830 = arith.constant 688 : index
    %get3A_831 = tpu.vector_load %arg11[%get3A_830] {strides = array<i32>} : memref<2048xf32, #tpu.memory_space<vmem>>, vector<16xf32>,
    %add3A_832 = arith.addf %add3A_829, %get3A_831 : vector<16xf32>
    %get3A_833 = arith.constant 944 : index
    %get3A_834 = tpu.vector_load %arg11[%get3A_833] {strides = array<i32>} : memref<2048xf32, #tpu.memory_space<vmem>>, vector<16xf32>,
    %add3A_835 = arith.addf %add3A_832, %get3A_834 : vector<16xf32>
    %get3A_836 = arith.constant 1200 : index
    %get3A_837 = tpu.vector_load %arg11[%get3A_836] {strides = array<i32>} : memref<2048xf32, #tpu.memory_space<vmem>>, vector<16xf32>,
    %add3A_838 = arith.addf %add3A_835, %get3A_837 : vector<16xf32>
    %get3A_839 = arith.constant 1456 : index
    %get3A_840 = tpu.vector_load %arg11[%get3A_839] {strides = array<i32>} : memref<2048xf32, #tpu.memory_space<vmem>>, vector<16xf32>,
    %add3A_841 = arith.addf %add3A_838, %get3A_840 : vector<16xf32>
    %get3A_842 = arith.constant 1712 : index
    %get3A_843 = tpu.vector_load %arg11[%get3A_842] {strides = array<i32>} : memref<2048xf32, #tpu.memory_space<vmem>>, vector<16xf32>,
    %add3A_844 = arith.addf %add3A_841, %get3A_843 : vector<16xf32>
    %get3A_845 = arith.constant 1968 : index
    %get3A_846 = tpu.vector_load %arg11[%get3A_845] {strides = array<i32>} : memref<2048xf32, #tpu.memory_space<vmem>>, vector<16xf32>,
    %add3A_847 = arith.addf %add3A_844, %get3A_846 : vector<16xf32>
    %div3A_848 = arith.divf %add3A_847, %get3A_538 : vector<16xf32>
    %swap3A_849 = arith.constant 176 : index
    %swap3A_850 = tpu.vector_load %arg10[%swap3A_849] {strides = array<i32>} : memref<2048xf32, #tpu.memory_space<vmem>>, vector<16xf32>,
    tpu.vector_store %arg10[%swap3A_849], %div3A_848 {strides = array<i32>} : memref<2048xf32, #tpu.memory_space<vmem>>, vector<16xf32>,
    %get3A_851 = arith.constant 192 : index
    %get3A_852 = tpu.vector_load %arg11[%get3A_851] {strides = array<i32>} : memref<2048xf32, #tpu.memory_space<vmem>>, vector<16xf32>,
    %get3A_853 = arith.constant 448 : index
    %get3A_854 = tpu.vector_load %arg11[%get3A_853] {strides = array<i32>} : memref<2048xf32, #tpu.memory_space<vmem>>, vector<16xf32>,
    %add3A_855 = arith.addf %get3A_852, %get3A_854 : vector<16xf32>
    %get3A_856 = arith.constant 704 : index
    %get3A_857 = tpu.vector_load %arg11[%get3A_856] {strides = array<i32>} : memref<2048xf32, #tpu.memory_space<vmem>>, vector<16xf32>,
    %add3A_858 = arith.addf %add3A_855, %get3A_857 : vector<16xf32>
    %get3A_859 = arith.constant 960 : index
    %get3A_860 = tpu.vector_load %arg11[%get3A_859] {strides = array<i32>} : memref<2048xf32, #tpu.memory_space<vmem>>, vector<16xf32>,
    %add3A_861 = arith.addf %add3A_858, %get3A_860 : vector<16xf32>
    %get3A_862 = arith.constant 1216 : index
    %get3A_863 = tpu.vector_load %arg11[%get3A_862] {strides = array<i32>} : memref<2048xf32, #tpu.memory_space<vmem>>, vector<16xf32>,
    %add3A_864 = arith.addf %add3A_861, %get3A_863 : vector<16xf32>
    %get3A_865 = arith.constant 1472 : index
    %get3A_866 = tpu.vector_load %arg11[%get3A_865] {strides = array<i32>} : memref<2048xf32, #tpu.memory_space<vmem>>, vector<16xf32>,
    %add3A_867 = arith.addf %add3A_864, %get3A_866 : vector<16xf32>
    %get3A_868 = arith.constant 1728 : index
    %get3A_869 = tpu.vector_load %arg11[%get3A_868] {strides = array<i32>} : memref<2048xf32, #tpu.memory_space<vmem>>, vector<16xf32>,
    %add3A_870 = arith.addf %add3A_867, %get3A_869 : vector<16xf32>
    %get3A_871 = arith.constant 1984 : index
    %get3A_872 = tpu.vector_load %arg11[%get3A_871] {strides = array<i32>} : memref<2048xf32, #tpu.memory_space<vmem>>, vector<16xf32>,
    %add3A_873 = arith.addf %add3A_870, %get3A_872 : vector<16xf32>
    %div3A_874 = arith.divf %add3A_873, %get3A_538 : vector<16xf32>
    %swap3A_875 = arith.constant 192 : index
    %swap3A_876 = tpu.vector_load %arg10[%swap3A_875] {strides = array<i32>} : memref<2048xf32, #tpu.memory_space<vmem>>, vector<16xf32>,
    tpu.vector_store %arg10[%swap3A_875], %div3A_874 {strides = array<i32>} : memref<2048xf32, #tpu.memory_space<vmem>>, vector<16xf32>,
    %get3A_877 = arith.constant 208 : index
    %get3A_878 = tpu.vector_load %arg11[%get3A_877] {strides = array<i32>} : memref<2048xf32, #tpu.memory_space<vmem>>, vector<16xf32>,
    %get3A_879 = arith.constant 464 : index
    %get3A_880 = tpu.vector_load %arg11[%get3A_879] {strides = array<i32>} : memref<2048xf32, #tpu.memory_space<vmem>>, vector<16xf32>,
    %add3A_881 = arith.addf %get3A_878, %get3A_880 : vector<16xf32>
    %get3A_882 = arith.constant 720 : index
    %get3A_883 = tpu.vector_load %arg11[%get3A_882] {strides = array<i32>} : memref<2048xf32, #tpu.memory_space<vmem>>, vector<16xf32>,
    %add3A_884 = arith.addf %add3A_881, %get3A_883 : vector<16xf32>
    %get3A_885 = arith.constant 976 : index
    %get3A_886 = tpu.vector_load %arg11[%get3A_885] {strides = array<i32>} : memref<2048xf32, #tpu.memory_space<vmem>>, vector<16xf32>,
    %add3A_887 = arith.addf %add3A_884, %get3A_886 : vector<16xf32>
    %get3A_888 = arith.constant 1232 : index
    %get3A_889 = tpu.vector_load %arg11[%get3A_888] {strides = array<i32>} : memref<2048xf32, #tpu.memory_space<vmem>>, vector<16xf32>,
    %add3A_890 = arith.addf %add3A_887, %get3A_889 : vector<16xf32>
    %get3A_891 = arith.constant 1488 : index
    %get3A_892 = tpu.vector_load %arg11[%get3A_891] {strides = array<i32>} : memref<2048xf32, #tpu.memory_space<vmem>>, vector<16xf32>,
    %add3A_893 = arith.addf %add3A_890, %get3A_892 : vector<16xf32>
    %get3A_894 = arith.constant 1744 : index
    %get3A_895 = tpu.vector_load %arg11[%get3A_894] {strides = array<i32>} : memref<2048xf32, #tpu.memory_space<vmem>>, vector<16xf32>,
    %add3A_896 = arith.addf %add3A_893, %get3A_895 : vector<16xf32>
    %get3A_897 = arith.constant 2000 : index
    %get3A_898 = tpu.vector_load %arg11[%get3A_897] {strides = array<i32>} : memref<2048xf32, #tpu.memory_space<vmem>>, vector<16xf32>,
    %add3A_899 = arith.addf %add3A_896, %get3A_898 : vector<16xf32>
    %div3A_900 = arith.divf %add3A_899, %get3A_538 : vector<16xf32>
    %swap3A_901 = arith.constant 208 : index
    %swap3A_902 = tpu.vector_load %arg10[%swap3A_901] {strides = array<i32>} : memref<2048xf32, #tpu.memory_space<vmem>>, vector<16xf32>,
    tpu.vector_store %arg10[%swap3A_901], %div3A_900 {strides = array<i32>} : memref<2048xf32, #tpu.memory_space<vmem>>, vector<16xf32>,
    %get3A_903 = arith.constant 224 : index
    %get3A_904 = tpu.vector_load %arg11[%get3A_903] {strides = array<i32>} : memref<2048xf32, #tpu.memory_space<vmem>>, vector<16xf32>,
    %get3A_905 = arith.constant 480 : index
    %get3A_906 = tpu.vector_load %arg11[%get3A_905] {strides = array<i32>} : memref<2048xf32, #tpu.memory_space<vmem>>, vector<16xf32>,
    %add3A_907 = arith.addf %get3A_904, %get3A_906 : vector<16xf32>
    %get3A_908 = arith.constant 736 : index
    %get3A_909 = tpu.vector_load %arg11[%get3A_908] {strides = array<i32>} : memref<2048xf32, #tpu.memory_space<vmem>>, vector<16xf32>,
    %add3A_910 = arith.addf %add3A_907, %get3A_909 : vector<16xf32>
    %get3A_911 = arith.constant 992 : index
    %get3A_912 = tpu.vector_load %arg11[%get3A_911] {strides = array<i32>} : memref<2048xf32, #tpu.memory_space<vmem>>, vector<16xf32>,
    %add3A_913 = arith.addf %add3A_910, %get3A_912 : vector<16xf32>
    %get3A_914 = arith.constant 1248 : index
    %get3A_915 = tpu.vector_load %arg11[%get3A_914] {strides = array<i32>} : memref<2048xf32, #tpu.memory_space<vmem>>, vector<16xf32>,
    %add3A_916 = arith.addf %add3A_913, %get3A_915 : vector<16xf32>
    %get3A_917 = arith.constant 1504 : index
    %get3A_918 = tpu.vector_load %arg11[%get3A_917] {strides = array<i32>} : memref<2048xf32, #tpu.memory_space<vmem>>, vector<16xf32>,
    %add3A_919 = arith.addf %add3A_916, %get3A_918 : vector<16xf32>
    %get3A_920 = arith.constant 1760 : index
    %get3A_921 = tpu.vector_load %arg11[%get3A_920] {strides = array<i32>} : memref<2048xf32, #tpu.memory_space<vmem>>, vector<16xf32>,
    %add3A_922 = arith.addf %add3A_919, %get3A_921 : vector<16xf32>
    %get3A_923 = arith.constant 2016 : index
    %get3A_924 = tpu.vector_load %arg11[%get3A_923] {strides = array<i32>} : memref<2048xf32, #tpu.memory_space<vmem>>, vector<16xf32>,
    %add3A_925 = arith.addf %add3A_922, %get3A_924 : vector<16xf32>
    %div3A_926 = arith.divf %add3A_925, %get3A_538 : vector<16xf32>
    %swap3A_927 = arith.constant 224 : index
    %swap3A_928 = tpu.vector_load %arg10[%swap3A_927] {strides = array<i32>} : memref<2048xf32, #tpu.memory_space<vmem>>, vector<16xf32>,
    tpu.vector_store %arg10[%swap3A_927], %div3A_926 {strides = array<i32>} : memref<2048xf32, #tpu.memory_space<vmem>>, vector<16xf32>,
    %get3A_929 = arith.constant 240 : index
    %get3A_930 = tpu.vector_load %arg11[%get3A_929] {strides = array<i32>} : memref<2048xf32, #tpu.memory_space<vmem>>, vector<16xf32>,
    %get3A_931 = arith.constant 496 : index
    %get3A_932 = tpu.vector_load %arg11[%get3A_931] {strides = array<i32>} : memref<2048xf32, #tpu.memory_space<vmem>>, vector<16xf32>,
    %add3A_933 = arith.addf %get3A_930, %get3A_932 : vector<16xf32>
    %get3A_934 = arith.constant 752 : index
    %get3A_935 = tpu.vector_load %arg11[%get3A_934] {strides = array<i32>} : memref<2048xf32, #tpu.memory_space<vmem>>, vector<16xf32>,
    %add3A_936 = arith.addf %add3A_933, %get3A_935 : vector<16xf32>
    %get3A_937 = arith.constant 1008 : index
    %get3A_938 = tpu.vector_load %arg11[%get3A_937] {strides = array<i32>} : memref<2048xf32, #tpu.memory_space<vmem>>, vector<16xf32>,
    %add3A_939 = arith.addf %add3A_936, %get3A_938 : vector<16xf32>
    %get3A_940 = arith.constant 1264 : index
    %get3A_941 = tpu.vector_load %arg11[%get3A_940] {strides = array<i32>} : memref<2048xf32, #tpu.memory_space<vmem>>, vector<16xf32>,
    %add3A_942 = arith.addf %add3A_939, %get3A_941 : vector<16xf32>
    %get3A_943 = arith.constant 1520 : index
    %get3A_944 = tpu.vector_load %arg11[%get3A_943] {strides = array<i32>} : memref<2048xf32, #tpu.memory_space<vmem>>, vector<16xf32>,
    %add3A_945 = arith.addf %add3A_942, %get3A_944 : vector<16xf32>
    %get3A_946 = arith.constant 1776 : index
    %get3A_947 = tpu.vector_load %arg11[%get3A_946] {strides = array<i32>} : memref<2048xf32, #tpu.memory_space<vmem>>, vector<16xf32>,
    %add3A_948 = arith.addf %add3A_945, %get3A_947 : vector<16xf32>
    %get3A_949 = arith.constant 2032 : index
    %get3A_950 = tpu.vector_load %arg11[%get3A_949] {strides = array<i32>} : memref<2048xf32, #tpu.memory_space<vmem>>, vector<16xf32>,
    %add3A_951 = arith.addf %add3A_948, %get3A_950 : vector<16xf32>
    %div3A_952 = arith.divf %add3A_951, %get3A_538 : vector<16xf32>
    %swap3A_953 = arith.constant 240 : index
    %swap3A_954 = tpu.vector_load %arg10[%swap3A_953] {strides = array<i32>} : memref<2048xf32, #tpu.memory_space<vmem>>, vector<16xf32>,
    tpu.vector_store %arg10[%swap3A_953], %div3A_952 {strides = array<i32>} : memref<2048xf32, #tpu.memory_space<vmem>>, vector<16xf32>,
    %mul3A_955 = arith.constant 2048 : i32
    %mul3A_956 = arith.muli %select_n3A, %mul3A_955 : i32
    %add3A_957 = arith.addi %mul3A_956, %mul3A_353 : i32
    %multiple_of3A_958 = tpu.assume_multiple %add3A_957, 256 : i32
    "tpu.region"() ({
      %run_scoped3A = tpu.sem_alloc : memref<!tpu.dma_semaphore, #tpu.memory_space<semaphore_mem>>
      %dma_start3A_959 = arith.constant 0 : i32
      %dma_start3A_960 = tpu.memref_slice %arg10[%dma_start3A_959] : memref<2048xf32, #tpu.memory_space<vmem>> -> memref<256xf32, #tpu.memory_space<vmem>>
      %dma_start3A_961 = tpu.memref_slice %arg5[%multiple_of3A_958] : memref<8192xf32, #tpu.memory_space<hbm>> -> memref<256xf32, #tpu.memory_space<hbm>>
      %dma_start3A_962 = tpu.memref_slice %arg5[%multiple_of3A_958] : memref<8192xf32, #tpu.memory_space<hbm>> -> memref<256xf32, #tpu.memory_space<hbm>>
      %dma_start3A_963 = arith.constant 0 : i32
      %dma_start3A_964 = tpu.memref_slice %arg10[%dma_start3A_963] : memref<2048xf32, #tpu.memory_space<vmem>> -> memref<256xf32, #tpu.memory_space<vmem>>
      tpu.enqueue_dma source(%dma_start3A_964 : memref<256xf32, #tpu.memory_space<vmem>>) target(%dma_start3A_962 : memref<256xf32, #tpu.memory_space<hbm>>) target_semaphore(%run_scoped3A : memref<!tpu.dma_semaphore, #tpu.memory_space<semaphore_mem>>)
      %dma_wait3A_965 = arith.constant 0 : i32
      %dma_wait3A_966 = tpu.memref_slice %arg10[%dma_wait3A_965] : memref<2048xf32, #tpu.memory_space<vmem>> -> memref<256xf32, #tpu.memory_space<vmem>>
      %dma_wait3A_967 = tpu.memref_slice %arg5[%multiple_of3A_958] : memref<8192xf32, #tpu.memory_space<hbm>> -> memref<256xf32, #tpu.memory_space<hbm>>
      %dma_wait3A_968 = tpu.memref_slice %arg5[%multiple_of3A_958] : memref<8192xf32, #tpu.memory_space<hbm>> -> memref<256xf32, #tpu.memory_space<hbm>>
      %dma_wait3A_969 = arith.constant 0 : i32
      %dma_wait3A_970 = tpu.memref_slice %arg10[%dma_wait3A_969] : memref<2048xf32, #tpu.memory_space<vmem>> -> memref<256xf32, #tpu.memory_space<vmem>>
      tpu.wait_dma2 semaphore(%run_scoped3A : memref<!tpu.dma_semaphore, #tpu.memory_space<semaphore_mem>>) src(%dma_wait3A_970 : memref<256xf32, #tpu.memory_space<vmem>>) dst(%dma_wait3A_968 : memref<256xf32, #tpu.memory_space<hbm>>)
      tpu.yield
    }) : () -> ()
    return
  }
}

module attributes {stable_mosaic.version = 14 : i64} {
  func.func @_score_select_kernel(%arg0: i32, %arg1: i32, %arg2: memref<1x1024x2048xf32, #tpu.memory_space<vmem>>, %arg3: memref<1x1x1024xi32, #tpu.memory_space<vmem>>, %arg4: memref<4x1x4096xi32, #tpu.memory_space<vmem>>, %arg5: memref<1x128xf32, #tpu.memory_space<vmem>>, %arg6: memref<4x4096xi32, #tpu.memory_space<vmem>>) attributes {dimension_semantics = [#tpu.dimension_semantics<arbitrary>, #tpu.dimension_semantics<arbitrary>], iteration_bounds = array<i64: 4, 4>, scalar_prefetch = 0 : i64, scratch_operands = 1 : i64, tpu.core_type = #tpu.core_type<tc>, window_params = [{transform_indices = @transform_0, window_bounds = array<i64: 1, 1024, 2048>}, {transform_indices = @transform_1, window_bounds = array<i64: 1, 1, 1024>}, {pipeline_mode = #tpu.pipeline_mode<synchronous>, transform_indices = @transform_2, window_bounds = array<i64: 4, 1, 4096>}, {pipeline_mode = #tpu.pipeline_mode<synchronous>, transform_indices = @transform_3, window_bounds = array<i64: 1, 128>}]} {
    %get3A = arith.constant 0 : index
    %get3A_0 = arith.constant 0 : index
    %get3A_1 = arith.constant 0 : index
    %get3A_2 = vector.load %arg2[%get3A, %get3A_0, %get3A_1] : memref<1x1024x2048xf32, #tpu.memory_space<vmem>>, vector<1x1024x2048xf32>
    %get3A_3 = vector.shape_cast %get3A_2 : vector<1x1024x2048xf32> to vector<1024x2048xf32>
    %mul3A = arith.mulf %get3A_3, %get3A_3 : vector<1024x2048xf32>
    %slice3A = vector.extract_strided_slice %mul3A {offsets = [0, 0], sizes = [1024, 128], strides = [1, 1]} : vector<1024x2048xf32> to vector<1024x128xf32>
    %slice3A_4 = vector.extract_strided_slice %mul3A {offsets = [0, 128], sizes = [1024, 128], strides = [1, 1]} : vector<1024x2048xf32> to vector<1024x128xf32>
    %add3A = arith.addf %slice3A, %slice3A_4 : vector<1024x128xf32>
    %slice3A_5 = vector.extract_strided_slice %mul3A {offsets = [0, 256], sizes = [1024, 128], strides = [1, 1]} : vector<1024x2048xf32> to vector<1024x128xf32>
    %add3A_6 = arith.addf %add3A, %slice3A_5 : vector<1024x128xf32>
    %slice3A_7 = vector.extract_strided_slice %mul3A {offsets = [0, 384], sizes = [1024, 128], strides = [1, 1]} : vector<1024x2048xf32> to vector<1024x128xf32>
    %add3A_8 = arith.addf %add3A_6, %slice3A_7 : vector<1024x128xf32>
    %slice3A_9 = vector.extract_strided_slice %mul3A {offsets = [0, 512], sizes = [1024, 128], strides = [1, 1]} : vector<1024x2048xf32> to vector<1024x128xf32>
    %add3A_10 = arith.addf %add3A_8, %slice3A_9 : vector<1024x128xf32>
    %slice3A_11 = vector.extract_strided_slice %mul3A {offsets = [0, 640], sizes = [1024, 128], strides = [1, 1]} : vector<1024x2048xf32> to vector<1024x128xf32>
    %add3A_12 = arith.addf %add3A_10, %slice3A_11 : vector<1024x128xf32>
    %slice3A_13 = vector.extract_strided_slice %mul3A {offsets = [0, 768], sizes = [1024, 128], strides = [1, 1]} : vector<1024x2048xf32> to vector<1024x128xf32>
    %add3A_14 = arith.addf %add3A_12, %slice3A_13 : vector<1024x128xf32>
    %slice3A_15 = vector.extract_strided_slice %mul3A {offsets = [0, 896], sizes = [1024, 128], strides = [1, 1]} : vector<1024x2048xf32> to vector<1024x128xf32>
    %add3A_16 = arith.addf %add3A_14, %slice3A_15 : vector<1024x128xf32>
    %slice3A_17 = vector.extract_strided_slice %mul3A {offsets = [0, 1024], sizes = [1024, 128], strides = [1, 1]} : vector<1024x2048xf32> to vector<1024x128xf32>
    %add3A_18 = arith.addf %add3A_16, %slice3A_17 : vector<1024x128xf32>
    %slice3A_19 = vector.extract_strided_slice %mul3A {offsets = [0, 1152], sizes = [1024, 128], strides = [1, 1]} : vector<1024x2048xf32> to vector<1024x128xf32>
    %add3A_20 = arith.addf %add3A_18, %slice3A_19 : vector<1024x128xf32>
    %slice3A_21 = vector.extract_strided_slice %mul3A {offsets = [0, 1280], sizes = [1024, 128], strides = [1, 1]} : vector<1024x2048xf32> to vector<1024x128xf32>
    %add3A_22 = arith.addf %add3A_20, %slice3A_21 : vector<1024x128xf32>
    %slice3A_23 = vector.extract_strided_slice %mul3A {offsets = [0, 1408], sizes = [1024, 128], strides = [1, 1]} : vector<1024x2048xf32> to vector<1024x128xf32>
    %add3A_24 = arith.addf %add3A_22, %slice3A_23 : vector<1024x128xf32>
    %slice3A_25 = vector.extract_strided_slice %mul3A {offsets = [0, 1536], sizes = [1024, 128], strides = [1, 1]} : vector<1024x2048xf32> to vector<1024x128xf32>
    %add3A_26 = arith.addf %add3A_24, %slice3A_25 : vector<1024x128xf32>
    %slice3A_27 = vector.extract_strided_slice %mul3A {offsets = [0, 1664], sizes = [1024, 128], strides = [1, 1]} : vector<1024x2048xf32> to vector<1024x128xf32>
    %add3A_28 = arith.addf %add3A_26, %slice3A_27 : vector<1024x128xf32>
    %slice3A_29 = vector.extract_strided_slice %mul3A {offsets = [0, 1792], sizes = [1024, 128], strides = [1, 1]} : vector<1024x2048xf32> to vector<1024x128xf32>
    %add3A_30 = arith.addf %add3A_28, %slice3A_29 : vector<1024x128xf32>
    %slice3A_31 = vector.extract_strided_slice %mul3A {offsets = [0, 1920], sizes = [1024, 128], strides = [1, 1]} : vector<1024x2048xf32> to vector<1024x128xf32>
    %add3A_32 = arith.addf %add3A_30, %slice3A_31 : vector<1024x128xf32>
    %transpose3A = tpu.transpose %add3A_32, [1, 0] : vector<1024x128xf32> -> vector<128x1024xf32>
    %slice3A_33 = vector.extract_strided_slice %transpose3A {offsets = [0, 0], sizes = [8, 1024], strides = [1, 1]} : vector<128x1024xf32> to vector<8x1024xf32>
    %slice3A_34 = vector.extract_strided_slice %transpose3A {offsets = [8, 0], sizes = [8, 1024], strides = [1, 1]} : vector<128x1024xf32> to vector<8x1024xf32>
    %add3A_35 = arith.addf %slice3A_33, %slice3A_34 : vector<8x1024xf32>
    %slice3A_36 = vector.extract_strided_slice %transpose3A {offsets = [16, 0], sizes = [8, 1024], strides = [1, 1]} : vector<128x1024xf32> to vector<8x1024xf32>
    %add3A_37 = arith.addf %add3A_35, %slice3A_36 : vector<8x1024xf32>
    %slice3A_38 = vector.extract_strided_slice %transpose3A {offsets = [24, 0], sizes = [8, 1024], strides = [1, 1]} : vector<128x1024xf32> to vector<8x1024xf32>
    %add3A_39 = arith.addf %add3A_37, %slice3A_38 : vector<8x1024xf32>
    %slice3A_40 = vector.extract_strided_slice %transpose3A {offsets = [32, 0], sizes = [8, 1024], strides = [1, 1]} : vector<128x1024xf32> to vector<8x1024xf32>
    %add3A_41 = arith.addf %add3A_39, %slice3A_40 : vector<8x1024xf32>
    %slice3A_42 = vector.extract_strided_slice %transpose3A {offsets = [40, 0], sizes = [8, 1024], strides = [1, 1]} : vector<128x1024xf32> to vector<8x1024xf32>
    %add3A_43 = arith.addf %add3A_41, %slice3A_42 : vector<8x1024xf32>
    %slice3A_44 = vector.extract_strided_slice %transpose3A {offsets = [48, 0], sizes = [8, 1024], strides = [1, 1]} : vector<128x1024xf32> to vector<8x1024xf32>
    %add3A_45 = arith.addf %add3A_43, %slice3A_44 : vector<8x1024xf32>
    %slice3A_46 = vector.extract_strided_slice %transpose3A {offsets = [56, 0], sizes = [8, 1024], strides = [1, 1]} : vector<128x1024xf32> to vector<8x1024xf32>
    %add3A_47 = arith.addf %add3A_45, %slice3A_46 : vector<8x1024xf32>
    %slice3A_48 = vector.extract_strided_slice %transpose3A {offsets = [64, 0], sizes = [8, 1024], strides = [1, 1]} : vector<128x1024xf32> to vector<8x1024xf32>
    %add3A_49 = arith.addf %add3A_47, %slice3A_48 : vector<8x1024xf32>
    %slice3A_50 = vector.extract_strided_slice %transpose3A {offsets = [72, 0], sizes = [8, 1024], strides = [1, 1]} : vector<128x1024xf32> to vector<8x1024xf32>
    %add3A_51 = arith.addf %add3A_49, %slice3A_50 : vector<8x1024xf32>
    %slice3A_52 = vector.extract_strided_slice %transpose3A {offsets = [80, 0], sizes = [8, 1024], strides = [1, 1]} : vector<128x1024xf32> to vector<8x1024xf32>
    %add3A_53 = arith.addf %add3A_51, %slice3A_52 : vector<8x1024xf32>
    %slice3A_54 = vector.extract_strided_slice %transpose3A {offsets = [88, 0], sizes = [8, 1024], strides = [1, 1]} : vector<128x1024xf32> to vector<8x1024xf32>
    %add3A_55 = arith.addf %add3A_53, %slice3A_54 : vector<8x1024xf32>
    %slice3A_56 = vector.extract_strided_slice %transpose3A {offsets = [96, 0], sizes = [8, 1024], strides = [1, 1]} : vector<128x1024xf32> to vector<8x1024xf32>
    %add3A_57 = arith.addf %add3A_55, %slice3A_56 : vector<8x1024xf32>
    %slice3A_58 = vector.extract_strided_slice %transpose3A {offsets = [104, 0], sizes = [8, 1024], strides = [1, 1]} : vector<128x1024xf32> to vector<8x1024xf32>
    %add3A_59 = arith.addf %add3A_57, %slice3A_58 : vector<8x1024xf32>
    %slice3A_60 = vector.extract_strided_slice %transpose3A {offsets = [112, 0], sizes = [8, 1024], strides = [1, 1]} : vector<128x1024xf32> to vector<8x1024xf32>
    %add3A_61 = arith.addf %add3A_59, %slice3A_60 : vector<8x1024xf32>
    %slice3A_62 = vector.extract_strided_slice %transpose3A {offsets = [120, 0], sizes = [8, 1024], strides = [1, 1]} : vector<128x1024xf32> to vector<8x1024xf32>
    %add3A_63 = arith.addf %add3A_61, %slice3A_62 : vector<8x1024xf32>
    %roll3A = arith.constant 4 : i32
    %roll3A_64 = tpu.dynamic_rotate %add3A_63 by %roll3A dim 0 : vector<8x1024xf32>, i32 -> vector<8x1024xf32>
    %add3A_65 = arith.addf %add3A_63, %roll3A_64 : vector<8x1024xf32>
    %roll3A_66 = arith.constant 6 : i32
    %roll3A_67 = tpu.dynamic_rotate %add3A_65 by %roll3A_66 dim 0 : vector<8x1024xf32>, i32 -> vector<8x1024xf32>
    %add3A_68 = arith.addf %add3A_65, %roll3A_67 : vector<8x1024xf32>
    %roll3A_69 = arith.constant 7 : i32
    %roll3A_70 = tpu.dynamic_rotate %add3A_68 by %roll3A_69 dim 0 : vector<8x1024xf32>, i32 -> vector<8x1024xf32>
    %add3A_71 = arith.addf %add3A_68, %roll3A_70 : vector<8x1024xf32>
    %slice3A_72 = vector.extract_strided_slice %add3A_71 {offsets = [0, 0], sizes = [1, 1024], strides = [1, 1]} : vector<8x1024xf32> to vector<1x1024xf32>
    %sqrt3A = math.sqrt %slice3A_72 : vector<1x1024xf32>
    %get3A_73 = arith.constant 0 : index
    %get3A_74 = arith.constant 0 : index
    %get3A_75 = arith.constant 0 : index
    %get3A_76 = vector.load %arg3[%get3A_73, %get3A_74, %get3A_75] : memref<1x1x1024xi32, #tpu.memory_space<vmem>>, vector<1x1x1024xi32>
    %get3A_77 = vector.shape_cast %get3A_76 : vector<1x1x1024xi32> to vector<1024xi32>
    %reshape3A = vector.shape_cast %get3A_77 : vector<1024xi32> to vector<1x1024xi32>
    %ne3A = arith.constant 0 : i32
    %ne3A_78 = vector.broadcast %ne3A : i32 to vector<1x1024xi32>
    %ne3A_79 = arith.cmpi ne, %reshape3A, %ne3A_78 : vector<1x1024xi32>
    %bitcast_convert_type3A = tpu.bitcast %sqrt3A : vector<1x1024xf32> -> vector<1x1024xi32>
    %jit3A = arith.constant -1 : i32
    %broadcast_in_dim3A = vector.broadcast %jit3A : i32 to vector<1x1024xi32>
    %select_n3A = arith.select %ne3A_79, %bitcast_convert_type3A, %broadcast_in_dim3A : vector<1x1024xi1>, vector<1x1024xi32>
    %mul3A_80 = arith.constant 1024 : i32
    %mul3A_81 = arith.muli %arg1, %mul3A_80 : i32
    %swap3A = arith.index_cast %arg0 : i32 to index
    %swap3A_82 = arith.index_cast %mul3A_81 : i32 to index
    %swap3A_83 = vector.load %arg6[%swap3A, %swap3A_82] : memref<4x4096xi32, #tpu.memory_space<vmem>>, vector<1x1024xi32>
    tpu.vector_store %arg6[%swap3A, %swap3A_82], %select_n3A {strides = array<i32>} : memref<4x4096xi32, #tpu.memory_space<vmem>>, vector<1x1024xi32>,
    %eq3A = arith.constant 3 : i32
    %eq3A_84 = arith.cmpi eq, %arg0, %eq3A : i32
    %eq3A_85 = arith.constant 3 : i32
    %eq3A_86 = arith.cmpi eq, %arg1, %eq3A_85 : i32
    %and3A = arith.andi %eq3A_84, %eq3A_86 : i1
    %convert_element_type3A = arith.extui %and3A : i1 to i32
    %cond3A = arith.constant 0 : i32
    %cond3A_87 = arith.cmpi ne, %convert_element_type3A, %cond3A : i32
    scf.if %cond3A_87 {
      %get3A_88 = arith.constant 0 : index
      %get3A_89 = arith.constant 0 : index
      %get3A_90 = vector.load %arg6[%get3A_88, %get3A_89] : memref<4x4096xi32, #tpu.memory_space<vmem>>, vector<4x4096xi32>
      %ge3A = arith.constant 0 : i32
      %ge3A_91 = vector.broadcast %ge3A : i32 to vector<4x4096xi32>
      %ge3A_92 = arith.cmpi sge, %get3A_90, %ge3A_91 : vector<4x4096xi32>
      %convert_element_type3A_93 = arith.extui %ge3A_92 : vector<4x4096xi1> to vector<4x4096xi32>
      %convert_element_type3A_94 = arith.sitofp %convert_element_type3A_93 : vector<4x4096xi32> to vector<4x4096xf32>
      %reduce_sum3A = arith.constant dense<0.000000e+00> : vector<4xf32>
      %reduce_sum3A_95 = vector.multi_reduction <add>, %convert_element_type3A_94, %reduce_sum3A [1] : vector<4x4096xf32> to vector<4xf32>
      %broadcast_in_dim3A_96 = vector.shape_cast %reduce_sum3A_95 : vector<4xf32> to vector<4x1xf32>
      %mul3A_97 = arith.constant 1.500000e-01 : f32
      %mul3A_98 = vector.broadcast %mul3A_97 : f32 to vector<4x1xf32>
      %mul3A_99 = arith.mulf %mul3A_98, %broadcast_in_dim3A_96 : vector<4x1xf32>
      %ceil3A = math.ceil %mul3A_99 : vector<4x1xf32>
      %max3A = arith.constant 1.000000e+00 : f32
      %max3A_100 = vector.broadcast %max3A : f32 to vector<4x1xf32>
      %max3A_101 = arith.maximumf %ceil3A, %max3A_100 : vector<4x1xf32>
      %reduce_max3A = vector.shape_cast %max3A_101 : vector<4x1xf32> to vector<1x4x1xf32>
      %reduce_max3A_102 = arith.constant dense<0xFF800000> : vector<1xf32>
      %reduce_max3A_103 = vector.multi_reduction <maximumf>, %reduce_max3A, %reduce_max3A_102 [1, 2] : vector<1x4x1xf32> to vector<1xf32>
      %reduce_max3A_104 = vector.shape_cast %reduce_max3A_103 : vector<1xf32> to vector<1x1x1xf32>
      %reduce_max3A_105 = vector.extract %reduce_max3A_104[0, 0, 0] : f32 from vector<1x1x1xf32>
      %convert_element_type3A_106 = arith.fptosi %reduce_max3A_105 : f32 to i32
      %broadcast_in_dim3A_107 = arith.constant -1 : i32
      %broadcast_in_dim3A_108 = vector.broadcast %broadcast_in_dim3A_107 : i32 to vector<4x1xi32>
      %broadcast_in_dim3A_109 = arith.constant 2139095041 : i32
      %broadcast_in_dim3A_110 = vector.broadcast %broadcast_in_dim3A_109 : i32 to vector<4x1xi32>
      %scan3A = arith.constant 0 : i32
      %scan3A_111 = arith.constant 31 : i32
      %scan3A_112 = arith.addi %scan3A, %scan3A_111 : i32
      %scan3A_113 = arith.constant 1 : i32
      %scan3A_114:2 = scf.for %scan3A_147 = %scan3A to %scan3A_112 step %scan3A_113 iter_args(%scan3A_148 = %broadcast_in_dim3A_108, %scan3A_149 = %broadcast_in_dim3A_110) -> (vector<4x1xi32>, vector<4x1xi32>)  : i32 {
        %sub3A_150 = arith.subi %scan3A_149, %scan3A_148 : vector<4x1xi32>
        %jit3A_151 = arith.constant 2 : i32
        %div3A = vector.broadcast %jit3A_151 : i32 to vector<4x1xi32>
        %div3A_152 = arith.divsi %sub3A_150, %div3A : vector<4x1xi32>
        %sign3A = arith.constant 0 : i32
        %sign3A_153 = vector.broadcast %sign3A : i32 to vector<4x1xi32>
        %sign3A_154 = arith.cmpi sgt, %sub3A_150, %sign3A_153 : vector<4x1xi32>
        %sign3A_155 = arith.extui %sign3A_154 : vector<4x1xi1> to vector<4x1xi32>
        %sign3A_156 = arith.constant 0 : i32
        %sign3A_157 = vector.broadcast %sign3A_156 : i32 to vector<4x1xi32>
        %sign3A_158 = arith.cmpi slt, %sub3A_150, %sign3A_157 : vector<4x1xi32>
        %sign3A_159 = arith.extui %sign3A_158 : vector<4x1xi1> to vector<4x1xi32>
        %sign3A_160 = arith.subi %sign3A_155, %sign3A_159 : vector<4x1xi32>
        %sign3A_161 = arith.constant 0 : i32
        %sign3A_162 = arith.cmpi sgt, %jit3A_151, %sign3A_161 : i32
        %sign3A_163 = arith.extui %sign3A_162 : i1 to i32
        %sign3A_164 = arith.constant 0 : i32
        %sign3A_165 = arith.cmpi slt, %jit3A_151, %sign3A_164 : i32
        %sign3A_166 = arith.extui %sign3A_165 : i1 to i32
        %sign3A_167 = arith.subi %sign3A_163, %sign3A_166 : i32
        %ne3A_168 = vector.broadcast %sign3A_167 : i32 to vector<4x1xi32>
        %ne3A_169 = arith.cmpi ne, %sign3A_160, %ne3A_168 : vector<4x1xi32>
        %rem3A = vector.broadcast %jit3A_151 : i32 to vector<4x1xi32>
        %rem3A_170 = arith.remsi %sub3A_150, %rem3A : vector<4x1xi32>
        %ne3A_171 = arith.constant 0 : i32
        %ne3A_172 = vector.broadcast %ne3A_171 : i32 to vector<4x1xi32>
        %ne3A_173 = arith.cmpi ne, %rem3A_170, %ne3A_172 : vector<4x1xi32>
        %and3A_174 = arith.andi %ne3A_169, %ne3A_173 : vector<4x1xi1>
        %sub3A_175 = arith.constant 1 : i32
        %sub3A_176 = vector.broadcast %sub3A_175 : i32 to vector<4x1xi32>
        %sub3A_177 = arith.subi %div3A_152, %sub3A_176 : vector<4x1xi32>
        %select_n3A_178 = arith.select %and3A_174, %sub3A_177, %div3A_152 : vector<4x1xi1>, vector<4x1xi32>
        %add3A_179 = arith.addi %scan3A_148, %select_n3A_178 : vector<4x1xi32>
        %ge3A_180 = vector.broadcast %add3A_179 : vector<4x1xi32> to vector<4x4096xi32>
        %ge3A_181 = arith.cmpi sge, %get3A_90, %ge3A_180 : vector<4x4096xi32>
        %convert_element_type3A_182 = arith.extui %ge3A_181 : vector<4x4096xi1> to vector<4x4096xi32>
        %reduce_sum3A_183 = arith.constant dense<0> : vector<4xi32>
        %reduce_sum3A_184 = vector.multi_reduction <add>, %convert_element_type3A_182, %reduce_sum3A_183 [1] : vector<4x4096xi32> to vector<4xi32>
        %broadcast_in_dim3A_185 = vector.shape_cast %reduce_sum3A_184 : vector<4xi32> to vector<4x1xi32>
        %ge3A_186 = vector.broadcast %convert_element_type3A_106 : i32 to vector<4x1xi32>
        %ge3A_187 = arith.cmpi sge, %broadcast_in_dim3A_185, %ge3A_186 : vector<4x1xi32>
        %select_n3A_188 = arith.select %ge3A_187, %add3A_179, %scan3A_148 : vector<4x1xi1>, vector<4x1xi32>
        %select_n3A_189 = arith.select %ge3A_187, %scan3A_149, %add3A_179 : vector<4x1xi1>, vector<4x1xi32>
        scf.yield %select_n3A_188, %select_n3A_189 : vector<4x1xi32>, vector<4x1xi32>
      }
      %gt3A = vector.broadcast %scan3A_114#0 : vector<4x1xi32> to vector<4x4096xi32>
      %gt3A_115 = arith.cmpi sgt, %get3A_90, %gt3A : vector<4x4096xi32>
      %convert_element_type3A_116 = arith.extui %gt3A_115 : vector<4x4096xi1> to vector<4x4096xi32>
      %reduce_sum3A_117 = arith.constant dense<0> : vector<4xi32>
      %reduce_sum3A_118 = vector.multi_reduction <add>, %convert_element_type3A_116, %reduce_sum3A_117 [1] : vector<4x4096xi32> to vector<4xi32>
      %broadcast_in_dim3A_119 = vector.shape_cast %reduce_sum3A_118 : vector<4xi32> to vector<4x1xi32>
      %sub3A = vector.broadcast %convert_element_type3A_106 : i32 to vector<4x1xi32>
      %sub3A_120 = arith.subi %sub3A, %broadcast_in_dim3A_119 : vector<4x1xi32>
      %eq3A_121 = vector.broadcast %scan3A_114#0 : vector<4x1xi32> to vector<4x4096xi32>
      %eq3A_122 = arith.cmpi eq, %get3A_90, %eq3A_121 : vector<4x4096xi32>
      %iota3A = tpu.iota {dimensions = array<i32: 1>} : vector<1x4096xi32>
      %broadcast_in_dim3A_123 = arith.constant 0 : i32
      %broadcast_in_dim3A_124 = vector.broadcast %broadcast_in_dim3A_123 : i32 to vector<4x1xi32>
      %broadcast_in_dim3A_125 = arith.constant 4096 : i32
      %broadcast_in_dim3A_126 = vector.broadcast %broadcast_in_dim3A_125 : i32 to vector<4x1xi32>
      %scan3A_127 = arith.constant 0 : i32
      %scan3A_128 = arith.constant 13 : i32
      %scan3A_129 = arith.addi %scan3A_127, %scan3A_128 : i32
      %scan3A_130 = arith.constant 1 : i32
      %scan3A_131:2 = scf.for %scan3A_147 = %scan3A_127 to %scan3A_129 step %scan3A_130 iter_args(%scan3A_148 = %broadcast_in_dim3A_124, %scan3A_149 = %broadcast_in_dim3A_126) -> (vector<4x1xi32>, vector<4x1xi32>)  : i32 {
        %add3A_150 = arith.addi %scan3A_148, %scan3A_149 : vector<4x1xi32>
        %jit3A_151 = arith.constant 2 : i32
        %div3A = vector.broadcast %jit3A_151 : i32 to vector<4x1xi32>
        %div3A_152 = arith.divsi %add3A_150, %div3A : vector<4x1xi32>
        %sign3A = arith.constant 0 : i32
        %sign3A_153 = vector.broadcast %sign3A : i32 to vector<4x1xi32>
        %sign3A_154 = arith.cmpi sgt, %add3A_150, %sign3A_153 : vector<4x1xi32>
        %sign3A_155 = arith.extui %sign3A_154 : vector<4x1xi1> to vector<4x1xi32>
        %sign3A_156 = arith.constant 0 : i32
        %sign3A_157 = vector.broadcast %sign3A_156 : i32 to vector<4x1xi32>
        %sign3A_158 = arith.cmpi slt, %add3A_150, %sign3A_157 : vector<4x1xi32>
        %sign3A_159 = arith.extui %sign3A_158 : vector<4x1xi1> to vector<4x1xi32>
        %sign3A_160 = arith.subi %sign3A_155, %sign3A_159 : vector<4x1xi32>
        %sign3A_161 = arith.constant 0 : i32
        %sign3A_162 = arith.cmpi sgt, %jit3A_151, %sign3A_161 : i32
        %sign3A_163 = arith.extui %sign3A_162 : i1 to i32
        %sign3A_164 = arith.constant 0 : i32
        %sign3A_165 = arith.cmpi slt, %jit3A_151, %sign3A_164 : i32
        %sign3A_166 = arith.extui %sign3A_165 : i1 to i32
        %sign3A_167 = arith.subi %sign3A_163, %sign3A_166 : i32
        %ne3A_168 = vector.broadcast %sign3A_167 : i32 to vector<4x1xi32>
        %ne3A_169 = arith.cmpi ne, %sign3A_160, %ne3A_168 : vector<4x1xi32>
        %rem3A = vector.broadcast %jit3A_151 : i32 to vector<4x1xi32>
        %rem3A_170 = arith.remsi %add3A_150, %rem3A : vector<4x1xi32>
        %ne3A_171 = arith.constant 0 : i32
        %ne3A_172 = vector.broadcast %ne3A_171 : i32 to vector<4x1xi32>
        %ne3A_173 = arith.cmpi ne, %rem3A_170, %ne3A_172 : vector<4x1xi32>
        %and3A_174 = arith.andi %ne3A_169, %ne3A_173 : vector<4x1xi1>
        %sub3A_175 = arith.constant 1 : i32
        %sub3A_176 = vector.broadcast %sub3A_175 : i32 to vector<4x1xi32>
        %sub3A_177 = arith.subi %div3A_152, %sub3A_176 : vector<4x1xi32>
        %select_n3A_178 = arith.select %and3A_174, %sub3A_177, %div3A_152 : vector<4x1xi1>, vector<4x1xi32>
        %lt3A_179 = vector.broadcast %iota3A : vector<1x4096xi32> to vector<4x4096xi32>
        %lt3A_180 = vector.broadcast %select_n3A_178 : vector<4x1xi32> to vector<4x4096xi32>
        %lt3A_181 = arith.cmpi slt, %lt3A_179, %lt3A_180 : vector<4x4096xi32>
        %and3A_182 = arith.andi %eq3A_122, %lt3A_181 : vector<4x4096xi1>
        %convert_element_type3A_183 = arith.extui %and3A_182 : vector<4x4096xi1> to vector<4x4096xi32>
        %reduce_sum3A_184 = arith.constant dense<0> : vector<4xi32>
        %reduce_sum3A_185 = vector.multi_reduction <add>, %convert_element_type3A_183, %reduce_sum3A_184 [1] : vector<4x4096xi32> to vector<4xi32>
        %broadcast_in_dim3A_186 = vector.shape_cast %reduce_sum3A_185 : vector<4xi32> to vector<4x1xi32>
        %ge3A_187 = arith.cmpi sge, %broadcast_in_dim3A_186, %sub3A_120 : vector<4x1xi32>
        %add3A_188 = arith.constant 1 : i32
        %add3A_189 = vector.broadcast %add3A_188 : i32 to vector<4x1xi32>
        %add3A_190 = arith.addi %select_n3A_178, %add3A_189 : vector<4x1xi32>
        %select_n3A_191 = arith.select %ge3A_187, %scan3A_148, %add3A_190 : vector<4x1xi1>, vector<4x1xi32>
        %select_n3A_192 = arith.select %ge3A_187, %select_n3A_178, %scan3A_149 : vector<4x1xi1>, vector<4x1xi32>
        scf.yield %select_n3A_191, %select_n3A_192 : vector<4x1xi32>, vector<4x1xi32>
      }
      %gt3A_132 = vector.broadcast %scan3A_114#0 : vector<4x1xi32> to vector<4x4096xi32>
      %gt3A_133 = arith.cmpi sgt, %get3A_90, %gt3A_132 : vector<4x4096xi32>
      %lt3A = vector.broadcast %iota3A : vector<1x4096xi32> to vector<4x4096xi32>
      %lt3A_134 = vector.broadcast %scan3A_131#1 : vector<4x1xi32> to vector<4x4096xi32>
      %lt3A_135 = arith.cmpi slt, %lt3A, %lt3A_134 : vector<4x4096xi32>
      %and3A_136 = arith.andi %eq3A_122, %lt3A_135 : vector<4x4096xi1>
      %or3A = arith.ori %gt3A_133, %and3A_136 : vector<4x4096xi1>
      %convert_element_type3A_137 = arith.extui %or3A : vector<4x4096xi1> to vector<4x4096xi32>
      %reshape3A_138 = vector.shape_cast %convert_element_type3A_137 : vector<4x4096xi32> to vector<4x1x4096xi32>
      %swap3A_139 = arith.constant 0 : index
      %swap3A_140 = arith.constant 0 : index
      %swap3A_141 = arith.constant 0 : index
      %swap3A_142 = vector.load %arg4[%swap3A_139, %swap3A_140, %swap3A_141] : memref<4x1x4096xi32, #tpu.memory_space<vmem>>, vector<4x1x4096xi32>
      tpu.vector_store %arg4[%swap3A_139, %swap3A_140, %swap3A_141], %reshape3A_138 {strides = array<i32>} : memref<4x1x4096xi32, #tpu.memory_space<vmem>>, vector<4x1x4096xi32>,
      %broadcast_in_dim3A_143 = vector.broadcast %reduce_max3A_105 : f32 to vector<1x128xf32>
      %swap3A_144 = arith.constant 0 : index
      %swap3A_145 = arith.constant 0 : index
      %swap3A_146 = vector.load %arg5[%swap3A_144, %swap3A_145] : memref<1x128xf32, #tpu.memory_space<vmem>>, vector<1x128xf32>
      tpu.vector_store %arg5[%swap3A_144, %swap3A_145], %broadcast_in_dim3A_143 {strides = array<i32>} : memref<1x128xf32, #tpu.memory_space<vmem>>, vector<1x128xf32>,
    } else {
    }
    return
  }
  func.func @transform_0(%arg0: i32, %arg1: i32) -> (i32, i32, i32) {
    %c0_i32 = arith.constant 0 : i32
    %c0_i32_0 = arith.constant 0 : i32
    return %arg0, %arg1, %c0_i32 : i32, i32, i32
  }
  func.func @transform_1(%arg0: i32, %arg1: i32) -> (i32, i32, i32) {
    %c0_i32 = arith.constant 0 : i32
    %c0_i32_0 = arith.constant 0 : i32
    return %arg0, %c0_i32, %arg1 : i32, i32, i32
  }
  func.func @transform_2(%arg0: i32, %arg1: i32) -> (i32, i32, i32) {
    %c0_i32 = arith.constant 0 : i32
    %c0_i32_0 = arith.constant 0 : i32
    %c0_i32_1 = arith.constant 0 : i32
    %c0_i32_2 = arith.constant 0 : i32
    return %c0_i32, %c0_i32_0, %c0_i32_1 : i32, i32, i32
  }
  func.func @transform_3(%arg0: i32, %arg1: i32) -> (i32, i32) {
    %c0_i32 = arith.constant 0 : i32
    %c0_i32_0 = arith.constant 0 : i32
    %c0_i32_1 = arith.constant 0 : i32
    return %c0_i32, %c0_i32_0 : i32, i32
  }
}

</mosaic_0001>

<sc_bundles>
// kernel: kernel.4.cloned.1.call-start
scs
__scs_entry_jumppad:
0x0: {  	(pc) =	sbr.rel $0x88, $3  }
0x1: {  	(tag) =	ssettag $0x0;
	lr =	simm.s32 $0x1  }
0x2: {  	[smem:$0x3F9F] =	sst lr;
	_ =	strace $0xD0000000  }
0x3: {  	_ = 	snop  }
0x4: {  	_ = 	snop  }
0x5: {  	_ = 	snop  }
0x6: {  	_ = 	snop  }
0x7: {  	_ = 	snop  }
__scs_overlays_trampoline_lowered:
0x8: {  	[smem:$0x3FAE] =	sst s0  }
0x9: {  	[smem:$0x3FAF] =	sst s1  }
0xa: {  	[smem:$0x3FB0] =	sst s2  }
0xb: {  	[smem:$0x3FB1] =	sst s3  }
0xc: {  	[smem:$0x3FB2] =	sst s4  }
0xd: {  	[smem:$0x3FB3] =	sst s5  }
0xe: {  	[smem:$0x3FB4] =	sst s6  }
0xf: {  	[smem:$0x3FB5] =	sst s7  }
0x10: {  	[smem:$0x3FB6] =	sst s8  }
0x11: {  	[smem:$0x3FB7] =	sst s9;
	s0 =	simm.s32 @!p0 $0x0  }
0x12: {  	s1 =	sld [smem:$0x3F9D];
	s0 =	simm.s32 @p0 $0x1  }
0x13: {  	[smem:$0x3FB8] =	sst s0;
	s0 =	simm.s32 @!p1 $0x0  }
0x14: {  	s2 =	sld [smem:$0x3F9C];
	s0 =	simm.s32 @p1 $0x1  }
0x15: {  	[smem:$0x3FB9] =	sst s0;
	s0 =	simm.s32 @!p2 $0x0  }
0x16: {  	s3 =	sld [smem:$0x3FDB];
	s0 =	simm.s32 @p2 $0x1  }
0x17: {  	s4 =	simm.s32 $0x1BF5;
	[smem:$0x3FBB] =	sst s0  }
0x18: {  	s0 =	sld [smem:$0x3F9E];
	_ =	swait.ge [sflag:s4], $0x0  }
0x19: {  	s7 =	sld [smem:$0x3F9F]  }
0x1a: {  	s8 =	sadd.s32 $0xFFFFE003, lr  }
0x1b: {  	s9 =	sadd.s32 $0xFFFFFEF7, lr;
	s5 =	simm.s32 $0xFFFFFFFF;
	p2 =	slt.u32 s8, $0xFFFFF086  }
0x1c: {  	p1 =	slt.u32 s9, $0xF7A;
	s5 =	simm.s32 @!p2 $0x0  }
0x1d: {  	s5 =	simm.s32 @p1 $0x1;
	p0 =	seq.s32 s7, s2  }
0x1e: {  	s7 =	smul.u32 @!p0 $0xF7A, s2;
	p2 =	seq.s32 @!p0 s5, $0x0  }
0x1f: {  	s9 =	smul.u32 $0xF7A, s1;
	s8 =	simm.s32 @!p0 $0x1BF5;
	p2 =	por !p2, p0  }
0x20: {  	[sflag:s8] =	ssyncset.s32 @!p0 $0xFFFFF086;
	s6 =	sadd.s32 @!p0 s3, s7;
	s7 =	simm.s32 @!p0 $0x108  }
0x21: {  	s3 =	sadd.s32 s3, s9;
	s6 =	sadd.s32 @!p0 $0x88, s6;
	s7 =	simm.s32 @p2 $0x1082  }
0x22: {  	[simem:s7], [sflag:s8] =	dma.local @!p0 [hbm:s6], $0xF7A  }
0x23: {  	s9 =	sor.u32 $0xD0000000, s2;
	s6 =	simm.s32 $0x108;
	_ =	swait.ge @!p0 [sflag:s8], $0x0  }
0x24: {  	s3 =	sadd.s32 $0x88, s3;
	s6 =	simm.s32 @!p1 $0x1082;
	[sflag:s4] =	ssyncset.s32 $0xFFFFF086  }
0x25: {  	[simem:s6], [sflag:s4] =	dma.local [hbm:s3], $0xF7A  }
0x26: {  	[smem:$0x3F9F] =	sst s1;
	(tag) =	ssettag s2;
	_ =	strace s9  }
0x27: {  	s1 =	sld [smem:$0x3FAF]  }
0x28: {  	s2 =	sld [smem:$0x3FB0]  }
0x29: {  	s4 =	sld [smem:$0x3FB2]  }
0x2a: {  	p0 =	seq.s32 s5, $0x0;
	s5 =	sld [smem:$0x3FB3]  }
0x2b: {  	s6 =	sld [smem:$0x3FB4]  }
0x2c: {  	s7 =	sld [smem:$0x3FB5]  }
0x2d: {  	s3 =	simm.s32 $0x108;
	s8 =	sld [smem:$0x3FB6]  }
0x2e: {  	s3 =	simm.s32 @!p0 $0x1082;
	s9 =	sld [smem:$0x3FB7]  }
0x2f: {  	lr =	sadd.s32 s0, s3;
	s0 =	sld [smem:$0x3FAE]  }
0x30: {  	s3 =	sld [smem:$0x3FB1]  }
0x31: {  	[smem:$0x3FBA] =	sst s10  }
0x32: {  	s10 =	sld [smem:$0x3FB8];
	_ =	sdelay $0x3  }
0x33: {  	p0 =	seq.s32 s10, $0x1;
	s10 =	sld [smem:$0x3FBA];
	_ =	sdelay $0x3  }
0x34: {  	[smem:$0x3FBA] =	sst s10  }
0x35: {  	s10 =	sld [smem:$0x3FB9];
	_ =	sdelay $0x3  }
0x36: {  	p1 =	seq.s32 s10, $0x1;
	s10 =	sld [smem:$0x3FBA];
	_ =	sdelay $0x3  }
0x37: {  	[smem:$0x3FBA] =	sst s10  }
0x38: {  	s10 =	sld [smem:$0x3FBB]  }
0x39: {  	_ = 	snop;
	(pc) =	sbr.ind lr, $3  }
0x3a: {  	_ = 	snop  }
0x3b: {  	_ = 	snop  }
0x3c: {  	p2 =	seq.s32 s10, $0x1;
	s10 =	sld [smem:$0x3FBA]  }
0x3d: {  	_ =	shalt  }
0x3e: {  	_ =	shalt  }
0x3f: {  	_ =	shalt  }
0x40: {  	_ =	shalt  }
0x41: {  	_ =	shalt  }
0x42: {  	_ =	shalt  }
0x43: {  	_ =	shalt  }
0x44: {  	_ =	shalt  }
0x45: {  	_ =	shalt  }
0x46: {  	_ =	shalt  }
0x47: {  	_ =	shalt  }
0x48: {  	_ =	shalt  }
0x49: {  	_ =	shalt  }
0x4a: {  	_ =	shalt  }
0x4b: {  	_ =	shalt  }
0x4c: {  	_ =	shalt  }
0x4d: {  	_ =	shalt  }
0x4e: {  	_ =	shalt  }
0x4f: {  	_ =	shalt  }
0x50: {  	_ =	shalt  }
0x51: {  	_ =	shalt  }
0x52: {  	_ =	shalt  }
0x53: {  	_ =	shalt  }
0x54: {  	_ =	shalt  }
0x55: {  	_ =	shalt  }
0x56: {  	_ =	shalt  }
0x57: {  	_ =	shalt  }
0x58: {  	_ =	shalt  }
0x59: {  	_ =	shalt  }
0x5a: {  	_ =	shalt  }
0x5b: {  	_ =	shalt  }
0x5c: {  	_ =	shalt  }
0x5d: {  	_ =	shalt  }
0x5e: {  	_ =	shalt  }
0x5f: {  	_ =	shalt  }
0x60: {  	_ =	shalt  }
0x61: {  	_ =	shalt  }
0x62: {  	_ =	shalt  }
0x63: {  	_ =	shalt  }
0x64: {  	_ =	shalt  }
0x65: {  	_ =	shalt  }
0x66: {  	_ =	shalt  }
0x67: {  	_ =	shalt  }
0x68: {  	_ =	shalt  }
0x69: {  	_ =	shalt  }
0x6a: {  	_ =	shalt  }
0x6b: {  	_ =	shalt  }
0x6c: {  	_ =	shalt  }
0x6d: {  	_ =	shalt  }
0x6e: {  	_ =	shalt  }
0x6f: {  	_ =	shalt  }
0x70: {  	_ =	shalt  }
0x71: {  	_ =	shalt  }
0x72: {  	_ =	shalt  }
0x73: {  	_ =	shalt  }
0x74: {  	_ =	shalt  }
0x75: {  	_ =	shalt  }
0x76: {  	_ =	shalt  }
0x77: {  	_ =	shalt  }
0x78: {  	_ =	shalt  }
0x79: {  	_ =	shalt  }
0x7a: {  	_ =	shalt  }
0x7b: {  	_ =	shalt  }
0x7c: {  	_ =	shalt  }
0x7d: {  	_ =	shalt  }
0x7e: {  	_ =	shalt  }
0x7f: {  	_ =	shalt  }
0x80: {  	_ =	shalt  }
0x81: {  	_ =	shalt  }
0x82: {  	_ =	shalt  }
0x83: {  	_ =	shalt  }
0x84: {  	_ =	shalt  }
0x85: {  	_ =	shalt  }
0x86: {  	_ =	shalt  }
0x87: {  	_ =	shalt  }
.Lfunc_end0:
.L_simem_size_0:
called_computation_lowered:
.L_overlay_start_0:
0x88: {  	s2 =	sld [smem:$0x3FD9]  }
0x89: {  	s3 =	sld [smem:$0x3FFE];
	_ =	sdelay $0x1  }
0x8a: {  	s1 =	srdreg.scid  }
0x8b: {  	s0 =	sand.u32 $0x1, s1  }
0x8c: {  	s17 =	sshll.u32 s0, $0xA;
	s2 =	sadd.s32 s3, s2  }
0x8d: {  	s2 =	sadd.s32 s2, s17  }
0x8e: {  	[smem:$0x3FC6] =	sst s2  }
0x8f: {  	_ = 	snop  }
0x90: {  	s2 =	sld [smem:$0x3FC9]  }
0x91: {  	s18 =	sld [smem:$0x3FD0];
	(tm) =	ssettm $0x1  }
0x92: {  	s4 =	sld [smem:$0x3FFB];
	_ =	sdelay $0x3  }
0x93: {  	_ =	strace s4  }
0x94: {  	s4 =	sld [smem:$0x3FFC];
	_ =	sdelay $0x3  }
0x95: {  	_ =	strace s4  }
0x96: {  	s4 =	sld [smem:$0x3FFD];
	_ =	sdelay $0x3  }
0x97: {  	_ =	strace s4  }
0x98: {  	_ =	strace $0x8FFFFFFF  }
0x99: {  	s19 =	sld [smem:$0x3FDB];
	_ =	sdelay $0x1  }
0x9a: {  	s5 =	simm.s32 $_scs_section_size  }
0x9b: {  	s6 =	simm.s32 $_size__tile_overlayer_lowered;
	s7 =	simm.s32 $_tile_overlayer_lowered  }
0x9c: {  	s22 =	simm.s32 $0x1BFF;
	s21 =	sshll.u32 s7, $0x1;
	s4 =	sadd.s32 s5, s19  }
0x9d: {  	s8 =	simm.s32 $0x0;
	s20 =	sshll.u32 s6, $0x1;
	s6 =	sadd.s32 s21, s4  }
0x9e: {  	[timem:s8], [sflag:s22] =	dma.local [hbm:s6], s20  }
0x9f: {  	_ =	swait.ge [sflag:s22], s20  }
0xa0: {  	s5 =	ssub.s32 $0x0, s20;
	[sflag:s22] =	ssyncset.done $0x0  }
0xa1: {  	[sflag:s22] =	ssyncadd.s32 s5;
	_ =	sdelay $0x1  }
0xa2: {  	s23 =	simm.s32 $0x1B8B  }
0xa3: {  	_ =	swait.ge [sflag:s23], $0x1  }
0xa4: {  	[sflag:s23] =	ssyncset.done $0x0  }
0xa5: {  	s25 =	simm.s32 $0x1B8E;
	s24 =	sld [smem:$0x3FFE];
	[sflag:s23] =	ssyncadd.s32 $0xFFFFFFFF  }
0xa6: {  	s26 =	simm.s32 $execute0_lowered;
	[smem:$0x3FD2] =	sst s25  }
0xa7: {  	s6 =	sshll.u32 s26, $0x1;
	_ =	strace $0x80000046;
	[dreg:$0x1] =	wrdreg $0xFFFFFFFF  }
0xa8: {  	s28 =	simm.s32 $_size_execute0_lowered;
	s4 =	sadd.s32 s4, s6;
	[dreg:$0x0] =	wrdreg $0x0  }
0xa9: {  	s6 =	sshll.u32 s28, $0x1;
	[dreg:$0x2] =	wrdreg s4  }
0xaa: {  	[dreg:$0x3] =	wrdreg s6  }
0xab: {  	[dreg:$0x4] =	wrdreg $0xC0  }
0xac: {  	_ =	task [dreg:s8], $0x5FFFF  }
0xad: {  	[dreg:$0x1] =	wrdreg $0xFFFFFFFF  }
0xae: {  	[dreg:$0x0] =	wrdreg $0x60  }
0xaf: {  	[dreg:$0x2] =	wrdreg s2  }
0xb0: {  	[dreg:$0x3] =	wrdreg s24  }
0xb1: {  	[dreg:$0x4] =	wrdreg s18  }
0xb2: {  	[dreg:$0x5] =	wrdreg $0x95000  }
0xb3: {  	[dreg:$0x6] =	wrdreg $0x9  }
0xb4: {  	_ =	task.clear_ibuf [dreg:s8], $0x7FFFF;
	_ =	strace $0x90000046  }
0xb5: {  	s29 =	simm.s32 $0x9;
	_ =	strace $0x80000048  }
0xb6: {  	_ =	swait.ge [sflag:s29], $0x1  }
0xb7: {  	[sflag:s29] =	ssyncadd.s32 $0xFFFFFFFF  }
0xb8: {  	_ =	strace $0x90000048  }
0xb9: {  	_ =	sfence  }
0xba: {  	s30 =	sld [smem:$0x0];
	_ =	sdelay $0x2  }
0xbb: {  	s31 =	sshll.u32 s1, $0xD;
	s1 =	sshrl.u32 s1, $0x2  }
0xbc: {  	s3 =	sand.u32 $0x4000, s31;
	s1 =	sadd.s32 s1, s30  }
0xbd: {  	s0 =	sor.u32 s3, s0;
	s1 =	sshll.u32 s1, $0x11  }
0xbe: {  	s0 =	sor.u32 s1, s0  }
0xbf: {  	s0 =	sadd.s32 $0x8F2B, s0  }
0xc0: {  	[sflag:s0] =	ssyncadd.remote.s32 $0x1  }
0xc1: {  	_ =	sfence.sel $0xFFFF  }
0xc2: {  	[dreg:$0x0] =	wrdreg $0xFFFFFFFF;
	(pc) =	sbr.abs _section_cstart, $3  }
0xc3: {  	[dreg:$0x1] =	wrdreg $0xFFFFFFFF  }
0xc4: {  	_ =	task.clear_ibuf [dreg:s8], $0x2FFFF;
	_ =	strace $0x9FFFFFFF  }
0xc5: {  	(tm) =	ssettm $0x7FFFFFFF  }
tec
execute0_lowered:
.L_overlay_start_1:
0x0: {  	(tag) =	ssettag $0x1  }
0x1: {  	s1 =	rddreg [dreg:$0x0]  }
0x2: {  	s0 =	srdreg.scid;
	s2 =	rddreg [dreg:$0x1]  }
0x3: {  	s10 =	stileid.u32;
	s7 =	rddreg [dreg:$0x3];
	s4 =	simm.s32 $0x0  }
0x4: {  	s5 =	simm.s32 $0x1;
	s29 =	simm.s32 $0x200;
	s30 =	simm.s32 $0x480  }
0x5: {  	s31 =	simm.s32 $0xC80;
	s28 =	simm.s32 $0x2C80;
	s16 =	simm.s32 $0x0  }
0x6: {  	s0 =	sand.u32 $0x1, s0;
	s6 =	sand.u32 $0x7, s10;
	[smem:$0x7FF] =	sst s4  }
0x7: {  	s20 =	sshll.u32 s10, $0xB;
	s11 =	sadd.s32 $0x400, s1;
	s12 =	sadd.s32 $0x500, s1  }
0x8: {  	s13 =	sadd.s32 $0x600, s1;
	s3 =	sshll.u32 s0, $0x4;
	p1 =	sne.s32 s6, $0x0  }
0x9: {  	_ =	strace $0x80000047;
	s8 =	sshll.u32 s6, $0x9;
	s14 =	sand.u32 $0x4000, s20  }
0xa: {  	s6 =	sshll.u32 s6, $0x8;
	s0 =	ssub.s32 $0x2, s0;
	s15 =	sadd.s32 s14, s7  }
0xb: {  	s3 =	sor.u32 s10, s3;
	s18 =	sshrl.u32 s0, $0x1;
	s21 =	sadd.s32 s6, s15  }
0xc: {  	s10 =	sadd.s32 $0x300, s1;
	s22 =	sadd.s32 $0x1000, s21;
	[dreg:$0x8] =	wrdreg s21  }
0xd: {  	s14 =	sadd.s32 $0x700, s1;
	s23 =	sadd.s32 $0x1800, s21;
	[dreg:$0xa] =	wrdreg s22  }
0xe: {  	p0 =	seq.s32 s3, $0x0;
	s24 =	sadd.s32 $0x2000, s21;
	[dreg:$0xb] =	wrdreg s23  }
0xf: {  	s3 =	sshrl.u32 s3, $0x3;
	s25 =	sadd.s32 $0x2800, s21;
	[dreg:$0xc] =	wrdreg s24  }
0x10: {  	s0 =	ssub.s32 s0, s18;
	s26 =	sadd.s32 $0x3000, s21;
	[dreg:$0xd] =	wrdreg s25  }
0x11: {  	p0 =	por !p1, !p0;
	s0 =	smax.u32 s0, $0x1;
	[dreg:$0xe] =	wrdreg s26  }
0x12: {  	s15 =	simm.s32 $0x3C80;
	p0 =	por !p0, !p0;
	[dreg:$0x11] =	wrdreg s0  }
0x13: {  	s26 =	simm.s32 $0x3;
	s0 =	simm.s32 $0x1C80;
	s5 =	simm.s32 @!p0 $0x0  }
0x14: {  	s23 =	simm.s32 $0x7480;
	s24 =	simm.s32 $0x7C80;
	s3 =	ssub.s32 s3, s5  }
0x15: {  	s25 =	simm.s32 $0x2;
	s9 =	sshll.u32 s3, $0xC;
	s3 =	sshll.u32 s3, $0xB  }
0x16: {  	s5 =	simm.s32 $0x1;
	s8 =	sor.u32 s8, s9;
	s3 =	sor.u32 s6, s3  }
0x17: {  	s6 =	sadd.s32 $0x800, s21;
	[dreg:$0x5] =	wrdreg s8;
	s8 =	sshrl.u32 s8, $0x3  }
0x18: {  	s3 =	sshrl.u32 s3, $0x3;
	[dreg:$0x9] =	wrdreg s6;
	s8 =	sadd.s32 s8, s2  }
.Ltmp0:
0x19: {  	v0 =	vlaneseq.u32;
	s2 =	sadd.s32 s3, s2;
	s3 =	sadd.s32 s20, s7;
	(pc) =	sbr.rel .LBB2_1-.Ltmp0, $4  }
0x1a: {  	v4 =	vshrl.u32 v0, $0x3;
	s9 =	sadd.s32 $0x200, s1;
	s19 =	sadd.s32 $0xA00, s8;
	[dreg:$0x7] =	wrdreg s3  }
0x1b: {  	v3 =	vand.u32 $0x7, v0;
	v4 =	vmul.u32 $0x8, v4;
	s7 =	simm.s32 $0x3480;
	s3 =	sadd.s32 $0x3800, s21;
	[dreg:$0x6] =	wrdreg s19  }
0x1c: {  	[tilespmem:$0x1FFE0] =	vst v3;
	s8 =	sadd.s32 $0x100, s1;
	s2 =	sadd.s32 $0x1200, s2;
	[dreg:$0xf] =	wrdreg s3  }
0x1d: {  	v1 =	vimm.f32 $0.0e+00;
	v2 =	vimm.s32 $0x0;
	vm0 =	vmmov $0xffff;
	[tilespmem:$0x1FFF0] =	vst v4;
	[dreg:$0x10] =	wrdreg s2;
	s2 =	simm.s32 $0x1480;
	s3 =	simm.s32 $0x2480  }
.LBB2_25:
0x1e: {  	s6 =	rddreg [dreg:$0x7];
	s17 =	simm.s32 $0x8480  }
0x1f: {  	[spmem:s6] =	stream.linear.scatter [tilespmem:s17], [sflag:$0x3], $0x800, $0x38;
	[tilespmem:$0x9D00] =	vst v63  }
0x20: {  	_ =	swait.ge [sflag:s26], $0x800  }
0x21: {  	[sflag:s26] =	ssyncset.done $0x0  }
0x22: {  	[sflag:s26] =	ssyncadd.s32 $0xFFFFF800  }
0x23: {  	[bflag:$0x0] =	sbarrier.arrive $0xFFFF  }
0x24: {  	s18 =	simm.s32 $0x8C80;
	s22 =	rddreg [dreg:$0x8]  }
0x25: {  	[tilespmem:s18], [sflag:$0x1] =	stream.linear.gather [spmem:s22], $0x100, $0x38;
	[tilespmem:$0x9D00] =	vst v63  }
0x26: {  	s20 =	simm.s32 $0x8D80;
	s19 =	rddreg [dreg:$0x9]  }
0x27: {  	[tilespmem:s20], [sflag:$0x1] =	stream.linear.gather [spmem:s19], $0x100, $0x38;
	[tilespmem:$0x9D00] =	vst v63  }
0x28: {  	s21 =	rddreg [dreg:$0xa];
	s22 =	simm.s32 $0x8E80  }
0x29: {  	[tilespmem:s22], [sflag:$0x1] =	stream.linear.gather [spmem:s21], $0x100, $0x38;
	[tilespmem:$0x9D00] =	vst v63  }
0x2a: {  	s19 =	rddreg [dreg:$0xb];
	s20 =	simm.s32 $0x8F80  }
0x2b: {  	[tilespmem:s20], [sflag:$0x1] =	stream.linear.gather [spmem:s19], $0x100, $0x38;
	[tilespmem:$0x9D00] =	vst v63  }
0x2c: {  	s21 =	rddreg [dreg:$0xc];
	s22 =	simm.s32 $0x9080  }
0x2d: {  	[tilespmem:s22], [sflag:$0x1] =	stream.linear.gather [spmem:s21], $0x100, $0x38;
	[tilespmem:$0x9D00] =	vst v63  }
0x2e: {  	s19 =	rddreg [dreg:$0xd];
	s20 =	simm.s32 $0x9180  }
0x2f: {  	[tilespmem:s20], [sflag:$0x1] =	stream.linear.gather [spmem:s19], $0x100, $0x38;
	[tilespmem:$0x9D00] =	vst v63  }
0x30: {  	s21 =	rddreg [dreg:$0xe];
	s22 =	simm.s32 $0x9280  }
0x31: {  	[tilespmem:s22], [sflag:$0x1] =	stream.linear.gather [spmem:s21], $0x100, $0x38;
	[tilespmem:$0x9D00] =	vst v63  }
0x32: {  	s19 =	rddreg [dreg:$0xf];
	s20 =	simm.s32 $0x9380  }
0x33: {  	[tilespmem:s20], [sflag:$0x1] =	stream.linear.gather [spmem:s19], $0x100, $0x38;
	[tilespmem:$0x9D00] =	vst v63  }
0x34: {  	_ =	swait.ge [sflag:s5], $0x100  }
0x35: {  	[sflag:s5] =	ssyncset.done $0x0  }
0x36: {  	[sflag:s5] =	ssyncadd.s32 $0xFFFFFF00  }
0x37: {  	_ =	swait.ge [sflag:s5], $0x100  }
0x38: {  	[sflag:s5] =	ssyncset.done $0x0  }
0x39: {  	[sflag:s5] =	ssyncadd.s32 $0xFFFFFF00  }
0x3a: {  	_ =	swait.ge [sflag:s5], $0x100  }
0x3b: {  	[sflag:s5] =	ssyncset.done $0x0  }
0x3c: {  	[sflag:s5] =	ssyncadd.s32 $0xFFFFFF00  }
0x3d: {  	_ =	swait.ge [sflag:s5], $0x100  }
0x3e: {  	[sflag:s5] =	ssyncset.done $0x0  }
0x3f: {  	[sflag:s5] =	ssyncadd.s32 $0xFFFFFF00  }
0x40: {  	_ =	swait.ge [sflag:s5], $0x100  }
0x41: {  	[sflag:s5] =	ssyncset.done $0x0  }
0x42: {  	[sflag:s5] =	ssyncadd.s32 $0xFFFFFF00  }
0x43: {  	_ =	swait.ge [sflag:s5], $0x100  }
0x44: {  	[sflag:s5] =	ssyncset.done $0x0  }
0x45: {  	[sflag:s5] =	ssyncadd.s32 $0xFFFFFF00  }
0x46: {  	_ =	swait.ge [sflag:s5], $0x100  }
0x47: {  	[sflag:s5] =	ssyncset.done $0x0  }
0x48: {  	[sflag:s5] =	ssyncadd.s32 $0xFFFFFF00  }
0x49: {  	_ =	swait.ge [sflag:s5], $0x100  }
0x4a: {  	[sflag:s5] =	ssyncset.done $0x0  }
0x4b: {  	[sflag:s5] =	ssyncadd.s32 $0xFFFFFF00  }
0x4c: {  	v3 =	vld [tilespmem:$0x9480]  }
0x4d: {  	v6 =	vld [tilespmem:$0x8C80]  }
0x4e: {  	v7 =	vld [tilespmem:$0x8D80]  }
0x4f: {  	v8 =	vld [tilespmem:$0x8E80]  }
0x50: {  	v9 =	vld [tilespmem:$0x8F80]  }
0x51: {  	v10 =	vld [tilespmem:$0x9080]  }
0x52: {  	v21 =	vld [tilespmem:$0x9180]  }
0x53: {  	v60 =	vld [tilespmem:$0x9280]  }
0x54: {  	v14 =	vld [tilespmem:$0x8C90]  }
0x55: {  	v15 =	vld [tilespmem:$0x8D90]  }
0x56: {  	v16 =	vld [tilespmem:$0x8E90]  }
0x57: {  	v17 =	vld [tilespmem:$0x8F90]  }
0x58: {  	v18 =	vld [tilespmem:$0x9090]  }
0x59: {  	v19 =	vld [tilespmem:$0x9190]  }
0x5a: {  	v20 =	vld [tilespmem:$0x9290]  }
0x5b: {  	v22 =	vld [tilespmem:$0x8CA0]  }
0x5c: {  	v23 =	vld [tilespmem:$0x8DA0]  }
0x5d: {  	v24 =	vld [tilespmem:$0x8EA0]  }
0x5e: {  	v25 =	vld [tilespmem:$0x8FA0]  }
0x5f: {  	v26 =	vld [tilespmem:$0x90A0]  }
0x60: {  	v27 =	vld [tilespmem:$0x91A0]  }
0x61: {  	v28 =	vld [tilespmem:$0x92A0]  }
0x62: {  	v29 =	vld [tilespmem:$0x93A0]  }
0x63: {  	v30 =	vld [tilespmem:$0x8CB0]  }
0x64: {  	v31 =	vld [tilespmem:$0x8DB0]  }
0x65: {  	v32 =	vld [tilespmem:$0x8EB0]  }
0x66: {  	v33 =	vld [tilespmem:$0x8FB0]  }
0x67: {  	v34 =	vld [tilespmem:$0x90B0]  }
0x68: {  	v35 =	vld [tilespmem:$0x91B0]  }
0x69: {  	v36 =	vld [tilespmem:$0x92B0]  }
0x6a: {  	v37 =	vld [tilespmem:$0x93B0]  }
0x6b: {  	v38 =	vld [tilespmem:$0x8CC0]  }
0x6c: {  	v39 =	vld [tilespmem:$0x8DC0]  }
0x6d: {  	v40 =	vld [tilespmem:$0x8EC0]  }
0x6e: {  	v41 =	vld [tilespmem:$0x8FC0]  }
0x6f: {  	v52 =	vld [tilespmem:$0x90C0]  }
0x70: {  	v46 =	vld [tilespmem:$0x8CD0]  }
0x71: {  	v47 =	vld [tilespmem:$0x8DD0]  }
0x72: {  	v48 =	vld [tilespmem:$0x8ED0]  }
0x73: {  	v49 =	vld [tilespmem:$0x8FD0]  }
0x74: {  	v50 =	vld [tilespmem:$0x90D0]  }
0x75: {  	v51 =	vld [tilespmem:$0x91D0]  }
0x76: {  	v54 =	vld [tilespmem:$0x8CE0]  }
0x77: {  	v55 =	vld [tilespmem:$0x8DE0]  }
0x78: {  	v56 =	vld [tilespmem:$0x8EE0]  }
0x79: {  	v57 =	vld [tilespmem:$0x8FE0]  }
0x7a: {  	v58 =	vld [tilespmem:$0x90E0]  }
0x7b: {  	v59 =	vld [tilespmem:$0x91E0]  }
0x7c: {  	v62 =	vld [tilespmem:$0x8CF0]  }
0x7d: {  	v63 =	vld [tilespmem:$0x8DF0]  }
0x7e: {  	v4 =	vld [tilespmem:$0x8FF0]  }
0x7f: {  	v5 =	vld [tilespmem:$0x90F0]  }
0x80: {  	v11 =	vld [tilespmem:$0x91F0]  }
0x81: {  	v44 =	vld [tilespmem:$0x92F0]  }
0x82: {  	v61 =	vld [tilespmem:$0x93F0]  }
0x83: {  	v45 =	vld [tilespmem:$0x8D00]  }
0x84: {  	v43 =	vld [tilespmem:$0x8E00]  }
0x85: {  	v42 =	vld [tilespmem:$0x9100]  }
0x86: {  	v12 =	vld [tilespmem:$0x9000]  }
0x87: {  	v53 =	vld [tilespmem:$0x8F00]  }
0x88: {  	v13 =	vld [tilespmem:$0x8D10]  }
0x89: {  	[tilespmem:$0x1FF90] =	vst v3;
	v3 =	vld [tilespmem:$0x9380]  }
0x8a: {  	[tilespmem:$0x1FFA0] =	vst v42;
	v42 =	vld [tilespmem:$0x9200]  }
0x8b: {  	[tilespmem:$0x1FF80] =	vst v12;
	v12 =	vld [tilespmem:$0x8E10]  }
0x8c: {  	v6 =	vadd.f32 v7, v6;
	v7 =	vld [tilespmem:$0x9010]  }
0x8d: {  	v14 =	vadd.f32 v15, v14;
	v15 =	vld [tilespmem:$0x9110]  }
0x8e: {  	v31 =	vadd.f32 v31, v30;
	v30 =	vld [tilespmem:$0x8F30]  }
0x8f: {  	v62 =	vadd.f32 v63, v62;
	v63 =	vld [tilespmem:$0x9130]  }
0x90: {  	v39 =	vadd.f32 v39, v38;
	v38 =	vld [tilespmem:$0x9040]  }
0x91: {  	v55 =	vadd.f32 v55, v54;
	v54 =	vld [tilespmem:$0x8F50]  }
0x92: {  	v6 =	vadd.f32 v8, v6;
	v8 =	vadd.f32 v23, v22;
	v22 =	vld [tilespmem:$0x9210]  }
0x93: {  	v14 =	vadd.f32 v16, v14;
	v23 =	vld [tilespmem:$0x9310]  }
0x94: {  	v16 =	vadd.f32 v32, v31;
	v31 =	vadd.f32 v56, v55;
	v55 =	vld [tilespmem:$0x1FF80]  }
0x95: {  	v56 =	vld [tilespmem:$0x9050]  }
0x96: {  	v6 =	vadd.f32 v9, v6;
	v9 =	vld [tilespmem:$0x9410]  }
0x97: {  	[tilespmem:$0x1FEF0] =	vst v3;
	v3 =	vld [tilespmem:$0x9390]  }
0x98: {  	v14 =	vadd.f32 v17, v14;
	v17 =	vld [tilespmem:$0x8D20]  }
0x99: {  	v8 =	vadd.f32 v24, v8;
	v24 =	vld [tilespmem:$0x9220]  }
0x9a: {  	v16 =	vadd.f32 v33, v16;
	v33 =	vld [tilespmem:$0x9330]  }
0x9b: {  	[tilespmem:$0x1FFB0] =	vst v42;
	v42 =	vld [tilespmem:$0x9300]  }
0x9c: {  	[tilespmem:$0x1FF00] =	vst v3;
	v3 =	vld [tilespmem:$0x91C0]  }
0x9d: {  	v6 =	vadd.f32 v10, v6;
	v10 =	vld [tilespmem:$0x8E20]  }
0x9e: {  	v14 =	vadd.f32 v18, v14;
	v18 =	vld [tilespmem:$0x8F20]  }
0x9f: {  	v16 =	vadd.f32 v34, v16;
	v34 =	vld [tilespmem:$0x1FEF0]  }
0xa0: {  	v31 =	vadd.f32 v57, v31;
	v8 =	vadd.f32 v25, v8;
	v25 =	vld [tilespmem:$0x9420]  }
0xa1: {  	[tilespmem:$0x1FF10] =	vst v3;
	v3 =	vld [tilespmem:$0x92C0]  }
0xa2: {  	v31 =	vadd.f32 v58, v31;
	v58 =	vld [tilespmem:$0x1FF90]  }
0xa3: {  	v6 =	vadd.f32 v21, v6;
	v21 =	vld [tilespmem:$0x9020]  }
0xa4: {  	v14 =	vadd.f32 v19, v14;
	v19 =	vld [tilespmem:$0x9120]  }
0xa5: {  	v8 =	vadd.f32 v26, v8;
	v26 =	vld [tilespmem:$0x8D30]  }
0xa6: {  	[tilespmem:$0x1FF20] =	vst v3;
	v3 =	vld [tilespmem:$0x93C0]  }
0xa7: {  	v31 =	vadd.f32 v59, v31;
	v59 =	vld [tilespmem:$0x1FFA0]  }
0xa8: {  	[tilespmem:$0x1FFC0] =	vst v42;
	v42 =	vld [tilespmem:$0x9400]  }
0xa9: {  	v14 =	vadd.f32 v20, v14;
	v20 =	vld [tilespmem:$0x9320]  }
0xaa: {  	v16 =	vadd.f32 v35, v16;
	v6 =	vadd.f32 v60, v6;
	v60 =	vld [tilespmem:$0x9030]  }
0xab: {  	[tilespmem:$0x1FF40] =	vst v3;
	v3 =	vld [tilespmem:$0x92D0]  }
0xac: {  	v16 =	vadd.f32 v36, v16;
	v36 =	vld [tilespmem:$0x9430]  }
0xad: {  	v8 =	vadd.f32 v27, v8;
	v27 =	vadd.f32 v40, v39;
	v39 =	vld [tilespmem:$0x9240]  }
0xae: {  	v35 =	vld [tilespmem:$0x1FF00]  }
0xaf: {  	v8 =	vadd.f32 v28, v8;
	v28 =	vld [tilespmem:$0x8E30]  }
0xb0: {  	v10 =	vadd.f32 v10, v17;
	v27 =	vadd.f32 v41, v27;
	[tilespmem:$0x1FF30] =	vst v3;
	v3 =	vld [tilespmem:$0x93D0]  }
0xb1: {  	v16 =	vadd.f32 v37, v16;
	v37 =	vld [tilespmem:$0x8E40]  }
0xb2: {  	v10 =	vadd.f32 v18, v10;
	v27 =	vadd.f32 v52, v27;
	v52 =	vld [tilespmem:$0x8D50]  }
0xb3: {  	v47 =	vadd.f32 v47, v46;
	[tilespmem:$0x1FFD0] =	vst v42;
	v42 =	vld [tilespmem:$0x8F10]  }
0xb4: {  	v10 =	vadd.f32 v21, v10;
	v21 =	vld [tilespmem:$0x9250]  }
0xb5: {  	v8 =	vadd.f32 v29, v8;
	v29 =	vadd.f32 v48, v47;
	[tilespmem:$0x1FF60] =	vst v3;
	v3 =	vld [tilespmem:$0x92E0]  }
0xb6: {  	v14 =	vadd.f32 v35, v14;
	v35 =	vld [tilespmem:$0x9230]  }
0xb7: {  	v29 =	vadd.f32 v49, v29;
	v40 =	vld [tilespmem:$0x1FF10];
	v26 =	vadd.f32 v28, v26  }
0xb8: {  	v10 =	vadd.f32 v19, v10;
	v19 =	vld [tilespmem:$0x9450]  }
0xb9: {  	v29 =	vadd.f32 v50, v29;
	v57 =	vadd.f32 v30, v26;
	v26 =	vld [tilespmem:$0x9150]  }
0xba: {  	v12 =	vadd.f32 v12, v13;
	[tilespmem:$0x1FF50] =	vst v3;
	v3 =	vld [tilespmem:$0x93E0]  }
0xbb: {  	v29 =	vadd.f32 v51, v29;
	v51 =	vadd.f32 v43, v45;
	v43 =	vld [tilespmem:$0x9440]  }
0xbc: {  	v12 =	vadd.f32 v42, v12;
	v42 =	vld [tilespmem:$0x1FFD0]  }
0xbd: {  	v41 =	vld [tilespmem:$0x1FF20]  }
0xbe: {  	v27 =	vadd.f32 v40, v27;
	v40 =	vld [tilespmem:$0x9340]  }
0xbf: {  	[tilespmem:$0x1FF70] =	vst v3;
	v3 =	vld [tilespmem:$0x8EF0]  }
0xc0: {  	v7 =	vadd.f32 v7, v12;
	v12 =	vadd.f32 v60, v57;
	v60 =	vld [tilespmem:$0x1FFB0]  }
0xc1: {  	v57 =	vld [tilespmem:$0x9270]  }
0xc2: {  	v27 =	vadd.f32 v41, v27;
	v47 =	vld [tilespmem:$0x1FF40];
	v41 =	vadd.f32 v53, v51  }
0xc3: {  	v12 =	vadd.f32 v63, v12;
	v63 =	vld [tilespmem:$0x8E60]  }
0xc4: {  	v41 =	vadd.f32 v55, v41;
	v46 =	vld [tilespmem:$0x1FF30];
	v3 =	vadd.f32 v3, v62  }
0xc5: {  	v6 =	vadd.f32 v34, v6;
	v53 =	vld [tilespmem:$0x8E50]  }
0xc6: {  	v30 =	vadd.f32 v59, v41;
	v41 =	vld [tilespmem:$0x8D70];
	v3 =	vadd.f32 v4, v3  }
0xc7: {  	v10 =	vadd.f32 v24, v10;
	v27 =	vadd.f32 v47, v27;
	v47 =	vld [tilespmem:$0x8F70]  }
0xc8: {  	v7 =	vadd.f32 v15, v7;
	v49 =	vld [tilespmem:$0x1FF60];
	v3 =	vadd.f32 v5, v3  }
0xc9: {  	(erf) = vrcp.f32 v58;
	v10 =	vadd.f32 v20, v10;
	v29 =	vadd.f32 v46, v29;
	v46 =	vld [tilespmem:$0x8F60]  }
0xca: {  	v7 =	vadd.f32 v22, v7;
	v48 =	vld [tilespmem:$0x1FF50];
	v3 =	vadd.f32 v11, v3  }
0xcb: {  	v10 =	vadd.f32 v25, v10;
	v12 =	vadd.f32 v35, v12;
	v50 =	vld [tilespmem:$0x1FF70]  }
0xcc: {  	v7 =	vadd.f32 v23, v7;
	v4 =	vld [tilespmem:$0x8D40];
	v3 =	vadd.f32 v44, v3  }
0xcd: {  	v45 =	vadd.f32 v33, v12;
	v13 =	vadd.f32 v53, v52;
	v5 =	vld [tilespmem:$0x8F40]  }
0xce: {  	v7 =	vadd.f32 v9, v7;
	v3 =	vadd.f32 v61, v3;
	v61 =	vld [tilespmem:$0x8D60]  }
0xcf: {  	v9 =	vadd.f32 v36, v45;
	v13 =	vadd.f32 v54, v13;
	v44 =	vld [tilespmem:$0x8E70]  }
0xd0: {  	v29 =	vadd.f32 v49, v29;
	v49 =	vld [tilespmem:$0x9060];
	v31 =	vadd.f32 v48, v31  }
0xd1: {  	v30 =	vadd.f32 v60, v30;
	v62 =	vld [tilespmem:$0x1FFC0];
	v4 =	vadd.f32 v37, v4  }
0xd2: {  	v53 =	vadd.f32 v56, v13;
	v48 =	vpop (erf);
	v31 =	vadd.f32 v50, v31;
	v11 =	vld [tilespmem:$0x9140]  }
0xd3: {  	v50 =	vld [tilespmem:$0x9070];
	v4 =	vadd.f32 v5, v4;
	v5 =	vmul.f32 v6, v48;
	v6 =	vadd.f32 v63, v61  }
0xd4: {  	v51 =	vld [tilespmem:$0x9160];
	v12 =	vadd.f32 v26, v53;
	v14 =	vmul.f32 v14, v48;
	v20 =	vadd.f32 v44, v41  }
0xd5: {  	v52 =	vld [tilespmem:$0x9170];
	[tilespmem:$0x8480] =	vst v5;
	v4 =	vadd.f32 v38, v4;
	v5 =	vmul.f32 v8, v48;
	v6 =	vadd.f32 v46, v6  }
0xd6: {  	v56 =	vld [tilespmem:$0x9260];
	v54 =	vmul.f32 v16, v48;
	[tilespmem:$0x8490] =	vst v14;
	v30 =	vadd.f32 v62, v30;
	v55 =	vadd.f32 v47, v20  }
0xd7: {  	v15 =	vld [tilespmem:$0x9350];
	[tilespmem:$0x84A0] =	vst v5;
	v4 =	vadd.f32 v11, v4;
	v5 =	vmul.f32 v27, v48;
	v6 =	vadd.f32 v49, v6  }
0xd8: {  	v59 =	vld [tilespmem:$0x9360];
	v58 =	vmul.f32 v29, v48;
	[tilespmem:$0x84B0] =	vst v54;
	v30 =	vadd.f32 v42, v30;
	v14 =	vadd.f32 v50, v55  }
0xd9: {  	v60 =	vld [tilespmem:$0x9370];
	[tilespmem:$0x84C0] =	vst v5;
	v4 =	vadd.f32 v39, v4;
	v5 =	vmul.f32 v31, v48;
	v6 =	vadd.f32 v51, v6  }
0xda: {  	v12 =	vadd.f32 v21, v12;
	[tilespmem:$0x84D0] =	vst v58;
	v3 =	vmul.f32 v3, v48;
	v61 =	vld [tilespmem:$0x9460];
	v8 =	vadd.f32 v52, v14  }
0xdb: {  	v62 =	vld [tilespmem:$0x9470];
	[tilespmem:$0x84E0] =	vst v5;
	v4 =	vadd.f32 v40, v4;
	v5 =	vmul.f32 v30, v48;
	v6 =	vadd.f32 v56, v6  }
0xdc: {  	v7 =	vmul.f32 v7, v48;
	[tilespmem:$0x84F0] =	vst v3;
	v3 =	vadd.f32 v15, v12;
	v8 =	vadd.f32 v57, v8  }
0xdd: {  	v63 =	vmul.f32 v9, v48;
	[tilespmem:$0x8500] =	vst v5;
	v4 =	vadd.f32 v43, v4;
	v5 =	vadd.f32 v59, v6  }
0xde: {  	[tilespmem:$0x8510] =	vst v7;
	v3 =	vadd.f32 v19, v3;
	v7 =	vadd.f32 v60, v8;
	v6 =	vmul.f32 v10, v48  }
0xdf: {  	[tilespmem:$0x8530] =	vst v63;
	v4 =	vmul.f32 v4, v48;
	v5 =	vadd.f32 v61, v5  }
0xe0: {  	v3 =	vmul.f32 v3, v48;
	[tilespmem:$0x8520] =	vst v6;
	v6 =	vadd.f32 v62, v7  }
0xe1: {  	[tilespmem:$0x8540] =	vst v4;
	v4 =	vmul.f32 v5, v48  }
0xe2: {  	[tilespmem:$0x8550] =	vst v3;
	v3 =	vmul.f32 v6, v48  }
0xe3: {  	[tilespmem:$0x8560] =	vst v4  }
0xe4: {  	s21 =	rddreg [dreg:$0x10];
	[tilespmem:$0x8570] =	vst v3  }
0xe5: {  	[hbm4b:s21+s4] =	stream.linear.scatter [tilespmem:s17], [sflag:$0x3], $0x100, $0x38;
	[tilespmem:$0x9D00] =	vst v63  }
0xe6: {  	_ =	swait.ge [sflag:s26], $0x100  }
0xe7: {  	s16 =	sadd.s32 $0x1, s16;
	s22 =	rddreg [dreg:$0x11]  }
0xe8: {  	p0 =	sne.s32 s16, s22  }
.Ltmp1:
0xe9: {  	_ = 	snop;
	(pc) =	sbr.rel @!p0 .LBB2_26-.Ltmp1, $3  }
0xea: {  	_ =	sdelay $0x1  }
0xeb: {  	[sflag:s26] =	ssyncset.done $0x0;
	v3 =	vld [tilespmem:$0x1FFE0]  }
0xec: {  	v4 =	vld [tilespmem:$0x1FFF0];
	[sflag:s26] =	ssyncadd.s32 $0xFFFFFF00  }
.LBB2_1:
0xed: {  	s6 =	rddreg [dreg:$0x6]  }
0xee: {  	[tilespmem:s4], [sflag:$0x3] =	stream.linear.gather [hbm4b:s6+s4], $0x200, $0x38;
	[tilespmem:$0x9D00] =	vst v63  }
0xef: {  	_ =	swait.ge [sflag:s26], $0x200  }
0xf0: {  	[sflag:s26] =	ssyncset.done $0x0  }
0xf1: {  	[sflag:s26] =	ssyncadd.s32 $0xFFFFFE00  }
0xf2: {  	s17 =	simm.s32 $0x9480;
	s20 =	rddreg [dreg:$0x2]  }
0xf3: {  	[tilespmem:s17], [sflag:$0x3] =	stream.linear.gather [hbm4b:s20+s4], $0x80, $0x38;
	[tilespmem:$0x9D00] =	vst v63  }
0xf4: {  	_ =	swait.ge [sflag:s26], $0x80  }
0xf5: {  	[sflag:s26] =	ssyncset.done $0x0  }
0xf6: {  	[sflag:s26] =	ssyncadd.s32 $0xFFFFFF80  }
0xf7: {  	[tilespmem:$0x8480] =	vst v1  }
0xf8: {  	[tilespmem:$0x8490] =	vst v1  }
0xf9: {  	[tilespmem:$0x84A0] =	vst v1  }
0xfa: {  	[tilespmem:$0x84B0] =	vst v1  }
0xfb: {  	[tilespmem:$0x84C0] =	vst v1  }
0xfc: {  	[tilespmem:$0x84D0] =	vst v1  }
0xfd: {  	[tilespmem:$0x84E0] =	vst v1  }
0xfe: {  	[tilespmem:$0x84F0] =	vst v1  }
0xff: {  	[tilespmem:$0x8500] =	vst v1  }
0x100: {  	[tilespmem:$0x8510] =	vst v1  }
0x101: {  	[tilespmem:$0x8520] =	vst v1  }
0x102: {  	[tilespmem:$0x8530] =	vst v1  }
0x103: {  	[tilespmem:$0x8540] =	vst v1  }
0x104: {  	[tilespmem:$0x8550] =	vst v1  }
0x105: {  	[tilespmem:$0x8560] =	vst v1  }
0x106: {  	[tilespmem:$0x8570] =	vst v1  }
0x107: {  	[tilespmem:$0x8580] =	vst v1  }
0x108: {  	[tilespmem:$0x8590] =	vst v1  }
0x109: {  	[tilespmem:$0x85A0] =	vst v1  }
0x10a: {  	[tilespmem:$0x85B0] =	vst v1  }
0x10b: {  	[tilespmem:$0x85C0] =	vst v1  }
0x10c: {  	[tilespmem:$0x85D0] =	vst v1  }
0x10d: {  	[tilespmem:$0x85E0] =	vst v1  }
0x10e: {  	[tilespmem:$0x85F0] =	vst v1  }
0x10f: {  	[tilespmem:$0x8600] =	vst v1  }
0x110: {  	[tilespmem:$0x8610] =	vst v1  }
0x111: {  	[tilespmem:$0x8620] =	vst v1  }
0x112: {  	[tilespmem:$0x8630] =	vst v1  }
0x113: {  	[tilespmem:$0x8640] =	vst v1  }
0x114: {  	[tilespmem:$0x8650] =	vst v1  }
0x115: {  	[tilespmem:$0x8660] =	vst v1  }
0x116: {  	[tilespmem:$0x8670] =	vst v1  }
0x117: {  	[tilespmem:$0x8680] =	vst v1  }
0x118: {  	[tilespmem:$0x8690] =	vst v1  }
0x119: {  	[tilespmem:$0x86A0] =	vst v1  }
0x11a: {  	[tilespmem:$0x86B0] =	vst v1  }
0x11b: {  	[tilespmem:$0x86C0] =	vst v1  }
0x11c: {  	[tilespmem:$0x86D0] =	vst v1  }
0x11d: {  	[tilespmem:$0x86E0] =	vst v1  }
0x11e: {  	[tilespmem:$0x86F0] =	vst v1  }
0x11f: {  	[tilespmem:$0x8700] =	vst v1  }
0x120: {  	[tilespmem:$0x8710] =	vst v1  }
0x121: {  	[tilespmem:$0x8720] =	vst v1  }
0x122: {  	[tilespmem:$0x8730] =	vst v1  }
0x123: {  	[tilespmem:$0x8740] =	vst v1  }
0x124: {  	[tilespmem:$0x8750] =	vst v1  }
0x125: {  	[tilespmem:$0x8760] =	vst v1  }
0x126: {  	[tilespmem:$0x8770] =	vst v1  }
0x127: {  	[tilespmem:$0x8780] =	vst v1  }
0x128: {  	[tilespmem:$0x8790] =	vst v1  }
0x129: {  	[tilespmem:$0x87A0] =	vst v1  }
0x12a: {  	[tilespmem:$0x87B0] =	vst v1  }
0x12b: {  	[tilespmem:$0x87C0] =	vst v1  }
0x12c: {  	[tilespmem:$0x87D0] =	vst v1  }
0x12d: {  	[tilespmem:$0x87E0] =	vst v1  }
0x12e: {  	[tilespmem:$0x87F0] =	vst v1  }
0x12f: {  	[tilespmem:$0x8800] =	vst v1  }
0x130: {  	[tilespmem:$0x8810] =	vst v1  }
0x131: {  	[tilespmem:$0x8820] =	vst v1  }
0x132: {  	[tilespmem:$0x8830] =	vst v1  }
0x133: {  	[tilespmem:$0x8840] =	vst v1  }
0x134: {  	[tilespmem:$0x8850] =	vst v1  }
0x135: {  	[tilespmem:$0x8860] =	vst v1  }
0x136: {  	[tilespmem:$0x8870] =	vst v1  }
0x137: {  	[tilespmem:$0x8880] =	vst v1  }
0x138: {  	[tilespmem:$0x8890] =	vst v1  }
0x139: {  	[tilespmem:$0x88A0] =	vst v1  }
0x13a: {  	[tilespmem:$0x88B0] =	vst v1  }
0x13b: {  	[tilespmem:$0x88C0] =	vst v1  }
0x13c: {  	[tilespmem:$0x88D0] =	vst v1  }
0x13d: {  	[tilespmem:$0x88E0] =	vst v1  }
0x13e: {  	[tilespmem:$0x88F0] =	vst v1  }
0x13f: {  	[tilespmem:$0x8900] =	vst v1  }
0x140: {  	[tilespmem:$0x8910] =	vst v1  }
0x141: {  	[tilespmem:$0x8920] =	vst v1  }
0x142: {  	[tilespmem:$0x8930] =	vst v1  }
0x143: {  	[tilespmem:$0x8940] =	vst v1  }
0x144: {  	[tilespmem:$0x8950] =	vst v1  }
0x145: {  	[tilespmem:$0x8960] =	vst v1  }
0x146: {  	[tilespmem:$0x8970] =	vst v1  }
0x147: {  	[tilespmem:$0x8980] =	vst v1  }
0x148: {  	[tilespmem:$0x8990] =	vst v1  }
0x149: {  	[tilespmem:$0x89A0] =	vst v1  }
0x14a: {  	[tilespmem:$0x89B0] =	vst v1  }
0x14b: {  	[tilespmem:$0x89C0] =	vst v1  }
0x14c: {  	[tilespmem:$0x89D0] =	vst v1  }
0x14d: {  	[tilespmem:$0x89E0] =	vst v1  }
0x14e: {  	[tilespmem:$0x89F0] =	vst v1  }
0x14f: {  	[tilespmem:$0x8A00] =	vst v1  }
0x150: {  	[tilespmem:$0x8A10] =	vst v1  }
0x151: {  	[tilespmem:$0x8A20] =	vst v1  }
0x152: {  	[tilespmem:$0x8A30] =	vst v1  }
0x153: {  	[tilespmem:$0x8A40] =	vst v1  }
0x154: {  	[tilespmem:$0x8A50] =	vst v1  }
0x155: {  	[tilespmem:$0x8A60] =	vst v1  }
0x156: {  	[tilespmem:$0x8A70] =	vst v1  }
0x157: {  	[tilespmem:$0x8A80] =	vst v1  }
0x158: {  	[tilespmem:$0x8A90] =	vst v1  }
0x159: {  	[tilespmem:$0x8AA0] =	vst v1  }
0x15a: {  	[tilespmem:$0x8AB0] =	vst v1  }
0x15b: {  	[tilespmem:$0x8AC0] =	vst v1  }
0x15c: {  	[tilespmem:$0x8AD0] =	vst v1  }
0x15d: {  	[tilespmem:$0x8AE0] =	vst v1  }
0x15e: {  	[tilespmem:$0x8AF0] =	vst v1  }
0x15f: {  	[tilespmem:$0x8B00] =	vst v1  }
0x160: {  	[tilespmem:$0x8B10] =	vst v1  }
0x161: {  	[tilespmem:$0x8B20] =	vst v1  }
0x162: {  	[tilespmem:$0x8B30] =	vst v1  }
0x163: {  	[tilespmem:$0x8B40] =	vst v1  }
0x164: {  	[tilespmem:$0x8B50] =	vst v1  }
0x165: {  	[tilespmem:$0x8B60] =	vst v1  }
0x166: {  	[tilespmem:$0x8B70] =	vst v1  }
0x167: {  	[tilespmem:$0x8B80] =	vst v1  }
0x168: {  	[tilespmem:$0x8B90] =	vst v1  }
0x169: {  	[tilespmem:$0x8BA0] =	vst v1  }
0x16a: {  	[tilespmem:$0x8BB0] =	vst v1  }
0x16b: {  	[tilespmem:$0x8BC0] =	vst v1  }
0x16c: {  	[tilespmem:$0x8BD0] =	vst v1  }
0x16d: {  	[tilespmem:$0x8BE0] =	vst v1  }
0x16e: {  	[tilespmem:$0x8BF0] =	vst v1  }
0x16f: {  	[tilespmem:$0x8C00] =	vst v1  }
0x170: {  	[tilespmem:$0x8C10] =	vst v1  }
0x171: {  	[tilespmem:$0x8C20] =	vst v1  }
0x172: {  	[tilespmem:$0x8C30] =	vst v1  }
0x173: {  	[tilespmem:$0x8C40] =	vst v1  }
0x174: {  	[tilespmem:$0x8C50] =	vst v1  }
0x175: {  	[tilespmem:$0x8C60] =	vst v1  }
0x176: {  	s21 =	simm.s32 $0x0;
	[tilespmem:$0x8C70] =	vst v1  }
0x177: {  	v5 =	vld [tilespmem:s21+$0x0];
	_ =	sdelay $0x4  }
0x178: {  	vm1 =	vne.s32 v5, $0x0  }
0x179: {  	v5 =	vsel vm1, $0x1, v2  }
0x17a: {  	(xrf0) =	vadd.scan.msk.s32 $0xffff, v5;
	_ =	sdelay $0x5  }
0x17b: {  	s22 =	simm.s32 $0xFFFFFFFF;
	v5, _, _ =	vpop (xrf0)  }
0x17c: {  	v6 =	vadd.s32 s22, v5;
	(v2sf) =	vpush v5, $0xF;
	_ =	sdelay $0x2  }
0x17d: {  	s17 =	rddreg [dreg:$0x5]  }
0x17e: {  	v7 =	vor.u32 s17, v0  }
0x17f: {  	s19 =	simm.s32 $0x10;
	s18 =	simm.s32 $0x80;
	s6 =	simm.s32 $0x0;
	[tilespmem:v6+s29+$0x0] =	vst.idx.msk vm1, v7  }
.LBB2_2:
0x180: {  	p0 =	sne.s32 s18, $0x7C0;
	v5 =	vld [tilespmem:s19+$0x0];
	_ =	sdelay $0x4  }
0x181: {  	vm1 =	vne.s32 v5, $0x0  }
0x182: {  	v5 =	vsel vm1, $0x1, v2  }
0x183: {  	(xrf0) =	vadd.scan.msk.s32 $0xffff, v5;
	_ =	sdelay $0x1  }
0x184: {  	s19 =	spop (v2sf)  }
0x185: {  	s6 =	sadd.s32 s6, s19  }
0x186: {  	s19 =	sadd.s32 $0xFFFFFFFF, s6;
	_ =	sdelay $0x1  }
0x187: {  	v5, _, _ =	vpop (xrf0)  }
0x188: {  	v6 =	vadd.s32 s19, v5;
	(v2sf) =	vpush v5, $0xF  }
.Ltmp2:
0x189: {  	(pc) =	sbr.rel @p0 .LBB2_2-.Ltmp2, $4  }
0x18a: {  	_ = 	snop  }
0x18b: {  	s17 =	sadd.s32 $0x10, s17  }
0x18c: {  	v5 =	vor.u32 s17, v0  }
0x18d: {  	s19 =	sshra.s32 s18, $0x2;
	s18 =	sadd.s32 $0x40, s18;
	[tilespmem:v6+s29+$0x0] =	vst.idx.msk vm1, v5  }
0x18e: {  	v5 =	vld [tilespmem:s19+$0x0];
	_ =	sdelay $0x4  }
0x18f: {  	vm1 =	vne.s32 v5, $0x0  }
0x190: {  	v5 =	vsel vm1, $0x1, v2  }
0x191: {  	(xrf0) =	vadd.scan.msk.s32 $0xffff, v5;
	_ =	sdelay $0x5  }
0x192: {  	v5, _, _ =	vpop (xrf0)  }
0x193: {  	(v2sf) =	vpush v5, $0xF;
	_ =	sdelay $0xd  }
0x194: {  	s18 =	spop (v2sf)  }
0x195: {  	s18 =	sadd.s32 s6, s18;
	s20 =	spop (v2sf)  }
0x196: {  	s6 =	sadd.s32 s18, s20  }
0x197: {  	s21 =	sadd.s32 $0x7, s6  }
0x198: {  	s18 =	sadd.s32 $0xFFFFFFFF, s18;
	s20 =	sand.u32 $0x7, s21  }
0x199: {  	s22 =	sshra.s32 s21, $0x1F;
	p1 =	slt.s32 s21, $0x1;
	p0 =	sne.s32 s20, $0x0  }
0x19a: {  	v5 =	vadd.s32 s18, v5;
	s18 =	sshrl.u32 s22, $0x1D;
	p0 =	por !p1, !p0  }
0x19b: {  	s19 =	simm.s32 $0x1;
	s18 =	sadd.s32 s18, s21;
	p0 =	por !p0, !p0  }
0x19c: {  	s17 =	sadd.s32 $0x10, s17;
	s18 =	sshra.s32 s18, $0x3;
	s19 =	simm.s32 @!p0 $0x0  }
0x19d: {  	v7 =	vor.u32 s17, v0;
	s17 =	ssub.s32 s18, s19  }
0x19e: {  	v6 =	vadd.s32 s6, v0;
	p0 =	slt.s32 s17, $0x1  }
.Ltmp3:
0x19f: {  	_ = 	snop;
	(pc) =	sbr.rel @p0 .LBB2_17-.Ltmp3, $3  }
0x1a0: {  	_ =	sdelay $0x1  }
0x1a1: {  	[tilespmem:v5+s29+$0x0] =	vst.idx.msk vm1, v7  }
0x1a2: {  	[tilespmem:v6+s29+$0x0] =	vst.idx.msk $0xffff, v2  }
0x1a3: {  	v5 =	vld.msk [tilespmem:$0x200], $0xff;
	_ =	sdelay $0x4  }
0x1a4: {  	v6 =	vshll.u32 v5, $0x4  }
0x1a5: {  	v5 =	vand.u32 $0x7, v5;
	v6 =	vand.u32 $0xFFFFFF80, v6  }
0x1a6: {  	v5 =	vor.u32 v5, v6  }
0x1a7: {  	v5 =	vperm.xlane v5, v3;
	_ =	sdelay $0x1  }
0x1a8: {  	v5 =	vadd.s32 v4, v5;
	_ =	sdelay $0x3  }
0x1a9: {  	s18 =	simm.s32 $0x0  }
0x1aa: {  	[tilespmem:s30], [sflag:$0x1] =	stream.indirect_vreg.gather [hbm4b:s1+s18], $0x80, v5, vm0, $0xb8;
	[tilespmem:$0x9D00] =	vst v63  }
0x1ab: {  	_ = 	snop  }
0x1ac: {  	[tilespmem:s31], [sflag:$0x1] =	stream.indirect_vreg.gather [hbm4b:s8+s18], $0x80, v5, vm0, $0xb8;
	[tilespmem:$0x9D00] =	vst v63  }
0x1ad: {  	_ = 	snop  }
0x1ae: {  	[tilespmem:s2], [sflag:$0x1] =	stream.indirect_vreg.gather [hbm4b:s9+s18], $0x80, v5, vm0, $0xb8;
	[tilespmem:$0x9D00] =	vst v63  }
0x1af: {  	_ = 	snop  }
0x1b0: {  	[tilespmem:s0], [sflag:$0x1] =	stream.indirect_vreg.gather [hbm4b:s10+s18], $0x80, v5, vm0, $0xb8;
	[tilespmem:$0x9D00] =	vst v63  }
0x1b1: {  	_ = 	snop  }
0x1b2: {  	[tilespmem:s3], [sflag:$0x1] =	stream.indirect_vreg.gather [hbm4b:s11+s18], $0x80, v5, vm0, $0xb8;
	[tilespmem:$0x9D00] =	vst v63  }
0x1b3: {  	_ = 	snop  }
0x1b4: {  	[tilespmem:s28], [sflag:$0x1] =	stream.indirect_vreg.gather [hbm4b:s12+s18], $0x80, v5, vm0, $0xb8;
	[tilespmem:$0x9D00] =	vst v63  }
.Ltmp4:
0x1b5: {  	_ = 	snop;
	(pc) =	sbr.rel .LBB2_5-.Ltmp4, $4  }
0x1b6: {  	_ = 	snop  }
0x1b7: {  	[tilespmem:s7], [sflag:$0x1] =	stream.indirect_vreg.gather [hbm4b:s13+s18], $0x80, v5, vm0, $0xb8;
	[tilespmem:$0x9D00] =	vst v63  }
0x1b8: {  	_ = 	snop  }
0x1b9: {  	[tilespmem:s15], [sflag:$0x1] =	stream.indirect_vreg.gather [hbm4b:s14+s18], $0x80, v5, vm0, $0xb8;
	[tilespmem:$0x9D00] =	vst v63  }
.LBB2_15:
0x1ba: {  	v8 =	vadd.f32 v8, v9;
	_ =	sdelay $0x1  }
0x1bb: {  	v5 =	vadd.f32 v5, v8;
	_ =	sdelay $0x1  }
0x1bc: {  	v5 =	vadd.f32 v6, v5;
	_ =	sdelay $0x1  }
0x1bd: {  	v5 =	vadd.f32 v7, v5;
	_ =	sdelay $0x1  }
0x1be: {  	[tilespmem:s20+$0x84F0] =	vst.add.f32.msk $0xffff, v5  }
.LBB2_16:
0x1bf: {  	p0 =	sne.s32 s18, s17  }
.Ltmp5:
0x1c0: {  	_ = 	snop;
	(pc) =	sbr.rel @!p0 .LBB2_17-.Ltmp5, $1  }
0x1c1: {  	_ =	sdelay $0x3  }
.LBB2_5:
0x1c2: {  	s19 =	sand.u32 $0x1, s18;
	s18 =	sadd.s32 $0x1, s18  }
0x1c3: {  	p1 =	sge.s32 s18, s17  }
.Ltmp6:
0x1c4: {  	_ = 	snop;
	(pc) =	sbr.rel @p1 .LBB2_8-.Ltmp6, $2  }
0x1c5: {  	_ =	sdelay $0x2  }
0x1c6: {  	p0 =	sne.s32 s19, $0x0  }
0x1c7: {  	s19 =	sshll.u32 s18, $0x5  }
0x1c8: {  	s19 =	sshra.s32 s19, $0x2  }
0x1c9: {  	v5 =	vld.msk [tilespmem:s19+$0x200], $0xff;
	_ =	sdelay $0x4  }
0x1ca: {  	v6 =	vshll.u32 v5, $0x4  }
.Ltmp7:
0x1cb: {  	v5 =	vand.u32 $0x7, v5;
	v6 =	vand.u32 $0xFFFFFF80, v6;
	(pc) =	sbr.rel @p0 .LBB2_12-.Ltmp7, $3  }
0x1cc: {  	v5 =	vor.u32 v5, v6  }
0x1cd: {  	v5 =	vperm.xlane v5, v3;
	_ =	sdelay $0x1  }
0x1ce: {  	v5 =	vadd.s32 v4, v5  }
0x1cf: {  	_ =	sdelay $0x2  }
0x1d0: {  	s19 =	simm.s32 $0x4480  }
0x1d1: {  	[tilespmem:s19], [sflag:$0x2] =	stream.indirect_vreg.gather [hbm4b:s1+s4], $0x80, v5, vm0, $0xb8;
	[tilespmem:$0x9D00] =	vst v63  }
0x1d2: {  	s21 =	simm.s32 $0x4C80  }
0x1d3: {  	[tilespmem:s21], [sflag:$0x2] =	stream.indirect_vreg.gather [hbm4b:s8+s4], $0x80, v5, vm0, $0xb8;
	[tilespmem:$0x9D00] =	vst v63  }
0x1d4: {  	s22 =	simm.s32 $0x5480  }
0x1d5: {  	[tilespmem:s22], [sflag:$0x2] =	stream.indirect_vreg.gather [hbm4b:s9+s4], $0x80, v5, vm0, $0xb8;
	[tilespmem:$0x9D00] =	vst v63  }
0x1d6: {  	s20 =	simm.s32 $0x5C80  }
0x1d7: {  	[tilespmem:s20], [sflag:$0x2] =	stream.indirect_vreg.gather [hbm4b:s10+s4], $0x80, v5, vm0, $0xb8;
	[tilespmem:$0x9D00] =	vst v63  }
0x1d8: {  	s21 =	simm.s32 $0x6480  }
0x1d9: {  	[tilespmem:s21], [sflag:$0x2] =	stream.indirect_vreg.gather [hbm4b:s11+s4], $0x80, v5, vm0, $0xb8;
	[tilespmem:$0x9D00] =	vst v63  }
0x1da: {  	s22 =	simm.s32 $0x6C80  }
0x1db: {  	[tilespmem:s22], [sflag:$0x2] =	stream.indirect_vreg.gather [hbm4b:s12+s4], $0x80, v5, vm0, $0xb8;
	[tilespmem:$0x9D00] =	vst v63  }
.Ltmp8:
0x1dc: {  	_ = 	snop;
	(pc) =	sbr.rel .LBB2_9-.Ltmp8, $4  }
0x1dd: {  	_ = 	snop  }
0x1de: {  	[tilespmem:s23], [sflag:$0x2] =	stream.indirect_vreg.gather [hbm4b:s13+s4], $0x80, v5, vm0, $0xb8;
	[tilespmem:$0x9D00] =	vst v63  }
0x1df: {  	_ = 	snop  }
0x1e0: {  	[tilespmem:s24], [sflag:$0x2] =	stream.indirect_vreg.gather [hbm4b:s14+s4], $0x80, v5, vm0, $0xb8;
	[tilespmem:$0x9D00] =	vst v63  }
.LBB2_8:
.Ltmp9:
0x1e1: {  	(pc) =	sbr.rel @p0 .LBB2_13-.Ltmp9, $1  }
0x1e2: {  	_ =	sdelay $0x3  }
.LBB2_9:
0x1e3: {  	_ =	swait.ge [sflag:s5], $0x4000  }
0x1e4: {  	[sflag:s5] =	ssyncset.done $0x0  }
0x1e5: {  	s19 =	simm.s32 $0x680;
	[sflag:s5] =	ssyncadd.s32 $0xFFFFC000  }
0x1e6: {  	v5 =	vld [tilespmem:s19+$0xFFFFFE80]  }
0x1e7: {  	v6 =	vld [tilespmem:s19+$0xFFFFFE00];
	_ =	sdelay $0x1  }
0x1e8: {  	v7 =	vld [tilespmem:s19+$0xFFFFFF00];
	_ =	sdelay $0x1  }
0x1e9: {  	v8 =	vld [tilespmem:s19+$0xFFFFFF80]  }
0x1ea: {  	v5 =	vadd.f32 v5, v6  }
0x1eb: {  	v6 =	vld [tilespmem:s19+$0x0]  }
0x1ec: {  	v5 =	vadd.f32 v7, v5  }
0x1ed: {  	v7 =	vld [tilespmem:s19+$0x80]  }
0x1ee: {  	v5 =	vadd.f32 v8, v5  }
0x1ef: {  	v8 =	vld [tilespmem:s19+$0x100]  }
0x1f0: {  	v5 =	vadd.f32 v6, v5  }
0x1f1: {  	v6 =	vld [tilespmem:s19+$0x180]  }
0x1f2: {  	v5 =	vadd.f32 v7, v5;
	_ =	sdelay $0x1  }
0x1f3: {  	v5 =	vadd.f32 v8, v5;
	_ =	sdelay $0x1  }
0x1f4: {  	v5 =	vadd.f32 v6, v5  }
0x1f5: {  	s20 =	simm.s32 $0x0  }
0x1f6: {  	[tilespmem:s20+$0x8480] =	vst.add.f32.msk $0xffff, v5  }
0x1f7: {  	v5 =	vld [tilespmem:s19+$0xFFFFFE10]  }
0x1f8: {  	v6 =	vld [tilespmem:s19+$0xFFFFFE90];
	_ =	sdelay $0x1  }
0x1f9: {  	v7 =	vld [tilespmem:s19+$0xFFFFFF10];
	_ =	sdelay $0x1  }
0x1fa: {  	v8 =	vld [tilespmem:s19+$0xFFFFFF90]  }
0x1fb: {  	v5 =	vadd.f32 v6, v5  }
0x1fc: {  	v6 =	vld [tilespmem:s19+$0x10]  }
0x1fd: {  	v5 =	vadd.f32 v7, v5  }
0x1fe: {  	v7 =	vld [tilespmem:s19+$0x90]  }
0x1ff: {  	v5 =	vadd.f32 v8, v5  }
0x200: {  	v8 =	vld [tilespmem:s19+$0x110]  }
0x201: {  	v5 =	vadd.f32 v6, v5  }
0x202: {  	v6 =	vld [tilespmem:s19+$0x190]  }
0x203: {  	v5 =	vadd.f32 v7, v5;
	_ =	sdelay $0x1  }
0x204: {  	v5 =	vadd.f32 v8, v5;
	_ =	sdelay $0x1  }
0x205: {  	v5 =	vadd.f32 v6, v5;
	_ =	sdelay $0x1  }
0x206: {  	[tilespmem:s20+$0x8490] =	vst.add.f32.msk $0xffff, v5  }
0x207: {  	v5 =	vld [tilespmem:s19+$0xFFFFFE20]  }
0x208: {  	v6 =	vld [tilespmem:s19+$0xFFFFFEA0];
	_ =	sdelay $0x1  }
0x209: {  	v7 =	vld [tilespmem:s19+$0xFFFFFF20];
	_ =	sdelay $0x1  }
0x20a: {  	v8 =	vld [tilespmem:s19+$0xFFFFFFA0]  }
0x20b: {  	v5 =	vadd.f32 v6, v5  }
0x20c: {  	v6 =	vld [tilespmem:s19+$0x20]  }
0x20d: {  	v5 =	vadd.f32 v7, v5  }
0x20e: {  	v7 =	vld [tilespmem:s19+$0xA0]  }
0x20f: {  	v5 =	vadd.f32 v8, v5  }
0x210: {  	v8 =	vld [tilespmem:s19+$0x120]  }
0x211: {  	v5 =	vadd.f32 v6, v5  }
0x212: {  	v6 =	vld [tilespmem:s19+$0x1A0]  }
0x213: {  	v5 =	vadd.f32 v7, v5;
	_ =	sdelay $0x1  }
0x214: {  	v5 =	vadd.f32 v8, v5;
	_ =	sdelay $0x1  }
0x215: {  	v5 =	vadd.f32 v6, v5;
	_ =	sdelay $0x1  }
0x216: {  	[tilespmem:s20+$0x84A0] =	vst.add.f32.msk $0xffff, v5  }
0x217: {  	v5 =	vld [tilespmem:s19+$0xFFFFFE30]  }
0x218: {  	v6 =	vld [tilespmem:s19+$0xFFFFFEB0];
	_ =	sdelay $0x1  }
0x219: {  	v7 =	vld [tilespmem:s19+$0xFFFFFF30];
	_ =	sdelay $0x1  }
0x21a: {  	v8 =	vld [tilespmem:s19+$0xFFFFFFB0]  }
0x21b: {  	v5 =	vadd.f32 v6, v5  }
0x21c: {  	v6 =	vld [tilespmem:s19+$0x30]  }
0x21d: {  	v5 =	vadd.f32 v7, v5  }
0x21e: {  	v7 =	vld [tilespmem:s19+$0xB0]  }
0x21f: {  	v5 =	vadd.f32 v8, v5  }
0x220: {  	v8 =	vld [tilespmem:s19+$0x130]  }
0x221: {  	v5 =	vadd.f32 v6, v5  }
0x222: {  	v6 =	vld [tilespmem:s19+$0x1B0]  }
0x223: {  	v5 =	vadd.f32 v7, v5;
	_ =	sdelay $0x1  }
0x224: {  	v5 =	vadd.f32 v8, v5;
	_ =	sdelay $0x1  }
0x225: {  	v5 =	vadd.f32 v6, v5;
	_ =	sdelay $0x1  }
0x226: {  	[tilespmem:s20+$0x84B0] =	vst.add.f32.msk $0xffff, v5  }
0x227: {  	v5 =	vld [tilespmem:s19+$0xFFFFFE40]  }
0x228: {  	v6 =	vld [tilespmem:s19+$0xFFFFFEC0];
	_ =	sdelay $0x1  }
0x229: {  	v7 =	vld [tilespmem:s19+$0xFFFFFF40];
	_ =	sdelay $0x1  }
0x22a: {  	v8 =	vld [tilespmem:s19+$0xFFFFFFC0]  }
0x22b: {  	v5 =	vadd.f32 v6, v5  }
0x22c: {  	v6 =	vld [tilespmem:s19+$0x40]  }
0x22d: {  	v5 =	vadd.f32 v7, v5  }
0x22e: {  	v7 =	vld [tilespmem:s19+$0xC0]  }
0x22f: {  	v5 =	vadd.f32 v8, v5  }
0x230: {  	v8 =	vld [tilespmem:s19+$0x140]  }
0x231: {  	v5 =	vadd.f32 v6, v5  }
0x232: {  	v6 =	vld [tilespmem:s19+$0x1C0]  }
0x233: {  	v5 =	vadd.f32 v7, v5;
	_ =	sdelay $0x1  }
0x234: {  	v5 =	vadd.f32 v8, v5;
	_ =	sdelay $0x1  }
0x235: {  	v5 =	vadd.f32 v6, v5;
	_ =	sdelay $0x1  }
0x236: {  	[tilespmem:s20+$0x84C0] =	vst.add.f32.msk $0xffff, v5  }
0x237: {  	v5 =	vld [tilespmem:s19+$0xFFFFFE50]  }
0x238: {  	v6 =	vld [tilespmem:s19+$0xFFFFFED0];
	_ =	sdelay $0x1  }
0x239: {  	v7 =	vld [tilespmem:s19+$0xFFFFFF50];
	_ =	sdelay $0x1  }
0x23a: {  	v8 =	vld [tilespmem:s19+$0xFFFFFFD0]  }
0x23b: {  	v5 =	vadd.f32 v6, v5  }
0x23c: {  	v6 =	vld [tilespmem:s19+$0x50]  }
0x23d: {  	v5 =	vadd.f32 v7, v5  }
0x23e: {  	v7 =	vld [tilespmem:s19+$0xD0]  }
0x23f: {  	v5 =	vadd.f32 v8, v5  }
0x240: {  	v8 =	vld [tilespmem:s19+$0x150]  }
0x241: {  	v5 =	vadd.f32 v6, v5  }
0x242: {  	v6 =	vld [tilespmem:s19+$0x1D0]  }
0x243: {  	v5 =	vadd.f32 v7, v5;
	_ =	sdelay $0x1  }
0x244: {  	v5 =	vadd.f32 v8, v5;
	_ =	sdelay $0x1  }
0x245: {  	v5 =	vadd.f32 v6, v5;
	_ =	sdelay $0x1  }
0x246: {  	[tilespmem:s20+$0x84D0] =	vst.add.f32.msk $0xffff, v5  }
0x247: {  	v5 =	vld [tilespmem:s19+$0xFFFFFE60]  }
0x248: {  	v6 =	vld [tilespmem:s19+$0xFFFFFEE0];
	_ =	sdelay $0x1  }
0x249: {  	v7 =	vld [tilespmem:s19+$0xFFFFFF60];
	_ =	sdelay $0x1  }
0x24a: {  	v8 =	vld [tilespmem:s19+$0xFFFFFFE0]  }
0x24b: {  	v5 =	vadd.f32 v6, v5  }
0x24c: {  	v6 =	vld [tilespmem:s19+$0x60]  }
0x24d: {  	v5 =	vadd.f32 v7, v5  }
0x24e: {  	v7 =	vld [tilespmem:s19+$0xE0]  }
0x24f: {  	v5 =	vadd.f32 v8, v5  }
0x250: {  	v8 =	vld [tilespmem:s19+$0x160]  }
0x251: {  	v5 =	vadd.f32 v6, v5  }
0x252: {  	v6 =	vld [tilespmem:s19+$0x1E0]  }
0x253: {  	v5 =	vadd.f32 v7, v5;
	_ =	sdelay $0x1  }
0x254: {  	v5 =	vadd.f32 v8, v5;
	_ =	sdelay $0x1  }
0x255: {  	v5 =	vadd.f32 v6, v5;
	_ =	sdelay $0x1  }
0x256: {  	[tilespmem:s20+$0x84E0] =	vst.add.f32.msk $0xffff, v5  }
0x257: {  	v5 =	vld [tilespmem:s19+$0xFFFFFE70]  }
0x258: {  	v6 =	vld [tilespmem:s19+$0xFFFFFEF0];
	_ =	sdelay $0x1  }
0x259: {  	v7 =	vld [tilespmem:s19+$0xFFFFFF70];
	_ =	sdelay $0x1  }
0x25a: {  	v9 =	vld [tilespmem:s19+$0xFFFFFFF0]  }
0x25b: {  	v6 =	vadd.f32 v6, v5  }
0x25c: {  	v8 =	vld [tilespmem:s19+$0x70]  }
0x25d: {  	v5 =	vld [tilespmem:s19+$0xF0];
	v10 =	vadd.f32 v7, v6  }
0x25e: {  	v6 =	vld [tilespmem:s19+$0x170]  }
0x25f: {  	s21 =	simm.s32 $0x200;
	v7 =	vld [tilespmem:s19+$0x1F0];
	v9 =	vadd.f32 v9, v10  }
.LBB2_10:
0x260: {  	p0 =	seq.s32 s21, $0x1E00  }
0x261: {  	s19 =	sadd.s32 $0x400, s19;
	s22 =	smov.u32 s21;
	s21 =	sadd.s32 $0x200, s21;
	v8 =	vadd.f32 v8, v9  }
0x262: {  	_ = 	snop  }
0x263: {  	v5 =	vadd.f32 v5, v8;
	_ =	sdelay $0x1  }
0x264: {  	v5 =	vadd.f32 v6, v5;
	_ =	sdelay $0x1  }
0x265: {  	v5 =	vadd.f32 v7, v5;
	_ =	sdelay $0x1  }
0x266: {  	[tilespmem:s20+$0x84F0] =	vst.add.f32.msk $0xffff, v5  }
0x267: {  	v5 =	vld [tilespmem:s19+$0xFFFFFE80]  }
0x268: {  	v6 =	vld [tilespmem:s19+$0xFFFFFE00]  }
0x269: {  	v7 =	vld [tilespmem:s19+$0xFFFFFF00];
	_ =	sdelay $0x2  }
0x26a: {  	v8 =	vld [tilespmem:s19+$0xFFFFFF80]  }
0x26b: {  	v5 =	vadd.f32 v5, v6  }
0x26c: {  	v6 =	vld [tilespmem:s19+$0x0]  }
0x26d: {  	v5 =	vadd.f32 v7, v5  }
0x26e: {  	v7 =	vld [tilespmem:s19+$0x80]  }
0x26f: {  	v5 =	vadd.f32 v8, v5  }
0x270: {  	v8 =	vld [tilespmem:s19+$0x100]  }
0x271: {  	v5 =	vadd.f32 v6, v5  }
0x272: {  	v6 =	vld [tilespmem:s19+$0x180]  }
0x273: {  	v5 =	vadd.f32 v7, v5;
	_ =	sdelay $0x1  }
0x274: {  	v5 =	vadd.f32 v8, v5;
	_ =	sdelay $0x1  }
0x275: {  	v5 =	vadd.f32 v6, v5  }
0x276: {  	s20 =	sshra.s32 s22, $0x2  }
0x277: {  	[tilespmem:s20+$0x8480] =	vst.add.f32.msk $0xffff, v5  }
0x278: {  	v5 =	vld [tilespmem:s19+$0xFFFFFE10]  }
0x279: {  	v6 =	vld [tilespmem:s19+$0xFFFFFE90];
	_ =	sdelay $0x1  }
0x27a: {  	v7 =	vld [tilespmem:s19+$0xFFFFFF10];
	_ =	sdelay $0x1  }
0x27b: {  	v8 =	vld [tilespmem:s19+$0xFFFFFF90]  }
0x27c: {  	v5 =	vadd.f32 v6, v5  }
0x27d: {  	v6 =	vld [tilespmem:s19+$0x10]  }
0x27e: {  	v5 =	vadd.f32 v7, v5  }
0x27f: {  	v7 =	vld [tilespmem:s19+$0x90]  }
0x280: {  	v5 =	vadd.f32 v8, v5  }
0x281: {  	v8 =	vld [tilespmem:s19+$0x110]  }
0x282: {  	v5 =	vadd.f32 v6, v5  }
0x283: {  	v6 =	vld [tilespmem:s19+$0x190]  }
0x284: {  	v5 =	vadd.f32 v7, v5;
	_ =	sdelay $0x1  }
0x285: {  	v5 =	vadd.f32 v8, v5;
	_ =	sdelay $0x1  }
0x286: {  	v5 =	vadd.f32 v6, v5;
	_ =	sdelay $0x1  }
0x287: {  	[tilespmem:s20+$0x8490] =	vst.add.f32.msk $0xffff, v5  }
0x288: {  	v5 =	vld [tilespmem:s19+$0xFFFFFE20]  }
0x289: {  	v6 =	vld [tilespmem:s19+$0xFFFFFEA0];
	_ =	sdelay $0x1  }
0x28a: {  	v7 =	vld [tilespmem:s19+$0xFFFFFF20];
	_ =	sdelay $0x1  }
0x28b: {  	v8 =	vld [tilespmem:s19+$0xFFFFFFA0]  }
0x28c: {  	v5 =	vadd.f32 v6, v5  }
0x28d: {  	v6 =	vld [tilespmem:s19+$0x20]  }
0x28e: {  	v5 =	vadd.f32 v7, v5  }
0x28f: {  	v7 =	vld [tilespmem:s19+$0xA0]  }
0x290: {  	v5 =	vadd.f32 v8, v5  }
0x291: {  	v8 =	vld [tilespmem:s19+$0x120]  }
0x292: {  	v5 =	vadd.f32 v6, v5  }
0x293: {  	v6 =	vld [tilespmem:s19+$0x1A0]  }
0x294: {  	v5 =	vadd.f32 v7, v5;
	_ =	sdelay $0x1  }
0x295: {  	v5 =	vadd.f32 v8, v5;
	_ =	sdelay $0x1  }
0x296: {  	v5 =	vadd.f32 v6, v5;
	_ =	sdelay $0x1  }
0x297: {  	[tilespmem:s20+$0x84A0] =	vst.add.f32.msk $0xffff, v5  }
0x298: {  	v5 =	vld [tilespmem:s19+$0xFFFFFE30]  }
0x299: {  	v6 =	vld [tilespmem:s19+$0xFFFFFEB0];
	_ =	sdelay $0x1  }
0x29a: {  	v7 =	vld [tilespmem:s19+$0xFFFFFF30];
	_ =	sdelay $0x1  }
0x29b: {  	v8 =	vld [tilespmem:s19+$0xFFFFFFB0]  }
0x29c: {  	v5 =	vadd.f32 v6, v5  }
0x29d: {  	v6 =	vld [tilespmem:s19+$0x30]  }
0x29e: {  	v5 =	vadd.f32 v7, v5  }
0x29f: {  	v7 =	vld [tilespmem:s19+$0xB0]  }
0x2a0: {  	v5 =	vadd.f32 v8, v5  }
0x2a1: {  	v8 =	vld [tilespmem:s19+$0x130]  }
0x2a2: {  	v5 =	vadd.f32 v6, v5  }
0x2a3: {  	v6 =	vld [tilespmem:s19+$0x1B0]  }
0x2a4: {  	v5 =	vadd.f32 v7, v5;
	_ =	sdelay $0x1  }
0x2a5: {  	v5 =	vadd.f32 v8, v5;
	_ =	sdelay $0x1  }
0x2a6: {  	v5 =	vadd.f32 v6, v5;
	_ =	sdelay $0x1  }
0x2a7: {  	[tilespmem:s20+$0x84B0] =	vst.add.f32.msk $0xffff, v5  }
0x2a8: {  	v5 =	vld [tilespmem:s19+$0xFFFFFE40]  }
0x2a9: {  	v6 =	vld [tilespmem:s19+$0xFFFFFEC0];
	_ =	sdelay $0x1  }
0x2aa: {  	v7 =	vld [tilespmem:s19+$0xFFFFFF40];
	_ =	sdelay $0x1  }
0x2ab: {  	v8 =	vld [tilespmem:s19+$0xFFFFFFC0]  }
0x2ac: {  	v5 =	vadd.f32 v6, v5  }
0x2ad: {  	v6 =	vld [tilespmem:s19+$0x40]  }
0x2ae: {  	v5 =	vadd.f32 v7, v5  }
0x2af: {  	v7 =	vld [tilespmem:s19+$0xC0]  }
0x2b0: {  	v5 =	vadd.f32 v8, v5  }
0x2b1: {  	v8 =	vld [tilespmem:s19+$0x140]  }
0x2b2: {  	v5 =	vadd.f32 v6, v5  }
0x2b3: {  	v6 =	vld [tilespmem:s19+$0x1C0]  }
0x2b4: {  	v5 =	vadd.f32 v7, v5;
	_ =	sdelay $0x1  }
0x2b5: {  	v5 =	vadd.f32 v8, v5;
	_ =	sdelay $0x1  }
0x2b6: {  	v5 =	vadd.f32 v6, v5;
	_ =	sdelay $0x1  }
0x2b7: {  	[tilespmem:s20+$0x84C0] =	vst.add.f32.msk $0xffff, v5  }
0x2b8: {  	v5 =	vld [tilespmem:s19+$0xFFFFFE50]  }
0x2b9: {  	v6 =	vld [tilespmem:s19+$0xFFFFFED0]  }
0x2ba: {  	v7 =	vld [tilespmem:s19+$0xFFFFFF50]  }
0x2bb: {  	v8 =	vld [tilespmem:s19+$0xFFFFFFD0]  }
0x2bc: {  	v9 =	vld [tilespmem:s19+$0x50]  }
0x2bd: {  	v10 =	vld [tilespmem:s19+$0xD0]  }
0x2be: {  	v5 =	vadd.f32 v6, v5;
	v6 =	vld [tilespmem:s19+$0x150]  }
0x2bf: {  	v11 =	vld [tilespmem:s19+$0x1D0]  }
0x2c0: {  	v5 =	vadd.f32 v7, v5;
	_ =	sdelay $0x1  }
0x2c1: {  	v5 =	vadd.f32 v8, v5;
	_ =	sdelay $0x1  }
0x2c2: {  	v5 =	vadd.f32 v9, v5;
	_ =	sdelay $0x1  }
0x2c3: {  	v5 =	vadd.f32 v10, v5;
	_ =	sdelay $0x1  }
0x2c4: {  	v5 =	vadd.f32 v6, v5;
	_ =	sdelay $0x1  }
0x2c5: {  	v5 =	vadd.f32 v11, v5;
	_ =	sdelay $0x1  }
0x2c6: {  	[tilespmem:s20+$0x84D0] =	vst.add.f32.msk $0xffff, v5  }
0x2c7: {  	v5 =	vld [tilespmem:s19+$0xFFFFFE60]  }
0x2c8: {  	v6 =	vld [tilespmem:s19+$0xFFFFFEE0]  }
0x2c9: {  	v7 =	vld [tilespmem:s19+$0xFFFFFF60]  }
0x2ca: {  	v8 =	vld [tilespmem:s19+$0xFFFFFFE0]  }
0x2cb: {  	v9 =	vld [tilespmem:s19+$0x60]  }
0x2cc: {  	v10 =	vld [tilespmem:s19+$0xE0]  }
0x2cd: {  	v5 =	vadd.f32 v6, v5;
	v6 =	vld [tilespmem:s19+$0x160]  }
0x2ce: {  	v11 =	vld [tilespmem:s19+$0x1E0]  }
0x2cf: {  	v5 =	vadd.f32 v7, v5;
	_ =	sdelay $0x1  }
0x2d0: {  	v5 =	vadd.f32 v8, v5;
	_ =	sdelay $0x1  }
0x2d1: {  	v5 =	vadd.f32 v9, v5;
	_ =	sdelay $0x1  }
0x2d2: {  	v5 =	vadd.f32 v10, v5;
	_ =	sdelay $0x1  }
0x2d3: {  	v5 =	vadd.f32 v6, v5;
	_ =	sdelay $0x1  }
0x2d4: {  	v5 =	vadd.f32 v11, v5;
	_ =	sdelay $0x1  }
0x2d5: {  	[tilespmem:s20+$0x84E0] =	vst.add.f32.msk $0xffff, v5  }
0x2d6: {  	v6 =	vld [tilespmem:s19+$0xFFFFFE70]  }
0x2d7: {  	v7 =	vld [tilespmem:s19+$0xFFFFFEF0]  }
0x2d8: {  	v9 =	vld [tilespmem:s19+$0xFFFFFF70]  }
0x2d9: {  	v10 =	vld [tilespmem:s19+$0xFFFFFFF0]  }
0x2da: {  	v8 =	vld [tilespmem:s19+$0x70]  }
0x2db: {  	v5 =	vld [tilespmem:s19+$0xF0]  }
.Ltmp10:
0x2dc: {  	v11 =	vadd.f32 v7, v6;
	v6 =	vld [tilespmem:s19+$0x170];
	(pc) =	sbr.rel @!p0 .LBB2_10-.Ltmp10, $3  }
0x2dd: {  	v7 =	vld [tilespmem:s19+$0x1F0]  }
0x2de: {  	v9 =	vadd.f32 v9, v11;
	_ =	sdelay $0x1  }
0x2df: {  	v9 =	vadd.f32 v10, v9  }
0x2e0: {  	_ = 	snop  }
0x2e1: {  	v8 =	vadd.f32 v8, v9;
	_ =	sdelay $0x1  }
0x2e2: {  	v5 =	vadd.f32 v5, v8;
	_ =	sdelay $0x1  }
.Ltmp11:
0x2e3: {  	v5 =	vadd.f32 v6, v5;
	(pc) =	sbr.rel .LBB2_16-.Ltmp11, $3  }
0x2e4: {  	_ = 	snop  }
0x2e5: {  	v5 =	vadd.f32 v7, v5;
	_ =	sdelay $0x1  }
0x2e6: {  	[tilespmem:s20+$0x84F0] =	vst.add.f32.msk $0xffff, v5  }
.LBB2_12:
0x2e7: {  	_ =	sdelay $0x3  }
0x2e8: {  	[tilespmem:s30], [sflag:$0x1] =	stream.indirect_vreg.gather [hbm4b:s1+s4], $0x80, v5, vm0, $0xb8;
	[tilespmem:$0x9D00] =	vst v63  }
0x2e9: {  	_ = 	snop  }
0x2ea: {  	[tilespmem:s31], [sflag:$0x1] =	stream.indirect_vreg.gather [hbm4b:s8+s4], $0x80, v5, vm0, $0xb8;
	[tilespmem:$0x9D00] =	vst v63  }
0x2eb: {  	_ = 	snop  }
0x2ec: {  	[tilespmem:s2], [sflag:$0x1] =	stream.indirect_vreg.gather [hbm4b:s9+s4], $0x80, v5, vm0, $0xb8;
	[tilespmem:$0x9D00] =	vst v63  }
0x2ed: {  	_ = 	snop  }
0x2ee: {  	[tilespmem:s0], [sflag:$0x1] =	stream.indirect_vreg.gather [hbm4b:s10+s4], $0x80, v5, vm0, $0xb8;
	[tilespmem:$0x9D00] =	vst v63  }
0x2ef: {  	_ = 	snop  }
0x2f0: {  	[tilespmem:s3], [sflag:$0x1] =	stream.indirect_vreg.gather [hbm4b:s11+s4], $0x80, v5, vm0, $0xb8;
	[tilespmem:$0x9D00] =	vst v63  }
0x2f1: {  	_ = 	snop  }
0x2f2: {  	[tilespmem:s28], [sflag:$0x1] =	stream.indirect_vreg.gather [hbm4b:s12+s4], $0x80, v5, vm0, $0xb8;
	[tilespmem:$0x9D00] =	vst v63  }
0x2f3: {  	_ = 	snop  }
0x2f4: {  	[tilespmem:s7], [sflag:$0x1] =	stream.indirect_vreg.gather [hbm4b:s13+s4], $0x80, v5, vm0, $0xb8;
	[tilespmem:$0x9D00] =	vst v63  }
0x2f5: {  	_ = 	snop  }
0x2f6: {  	[tilespmem:s15], [sflag:$0x1] =	stream.indirect_vreg.gather [hbm4b:s14+s4], $0x80, v5, vm0, $0xb8;
	[tilespmem:$0x9D00] =	vst v63  }
.LBB2_13:
0x2f7: {  	_ =	swait.ge [sflag:s25], $0x4000  }
0x2f8: {  	[sflag:s25] =	ssyncset.done $0x0  }
0x2f9: {  	s19 =	simm.s32 $0x4680;
	[sflag:s25] =	ssyncadd.s32 $0xFFFFC000  }
0x2fa: {  	v5 =	vld [tilespmem:s19+$0xFFFFFE80]  }
0x2fb: {  	v6 =	vld [tilespmem:s19+$0xFFFFFE00];
	_ =	sdelay $0x1  }
0x2fc: {  	v7 =	vld [tilespmem:s19+$0xFFFFFF00];
	_ =	sdelay $0x1  }
0x2fd: {  	v8 =	vld [tilespmem:s19+$0xFFFFFF80]  }
0x2fe: {  	v5 =	vadd.f32 v5, v6  }
0x2ff: {  	v6 =	vld [tilespmem:s19+$0x0]  }
0x300: {  	v5 =	vadd.f32 v7, v5  }
0x301: {  	v7 =	vld [tilespmem:s19+$0x80]  }
0x302: {  	v5 =	vadd.f32 v8, v5  }
0x303: {  	v8 =	vld [tilespmem:s19+$0x100]  }
0x304: {  	v5 =	vadd.f32 v6, v5  }
0x305: {  	v6 =	vld [tilespmem:s19+$0x180]  }
0x306: {  	v5 =	vadd.f32 v7, v5;
	_ =	sdelay $0x1  }
0x307: {  	v5 =	vadd.f32 v8, v5;
	_ =	sdelay $0x1  }
0x308: {  	v5 =	vadd.f32 v6, v5  }
0x309: {  	s20 =	simm.s32 $0x0  }
0x30a: {  	[tilespmem:s20+$0x8480] =	vst.add.f32.msk $0xffff, v5  }
0x30b: {  	v5 =	vld [tilespmem:s19+$0xFFFFFE10]  }
0x30c: {  	v6 =	vld [tilespmem:s19+$0xFFFFFE90];
	_ =	sdelay $0x1  }
0x30d: {  	v7 =	vld [tilespmem:s19+$0xFFFFFF10];
	_ =	sdelay $0x1  }
0x30e: {  	v8 =	vld [tilespmem:s19+$0xFFFFFF90]  }
0x30f: {  	v5 =	vadd.f32 v6, v5  }
0x310: {  	v6 =	vld [tilespmem:s19+$0x10]  }
0x311: {  	v5 =	vadd.f32 v7, v5  }
0x312: {  	v7 =	vld [tilespmem:s19+$0x90]  }
0x313: {  	v5 =	vadd.f32 v8, v5  }
0x314: {  	v8 =	vld [tilespmem:s19+$0x110]  }
0x315: {  	v5 =	vadd.f32 v6, v5  }
0x316: {  	v6 =	vld [tilespmem:s19+$0x190]  }
0x317: {  	v5 =	vadd.f32 v7, v5;
	_ =	sdelay $0x1  }
0x318: {  	v5 =	vadd.f32 v8, v5;
	_ =	sdelay $0x1  }
0x319: {  	v5 =	vadd.f32 v6, v5;
	_ =	sdelay $0x1  }
0x31a: {  	[tilespmem:s20+$0x8490] =	vst.add.f32.msk $0xffff, v5  }
0x31b: {  	v5 =	vld [tilespmem:s19+$0xFFFFFE20]  }
0x31c: {  	v6 =	vld [tilespmem:s19+$0xFFFFFEA0];
	_ =	sdelay $0x1  }
0x31d: {  	v7 =	vld [tilespmem:s19+$0xFFFFFF20];
	_ =	sdelay $0x1  }
0x31e: {  	v8 =	vld [tilespmem:s19+$0xFFFFFFA0]  }
0x31f: {  	v5 =	vadd.f32 v6, v5  }
0x320: {  	v6 =	vld [tilespmem:s19+$0x20]  }
0x321: {  	v5 =	vadd.f32 v7, v5  }
0x322: {  	v7 =	vld [tilespmem:s19+$0xA0]  }
0x323: {  	v5 =	vadd.f32 v8, v5  }
0x324: {  	v8 =	vld [tilespmem:s19+$0x120]  }
0x325: {  	v5 =	vadd.f32 v6, v5  }
0x326: {  	v6 =	vld [tilespmem:s19+$0x1A0]  }
0x327: {  	v5 =	vadd.f32 v7, v5;
	_ =	sdelay $0x1  }
0x328: {  	v5 =	vadd.f32 v8, v5;
	_ =	sdelay $0x1  }
0x329: {  	v5 =	vadd.f32 v6, v5;
	_ =	sdelay $0x1  }
0x32a: {  	[tilespmem:s20+$0x84A0] =	vst.add.f32.msk $0xffff, v5  }
0x32b: {  	v5 =	vld [tilespmem:s19+$0xFFFFFE30]  }
0x32c: {  	v6 =	vld [tilespmem:s19+$0xFFFFFEB0];
	_ =	sdelay $0x1  }
0x32d: {  	v7 =	vld [tilespmem:s19+$0xFFFFFF30];
	_ =	sdelay $0x1  }
0x32e: {  	v8 =	vld [tilespmem:s19+$0xFFFFFFB0]  }
0x32f: {  	v5 =	vadd.f32 v6, v5  }
0x330: {  	v6 =	vld [tilespmem:s19+$0x30]  }
0x331: {  	v5 =	vadd.f32 v7, v5  }
0x332: {  	v7 =	vld [tilespmem:s19+$0xB0]  }
0x333: {  	v5 =	vadd.f32 v8, v5  }
0x334: {  	v8 =	vld [tilespmem:s19+$0x130]  }
0x335: {  	v5 =	vadd.f32 v6, v5  }
0x336: {  	v6 =	vld [tilespmem:s19+$0x1B0]  }
0x337: {  	v5 =	vadd.f32 v7, v5;
	_ =	sdelay $0x1  }
0x338: {  	v5 =	vadd.f32 v8, v5;
	_ =	sdelay $0x1  }
0x339: {  	v5 =	vadd.f32 v6, v5;
	_ =	sdelay $0x1  }
0x33a: {  	[tilespmem:s20+$0x84B0] =	vst.add.f32.msk $0xffff, v5  }
0x33b: {  	v5 =	vld [tilespmem:s19+$0xFFFFFE40]  }
0x33c: {  	v6 =	vld [tilespmem:s19+$0xFFFFFEC0];
	_ =	sdelay $0x1  }
0x33d: {  	v7 =	vld [tilespmem:s19+$0xFFFFFF40];
	_ =	sdelay $0x1  }
0x33e: {  	v8 =	vld [tilespmem:s19+$0xFFFFFFC0]  }
0x33f: {  	v5 =	vadd.f32 v6, v5  }
0x340: {  	v6 =	vld [tilespmem:s19+$0x40]  }
0x341: {  	v5 =	vadd.f32 v7, v5  }
0x342: {  	v7 =	vld [tilespmem:s19+$0xC0]  }
0x343: {  	v5 =	vadd.f32 v8, v5  }
0x344: {  	v8 =	vld [tilespmem:s19+$0x140]  }
0x345: {  	v5 =	vadd.f32 v6, v5  }
0x346: {  	v6 =	vld [tilespmem:s19+$0x1C0]  }
0x347: {  	v5 =	vadd.f32 v7, v5;
	_ =	sdelay $0x1  }
0x348: {  	v5 =	vadd.f32 v8, v5;
	_ =	sdelay $0x1  }
0x349: {  	v5 =	vadd.f32 v6, v5;
	_ =	sdelay $0x1  }
0x34a: {  	[tilespmem:s20+$0x84C0] =	vst.add.f32.msk $0xffff, v5  }
0x34b: {  	v5 =	vld [tilespmem:s19+$0xFFFFFE50]  }
0x34c: {  	v6 =	vld [tilespmem:s19+$0xFFFFFED0];
	_ =	sdelay $0x1  }
0x34d: {  	v7 =	vld [tilespmem:s19+$0xFFFFFF50];
	_ =	sdelay $0x1  }
0x34e: {  	v8 =	vld [tilespmem:s19+$0xFFFFFFD0]  }
0x34f: {  	v5 =	vadd.f32 v6, v5  }
0x350: {  	v6 =	vld [tilespmem:s19+$0x50]  }
0x351: {  	v5 =	vadd.f32 v7, v5  }
0x352: {  	v7 =	vld [tilespmem:s19+$0xD0]  }
0x353: {  	v5 =	vadd.f32 v8, v5  }
0x354: {  	v8 =	vld [tilespmem:s19+$0x150]  }
0x355: {  	v5 =	vadd.f32 v6, v5  }
0x356: {  	v6 =	vld [tilespmem:s19+$0x1D0]  }
0x357: {  	v5 =	vadd.f32 v7, v5;
	_ =	sdelay $0x1  }
0x358: {  	v5 =	vadd.f32 v8, v5;
	_ =	sdelay $0x1  }
0x359: {  	v5 =	vadd.f32 v6, v5;
	_ =	sdelay $0x1  }
0x35a: {  	[tilespmem:s20+$0x84D0] =	vst.add.f32.msk $0xffff, v5  }
0x35b: {  	v5 =	vld [tilespmem:s19+$0xFFFFFE60]  }
0x35c: {  	v6 =	vld [tilespmem:s19+$0xFFFFFEE0];
	_ =	sdelay $0x1  }
0x35d: {  	v7 =	vld [tilespmem:s19+$0xFFFFFF60];
	_ =	sdelay $0x1  }
0x35e: {  	v8 =	vld [tilespmem:s19+$0xFFFFFFE0]  }
0x35f: {  	v5 =	vadd.f32 v6, v5  }
0x360: {  	v6 =	vld [tilespmem:s19+$0x60]  }
0x361: {  	v5 =	vadd.f32 v7, v5  }
0x362: {  	v7 =	vld [tilespmem:s19+$0xE0]  }
0x363: {  	v5 =	vadd.f32 v8, v5  }
0x364: {  	v8 =	vld [tilespmem:s19+$0x160]  }
0x365: {  	v5 =	vadd.f32 v6, v5  }
0x366: {  	v6 =	vld [tilespmem:s19+$0x1E0]  }
0x367: {  	v5 =	vadd.f32 v7, v5;
	_ =	sdelay $0x1  }
0x368: {  	v5 =	vadd.f32 v8, v5;
	_ =	sdelay $0x1  }
0x369: {  	v5 =	vadd.f32 v6, v5;
	_ =	sdelay $0x1  }
0x36a: {  	[tilespmem:s20+$0x84E0] =	vst.add.f32.msk $0xffff, v5  }
0x36b: {  	v5 =	vld [tilespmem:s19+$0xFFFFFE70]  }
0x36c: {  	v6 =	vld [tilespmem:s19+$0xFFFFFEF0];
	_ =	sdelay $0x1  }
0x36d: {  	v7 =	vld [tilespmem:s19+$0xFFFFFF70];
	_ =	sdelay $0x1  }
0x36e: {  	v9 =	vld [tilespmem:s19+$0xFFFFFFF0]  }
0x36f: {  	v6 =	vadd.f32 v6, v5  }
0x370: {  	v8 =	vld [tilespmem:s19+$0x70]  }
0x371: {  	v5 =	vld [tilespmem:s19+$0xF0];
	v10 =	vadd.f32 v7, v6  }
0x372: {  	v6 =	vld [tilespmem:s19+$0x170]  }
0x373: {  	s21 =	simm.s32 $0x200;
	v7 =	vld [tilespmem:s19+$0x1F0];
	v9 =	vadd.f32 v9, v10  }
.LBB2_14:
0x374: {  	p0 =	sne.s32 s21, $0x1E00  }
0x375: {  	v8 =	vadd.f32 v8, v9;
	s19 =	sadd.s32 $0x400, s19;
	s22 =	smov.u32 s21;
	s21 =	sadd.s32 $0x200, s21  }
0x376: {  	_ = 	snop  }
0x377: {  	v5 =	vadd.f32 v5, v8;
	_ =	sdelay $0x1  }
0x378: {  	v5 =	vadd.f32 v6, v5;
	_ =	sdelay $0x1  }
0x379: {  	v5 =	vadd.f32 v7, v5;
	_ =	sdelay $0x1  }
0x37a: {  	[tilespmem:s20+$0x84F0] =	vst.add.f32.msk $0xffff, v5  }
0x37b: {  	v5 =	vld [tilespmem:s19+$0xFFFFFE80]  }
0x37c: {  	v6 =	vld [tilespmem:s19+$0xFFFFFE00]  }
0x37d: {  	v7 =	vld [tilespmem:s19+$0xFFFFFF00];
	_ =	sdelay $0x2  }
0x37e: {  	v8 =	vld [tilespmem:s19+$0xFFFFFF80]  }
0x37f: {  	v5 =	vadd.f32 v5, v6  }
0x380: {  	v6 =	vld [tilespmem:s19+$0x0]  }
0x381: {  	v5 =	vadd.f32 v7, v5  }
0x382: {  	v7 =	vld [tilespmem:s19+$0x80]  }
0x383: {  	v5 =	vadd.f32 v8, v5  }
0x384: {  	v8 =	vld [tilespmem:s19+$0x100]  }
0x385: {  	v5 =	vadd.f32 v6, v5  }
0x386: {  	v6 =	vld [tilespmem:s19+$0x180]  }
0x387: {  	v5 =	vadd.f32 v7, v5;
	_ =	sdelay $0x1  }
0x388: {  	v5 =	vadd.f32 v8, v5;
	_ =	sdelay $0x1  }
0x389: {  	v5 =	vadd.f32 v6, v5  }
0x38a: {  	s20 =	sshra.s32 s22, $0x2  }
0x38b: {  	[tilespmem:s20+$0x8480] =	vst.add.f32.msk $0xffff, v5  }
0x38c: {  	v5 =	vld [tilespmem:s19+$0xFFFFFE10]  }
0x38d: {  	v6 =	vld [tilespmem:s19+$0xFFFFFE90];
	_ =	sdelay $0x1  }
0x38e: {  	v7 =	vld [tilespmem:s19+$0xFFFFFF10];
	_ =	sdelay $0x1  }
0x38f: {  	v8 =	vld [tilespmem:s19+$0xFFFFFF90]  }
0x390: {  	v5 =	vadd.f32 v6, v5  }
0x391: {  	v6 =	vld [tilespmem:s19+$0x10]  }
0x392: {  	v5 =	vadd.f32 v7, v5  }
0x393: {  	v7 =	vld [tilespmem:s19+$0x90]  }
0x394: {  	v5 =	vadd.f32 v8, v5  }
0x395: {  	v8 =	vld [tilespmem:s19+$0x110]  }
0x396: {  	v5 =	vadd.f32 v6, v5  }
0x397: {  	v6 =	vld [tilespmem:s19+$0x190]  }
0x398: {  	v5 =	vadd.f32 v7, v5;
	_ =	sdelay $0x1  }
0x399: {  	v5 =	vadd.f32 v8, v5;
	_ =	sdelay $0x1  }
0x39a: {  	v5 =	vadd.f32 v6, v5;
	_ =	sdelay $0x1  }
0x39b: {  	[tilespmem:s20+$0x8490] =	vst.add.f32.msk $0xffff, v5  }
0x39c: {  	v5 =	vld [tilespmem:s19+$0xFFFFFE20]  }
0x39d: {  	v6 =	vld [tilespmem:s19+$0xFFFFFEA0];
	_ =	sdelay $0x1  }
0x39e: {  	v7 =	vld [tilespmem:s19+$0xFFFFFF20];
	_ =	sdelay $0x1  }
0x39f: {  	v8 =	vld [tilespmem:s19+$0xFFFFFFA0]  }
0x3a0: {  	v5 =	vadd.f32 v6, v5  }
0x3a1: {  	v6 =	vld [tilespmem:s19+$0x20]  }
0x3a2: {  	v5 =	vadd.f32 v7, v5  }
0x3a3: {  	v7 =	vld [tilespmem:s19+$0xA0]  }
0x3a4: {  	v5 =	vadd.f32 v8, v5  }
0x3a5: {  	v8 =	vld [tilespmem:s19+$0x120]  }
0x3a6: {  	v5 =	vadd.f32 v6, v5  }
0x3a7: {  	v6 =	vld [tilespmem:s19+$0x1A0]  }
0x3a8: {  	v5 =	vadd.f32 v7, v5;
	_ =	sdelay $0x1  }
0x3a9: {  	v5 =	vadd.f32 v8, v5;
	_ =	sdelay $0x1  }
0x3aa: {  	v5 =	vadd.f32 v6, v5;
	_ =	sdelay $0x1  }
0x3ab: {  	[tilespmem:s20+$0x84A0] =	vst.add.f32.msk $0xffff, v5  }
0x3ac: {  	v5 =	vld [tilespmem:s19+$0xFFFFFE30]  }
0x3ad: {  	v6 =	vld [tilespmem:s19+$0xFFFFFEB0];
	_ =	sdelay $0x1  }
0x3ae: {  	v7 =	vld [tilespmem:s19+$0xFFFFFF30];
	_ =	sdelay $0x1  }
0x3af: {  	v8 =	vld [tilespmem:s19+$0xFFFFFFB0]  }
0x3b0: {  	v5 =	vadd.f32 v6, v5  }
0x3b1: {  	v6 =	vld [tilespmem:s19+$0x30]  }
0x3b2: {  	v5 =	vadd.f32 v7, v5  }
0x3b3: {  	v7 =	vld [tilespmem:s19+$0xB0]  }
0x3b4: {  	v5 =	vadd.f32 v8, v5  }
0x3b5: {  	v8 =	vld [tilespmem:s19+$0x130]  }
0x3b6: {  	v5 =	vadd.f32 v6, v5  }
0x3b7: {  	v6 =	vld [tilespmem:s19+$0x1B0]  }
0x3b8: {  	v5 =	vadd.f32 v7, v5;
	_ =	sdelay $0x1  }
0x3b9: {  	v5 =	vadd.f32 v8, v5;
	_ =	sdelay $0x1  }
0x3ba: {  	v5 =	vadd.f32 v6, v5;
	_ =	sdelay $0x1  }
0x3bb: {  	[tilespmem:s20+$0x84B0] =	vst.add.f32.msk $0xffff, v5  }
0x3bc: {  	v5 =	vld [tilespmem:s19+$0xFFFFFE40]  }
0x3bd: {  	v6 =	vld [tilespmem:s19+$0xFFFFFEC0];
	_ =	sdelay $0x1  }
0x3be: {  	v7 =	vld [tilespmem:s19+$0xFFFFFF40];
	_ =	sdelay $0x1  }
0x3bf: {  	v8 =	vld [tilespmem:s19+$0xFFFFFFC0]  }
0x3c0: {  	v5 =	vadd.f32 v6, v5  }
0x3c1: {  	v6 =	vld [tilespmem:s19+$0x40]  }
0x3c2: {  	v5 =	vadd.f32 v7, v5  }
0x3c3: {  	v7 =	vld [tilespmem:s19+$0xC0]  }
0x3c4: {  	v5 =	vadd.f32 v8, v5  }
0x3c5: {  	v8 =	vld [tilespmem:s19+$0x140]  }
0x3c6: {  	v5 =	vadd.f32 v6, v5  }
0x3c7: {  	v6 =	vld [tilespmem:s19+$0x1C0]  }
0x3c8: {  	v5 =	vadd.f32 v7, v5;
	_ =	sdelay $0x1  }
0x3c9: {  	v5 =	vadd.f32 v8, v5;
	_ =	sdelay $0x1  }
0x3ca: {  	v5 =	vadd.f32 v6, v5;
	_ =	sdelay $0x1  }
0x3cb: {  	[tilespmem:s20+$0x84C0] =	vst.add.f32.msk $0xffff, v5  }
0x3cc: {  	v5 =	vld [tilespmem:s19+$0xFFFFFE50]  }
0x3cd: {  	v6 =	vld [tilespmem:s19+$0xFFFFFED0]  }
0x3ce: {  	v7 =	vld [tilespmem:s19+$0xFFFFFF50]  }
0x3cf: {  	v8 =	vld [tilespmem:s19+$0xFFFFFFD0]  }
0x3d0: {  	v9 =	vld [tilespmem:s19+$0x50]  }
0x3d1: {  	v10 =	vld [tilespmem:s19+$0xD0]  }
0x3d2: {  	v5 =	vadd.f32 v6, v5;
	v6 =	vld [tilespmem:s19+$0x150]  }
0x3d3: {  	v11 =	vld [tilespmem:s19+$0x1D0]  }
0x3d4: {  	v5 =	vadd.f32 v7, v5;
	_ =	sdelay $0x1  }
0x3d5: {  	v5 =	vadd.f32 v8, v5;
	_ =	sdelay $0x1  }
0x3d6: {  	v5 =	vadd.f32 v9, v5;
	_ =	sdelay $0x1  }
0x3d7: {  	v5 =	vadd.f32 v10, v5;
	_ =	sdelay $0x1  }
0x3d8: {  	v5 =	vadd.f32 v6, v5;
	_ =	sdelay $0x1  }
0x3d9: {  	v5 =	vadd.f32 v11, v5;
	_ =	sdelay $0x1  }
0x3da: {  	[tilespmem:s20+$0x84D0] =	vst.add.f32.msk $0xffff, v5  }
0x3db: {  	v5 =	vld [tilespmem:s19+$0xFFFFFE60]  }
0x3dc: {  	v6 =	vld [tilespmem:s19+$0xFFFFFEE0]  }
0x3dd: {  	v7 =	vld [tilespmem:s19+$0xFFFFFF60]  }
0x3de: {  	v8 =	vld [tilespmem:s19+$0xFFFFFFE0]  }
0x3df: {  	v9 =	vld [tilespmem:s19+$0x60]  }
0x3e0: {  	v10 =	vld [tilespmem:s19+$0xE0]  }
0x3e1: {  	v5 =	vadd.f32 v6, v5;
	v6 =	vld [tilespmem:s19+$0x160]  }
0x3e2: {  	v11 =	vld [tilespmem:s19+$0x1E0]  }
0x3e3: {  	v5 =	vadd.f32 v7, v5;
	_ =	sdelay $0x1  }
0x3e4: {  	v5 =	vadd.f32 v8, v5;
	_ =	sdelay $0x1  }
0x3e5: {  	v5 =	vadd.f32 v9, v5;
	_ =	sdelay $0x1  }
0x3e6: {  	v5 =	vadd.f32 v10, v5;
	_ =	sdelay $0x1  }
0x3e7: {  	v5 =	vadd.f32 v6, v5;
	_ =	sdelay $0x1  }
0x3e8: {  	v5 =	vadd.f32 v11, v5;
	_ =	sdelay $0x1  }
0x3e9: {  	[tilespmem:s20+$0x84E0] =	vst.add.f32.msk $0xffff, v5  }
0x3ea: {  	v6 =	vld [tilespmem:s19+$0xFFFFFE70]  }
0x3eb: {  	v7 =	vld [tilespmem:s19+$0xFFFFFEF0]  }
0x3ec: {  	v9 =	vld [tilespmem:s19+$0xFFFFFF70]  }
0x3ed: {  	v10 =	vld [tilespmem:s19+$0xFFFFFFF0]  }
0x3ee: {  	v8 =	vld [tilespmem:s19+$0x70]  }
0x3ef: {  	v5 =	vld [tilespmem:s19+$0xF0]  }
.Ltmp12:
0x3f0: {  	v11 =	vadd.f32 v7, v6;
	v6 =	vld [tilespmem:s19+$0x170];
	(pc) =	sbr.rel @p0 .LBB2_14-.Ltmp12, $3  }
0x3f1: {  	v7 =	vld [tilespmem:s19+$0x1F0]  }
0x3f2: {  	v9 =	vadd.f32 v9, v11;
	_ =	sdelay $0x1  }
0x3f3: {  	v9 =	vadd.f32 v10, v9  }
.Ltmp13:
0x3f4: {  	_ = 	snop;
	(pc) =	sbr.rel .LBB2_15-.Ltmp13, $1  }
0x3f5: {  	_ =	sdelay $0x3  }
.LBB2_17:
0x3f6: {  	s18 =	sshll.u32 s17, $0x3  }
0x3f7: {  	s6 =	ssub.s32 s18, s6  }
0x3f8: {  	p0 =	slt.s32 s6, $0x1  }
.Ltmp14:
0x3f9: {  	_ = 	snop;
	(pc) =	sbr.rel @p0 .LBB2_25-.Ltmp14, $1  }
0x3fa: {  	_ =	sdelay $0x3  }
0x3fb: {  	s17 =	sand.u32 $0x1, s17  }
0x3fc: {  	p0 =	seq.s32 s17, $0x0  }
.Ltmp15:
0x3fd: {  	s6 =	scvt.s32.f32 s6;
	(pc) =	sbr.rel @!p0 .LBB2_19-.Ltmp15, $3  }
0x3fe: {  	_ = 	snop  }
0x3ff: {  	s6 =	ssub.f32 $0.0e+00, s6;
	_ =	sdelay $0x1  }
0x400: {  	s18 =	simm.s32 $0x4870;
	s17 =	simm.s32 $0x870;
	v5 =	vmov s6;
	s6 =	simm.s32 $0x0  }
0x401: {  	v6 =	vld [tilespmem:s18+$0xFFFFFF90];
	s17 =	simm.s32 $0x200  }
.LBB2_23:
0x402: {  	p0 =	sne.s32 s17, $0x1E00;
	_ =	sdelay $0x3  }
0x403: {  	v6 =	vmul.f32 v6, v5  }
0x404: {  	s19 =	sshra.s32 s6, $0x2;
	s6 =	smov.u32 s17  }
0x405: {  	[tilespmem:s19+$0x8480] =	vst.add.f32.msk $0xffff, v6  }
0x406: {  	v6 =	vld [tilespmem:s18+$0xFFFFFFA0];
	_ =	sdelay $0x4  }
0x407: {  	v6 =	vmul.f32 v6, v5;
	_ =	sdelay $0x1  }
0x408: {  	[tilespmem:s19+$0x8490] =	vst.add.f32.msk $0xffff, v6  }
0x409: {  	v6 =	vld [tilespmem:s18+$0xFFFFFFB0];
	_ =	sdelay $0x4  }
0x40a: {  	v6 =	vmul.f32 v6, v5;
	_ =	sdelay $0x1  }
0x40b: {  	[tilespmem:s19+$0x84A0] =	vst.add.f32.msk $0xffff, v6  }
0x40c: {  	v6 =	vld [tilespmem:s18+$0xFFFFFFC0];
	_ =	sdelay $0x4  }
0x40d: {  	v6 =	vmul.f32 v6, v5;
	_ =	sdelay $0x1  }
0x40e: {  	[tilespmem:s19+$0x84B0] =	vst.add.f32.msk $0xffff, v6  }
0x40f: {  	v6 =	vld [tilespmem:s18+$0xFFFFFFD0];
	_ =	sdelay $0x4  }
0x410: {  	v6 =	vmul.f32 v6, v5;
	_ =	sdelay $0x1  }
0x411: {  	[tilespmem:s19+$0x84C0] =	vst.add.f32.msk $0xffff, v6  }
0x412: {  	v6 =	vld [tilespmem:s18+$0xFFFFFFE0];
	_ =	sdelay $0x4  }
0x413: {  	v6 =	vmul.f32 v6, v5;
	_ =	sdelay $0x1  }
0x414: {  	[tilespmem:s19+$0x84D0] =	vst.add.f32.msk $0xffff, v6  }
0x415: {  	v6 =	vld [tilespmem:s18+$0xFFFFFFF0];
	_ =	sdelay $0x4  }
0x416: {  	v6 =	vmul.f32 v6, v5;
	_ =	sdelay $0x1  }
0x417: {  	[tilespmem:s19+$0x84E0] =	vst.add.f32.msk $0xffff, v6  }
0x418: {  	v6 =	vld [tilespmem:s18+$0x0];
	_ =	sdelay $0x3  }
.Ltmp16:
0x419: {  	(pc) =	sbr.rel @p0 .LBB2_23-.Ltmp16, $3  }
0x41a: {  	v6 =	vmul.f32 v6, v5;
	_ =	sdelay $0x1  }
0x41b: {  	s18 =	sadd.s32 $0x400, s18;
	[tilespmem:s19+$0x84F0] =	vst.add.f32.msk $0xffff, v6  }
0x41c: {  	s17 =	sadd.s32 $0x200, s17;
	v6 =	vld [tilespmem:s18+$0xFFFFFF90]  }
0x41d: {  	_ =	sdelay $0x3  }
0x41e: {  	v6 =	vmul.f32 v6, v5  }
0x41f: {  	s6 =	sshra.s32 s6, $0x2  }
0x420: {  	[tilespmem:s6+$0x8480] =	vst.add.f32.msk $0xffff, v6  }
0x421: {  	v6 =	vld [tilespmem:s18+$0xFFFFFFA0];
	_ =	sdelay $0x4  }
0x422: {  	v6 =	vmul.f32 v6, v5;
	_ =	sdelay $0x1  }
0x423: {  	[tilespmem:s6+$0x8490] =	vst.add.f32.msk $0xffff, v6  }
0x424: {  	v6 =	vld [tilespmem:s18+$0xFFFFFFB0];
	_ =	sdelay $0x4  }
0x425: {  	v6 =	vmul.f32 v6, v5;
	_ =	sdelay $0x1  }
0x426: {  	[tilespmem:s6+$0x84A0] =	vst.add.f32.msk $0xffff, v6  }
0x427: {  	v6 =	vld [tilespmem:s18+$0xFFFFFFC0];
	_ =	sdelay $0x4  }
0x428: {  	v6 =	vmul.f32 v6, v5;
	_ =	sdelay $0x1  }
0x429: {  	[tilespmem:s6+$0x84B0] =	vst.add.f32.msk $0xffff, v6  }
0x42a: {  	v6 =	vld [tilespmem:s18+$0xFFFFFFD0];
	_ =	sdelay $0x4  }
0x42b: {  	v6 =	vmul.f32 v6, v5;
	_ =	sdelay $0x1  }
0x42c: {  	[tilespmem:s6+$0x84C0] =	vst.add.f32.msk $0xffff, v6  }
0x42d: {  	v6 =	vld [tilespmem:s18+$0xFFFFFFE0];
	_ =	sdelay $0x4  }
0x42e: {  	v6 =	vmul.f32 v6, v5;
	_ =	sdelay $0x1  }
0x42f: {  	[tilespmem:s6+$0x84D0] =	vst.add.f32.msk $0xffff, v6  }
0x430: {  	v6 =	vld [tilespmem:s18+$0xFFFFFFF0];
	_ =	sdelay $0x4  }
0x431: {  	v6 =	vmul.f32 v6, v5;
	_ =	sdelay $0x1  }
0x432: {  	[tilespmem:s6+$0x84E0] =	vst.add.f32.msk $0xffff, v6  }
0x433: {  	v6 =	vld [tilespmem:s18+$0x0];
	_ =	sdelay $0x2  }
.Ltmp17:
0x434: {  	_ = 	snop;
	(pc) =	sbr.rel .LBB2_25-.Ltmp17, $3  }
0x435: {  	_ = 	snop  }
0x436: {  	v63 =	vmul.f32 v6, v5;
	_ =	sdelay $0x1  }
0x437: {  	[tilespmem:s6+$0x84F0] =	vst.add.f32.msk $0xffff, v63  }
.LBB2_19:
0x438: {  	v6 =	vld [tilespmem:s17+$0xFFFFFF90];
	s18 =	simm.s32 $0x200  }
.LBB2_20:
0x439: {  	p0 =	seq.s32 s18, $0x1E00;
	_ =	sdelay $0x3  }
0x43a: {  	v6 =	vmul.f32 v6, v5  }
0x43b: {  	s19 =	sshra.s32 s6, $0x2;
	s6 =	smov.u32 s18  }
0x43c: {  	[tilespmem:s19+$0x8480] =	vst.add.f32.msk $0xffff, v6  }
0x43d: {  	v6 =	vld [tilespmem:s17+$0xFFFFFFA0];
	_ =	sdelay $0x4  }
0x43e: {  	v6 =	vmul.f32 v6, v5;
	_ =	sdelay $0x1  }
0x43f: {  	[tilespmem:s19+$0x8490] =	vst.add.f32.msk $0xffff, v6  }
0x440: {  	v6 =	vld [tilespmem:s17+$0xFFFFFFB0];
	_ =	sdelay $0x4  }
0x441: {  	v6 =	vmul.f32 v6, v5;
	_ =	sdelay $0x1  }
0x442: {  	[tilespmem:s19+$0x84A0] =	vst.add.f32.msk $0xffff, v6  }
0x443: {  	v6 =	vld [tilespmem:s17+$0xFFFFFFC0];
	_ =	sdelay $0x4  }
0x444: {  	v6 =	vmul.f32 v6, v5;
	_ =	sdelay $0x1  }
0x445: {  	[tilespmem:s19+$0x84B0] =	vst.add.f32.msk $0xffff, v6  }
0x446: {  	v6 =	vld [tilespmem:s17+$0xFFFFFFD0];
	_ =	sdelay $0x4  }
0x447: {  	v6 =	vmul.f32 v6, v5;
	_ =	sdelay $0x1  }
0x448: {  	[tilespmem:s19+$0x84C0] =	vst.add.f32.msk $0xffff, v6  }
0x449: {  	v6 =	vld [tilespmem:s17+$0xFFFFFFE0];
	_ =	sdelay $0x4  }
0x44a: {  	v6 =	vmul.f32 v6, v5;
	_ =	sdelay $0x1  }
0x44b: {  	[tilespmem:s19+$0x84D0] =	vst.add.f32.msk $0xffff, v6  }
0x44c: {  	v6 =	vld [tilespmem:s17+$0xFFFFFFF0];
	_ =	sdelay $0x4  }
0x44d: {  	v6 =	vmul.f32 v6, v5;
	_ =	sdelay $0x1  }
0x44e: {  	[tilespmem:s19+$0x84E0] =	vst.add.f32.msk $0xffff, v6  }
0x44f: {  	v6 =	vld [tilespmem:s17+$0x0];
	_ =	sdelay $0x3  }
.Ltmp18:
0x450: {  	(pc) =	sbr.rel @!p0 .LBB2_20-.Ltmp18, $3  }
0x451: {  	v6 =	vmul.f32 v6, v5;
	_ =	sdelay $0x1  }
0x452: {  	s17 =	sadd.s32 $0x400, s17;
	[tilespmem:s19+$0x84F0] =	vst.add.f32.msk $0xffff, v6  }
0x453: {  	s18 =	sadd.s32 $0x200, s18;
	v6 =	vld [tilespmem:s17+$0xFFFFFF90]  }
0x454: {  	_ =	sdelay $0x3  }
0x455: {  	v6 =	vmul.f32 v6, v5  }
0x456: {  	s6 =	sshra.s32 s6, $0x2  }
0x457: {  	[tilespmem:s6+$0x8480] =	vst.add.f32.msk $0xffff, v6  }
0x458: {  	v6 =	vld [tilespmem:s17+$0xFFFFFFA0];
	_ =	sdelay $0x4  }
0x459: {  	v6 =	vmul.f32 v6, v5;
	_ =	sdelay $0x1  }
0x45a: {  	[tilespmem:s6+$0x8490] =	vst.add.f32.msk $0xffff, v6  }
0x45b: {  	v6 =	vld [tilespmem:s17+$0xFFFFFFB0];
	_ =	sdelay $0x4  }
0x45c: {  	v6 =	vmul.f32 v6, v5;
	_ =	sdelay $0x1  }
0x45d: {  	[tilespmem:s6+$0x84A0] =	vst.add.f32.msk $0xffff, v6  }
0x45e: {  	v6 =	vld [tilespmem:s17+$0xFFFFFFC0];
	_ =	sdelay $0x4  }
0x45f: {  	v6 =	vmul.f32 v6, v5;
	_ =	sdelay $0x1  }
0x460: {  	[tilespmem:s6+$0x84B0] =	vst.add.f32.msk $0xffff, v6  }
0x461: {  	v6 =	vld [tilespmem:s17+$0xFFFFFFD0];
	_ =	sdelay $0x4  }
0x462: {  	v6 =	vmul.f32 v6, v5;
	_ =	sdelay $0x1  }
0x463: {  	[tilespmem:s6+$0x84C0] =	vst.add.f32.msk $0xffff, v6  }
0x464: {  	v6 =	vld [tilespmem:s17+$0xFFFFFFE0];
	_ =	sdelay $0x4  }
0x465: {  	v6 =	vmul.f32 v6, v5;
	_ =	sdelay $0x1  }
0x466: {  	[tilespmem:s6+$0x84D0] =	vst.add.f32.msk $0xffff, v6  }
0x467: {  	v6 =	vld [tilespmem:s17+$0xFFFFFFF0];
	_ =	sdelay $0x4  }
0x468: {  	v6 =	vmul.f32 v6, v5;
	_ =	sdelay $0x1  }
0x469: {  	[tilespmem:s6+$0x84E0] =	vst.add.f32.msk $0xffff, v6  }
0x46a: {  	v6 =	vld [tilespmem:s17+$0x0];
	_ =	sdelay $0x2  }
.Ltmp19:
0x46b: {  	_ = 	snop;
	(pc) =	sbr.rel .LBB2_25-.Ltmp19, $3  }
0x46c: {  	_ = 	snop  }
0x46d: {  	v63 =	vmul.f32 v6, v5;
	_ =	sdelay $0x1  }
0x46e: {  	[tilespmem:s6+$0x84F0] =	vst.add.f32.msk $0xffff, v63  }
.LBB2_26:
0x46f: {  	_ =	sfence.sel $0x180000  }
0x470: {  	[bflag:$0x0] =	sbarrier.arrive $0xFFFF  }
0x471: {  	_ =	strace $0x90000047  }
0x472: {  	s0 =	stileid.u32;
	[bflag:$0x2] =	sbarrier.arrive $0xFFFF  }
0x473: {  	p0 =	sne.s32 s0, $0x0;
	s0 =	rddreg [dreg:$0x4]  }
0x474: {  	s0 =	sadd.s32 @!p0 $0x100000, s0  }
0x475: {  	[sflag:s0] =	ssyncadd.tile.s32 @!p0 $0x1;
	_ =	shalt  }
.Lfunc_end2:
_tile_overlayer_lowered:
.L_overlay_start_2:
0x476: {  	(tag) =	ssettag $0x2  }
0x477: {  	s0 =	rddreg [dreg:$0x0];
	s2 =	stileid.u32  }
0x478: {  	s1 =	rddreg [dreg:$0x1];
	p0 =	sne.s32 s2, $0x0  }
0x479: {  	s3 =	rddreg [dreg:$0x2];
	[bflag:$0x3] =	sbarrier.arrive $0xFFFF;
	s2 =	simm.s32 @!p0 $0x1C03  }
0x47a: {  	[timem:s3], [sflag:s2] =	dma.local @!p0 [hbm:s0], s1  }
0x47b: {  	s0 =	simm.s32 @!p0 $0x3  }
0x47c: {  	_ =	swait.ge @!p0 [sflag:s0], s1  }
0x47d: {  	s1 =	ssub.s32 @!p0 $0x0, s1;
	[sflag:s0] =	ssyncset.done @!p0 $0x0  }
0x47e: {  	[sflag:s0] =	ssyncadd.s32 @!p0 s1  }
0x47f: {  	[bflag:$0x3] =	sbarrier.arrive $0xFFFF  }
0x480: {  	_ =	shalt  }

</sc_bundles>
